<compile_context>
chip_gen: v7x
topology: tpu7x:2x2x1
jax: 0.10.2.dev20260603
libtpu: 0.0.44.dev20260713+nightly
codegen_flags: <defaults>
</compile_context>

<pallas_src>
import functools

import jax
import jax.numpy as jnp
from jax import lax
from jax.experimental import pallas as pl
from jax.experimental.pallas import tpu as pltpu
from jax.experimental.pallas import tpu_sc as plsc

_MAX_DEG = 10
_NUM_GRAPHS = 16
_BLK = 512


def _tc_a_body(x_ref, ea_ref, w0t_ref, b0_ref, wa_ref, wb_ref,
               out0_ref, a_ref, b_ref):
    x = x_ref[...]
    ea = ea_ref[...]
    out0_ref[...] = jax.nn.relu(
        jnp.dot(x, w0t_ref[...], preferred_element_type=jnp.float32)
        + b0_ref[...])
    a_ref[...] = jnp.dot(ea, wa_ref[...], preferred_element_type=jnp.float32)
    b_ref[...] = jnp.dot(ea, wb_ref[...], preferred_element_type=jnp.float32)


def _tc_a(xp, eap, W0T, b0, WA, WB, n_pad):
    grid = n_pad // _BLK
    blk = lambda i: (i, 0)
    full = lambda i: (0, 0)
    return pl.pallas_call(
        _tc_a_body,
        grid=(grid,),
        in_specs=[
            pl.BlockSpec((_BLK, 128), blk),
            pl.BlockSpec((_BLK, 128), blk),
            pl.BlockSpec((128, 128), full),
            pl.BlockSpec((1, 128), full),
            pl.BlockSpec((128, 128), full),
            pl.BlockSpec((128, 128), full),
        ],
        out_specs=[
            pl.BlockSpec((_BLK, 128), blk),
            pl.BlockSpec((_BLK, 128), blk),
            pl.BlockSpec((_BLK, 128), blk),
        ],
        out_shape=[jax.ShapeDtypeStruct((n_pad, 128), jnp.float32)] * 3,
    )(xp, eap, W0T, b0, WA, WB)


def _tc_bn_body(psum_ref, prev_ref, cnt_ref,
                wlt_ref, wrt_ref, bl_ref, wiht_ref, whht_ref,
                bih_ref, bhh_ref, h_ref, mfo_ref):
    ps = psum_ref[...]
    hsum = ps[0] + ps[1]
    prev = prev_ref[...]
    hall = jnp.dot(hsum, wlt_ref[...], preferred_element_type=jnp.float32)
    xall = jnp.dot(prev, wrt_ref[...], preferred_element_type=jnp.float32)
    allr = (hall + xall).reshape(_BLK, _MAX_DEG + 1, 128) + bl_ref[...]
    cnt = cnt_ref[...]
    deg = jnp.clip(cnt, 0.0, float(_MAX_DEG)).reshape(_BLK, 1, 1).astype(
        jnp.int32)
    sel = lax.broadcasted_iota(jnp.int32, (_BLK, _MAX_DEG + 1, 1), 1)
    m = jnp.sum(jnp.where(sel == deg, allr, 0.0), axis=1)
    m = jax.nn.relu(m)
    mfo_ref[...] = m
    gi = jnp.dot(m, wiht_ref[...], preferred_element_type=jnp.float32) \
        + bih_ref[...]
    gh = jnp.dot(prev, whht_ref[...], preferred_element_type=jnp.float32) \
        + bhh_ref[...]
    ir, iz, inn = gi[:, :128], gi[:, 128:256], gi[:, 256:]
    hr, hz, hn = gh[:, :128], gh[:, 128:256], gh[:, 256:]
    r = jax.nn.sigmoid(ir + hr)
    z = jax.nn.sigmoid(iz + hz)
    n = jnp.tanh(inn + r * hn)
    h_ref[...] = (1.0 - z) * n + z * prev


def _tc_bn(psum, prev, cnt, WlT, WrT, bl3, WihT, WhhT, bih, bhh, n_pad):
    grid = n_pad // _BLK
    blk = lambda i: (i, 0)
    blk3 = lambda i: (0, i, 0)
    full = lambda i: (0, 0)
    return pl.pallas_call(
        _tc_bn_body,
        grid=(grid,),
        in_specs=[
            pl.BlockSpec((2, _BLK, 128), blk3),
            pl.BlockSpec((_BLK, 128), blk),
            pl.BlockSpec((_BLK, 1), blk),
            pl.BlockSpec((128, (_MAX_DEG + 1) * 128), full),
            pl.BlockSpec((128, (_MAX_DEG + 1) * 128), full),
            pl.BlockSpec((1, _MAX_DEG + 1, 128), lambda i: (0, 0, 0)),
            pl.BlockSpec((128, 384), full),
            pl.BlockSpec((128, 384), full),
            pl.BlockSpec((1, 384), full),
            pl.BlockSpec((1, 384), full),
        ],
        out_specs=[pl.BlockSpec((_BLK, 128), blk)] * 2,
        out_shape=[jax.ShapeDtypeStruct((n_pad, 128), jnp.float32)] * 2,
    )(psum, prev, cnt, WlT, WrT, bl3, WihT, WhhT, bih, bhh)


def _tc_be_body(a_ref, m_ref, cnt_ref, be_ref, wa_ref, wb_ref,
                agg_ref, an_ref, bn_ref):
    cnt = cnt_ref[...]
    agg = jnp.where(cnt > 0.0, a_ref[...] + be_ref[...] + m_ref[...], 0.0)
    agg_ref[...] = agg
    ea = jax.nn.relu(agg)
    an_ref[...] = jnp.dot(ea, wa_ref[...], preferred_element_type=jnp.float32)
    bn_ref[...] = jnp.dot(ea, wb_ref[...], preferred_element_type=jnp.float32)


def _tc_be(A, M, cnt, be, WA, WB, n_pad):
    grid = n_pad // _BLK
    blk = lambda i: (i, 0)
    full = lambda i: (0, 0)
    return pl.pallas_call(
        _tc_be_body,
        grid=(grid,),
        in_specs=[
            pl.BlockSpec((_BLK, 128), blk),
            pl.BlockSpec((_BLK, 128), blk),
            pl.BlockSpec((_BLK, 1), blk),
            pl.BlockSpec((1, 128), full),
            pl.BlockSpec((128, 128), full),
            pl.BlockSpec((128, 128), full),
        ],
        out_specs=[pl.BlockSpec((_BLK, 128), blk)] * 3,
        out_shape=[jax.ShapeDtypeStruct((n_pad, 128), jnp.float32)] * 3,
    )(A, M, cnt, be, WA, WB)


def _tc_d_body(s1_ref, agg2_ref, cnt_ref, oh_ref, wp1t_ref, bp1_ref,
               wp2t_ref, bp2_ref, g_ref, acc_ref):
    i = pl.program_id(0)

    @pl.when(i == 0)
    def _():
        acc_ref[...] = jnp.zeros_like(acc_ref)

    s2 = jax.nn.relu(agg2_ref[...]) * cnt_ref[...]
    oh = oh_ref[...]
    ps = s1_ref[...]
    p1 = jnp.dot(oh.T, ps[0] + ps[1], preferred_element_type=jnp.float32)
    p2 = jnp.dot(oh.T, s2, preferred_element_type=jnp.float32)
    acc_ref[...] += jnp.concatenate([p1, p2], axis=1)

    @pl.when(i == pl.num_programs(0) - 1)
    def _():
        gsum = acc_ref[...]
        hid = jax.nn.relu(
            jnp.dot(gsum, wp1t_ref[...], preferred_element_type=jnp.float32)
            + bp1_ref[...])
        g_ref[...] = jnp.dot(hid, wp2t_ref[...],
                             preferred_element_type=jnp.float32) + bp2_ref[...]


def _tc_d(s1, agg2, cnt, oh, Wp1T, bp1, Wp2T, bp2, n_pad):
    grid = n_pad // _BLK
    blk = lambda i: (i, 0)
    full = lambda i: (0, 0)
    return pl.pallas_call(
        _tc_d_body,
        grid=(grid,),
        in_specs=[
            pl.BlockSpec((2, _BLK, 128), lambda i: (0, i, 0)),
            pl.BlockSpec((_BLK, 128), blk),
            pl.BlockSpec((_BLK, 1), blk),
            pl.BlockSpec((_BLK, 16), blk),
            pl.BlockSpec((256, 32), full),
            pl.BlockSpec((1, 32), full),
            pl.BlockSpec((32, 1), full),
            pl.BlockSpec((1, 1), full),
        ],
        out_specs=pl.BlockSpec((16, 1), full),
        out_shape=jax.ShapeDtypeStruct((16, 1), jnp.float32),
        scratch_shapes=[pltpu.VMEM((16, 256), jnp.float32)],
        compiler_params=pltpu.CompilerParams(
            dimension_semantics=("arbitrary",)),
    )(s1, agg2, cnt, oh, Wp1T, bp1, Wp2T, bp2)


def _emb_edge_body(agg2_ref, out_ref):
    i = pl.program_id(0)
    out_ref[...] = jnp.where(i < 5, agg2_ref[...], 0.0)


def _emb_edge(agg2, E):
    blk_rows = 2000
    grid = E // blk_rows
    return pl.pallas_call(
        _emb_edge_body,
        grid=(grid,),
        in_specs=[pl.BlockSpec((blk_rows, 128),
                               lambda i: (jnp.minimum(i, 4), 0))],
        out_specs=pl.BlockSpec((blk_rows, 128), lambda i: (i, 0)),
        out_shape=jax.ShapeDtypeStruct((E, 128), jnp.float32),
    )(agg2)


_SUB = 128


def _sc_segsum(src, row2, col2, z2d, z1d, n_pad, E, with_count, src2=None,
               ch=256):
    nchunk = E // ch
    tpw = (nchunk + 31) // 32
    nrt = n_pad // 16
    k_sub = ch // _SUB
    with_msg = src2 is not None
    mesh = plsc.VectorSubcoreMesh(core_axis_name="c", subcore_axis_name="s")
    out_type = [jax.ShapeDtypeStruct((2, n_pad, 128), jnp.float32)]
    if with_count:
        out_type.append(jax.ShapeDtypeStruct((2, n_pad // 128, 128),
                                             jnp.float32))
    if with_msg:
        out_type.append(jax.ShapeDtypeStruct((E, 128), jnp.float32))
    scratch = [
        pltpu.VMEM((k_sub, _SUB), jnp.int32),
        pltpu.VMEM((k_sub, _SUB), jnp.int32),
        pltpu.VMEM((ch, 128), jnp.float32),
        pltpu.VMEM((ch, 128), jnp.float32),
        pltpu.VMEM((_SUB,), jnp.float32),
        pltpu.VMEM((1024,), jnp.float32),
        pltpu.VMEM((8, 128), jnp.float32),
        pltpu.VMEM_SHARED((n_pad, 128), jnp.float32),
        pltpu.VMEM_SHARED((n_pad,), jnp.float32),
        pltpu.SemaphoreType.DMA,
        pltpu.SemaphoreType.DMA,
    ]

    @functools.partial(pl.kernel, out_type=out_type, mesh=mesh,
                       scratch_types=scratch)
    def body(src_h, row_h, col_h, z2_h, z1_h, *rest):
        rest = list(rest)
        src2_h = rest.pop(0) if with_msg else None
        psum_h = rest.pop(0)
        pcnt_h = rest.pop(0) if with_count else None
        msg_h = rest.pop(0) if with_msg else None
        idxr, idxc, rows, rows2, ones, cnt1, cnt2, acc_sh, cnt_sh, sem, \
            sem2 = rest
        cc = lax.axis_index("c")
        ss = lax.axis_index("s")
        wid = cc * 16 + ss
        pltpu.sync_copy(z2_h.at[pl.ds(ss * nrt, nrt)],
                        acc_sh.at[pl.ds(ss * nrt, nrt)])
        if with_count:
            pltpu.sync_copy(z1_h.at[pl.ds(ss * nrt, nrt)],
                            cnt_sh.at[pl.ds(ss * nrt, nrt)])
            for k in range(_SUB // 16):
                ones[pl.ds(k * 16, 16)] = jnp.ones((16,), jnp.float32)
        plsc.subcore_barrier()

        def chunk(t, carry):
            j = t * 32 + wid

            @pl.when(j < nchunk)
            def _do():
                r0 = j * (ch // 128)
                pltpu.sync_copy(row_h.at[pl.ds(r0, k_sub)], idxr)
                pltpu.sync_copy(col_h.at[pl.ds(r0, k_sub)], idxc)
                cps = [pltpu.async_copy(src_h.at[idxr.at[k]],
                                        rows.at[pl.ds(k * _SUB, _SUB)], sem)
                       for k in range(k_sub)]
                if with_msg:
                    cps2 = [pltpu.async_copy(
                        src2_h.at[idxr.at[k]],
                        rows2.at[pl.ds(k * _SUB, _SUB)], sem2)
                        for k in range(k_sub)]
                for cp in cps:
                    cp.wait()
                for k in range(k_sub):
                    pltpu.sync_copy(rows.at[pl.ds(k * _SUB, _SUB)],
                                    acc_sh.at[idxc.at[k]], add=True)
                    if with_count:
                        pltpu.sync_copy(ones, cnt_sh.at[idxc.at[k]],
                                        add=True)
                if with_msg:
                    for cp in cps2:
                        cp.wait()
                    for k in range(k_sub):
                        pltpu.sync_copy(
                            rows2.at[pl.ds(k * _SUB, _SUB)],
                            msg_h.at[pl.ds(j * ch + k * _SUB, _SUB)])
            return carry

        lax.fori_loop(0, tpw, chunk, None)
        plsc.subcore_barrier()
        pltpu.sync_copy(acc_sh.at[pl.ds(ss * nrt, nrt)],
                        psum_h.at[cc].at[pl.ds(ss * nrt, nrt)])
        if with_count:
            @pl.when(ss < n_pad // 1024)
            def _wb():
                pltpu.sync_copy(cnt_sh.at[pl.ds(ss * 1024, 1024)], cnt1)
                for k in range(64):
                    cnt2[k // 8, pl.ds((k % 8) * 16, 16)] = \
                        cnt1[pl.ds(k * 16, 16)]
                pltpu.sync_copy(cnt2, pcnt_h.at[cc].at[pl.ds(ss * 8, 8)])

    if with_msg:
        res = body(src, row2, col2, z2d, z1d, src2)
    else:
        res = body(src, row2, col2, z2d, z1d)
    if not isinstance(res, (list, tuple)):
        res = (res,)
    return tuple(res) if len(res) > 1 else res[0]


def _sc_gather(src, row2, n_pad, E, ch=512):
    nchunk = E // ch
    tpw = (nchunk + 31) // 32
    k_sub = ch // _SUB
    mesh = plsc.VectorSubcoreMesh(core_axis_name="c", subcore_axis_name="s")

    @functools.partial(
        pl.kernel,
        out_type=jax.ShapeDtypeStruct((E, 128), jnp.float32),
        mesh=mesh,
        scratch_types=[
            pltpu.VMEM((k_sub, _SUB), jnp.int32),
            pltpu.VMEM((ch, 128), jnp.float32),
            pltpu.SemaphoreType.DMA,
        ])
    def body(src_h, row_h, out_h, idxr, rows, sem):
        cc = lax.axis_index("c")
        ss = lax.axis_index("s")
        wid = cc * 16 + ss

        def chunk(t, carry):
            j = t * 32 + wid

            @pl.when(j < nchunk)
            def _do():
                pltpu.sync_copy(row_h.at[pl.ds(j * k_sub, k_sub)], idxr)
                cps = [pltpu.async_copy(src_h.at[idxr.at[k]],
                                        rows.at[pl.ds(k * _SUB, _SUB)], sem)
                       for k in range(k_sub)]
                for cp in cps:
                    cp.wait()
                for k in range(k_sub):
                    pltpu.sync_copy(rows.at[pl.ds(k * _SUB, _SUB)],
                                    out_h.at[pl.ds(j * ch + k * _SUB, _SUB)])
            return carry

        lax.fori_loop(0, tpw, chunk, None)

    return body(src, row2)


def kernel(x, edge_attr, edge_index, batch, W0, b0, Wl, bl, Wr, We, be,
           Wih, Whh, bih, bhh, Wp1, bp1, Wp2, bp2):
    N, D = x.shape
    E = edge_attr.shape[0]
    n_pad = ((N + _BLK - 1) // _BLK) * _BLK
    row, col = edge_index[0], edge_index[1]

    ED = We.shape[0]
    W0T = W0.T
    WA = (We[:, :ED] - We[:, ED:]).T
    WB = We[:, ED:].T
    WlT = jnp.transpose(Wl, (2, 0, 1)).reshape(D, (_MAX_DEG + 1) * D)
    WrT = jnp.transpose(Wr, (2, 0, 1)).reshape(D, (_MAX_DEG + 1) * D)
    bl3 = bl.reshape(1, _MAX_DEG + 1, D)
    WihT, WhhT = Wih.T, Whh.T
    Wp1T, Wp2T = Wp1.T, Wp2.T
    b0r = b0.reshape(1, D)
    ber = be.reshape(1, D)
    bihr, bhhr = bih.reshape(1, 3 * D), bhh.reshape(1, 3 * D)
    bp1r, bp2r = bp1.reshape(1, 32), bp2.reshape(1, 1)

    pad = n_pad - N
    xp = jnp.pad(x, ((0, pad), (0, 0)))
    eap = jnp.pad(edge_attr[:N], ((0, pad), (0, 0)))
    ohp = jnp.pad(
        (batch[:, None] == jnp.arange(_NUM_GRAPHS)[None, :]).astype(
            jnp.float32), ((0, pad), (0, 0)))

    out0, A1, B1 = _tc_a(xp, eap, W0T, b0r, WA, WB, n_pad)

    row2 = row.reshape(E // 128, 128)
    col2 = col.reshape(E // 128, 128)
    z2d = jnp.zeros((n_pad, 128), jnp.float32)
    z1d = jnp.zeros((n_pad,), jnp.float32)

    psum1, pcnt, msg1 = _sc_segsum(out0, row2, col2, z2d, z1d, n_pad, E,
                                   True, src2=B1, ch=128)
    cnt = (pcnt[0] + pcnt[1]).reshape(n_pad, 1)
    M1 = jax.ops.segment_max(msg1, col, num_segments=n_pad)
    M1 = jnp.where(jnp.isfinite(M1), M1, 0.0)

    h1, _m1 = _tc_bn(psum1, out0, cnt, WlT, WrT, bl3, WihT, WhhT,
                     bihr, bhhr, n_pad)
    psum2 = _sc_segsum(h1, row2, col2, z2d, z1d, n_pad, E, False)

    _agg1, A2, B2 = _tc_be(A1, M1, cnt, ber, WA, WB, n_pad)
    msg2 = _sc_gather(B2, row2, n_pad, E)
    M2 = jax.ops.segment_max(msg2, col, num_segments=n_pad)
    M2 = jnp.where(jnp.isfinite(M2), M2, 0.0)

    h2, m2 = _tc_bn(psum2, h1, cnt, WlT, WrT, bl3, WihT, WhhT,
                    bihr, bhhr, n_pad)
    psum3 = _sc_segsum(h2, row2, col2, z2d, z1d, n_pad, E, False)

    agg2, _A3, _B3 = _tc_be(A2, M2, cnt, ber, WA, WB, n_pad)

    g = _tc_d(psum3, agg2, cnt, ohp, Wp1T, bp1r, Wp2T, bp2r, n_pad)

    emb_node = m2[:N]
    emb_edge = _emb_edge(agg2[:N], E)
    return (g, emb_node, emb_edge)

# --- scband reference (transcript-rebuilt; emitter-appended) ---
"""Pipeline reference for scband-compound-gcn-75067438399773 (READ-ONLY COPY).

The authoritative reference and input builder live on the scoring server;
editing this copy changes nothing except your own understanding.
"""

import jax, jax.numpy as jnp
import numpy as np

MAX_DEG = 10
NUM_GRAPHS = 16

def mfconv(x, edge_index, Wl, bl, Wr):
    row, col = edge_index[0], edge_index[1]
    N = x.shape[0]
    h = jax.ops.segment_sum(x[row], col, num_segments=N)
    deg = jnp.clip(jnp.bincount(col, length=N), 0, MAX_DEG)
    out = jnp.zeros((N, Wl.shape[1]), x.dtype)
    for d in range(MAX_DEG + 1):
        r = h @ Wl[d].T + bl[d] + x @ Wr[d].T
        out = out + jnp.where((deg == d)[:, None], r, jnp.zeros_like(r))
    return out

def edgeconv(ea, edge_index, We, be):
    row, col = edge_index[0], edge_index[1]
    x_i = ea[col]
    x_j = ea[row]
    msg = jnp.concatenate([x_i, x_j - x_i], axis=1) @ We.T + be
    agg = jax.ops.segment_max(msg, col, num_segments=ea.shape[0])
    agg = jnp.where(jnp.isfinite(agg), agg, jnp.zeros_like(agg))
    return agg

def gru_cell(xg, h, Wih, Whh, bih, bhh):
    gi = xg @ Wih.T + bih
    gh = h @ Whh.T + bhh
    ir, iz, inn = jnp.split(gi, 3, axis=1)
    hr, hz, hn = jnp.split(gh, 3, axis=1)
    r = jax.nn.sigmoid(ir + hr)
    z = jax.nn.sigmoid(iz + hz)
    n = jnp.tanh(inn + r * hn)
    return (1.0 - z) * n + z * h

def setup_inputs(seed: int = 0):
    key = jax.random.key(seed)
    ks = jax.random.split(key, 16)
    N, E, D, ED, HID, OUT = 10000, 320000, 128, 128, 32, 1
    s = 0.05
    x = jax.random.normal(ks[0], (N, D), dtype=jnp.float32)
    edge_attr = jax.random.normal(ks[1], (E, ED), dtype=jnp.float32)
    edge_index = jax.random.randint(ks[2], (2, E), 0, N, dtype=jnp.int32)
    batch = jnp.sort(jax.random.randint(ks[3], (N,), 0, NUM_GRAPHS, dtype=jnp.int32))
    W0 = jax.random.normal(ks[4], (D, D), dtype=jnp.float32) * s
    b0 = jnp.zeros((D,), jnp.float32)
    Wl = jax.random.normal(ks[5], (MAX_DEG + 1, D, D), dtype=jnp.float32) * s
    bl = jnp.zeros((MAX_DEG + 1, D), jnp.float32)
    Wr = jax.random.normal(ks[6], (MAX_DEG + 1, D, D), dtype=jnp.float32) * s
    We = jax.random.normal(ks[7], (ED, 2 * ED), dtype=jnp.float32) * s
    be = jnp.zeros((ED,), jnp.float32)
    Wih = jax.random.normal(ks[8], (3 * D, D), dtype=jnp.float32) * s
    Whh = jax.random.normal(ks[9], (3 * D, D), dtype=jnp.float32) * s
    bih = jnp.zeros((3 * D,), jnp.float32)
    bhh = jnp.zeros((3 * D,), jnp.float32)
    Wp1 = jax.random.normal(ks[10], (HID, D + ED), dtype=jnp.float32) * s
    bp1 = jnp.zeros((HID,), jnp.float32)
    Wp2 = jax.random.normal(ks[11], (OUT, HID), dtype=jnp.float32) * s
    bp2 = jnp.zeros((OUT,), jnp.float32)
    return {"x": x, "edge_attr": edge_attr, "edge_index": edge_index, "batch": batch,
            "W0": W0, "b0": b0, "Wl": Wl, "bl": bl, "Wr": Wr, "We": We, "be": be,
            "Wih": Wih, "Whh": Whh, "bih": bih, "bhh": bhh,
            "Wp1": Wp1, "bp1": bp1, "Wp2": Wp2, "bp2": bp2}

def reference(x, edge_attr, edge_index, batch, W0, b0, Wl, bl, Wr, We, be, Wih, Whh, bih, bhh, Wp1, bp1, Wp2, bp2):
    row, col = edge_index[0], edge_index[1]
    out = jax.nn.relu(x @ W0.T + b0)
    h = out
    emb_node = out
    emb_edge = edge_attr
    for _ in range(2):
        m = jax.nn.relu(mfconv(out, edge_index, Wl, bl, Wr))
        emb_node = m
        h = gru_cell(m, h, Wih, Whh, bih, bhh)
        out = h
        edge_attr = edgeconv(edge_attr, edge_index, We, be)
        emb_edge = edge_attr
        edge_attr = jax.nn.relu(edge_attr)
    cat = jnp.concatenate([out[row], edge_attr[col]], axis=1)
    s = jax.ops.segment_sum(cat, col, num_segments=x.shape[0])
    g = jax.ops.segment_sum(s, batch, num_segments=NUM_GRAPHS)
    g = jax.nn.relu(g @ Wp1.T + bp1)
    g = g @ Wp2.T + bp2
    return (g, emb_node, emb_edge)

if __name__ == "__main__":
    import jax
    _d = setup_inputs()
    print(jax.jit(kernel)(*tuple(_d.values())))

</pallas_src>

<mosaic_0001>
#map = affine_map<(d0, d1) -> (0, 0)>
module attributes {stable_mosaic.version = 14 : i64} {
  func.func @body(%arg0: i32, %arg1: i32, %arg2: memref<10240x128xf32, #tpu.memory_space<hbm>>, %arg3: memref<2500x128xi32, #tpu.memory_space<hbm>>, %arg4: memref<320000x128xf32, #tpu.memory_space<hbm>>, %arg5: memref<4x128xi32, #tpu.memory_space<vmem>>, %arg6: memref<512x128xf32, #tpu.memory_space<vmem>>, %arg7: memref<!tpu.dma_semaphore, #tpu.memory_space<semaphore_mem>>) attributes {dimension_semantics = [#tpu.dimension_semantics<core_parallel>, #tpu.dimension_semantics<subcore_parallel>], iteration_bounds = array<i64: 2, 16>, scalar_prefetch = 0 : i64, scratch_operands = 3 : i64, tpu.core_type = #tpu.core_type<sc_vector_subcore>, window_params = [{transform_indices = #map}, {transform_indices = #map}, {transform_indices = #map}]} {
    %mul3A = arith.constant 16 : i32
    %mul3A_0 = arith.muli %arg0, %mul3A : i32
    %add3A = arith.addi %mul3A_0, %arg1 : i32
    %scan3A = arith.constant 0 : i32
    %scan3A_1 = arith.constant 20 : i32
    %scan3A_2 = arith.addi %scan3A, %scan3A_1 : i32
    %scan3A_3 = arith.constant 1 : i32
    scf.for %scan3A_5 = %scan3A to %scan3A_2 step %scan3A_3  : i32 {
      %mul3A_6 = arith.constant 32 : i32
      %mul3A_7 = arith.muli %scan3A_5, %mul3A_6 : i32
      %add3A_8 = arith.addi %mul3A_7, %add3A : i32
      %lt3A = arith.constant 625 : i32
      %lt3A_9 = arith.cmpi slt, %add3A_8, %lt3A : i32
      %convert_element_type3A = arith.extui %lt3A_9 : i1 to i32
      %cond3A = arith.constant 0 : i32
      %cond3A_10 = arith.cmpi ne, %convert_element_type3A, %cond3A : i32
      scf.if %cond3A_10 {
        %mul3A_11 = arith.constant 4 : i32
        %mul3A_12 = arith.muli %add3A_8, %mul3A_11 : i32
        "tpu.region"() ({
          %run_scoped3A = tpu.sem_alloc : memref<!tpu.dma_semaphore, #tpu.memory_space<semaphore_mem>>
          %dma_start3A_107 = arith.constant 0 : i32
          %dma_start3A_108 = tpu.memref_slice %arg3[%mul3A_12, %dma_start3A_107] : memref<2500x128xi32, #tpu.memory_space<hbm>> -> memref<4x128xi32, #tpu.memory_space<hbm>>
          %dma_start3A_109 = arith.constant 0 : i32
          %dma_start3A_110 = tpu.memref_slice %arg3[%mul3A_12, %dma_start3A_109] : memref<2500x128xi32, #tpu.memory_space<hbm>> -> memref<4x128xi32, #tpu.memory_space<hbm>>
          tpu.enqueue_dma source(%dma_start3A_110 : memref<4x128xi32, #tpu.memory_space<hbm>>) target(%arg5 : memref<4x128xi32, #tpu.memory_space<vmem>>) target_semaphore(%run_scoped3A : memref<!tpu.dma_semaphore, #tpu.memory_space<semaphore_mem>>)
          %dma_wait3A_111 = arith.constant 0 : i32
          %dma_wait3A_112 = tpu.memref_slice %arg3[%mul3A_12, %dma_wait3A_111] : memref<2500x128xi32, #tpu.memory_space<hbm>> -> memref<4x128xi32, #tpu.memory_space<hbm>>
          %dma_wait3A_113 = arith.constant 0 : i32
          %dma_wait3A_114 = tpu.memref_slice %arg3[%mul3A_12, %dma_wait3A_113] : memref<2500x128xi32, #tpu.memory_space<hbm>> -> memref<4x128xi32, #tpu.memory_space<hbm>>
          tpu.wait_dma2 semaphore(%run_scoped3A : memref<!tpu.dma_semaphore, #tpu.memory_space<semaphore_mem>>) src(%dma_wait3A_114 : memref<4x128xi32, #tpu.memory_space<hbm>>) dst(%arg5 : memref<4x128xi32, #tpu.memory_space<vmem>>)
          tpu.yield
        }) : () -> ()
        %dma_start3A = arith.constant 0 : i32
        %dma_start3A_13 = arith.constant 0 : i32
        %dma_start3A_14 = arith.constant 0 : i32
        %dma_start3A_15 = tpu.memref_slice %arg6[%dma_start3A_13, %dma_start3A_14] : memref<512x128xf32, #tpu.memory_space<vmem>> -> memref<128x128xf32, #tpu.memory_space<vmem>>
        %dma_start3A_16 = arith.constant 0 : i32
        %dma_start3A_17 = tpu.memref_slice %arg5[%dma_start3A, %dma_start3A_16] : memref<4x128xi32, #tpu.memory_space<vmem>> -> memref<1x128xi32, #tpu.memory_space<vmem>>
        %dma_start3A_18 = tpu.memref_squeeze %dma_start3A_17 : memref<1x128xi32, #tpu.memory_space<vmem>> -> memref<128xi32, #tpu.memory_space<vmem>>
        %dma_start3A_19 = arith.constant 0 : i32
        %dma_start3A_20 = arith.constant 0 : i32
        %dma_start3A_21 = tpu.memref_slice %arg2[%dma_start3A_19, %dma_start3A_20] : memref<10240x128xf32, #tpu.memory_space<hbm>> -> memref<10240x128xf32, #tpu.memory_space<hbm>>
        tpu.enqueue_indirect_dma source(%dma_start3A_21 : memref<10240x128xf32, #tpu.memory_space<hbm>>) target(%dma_start3A_15 : memref<128x128xf32, #tpu.memory_space<vmem>>) offsets(%dma_start3A_18 : memref<128xi32, #tpu.memory_space<vmem>>) semaphore(%arg7 : memref<!tpu.dma_semaphore, #tpu.memory_space<semaphore_mem>>)
        %dma_start3A_22 = arith.constant 1 : i32
        %dma_start3A_23 = arith.constant 128 : i32
        %dma_start3A_24 = arith.constant 0 : i32
        %dma_start3A_25 = tpu.memref_slice %arg6[%dma_start3A_23, %dma_start3A_24] : memref<512x128xf32, #tpu.memory_space<vmem>> -> memref<128x128xf32, #tpu.memory_space<vmem>>
        %dma_start3A_26 = arith.constant 0 : i32
        %dma_start3A_27 = tpu.memref_slice %arg5[%dma_start3A_22, %dma_start3A_26] : memref<4x128xi32, #tpu.memory_space<vmem>> -> memref<1x128xi32, #tpu.memory_space<vmem>>
        %dma_start3A_28 = tpu.memref_squeeze %dma_start3A_27 : memref<1x128xi32, #tpu.memory_space<vmem>> -> memref<128xi32, #tpu.memory_space<vmem>>
        %dma_start3A_29 = arith.constant 0 : i32
        %dma_start3A_30 = arith.constant 0 : i32
        %dma_start3A_31 = tpu.memref_slice %arg2[%dma_start3A_29, %dma_start3A_30] : memref<10240x128xf32, #tpu.memory_space<hbm>> -> memref<10240x128xf32, #tpu.memory_space<hbm>>
        tpu.enqueue_indirect_dma source(%dma_start3A_31 : memref<10240x128xf32, #tpu.memory_space<hbm>>) target(%dma_start3A_25 : memref<128x128xf32, #tpu.memory_space<vmem>>) offsets(%dma_start3A_28 : memref<128xi32, #tpu.memory_space<vmem>>) semaphore(%arg7 : memref<!tpu.dma_semaphore, #tpu.memory_space<semaphore_mem>>)
        %dma_start3A_32 = arith.constant 2 : i32
        %dma_start3A_33 = arith.constant 256 : i32
        %dma_start3A_34 = arith.constant 0 : i32
        %dma_start3A_35 = tpu.memref_slice %arg6[%dma_start3A_33, %dma_start3A_34] : memref<512x128xf32, #tpu.memory_space<vmem>> -> memref<128x128xf32, #tpu.memory_space<vmem>>
        %dma_start3A_36 = arith.constant 0 : i32
        %dma_start3A_37 = tpu.memref_slice %arg5[%dma_start3A_32, %dma_start3A_36] : memref<4x128xi32, #tpu.memory_space<vmem>> -> memref<1x128xi32, #tpu.memory_space<vmem>>
        %dma_start3A_38 = tpu.memref_squeeze %dma_start3A_37 : memref<1x128xi32, #tpu.memory_space<vmem>> -> memref<128xi32, #tpu.memory_space<vmem>>
        %dma_start3A_39 = arith.constant 0 : i32
        %dma_start3A_40 = arith.constant 0 : i32
        %dma_start3A_41 = tpu.memref_slice %arg2[%dma_start3A_39, %dma_start3A_40] : memref<10240x128xf32, #tpu.memory_space<hbm>> -> memref<10240x128xf32, #tpu.memory_space<hbm>>
        tpu.enqueue_indirect_dma source(%dma_start3A_41 : memref<10240x128xf32, #tpu.memory_space<hbm>>) target(%dma_start3A_35 : memref<128x128xf32, #tpu.memory_space<vmem>>) offsets(%dma_start3A_38 : memref<128xi32, #tpu.memory_space<vmem>>) semaphore(%arg7 : memref<!tpu.dma_semaphore, #tpu.memory_space<semaphore_mem>>)
        %dma_start3A_42 = arith.constant 3 : i32
        %dma_start3A_43 = arith.constant 384 : i32
        %dma_start3A_44 = arith.constant 0 : i32
        %dma_start3A_45 = tpu.memref_slice %arg6[%dma_start3A_43, %dma_start3A_44] : memref<512x128xf32, #tpu.memory_space<vmem>> -> memref<128x128xf32, #tpu.memory_space<vmem>>
        %dma_start3A_46 = arith.constant 0 : i32
        %dma_start3A_47 = tpu.memref_slice %arg5[%dma_start3A_42, %dma_start3A_46] : memref<4x128xi32, #tpu.memory_space<vmem>> -> memref<1x128xi32, #tpu.memory_space<vmem>>
        %dma_start3A_48 = tpu.memref_squeeze %dma_start3A_47 : memref<1x128xi32, #tpu.memory_space<vmem>> -> memref<128xi32, #tpu.memory_space<vmem>>
        %dma_start3A_49 = arith.constant 0 : i32
        %dma_start3A_50 = arith.constant 0 : i32
        %dma_start3A_51 = tpu.memref_slice %arg2[%dma_start3A_49, %dma_start3A_50] : memref<10240x128xf32, #tpu.memory_space<hbm>> -> memref<10240x128xf32, #tpu.memory_space<hbm>>
        tpu.enqueue_indirect_dma source(%dma_start3A_51 : memref<10240x128xf32, #tpu.memory_space<hbm>>) target(%dma_start3A_45 : memref<128x128xf32, #tpu.memory_space<vmem>>) offsets(%dma_start3A_48 : memref<128xi32, #tpu.memory_space<vmem>>) semaphore(%arg7 : memref<!tpu.dma_semaphore, #tpu.memory_space<semaphore_mem>>)
        %dma_wait3A = arith.constant 0 : i32
        %dma_wait3A_52 = arith.constant 0 : i32
        %dma_wait3A_53 = arith.constant 0 : i32
        %dma_wait3A_54 = tpu.memref_slice %arg6[%dma_wait3A_52, %dma_wait3A_53] : memref<512x128xf32, #tpu.memory_space<vmem>> -> memref<128x128xf32, #tpu.memory_space<vmem>>
        %dma_wait3A_55 = arith.constant 0 : i32
        %dma_wait3A_56 = tpu.memref_slice %arg5[%dma_wait3A, %dma_wait3A_55] : memref<4x128xi32, #tpu.memory_space<vmem>> -> memref<1x128xi32, #tpu.memory_space<vmem>>
        %dma_wait3A_57 = tpu.memref_squeeze %dma_wait3A_56 : memref<1x128xi32, #tpu.memory_space<vmem>> -> memref<128xi32, #tpu.memory_space<vmem>>
        %dma_wait3A_58 = arith.constant 0 : i32
        %dma_wait3A_59 = arith.constant 0 : i32
        %dma_wait3A_60 = tpu.memref_slice %arg2[%dma_wait3A_58, %dma_wait3A_59] : memref<10240x128xf32, #tpu.memory_space<hbm>> -> memref<10240x128xf32, #tpu.memory_space<hbm>>
        tpu.wait_indirect_dma semaphore(%arg7 : memref<!tpu.dma_semaphore, #tpu.memory_space<semaphore_mem>>) src(%dma_wait3A_60 : memref<10240x128xf32, #tpu.memory_space<hbm>>) dst(%dma_wait3A_54 : memref<128x128xf32, #tpu.memory_space<vmem>>)
        %dma_wait3A_61 = arith.constant 1 : i32
        %dma_wait3A_62 = arith.constant 128 : i32
        %dma_wait3A_63 = arith.constant 0 : i32
        %dma_wait3A_64 = tpu.memref_slice %arg6[%dma_wait3A_62, %dma_wait3A_63] : memref<512x128xf32, #tpu.memory_space<vmem>> -> memref<128x128xf32, #tpu.memory_space<vmem>>
        %dma_wait3A_65 = arith.constant 0 : i32
        %dma_wait3A_66 = tpu.memref_slice %arg5[%dma_wait3A_61, %dma_wait3A_65] : memref<4x128xi32, #tpu.memory_space<vmem>> -> memref<1x128xi32, #tpu.memory_space<vmem>>
        %dma_wait3A_67 = tpu.memref_squeeze %dma_wait3A_66 : memref<1x128xi32, #tpu.memory_space<vmem>> -> memref<128xi32, #tpu.memory_space<vmem>>
        %dma_wait3A_68 = arith.constant 0 : i32
        %dma_wait3A_69 = arith.constant 0 : i32
        %dma_wait3A_70 = tpu.memref_slice %arg2[%dma_wait3A_68, %dma_wait3A_69] : memref<10240x128xf32, #tpu.memory_space<hbm>> -> memref<10240x128xf32, #tpu.memory_space<hbm>>
        tpu.wait_indirect_dma semaphore(%arg7 : memref<!tpu.dma_semaphore, #tpu.memory_space<semaphore_mem>>) src(%dma_wait3A_70 : memref<10240x128xf32, #tpu.memory_space<hbm>>) dst(%dma_wait3A_64 : memref<128x128xf32, #tpu.memory_space<vmem>>)
        %dma_wait3A_71 = arith.constant 2 : i32
        %dma_wait3A_72 = arith.constant 256 : i32
        %dma_wait3A_73 = arith.constant 0 : i32
        %dma_wait3A_74 = tpu.memref_slice %arg6[%dma_wait3A_72, %dma_wait3A_73] : memref<512x128xf32, #tpu.memory_space<vmem>> -> memref<128x128xf32, #tpu.memory_space<vmem>>
        %dma_wait3A_75 = arith.constant 0 : i32
        %dma_wait3A_76 = tpu.memref_slice %arg5[%dma_wait3A_71, %dma_wait3A_75] : memref<4x128xi32, #tpu.memory_space<vmem>> -> memref<1x128xi32, #tpu.memory_space<vmem>>
        %dma_wait3A_77 = tpu.memref_squeeze %dma_wait3A_76 : memref<1x128xi32, #tpu.memory_space<vmem>> -> memref<128xi32, #tpu.memory_space<vmem>>
        %dma_wait3A_78 = arith.constant 0 : i32
        %dma_wait3A_79 = arith.constant 0 : i32
        %dma_wait3A_80 = tpu.memref_slice %arg2[%dma_wait3A_78, %dma_wait3A_79] : memref<10240x128xf32, #tpu.memory_space<hbm>> -> memref<10240x128xf32, #tpu.memory_space<hbm>>
        tpu.wait_indirect_dma semaphore(%arg7 : memref<!tpu.dma_semaphore, #tpu.memory_space<semaphore_mem>>) src(%dma_wait3A_80 : memref<10240x128xf32, #tpu.memory_space<hbm>>) dst(%dma_wait3A_74 : memref<128x128xf32, #tpu.memory_space<vmem>>)
        %dma_wait3A_81 = arith.constant 3 : i32
        %dma_wait3A_82 = arith.constant 384 : i32
        %dma_wait3A_83 = arith.constant 0 : i32
        %dma_wait3A_84 = tpu.memref_slice %arg6[%dma_wait3A_82, %dma_wait3A_83] : memref<512x128xf32, #tpu.memory_space<vmem>> -> memref<128x128xf32, #tpu.memory_space<vmem>>
        %dma_wait3A_85 = arith.constant 0 : i32
        %dma_wait3A_86 = tpu.memref_slice %arg5[%dma_wait3A_81, %dma_wait3A_85] : memref<4x128xi32, #tpu.memory_space<vmem>> -> memref<1x128xi32, #tpu.memory_space<vmem>>
        %dma_wait3A_87 = tpu.memref_squeeze %dma_wait3A_86 : memref<1x128xi32, #tpu.memory_space<vmem>> -> memref<128xi32, #tpu.memory_space<vmem>>
        %dma_wait3A_88 = arith.constant 0 : i32
        %dma_wait3A_89 = arith.constant 0 : i32
        %dma_wait3A_90 = tpu.memref_slice %arg2[%dma_wait3A_88, %dma_wait3A_89] : memref<10240x128xf32, #tpu.memory_space<hbm>> -> memref<10240x128xf32, #tpu.memory_space<hbm>>
        tpu.wait_indirect_dma semaphore(%arg7 : memref<!tpu.dma_semaphore, #tpu.memory_space<semaphore_mem>>) src(%dma_wait3A_90 : memref<10240x128xf32, #tpu.memory_space<hbm>>) dst(%dma_wait3A_84 : memref<128x128xf32, #tpu.memory_space<vmem>>)
        %mul3A_91 = arith.constant 512 : i32
        %mul3A_92 = arith.muli %add3A_8, %mul3A_91 : i32
        %add3A_93 = arith.constant 0 : i32
        %add3A_94 = arith.addi %mul3A_92, %add3A_93 : i32
        "tpu.region"() ({
          %run_scoped3A = tpu.sem_alloc : memref<!tpu.dma_semaphore, #tpu.memory_space<semaphore_mem>>
          %dma_start3A_107 = arith.constant 0 : i32
          %dma_start3A_108 = arith.constant 0 : i32
          %dma_start3A_109 = tpu.memref_slice %arg6[%dma_start3A_107, %dma_start3A_108] : memref<512x128xf32, #tpu.memory_space<vmem>> -> memref<128x128xf32, #tpu.memory_space<vmem>>
          %dma_start3A_110 = arith.constant 0 : i32
          %dma_start3A_111 = tpu.memref_slice %arg4[%add3A_94, %dma_start3A_110] : memref<320000x128xf32, #tpu.memory_space<hbm>> -> memref<128x128xf32, #tpu.memory_space<hbm>>
          %dma_start3A_112 = arith.constant 0 : i32
          %dma_start3A_113 = tpu.memref_slice %arg4[%add3A_94, %dma_start3A_112] : memref<320000x128xf32, #tpu.memory_space<hbm>> -> memref<128x128xf32, #tpu.memory_space<hbm>>
          %dma_start3A_114 = arith.constant 0 : i32
          %dma_start3A_115 = arith.constant 0 : i32
          %dma_start3A_116 = tpu.memref_slice %arg6[%dma_start3A_114, %dma_start3A_115] : memref<512x128xf32, #tpu.memory_space<vmem>> -> memref<128x128xf32, #tpu.memory_space<vmem>>
          tpu.enqueue_dma source(%dma_start3A_116 : memref<128x128xf32, #tpu.memory_space<vmem>>) target(%dma_start3A_113 : memref<128x128xf32, #tpu.memory_space<hbm>>) target_semaphore(%run_scoped3A : memref<!tpu.dma_semaphore, #tpu.memory_space<semaphore_mem>>)
          %dma_wait3A_117 = arith.constant 0 : i32
          %dma_wait3A_118 = arith.constant 0 : i32
          %dma_wait3A_119 = tpu.memref_slice %arg6[%dma_wait3A_117, %dma_wait3A_118] : memref<512x128xf32, #tpu.memory_space<vmem>> -> memref<128x128xf32, #tpu.memory_space<vmem>>
          %dma_wait3A_120 = arith.constant 0 : i32
          %dma_wait3A_121 = tpu.memref_slice %arg4[%add3A_94, %dma_wait3A_120] : memref<320000x128xf32, #tpu.memory_space<hbm>> -> memref<128x128xf32, #tpu.memory_space<hbm>>
          %dma_wait3A_122 = arith.constant 0 : i32
          %dma_wait3A_123 = tpu.memref_slice %arg4[%add3A_94, %dma_wait3A_122] : memref<320000x128xf32, #tpu.memory_space<hbm>> -> memref<128x128xf32, #tpu.memory_space<hbm>>
          %dma_wait3A_124 = arith.constant 0 : i32
          %dma_wait3A_125 = arith.constant 0 : i32
          %dma_wait3A_126 = tpu.memref_slice %arg6[%dma_wait3A_124, %dma_wait3A_125] : memref<512x128xf32, #tpu.memory_space<vmem>> -> memref<128x128xf32, #tpu.memory_space<vmem>>
          tpu.wait_dma2 semaphore(%run_scoped3A : memref<!tpu.dma_semaphore, #tpu.memory_space<semaphore_mem>>) src(%dma_wait3A_126 : memref<128x128xf32, #tpu.memory_space<vmem>>) dst(%dma_wait3A_123 : memref<128x128xf32, #tpu.memory_space<hbm>>)
          tpu.yield
        }) : () -> ()
        %mul3A_95 = arith.constant 512 : i32
        %mul3A_96 = arith.muli %add3A_8, %mul3A_95 : i32
        %add3A_97 = arith.constant 128 : i32
        %add3A_98 = arith.addi %mul3A_96, %add3A_97 : i32
        "tpu.region"() ({
          %run_scoped3A = tpu.sem_alloc : memref<!tpu.dma_semaphore, #tpu.memory_space<semaphore_mem>>
          %dma_start3A_107 = arith.constant 128 : i32
          %dma_start3A_108 = arith.constant 0 : i32
          %dma_start3A_109 = tpu.memref_slice %arg6[%dma_start3A_107, %dma_start3A_108] : memref<512x128xf32, #tpu.memory_space<vmem>> -> memref<128x128xf32, #tpu.memory_space<vmem>>
          %dma_start3A_110 = arith.constant 0 : i32
          %dma_start3A_111 = tpu.memref_slice %arg4[%add3A_98, %dma_start3A_110] : memref<320000x128xf32, #tpu.memory_space<hbm>> -> memref<128x128xf32, #tpu.memory_space<hbm>>
          %dma_start3A_112 = arith.constant 0 : i32
          %dma_start3A_113 = tpu.memref_slice %arg4[%add3A_98, %dma_start3A_112] : memref<320000x128xf32, #tpu.memory_space<hbm>> -> memref<128x128xf32, #tpu.memory_space<hbm>>
          %dma_start3A_114 = arith.constant 128 : i32
          %dma_start3A_115 = arith.constant 0 : i32
          %dma_start3A_116 = tpu.memref_slice %arg6[%dma_start3A_114, %dma_start3A_115] : memref<512x128xf32, #tpu.memory_space<vmem>> -> memref<128x128xf32, #tpu.memory_space<vmem>>
          tpu.enqueue_dma source(%dma_start3A_116 : memref<128x128xf32, #tpu.memory_space<vmem>>) target(%dma_start3A_113 : memref<128x128xf32, #tpu.memory_space<hbm>>) target_semaphore(%run_scoped3A : memref<!tpu.dma_semaphore, #tpu.memory_space<semaphore_mem>>)
          %dma_wait3A_117 = arith.constant 128 : i32
          %dma_wait3A_118 = arith.constant 0 : i32
          %dma_wait3A_119 = tpu.memref_slice %arg6[%dma_wait3A_117, %dma_wait3A_118] : memref<512x128xf32, #tpu.memory_space<vmem>> -> memref<128x128xf32, #tpu.memory_space<vmem>>
          %dma_wait3A_120 = arith.constant 0 : i32
          %dma_wait3A_121 = tpu.memref_slice %arg4[%add3A_98, %dma_wait3A_120] : memref<320000x128xf32, #tpu.memory_space<hbm>> -> memref<128x128xf32, #tpu.memory_space<hbm>>
          %dma_wait3A_122 = arith.constant 0 : i32
          %dma_wait3A_123 = tpu.memref_slice %arg4[%add3A_98, %dma_wait3A_122] : memref<320000x128xf32, #tpu.memory_space<hbm>> -> memref<128x128xf32, #tpu.memory_space<hbm>>
          %dma_wait3A_124 = arith.constant 128 : i32
          %dma_wait3A_125 = arith.constant 0 : i32
          %dma_wait3A_126 = tpu.memref_slice %arg6[%dma_wait3A_124, %dma_wait3A_125] : memref<512x128xf32, #tpu.memory_space<vmem>> -> memref<128x128xf32, #tpu.memory_space<vmem>>
          tpu.wait_dma2 semaphore(%run_scoped3A : memref<!tpu.dma_semaphore, #tpu.memory_space<semaphore_mem>>) src(%dma_wait3A_126 : memref<128x128xf32, #tpu.memory_space<vmem>>) dst(%dma_wait3A_123 : memref<128x128xf32, #tpu.memory_space<hbm>>)
          tpu.yield
        }) : () -> ()
        %mul3A_99 = arith.constant 512 : i32
        %mul3A_100 = arith.muli %add3A_8, %mul3A_99 : i32
        %add3A_101 = arith.constant 256 : i32
        %add3A_102 = arith.addi %mul3A_100, %add3A_101 : i32
        "tpu.region"() ({
          %run_scoped3A = tpu.sem_alloc : memref<!tpu.dma_semaphore, #tpu.memory_space<semaphore_mem>>
          %dma_start3A_107 = arith.constant 256 : i32
          %dma_start3A_108 = arith.constant 0 : i32
          %dma_start3A_109 = tpu.memref_slice %arg6[%dma_start3A_107, %dma_start3A_108] : memref<512x128xf32, #tpu.memory_space<vmem>> -> memref<128x128xf32, #tpu.memory_space<vmem>>
          %dma_start3A_110 = arith.constant 0 : i32
          %dma_start3A_111 = tpu.memref_slice %arg4[%add3A_102, %dma_start3A_110] : memref<320000x128xf32, #tpu.memory_space<hbm>> -> memref<128x128xf32, #tpu.memory_space<hbm>>
          %dma_start3A_112 = arith.constant 0 : i32
          %dma_start3A_113 = tpu.memref_slice %arg4[%add3A_102, %dma_start3A_112] : memref<320000x128xf32, #tpu.memory_space<hbm>> -> memref<128x128xf32, #tpu.memory_space<hbm>>
          %dma_start3A_114 = arith.constant 256 : i32
          %dma_start3A_115 = arith.constant 0 : i32
          %dma_start3A_116 = tpu.memref_slice %arg6[%dma_start3A_114, %dma_start3A_115] : memref<512x128xf32, #tpu.memory_space<vmem>> -> memref<128x128xf32, #tpu.memory_space<vmem>>
          tpu.enqueue_dma source(%dma_start3A_116 : memref<128x128xf32, #tpu.memory_space<vmem>>) target(%dma_start3A_113 : memref<128x128xf32, #tpu.memory_space<hbm>>) target_semaphore(%run_scoped3A : memref<!tpu.dma_semaphore, #tpu.memory_space<semaphore_mem>>)
          %dma_wait3A_117 = arith.constant 256 : i32
          %dma_wait3A_118 = arith.constant 0 : i32
          %dma_wait3A_119 = tpu.memref_slice %arg6[%dma_wait3A_117, %dma_wait3A_118] : memref<512x128xf32, #tpu.memory_space<vmem>> -> memref<128x128xf32, #tpu.memory_space<vmem>>
          %dma_wait3A_120 = arith.constant 0 : i32
          %dma_wait3A_121 = tpu.memref_slice %arg4[%add3A_102, %dma_wait3A_120] : memref<320000x128xf32, #tpu.memory_space<hbm>> -> memref<128x128xf32, #tpu.memory_space<hbm>>
          %dma_wait3A_122 = arith.constant 0 : i32
          %dma_wait3A_123 = tpu.memref_slice %arg4[%add3A_102, %dma_wait3A_122] : memref<320000x128xf32, #tpu.memory_space<hbm>> -> memref<128x128xf32, #tpu.memory_space<hbm>>
          %dma_wait3A_124 = arith.constant 256 : i32
          %dma_wait3A_125 = arith.constant 0 : i32
          %dma_wait3A_126 = tpu.memref_slice %arg6[%dma_wait3A_124, %dma_wait3A_125] : memref<512x128xf32, #tpu.memory_space<vmem>> -> memref<128x128xf32, #tpu.memory_space<vmem>>
          tpu.wait_dma2 semaphore(%run_scoped3A : memref<!tpu.dma_semaphore, #tpu.memory_space<semaphore_mem>>) src(%dma_wait3A_126 : memref<128x128xf32, #tpu.memory_space<vmem>>) dst(%dma_wait3A_123 : memref<128x128xf32, #tpu.memory_space<hbm>>)
          tpu.yield
        }) : () -> ()
        %mul3A_103 = arith.constant 512 : i32
        %mul3A_104 = arith.muli %add3A_8, %mul3A_103 : i32
        %add3A_105 = arith.constant 384 : i32
        %add3A_106 = arith.addi %mul3A_104, %add3A_105 : i32
        "tpu.region"() ({
          %run_scoped3A = tpu.sem_alloc : memref<!tpu.dma_semaphore, #tpu.memory_space<semaphore_mem>>
          %dma_start3A_107 = arith.constant 384 : i32
          %dma_start3A_108 = arith.constant 0 : i32
          %dma_start3A_109 = tpu.memref_slice %arg6[%dma_start3A_107, %dma_start3A_108] : memref<512x128xf32, #tpu.memory_space<vmem>> -> memref<128x128xf32, #tpu.memory_space<vmem>>
          %dma_start3A_110 = arith.constant 0 : i32
          %dma_start3A_111 = tpu.memref_slice %arg4[%add3A_106, %dma_start3A_110] : memref<320000x128xf32, #tpu.memory_space<hbm>> -> memref<128x128xf32, #tpu.memory_space<hbm>>
          %dma_start3A_112 = arith.constant 0 : i32
          %dma_start3A_113 = tpu.memref_slice %arg4[%add3A_106, %dma_start3A_112] : memref<320000x128xf32, #tpu.memory_space<hbm>> -> memref<128x128xf32, #tpu.memory_space<hbm>>
          %dma_start3A_114 = arith.constant 384 : i32
          %dma_start3A_115 = arith.constant 0 : i32
          %dma_start3A_116 = tpu.memref_slice %arg6[%dma_start3A_114, %dma_start3A_115] : memref<512x128xf32, #tpu.memory_space<vmem>> -> memref<128x128xf32, #tpu.memory_space<vmem>>
          tpu.enqueue_dma source(%dma_start3A_116 : memref<128x128xf32, #tpu.memory_space<vmem>>) target(%dma_start3A_113 : memref<128x128xf32, #tpu.memory_space<hbm>>) target_semaphore(%run_scoped3A : memref<!tpu.dma_semaphore, #tpu.memory_space<semaphore_mem>>)
          %dma_wait3A_117 = arith.constant 384 : i32
          %dma_wait3A_118 = arith.constant 0 : i32
          %dma_wait3A_119 = tpu.memref_slice %arg6[%dma_wait3A_117, %dma_wait3A_118] : memref<512x128xf32, #tpu.memory_space<vmem>> -> memref<128x128xf32, #tpu.memory_space<vmem>>
          %dma_wait3A_120 = arith.constant 0 : i32
          %dma_wait3A_121 = tpu.memref_slice %arg4[%add3A_106, %dma_wait3A_120] : memref<320000x128xf32, #tpu.memory_space<hbm>> -> memref<128x128xf32, #tpu.memory_space<hbm>>
          %dma_wait3A_122 = arith.constant 0 : i32
          %dma_wait3A_123 = tpu.memref_slice %arg4[%add3A_106, %dma_wait3A_122] : memref<320000x128xf32, #tpu.memory_space<hbm>> -> memref<128x128xf32, #tpu.memory_space<hbm>>
          %dma_wait3A_124 = arith.constant 384 : i32
          %dma_wait3A_125 = arith.constant 0 : i32
          %dma_wait3A_126 = tpu.memref_slice %arg6[%dma_wait3A_124, %dma_wait3A_125] : memref<512x128xf32, #tpu.memory_space<vmem>> -> memref<128x128xf32, #tpu.memory_space<vmem>>
          tpu.wait_dma2 semaphore(%run_scoped3A : memref<!tpu.dma_semaphore, #tpu.memory_space<semaphore_mem>>) src(%dma_wait3A_126 : memref<128x128xf32, #tpu.memory_space<vmem>>) dst(%dma_wait3A_123 : memref<128x128xf32, #tpu.memory_space<hbm>>)
          tpu.yield
        }) : () -> ()
      } else {
      }
    }
    %scan3A_4 = arith.constant 20 : i32
    return
  }
}

#map = affine_map<(d0, d1) -> (0, 0)>
#map1 = affine_map<(d0, d1) -> (0)>
#map2 = affine_map<(d0, d1) -> (0, 0, 0)>
module attributes {stable_mosaic.version = 14 : i64} {
  func.func @body(%arg0: i32, %arg1: i32, %arg2: memref<10240x128xf32, #tpu.memory_space<hbm>>, %arg3: memref<2500x128xi32, #tpu.memory_space<hbm>>, %arg4: memref<2500x128xi32, #tpu.memory_space<hbm>>, %arg5: memref<10240x128xf32, #tpu.memory_space<hbm>>, %arg6: memref<10240xf32, #tpu.memory_space<hbm>>, %arg7: memref<10240x128xf32, #tpu.memory_space<hbm>>, %arg8: memref<2x10240x128xf32, #tpu.memory_space<hbm>>, %arg9: memref<2x80x128xf32, #tpu.memory_space<hbm>>, %arg10: memref<320000x128xf32, #tpu.memory_space<hbm>>, %arg11: memref<1x128xi32, #tpu.memory_space<vmem>>, %arg12: memref<1x128xi32, #tpu.memory_space<vmem>>, %arg13: memref<128x128xf32, #tpu.memory_space<vmem>>, %arg14: memref<128x128xf32, #tpu.memory_space<vmem>>, %arg15: memref<128xf32, #tpu.memory_space<vmem>>, %arg16: memref<1024xf32, #tpu.memory_space<vmem>>, %arg17: memref<8x128xf32, #tpu.memory_space<vmem>>, %arg18: memref<10240x128xf32, #tpu.memory_space<vmem_shared>>, %arg19: memref<10240xf32, #tpu.memory_space<vmem_shared>>, %arg20: memref<!tpu.dma_semaphore, #tpu.memory_space<semaphore_mem>>, %arg21: memref<!tpu.dma_semaphore, #tpu.memory_space<semaphore_mem>>) attributes {dimension_semantics = [#tpu.dimension_semantics<core_parallel>, #tpu.dimension_semantics<subcore_parallel>], iteration_bounds = array<i64: 2, 16>, scalar_prefetch = 0 : i64, scratch_operands = 11 : i64, tpu.core_type = #tpu.core_type<sc_vector_subcore>, window_params = [{transform_indices = #map}, {transform_indices = #map}, {transform_indices = #map}, {transform_indices = #map}, {transform_indices = #map1}, {transform_indices = #map}, {transform_indices = #map2}, {transform_indices = #map2}, {transform_indices = #map}]} {
    %mul3A = arith.constant 16 : i32
    %mul3A_0 = arith.muli %arg0, %mul3A : i32
    %add3A = arith.addi %mul3A_0, %arg1 : i32
    %mul3A_1 = arith.constant 640 : i32
    %mul3A_2 = arith.muli %arg1, %mul3A_1 : i32
    %mul3A_3 = arith.constant 640 : i32
    %mul3A_4 = arith.muli %arg1, %mul3A_3 : i32
    "tpu.region"() ({
      %run_scoped3A = tpu.sem_alloc : memref<!tpu.dma_semaphore, #tpu.memory_space<semaphore_mem>>
      %dma_start3A = arith.constant 0 : i32
      %dma_start3A_66 = tpu.memref_slice %arg18[%mul3A_4, %dma_start3A] : memref<10240x128xf32, #tpu.memory_space<vmem_shared>> -> memref<640x128xf32, #tpu.memory_space<vmem_shared>>
      %dma_start3A_67 = arith.constant 0 : i32
      %dma_start3A_68 = tpu.memref_slice %arg5[%mul3A_2, %dma_start3A_67] : memref<10240x128xf32, #tpu.memory_space<hbm>> -> memref<640x128xf32, #tpu.memory_space<hbm>>
      tpu.enqueue_dma source(%dma_start3A_68 : memref<640x128xf32, #tpu.memory_space<hbm>>) target(%dma_start3A_66 : memref<640x128xf32, #tpu.memory_space<vmem_shared>>) target_semaphore(%run_scoped3A : memref<!tpu.dma_semaphore, #tpu.memory_space<semaphore_mem>>)
      %dma_wait3A = arith.constant 0 : i32
      %dma_wait3A_69 = tpu.memref_slice %arg18[%mul3A_4, %dma_wait3A] : memref<10240x128xf32, #tpu.memory_space<vmem_shared>> -> memref<640x128xf32, #tpu.memory_space<vmem_shared>>
      %dma_wait3A_70 = arith.constant 0 : i32
      %dma_wait3A_71 = tpu.memref_slice %arg5[%mul3A_2, %dma_wait3A_70] : memref<10240x128xf32, #tpu.memory_space<hbm>> -> memref<640x128xf32, #tpu.memory_space<hbm>>
      tpu.wait_dma2 semaphore(%run_scoped3A : memref<!tpu.dma_semaphore, #tpu.memory_space<semaphore_mem>>) src(%dma_wait3A_71 : memref<640x128xf32, #tpu.memory_space<hbm>>) dst(%dma_wait3A_69 : memref<640x128xf32, #tpu.memory_space<vmem_shared>>)
      tpu.yield
    }) : () -> ()
    %mul3A_5 = arith.constant 640 : i32
    %mul3A_6 = arith.muli %arg1, %mul3A_5 : i32
    %mul3A_7 = arith.constant 640 : i32
    %mul3A_8 = arith.muli %arg1, %mul3A_7 : i32
    "tpu.region"() ({
      %run_scoped3A = tpu.sem_alloc : memref<!tpu.dma_semaphore, #tpu.memory_space<semaphore_mem>>
      %dma_start3A = tpu.memref_slice %arg19[%mul3A_8] : memref<10240xf32, #tpu.memory_space<vmem_shared>> -> memref<640xf32, #tpu.memory_space<vmem_shared>>
      %dma_start3A_66 = tpu.memref_slice %arg6[%mul3A_6] : memref<10240xf32, #tpu.memory_space<hbm>> -> memref<640xf32, #tpu.memory_space<hbm>>
      tpu.enqueue_dma source(%dma_start3A_66 : memref<640xf32, #tpu.memory_space<hbm>>) target(%dma_start3A : memref<640xf32, #tpu.memory_space<vmem_shared>>) target_semaphore(%run_scoped3A : memref<!tpu.dma_semaphore, #tpu.memory_space<semaphore_mem>>)
      %dma_wait3A = tpu.memref_slice %arg19[%mul3A_8] : memref<10240xf32, #tpu.memory_space<vmem_shared>> -> memref<640xf32, #tpu.memory_space<vmem_shared>>
      %dma_wait3A_67 = tpu.memref_slice %arg6[%mul3A_6] : memref<10240xf32, #tpu.memory_space<hbm>> -> memref<640xf32, #tpu.memory_space<hbm>>
      tpu.wait_dma2 semaphore(%run_scoped3A : memref<!tpu.dma_semaphore, #tpu.memory_space<semaphore_mem>>) src(%dma_wait3A_67 : memref<640xf32, #tpu.memory_space<hbm>>) dst(%dma_wait3A : memref<640xf32, #tpu.memory_space<vmem_shared>>)
      tpu.yield
    }) : () -> ()
    %broadcast_in_dim3A = arith.constant 1.000000e+00 : f32
    %broadcast_in_dim3A_9 = vector.broadcast %broadcast_in_dim3A : f32 to vector<16xf32>
    %swap3A = arith.constant 0 : index
    %swap3A_10 = tpu.vector_load %arg15[%swap3A] {strides = array<i32>} : memref<128xf32, #tpu.memory_space<vmem>>, vector<16xf32>,
    %swap3A_11 = vector.shape_cast %swap3A_10 : vector<16xf32> to vector<16xf32>
    %swap3A_12 = vector.shape_cast %broadcast_in_dim3A_9 : vector<16xf32> to vector<16xf32>
    tpu.vector_store %arg15[%swap3A], %swap3A_12 {strides = array<i32>} : memref<128xf32, #tpu.memory_space<vmem>>, vector<16xf32>,
    %broadcast_in_dim3A_13 = arith.constant 1.000000e+00 : f32
    %broadcast_in_dim3A_14 = vector.broadcast %broadcast_in_dim3A_13 : f32 to vector<16xf32>
    %swap3A_15 = arith.constant 16 : index
    %swap3A_16 = tpu.vector_load %arg15[%swap3A_15] {strides = array<i32>} : memref<128xf32, #tpu.memory_space<vmem>>, vector<16xf32>,
    %swap3A_17 = vector.shape_cast %swap3A_16 : vector<16xf32> to vector<16xf32>
    %swap3A_18 = vector.shape_cast %broadcast_in_dim3A_14 : vector<16xf32> to vector<16xf32>
    tpu.vector_store %arg15[%swap3A_15], %swap3A_18 {strides = array<i32>} : memref<128xf32, #tpu.memory_space<vmem>>, vector<16xf32>,
    %broadcast_in_dim3A_19 = arith.constant 1.000000e+00 : f32
    %broadcast_in_dim3A_20 = vector.broadcast %broadcast_in_dim3A_19 : f32 to vector<16xf32>
    %swap3A_21 = arith.constant 32 : index
    %swap3A_22 = tpu.vector_load %arg15[%swap3A_21] {strides = array<i32>} : memref<128xf32, #tpu.memory_space<vmem>>, vector<16xf32>,
    %swap3A_23 = vector.shape_cast %swap3A_22 : vector<16xf32> to vector<16xf32>
    %swap3A_24 = vector.shape_cast %broadcast_in_dim3A_20 : vector<16xf32> to vector<16xf32>
    tpu.vector_store %arg15[%swap3A_21], %swap3A_24 {strides = array<i32>} : memref<128xf32, #tpu.memory_space<vmem>>, vector<16xf32>,
    %broadcast_in_dim3A_25 = arith.constant 1.000000e+00 : f32
    %broadcast_in_dim3A_26 = vector.broadcast %broadcast_in_dim3A_25 : f32 to vector<16xf32>
    %swap3A_27 = arith.constant 48 : index
    %swap3A_28 = tpu.vector_load %arg15[%swap3A_27] {strides = array<i32>} : memref<128xf32, #tpu.memory_space<vmem>>, vector<16xf32>,
    %swap3A_29 = vector.shape_cast %swap3A_28 : vector<16xf32> to vector<16xf32>
    %swap3A_30 = vector.shape_cast %broadcast_in_dim3A_26 : vector<16xf32> to vector<16xf32>
    tpu.vector_store %arg15[%swap3A_27], %swap3A_30 {strides = array<i32>} : memref<128xf32, #tpu.memory_space<vmem>>, vector<16xf32>,
    %broadcast_in_dim3A_31 = arith.constant 1.000000e+00 : f32
    %broadcast_in_dim3A_32 = vector.broadcast %broadcast_in_dim3A_31 : f32 to vector<16xf32>
    %swap3A_33 = arith.constant 64 : index
    %swap3A_34 = tpu.vector_load %arg15[%swap3A_33] {strides = array<i32>} : memref<128xf32, #tpu.memory_space<vmem>>, vector<16xf32>,
    %swap3A_35 = vector.shape_cast %swap3A_34 : vector<16xf32> to vector<16xf32>
    %swap3A_36 = vector.shape_cast %broadcast_in_dim3A_32 : vector<16xf32> to vector<16xf32>
    tpu.vector_store %arg15[%swap3A_33], %swap3A_36 {strides = array<i32>} : memref<128xf32, #tpu.memory_space<vmem>>, vector<16xf32>,
    %broadcast_in_dim3A_37 = arith.constant 1.000000e+00 : f32
    %broadcast_in_dim3A_38 = vector.broadcast %broadcast_in_dim3A_37 : f32 to vector<16xf32>
    %swap3A_39 = arith.constant 80 : index
    %swap3A_40 = tpu.vector_load %arg15[%swap3A_39] {strides = array<i32>} : memref<128xf32, #tpu.memory_space<vmem>>, vector<16xf32>,
    %swap3A_41 = vector.shape_cast %swap3A_40 : vector<16xf32> to vector<16xf32>
    %swap3A_42 = vector.shape_cast %broadcast_in_dim3A_38 : vector<16xf32> to vector<16xf32>
    tpu.vector_store %arg15[%swap3A_39], %swap3A_42 {strides = array<i32>} : memref<128xf32, #tpu.memory_space<vmem>>, vector<16xf32>,
    %broadcast_in_dim3A_43 = arith.constant 1.000000e+00 : f32
    %broadcast_in_dim3A_44 = vector.broadcast %broadcast_in_dim3A_43 : f32 to vector<16xf32>
    %swap3A_45 = arith.constant 96 : index
    %swap3A_46 = tpu.vector_load %arg15[%swap3A_45] {strides = array<i32>} : memref<128xf32, #tpu.memory_space<vmem>>, vector<16xf32>,
    %swap3A_47 = vector.shape_cast %swap3A_46 : vector<16xf32> to vector<16xf32>
    %swap3A_48 = vector.shape_cast %broadcast_in_dim3A_44 : vector<16xf32> to vector<16xf32>
    tpu.vector_store %arg15[%swap3A_45], %swap3A_48 {strides = array<i32>} : memref<128xf32, #tpu.memory_space<vmem>>, vector<16xf32>,
    %broadcast_in_dim3A_49 = arith.constant 1.000000e+00 : f32
    %broadcast_in_dim3A_50 = vector.broadcast %broadcast_in_dim3A_49 : f32 to vector<16xf32>
    %swap3A_51 = arith.constant 112 : index
    %swap3A_52 = tpu.vector_load %arg15[%swap3A_51] {strides = array<i32>} : memref<128xf32, #tpu.memory_space<vmem>>, vector<16xf32>,
    %swap3A_53 = vector.shape_cast %swap3A_52 : vector<16xf32> to vector<16xf32>
    %swap3A_54 = vector.shape_cast %broadcast_in_dim3A_50 : vector<16xf32> to vector<16xf32>
    tpu.vector_store %arg15[%swap3A_51], %swap3A_54 {strides = array<i32>} : memref<128xf32, #tpu.memory_space<vmem>>, vector<16xf32>,
    %barrier3A = arith.constant 0 : index
    tpu.barrier barrier_id(%barrier3A)
    %scan3A = arith.constant 0 : i32
    %scan3A_55 = arith.constant 79 : i32
    %scan3A_56 = arith.addi %scan3A, %scan3A_55 : i32
    %scan3A_57 = arith.constant 1 : i32
    scf.for %scan3A_66 = %scan3A to %scan3A_56 step %scan3A_57  : i32 {
      %mul3A_67 = arith.constant 32 : i32
      %mul3A_68 = arith.muli %scan3A_66, %mul3A_67 : i32
      %add3A_69 = arith.addi %mul3A_68, %add3A : i32
      %lt3A_70 = arith.constant 2500 : i32
      %lt3A_71 = arith.cmpi slt, %add3A_69, %lt3A_70 : i32
      %convert_element_type3A_72 = arith.extui %lt3A_71 : i1 to i32
      %cond3A_73 = arith.constant 0 : i32
      %cond3A_74 = arith.cmpi ne, %convert_element_type3A_72, %cond3A_73 : i32
      scf.if %cond3A_74 {
        %mul3A_75 = arith.constant 1 : i32
        %mul3A_76 = arith.muli %add3A_69, %mul3A_75 : i32
        "tpu.region"() ({
          %run_scoped3A_120 = tpu.sem_alloc : memref<!tpu.dma_semaphore, #tpu.memory_space<semaphore_mem>>
          %dma_start3A_121 = arith.constant 0 : i32
          %dma_start3A_122 = tpu.memref_slice %arg3[%mul3A_76, %dma_start3A_121] : memref<2500x128xi32, #tpu.memory_space<hbm>> -> memref<1x128xi32, #tpu.memory_space<hbm>>
          %dma_start3A_123 = arith.constant 0 : i32
          %dma_start3A_124 = tpu.memref_slice %arg3[%mul3A_76, %dma_start3A_123] : memref<2500x128xi32, #tpu.memory_space<hbm>> -> memref<1x128xi32, #tpu.memory_space<hbm>>
          tpu.enqueue_dma source(%dma_start3A_124 : memref<1x128xi32, #tpu.memory_space<hbm>>) target(%arg11 : memref<1x128xi32, #tpu.memory_space<vmem>>) target_semaphore(%run_scoped3A_120 : memref<!tpu.dma_semaphore, #tpu.memory_space<semaphore_mem>>)
          %dma_wait3A_125 = arith.constant 0 : i32
          %dma_wait3A_126 = tpu.memref_slice %arg3[%mul3A_76, %dma_wait3A_125] : memref<2500x128xi32, #tpu.memory_space<hbm>> -> memref<1x128xi32, #tpu.memory_space<hbm>>
          %dma_wait3A_127 = arith.constant 0 : i32
          %dma_wait3A_128 = tpu.memref_slice %arg3[%mul3A_76, %dma_wait3A_127] : memref<2500x128xi32, #tpu.memory_space<hbm>> -> memref<1x128xi32, #tpu.memory_space<hbm>>
          tpu.wait_dma2 semaphore(%run_scoped3A_120 : memref<!tpu.dma_semaphore, #tpu.memory_space<semaphore_mem>>) src(%dma_wait3A_128 : memref<1x128xi32, #tpu.memory_space<hbm>>) dst(%arg11 : memref<1x128xi32, #tpu.memory_space<vmem>>)
          tpu.yield
        }) : () -> ()
        "tpu.region"() ({
          %run_scoped3A_120 = tpu.sem_alloc : memref<!tpu.dma_semaphore, #tpu.memory_space<semaphore_mem>>
          %dma_start3A_121 = arith.constant 0 : i32
          %dma_start3A_122 = tpu.memref_slice %arg4[%mul3A_76, %dma_start3A_121] : memref<2500x128xi32, #tpu.memory_space<hbm>> -> memref<1x128xi32, #tpu.memory_space<hbm>>
          %dma_start3A_123 = arith.constant 0 : i32
          %dma_start3A_124 = tpu.memref_slice %arg4[%mul3A_76, %dma_start3A_123] : memref<2500x128xi32, #tpu.memory_space<hbm>> -> memref<1x128xi32, #tpu.memory_space<hbm>>
          tpu.enqueue_dma source(%dma_start3A_124 : memref<1x128xi32, #tpu.memory_space<hbm>>) target(%arg12 : memref<1x128xi32, #tpu.memory_space<vmem>>) target_semaphore(%run_scoped3A_120 : memref<!tpu.dma_semaphore, #tpu.memory_space<semaphore_mem>>)
          %dma_wait3A_125 = arith.constant 0 : i32
          %dma_wait3A_126 = tpu.memref_slice %arg4[%mul3A_76, %dma_wait3A_125] : memref<2500x128xi32, #tpu.memory_space<hbm>> -> memref<1x128xi32, #tpu.memory_space<hbm>>
          %dma_wait3A_127 = arith.constant 0 : i32
          %dma_wait3A_128 = tpu.memref_slice %arg4[%mul3A_76, %dma_wait3A_127] : memref<2500x128xi32, #tpu.memory_space<hbm>> -> memref<1x128xi32, #tpu.memory_space<hbm>>
          tpu.wait_dma2 semaphore(%run_scoped3A_120 : memref<!tpu.dma_semaphore, #tpu.memory_space<semaphore_mem>>) src(%dma_wait3A_128 : memref<1x128xi32, #tpu.memory_space<hbm>>) dst(%arg12 : memref<1x128xi32, #tpu.memory_space<vmem>>)
          tpu.yield
        }) : () -> ()
        %dma_start3A = arith.constant 0 : i32
        %dma_start3A_77 = arith.constant 0 : i32
        %dma_start3A_78 = arith.constant 0 : i32
        %dma_start3A_79 = tpu.memref_slice %arg13[%dma_start3A_77, %dma_start3A_78] : memref<128x128xf32, #tpu.memory_space<vmem>> -> memref<128x128xf32, #tpu.memory_space<vmem>>
        %dma_start3A_80 = arith.constant 0 : i32
        %dma_start3A_81 = tpu.memref_slice %arg11[%dma_start3A, %dma_start3A_80] : memref<1x128xi32, #tpu.memory_space<vmem>> -> memref<1x128xi32, #tpu.memory_space<vmem>>
        %dma_start3A_82 = tpu.memref_squeeze %dma_start3A_81 : memref<1x128xi32, #tpu.memory_space<vmem>> -> memref<128xi32, #tpu.memory_space<vmem>>
        %dma_start3A_83 = arith.constant 0 : i32
        %dma_start3A_84 = arith.constant 0 : i32
        %dma_start3A_85 = tpu.memref_slice %arg2[%dma_start3A_83, %dma_start3A_84] : memref<10240x128xf32, #tpu.memory_space<hbm>> -> memref<10240x128xf32, #tpu.memory_space<hbm>>
        tpu.enqueue_indirect_dma source(%dma_start3A_85 : memref<10240x128xf32, #tpu.memory_space<hbm>>) target(%dma_start3A_79 : memref<128x128xf32, #tpu.memory_space<vmem>>) offsets(%dma_start3A_82 : memref<128xi32, #tpu.memory_space<vmem>>) semaphore(%arg20 : memref<!tpu.dma_semaphore, #tpu.memory_space<semaphore_mem>>)
        %dma_start3A_86 = arith.constant 0 : i32
        %dma_start3A_87 = arith.constant 0 : i32
        %dma_start3A_88 = arith.constant 0 : i32
        %dma_start3A_89 = tpu.memref_slice %arg14[%dma_start3A_87, %dma_start3A_88] : memref<128x128xf32, #tpu.memory_space<vmem>> -> memref<128x128xf32, #tpu.memory_space<vmem>>
        %dma_start3A_90 = arith.constant 0 : i32
        %dma_start3A_91 = tpu.memref_slice %arg11[%dma_start3A_86, %dma_start3A_90] : memref<1x128xi32, #tpu.memory_space<vmem>> -> memref<1x128xi32, #tpu.memory_space<vmem>>
        %dma_start3A_92 = tpu.memref_squeeze %dma_start3A_91 : memref<1x128xi32, #tpu.memory_space<vmem>> -> memref<128xi32, #tpu.memory_space<vmem>>
        %dma_start3A_93 = arith.constant 0 : i32
        %dma_start3A_94 = arith.constant 0 : i32
        %dma_start3A_95 = tpu.memref_slice %arg7[%dma_start3A_93, %dma_start3A_94] : memref<10240x128xf32, #tpu.memory_space<hbm>> -> memref<10240x128xf32, #tpu.memory_space<hbm>>
        tpu.enqueue_indirect_dma source(%dma_start3A_95 : memref<10240x128xf32, #tpu.memory_space<hbm>>) target(%dma_start3A_89 : memref<128x128xf32, #tpu.memory_space<vmem>>) offsets(%dma_start3A_92 : memref<128xi32, #tpu.memory_space<vmem>>) semaphore(%arg21 : memref<!tpu.dma_semaphore, #tpu.memory_space<semaphore_mem>>)
        %dma_wait3A = arith.constant 0 : i32
        %dma_wait3A_96 = arith.constant 0 : i32
        %dma_wait3A_97 = arith.constant 0 : i32
        %dma_wait3A_98 = tpu.memref_slice %arg13[%dma_wait3A_96, %dma_wait3A_97] : memref<128x128xf32, #tpu.memory_space<vmem>> -> memref<128x128xf32, #tpu.memory_space<vmem>>
        %dma_wait3A_99 = arith.constant 0 : i32
        %dma_wait3A_100 = tpu.memref_slice %arg11[%dma_wait3A, %dma_wait3A_99] : memref<1x128xi32, #tpu.memory_space<vmem>> -> memref<1x128xi32, #tpu.memory_space<vmem>>
        %dma_wait3A_101 = tpu.memref_squeeze %dma_wait3A_100 : memref<1x128xi32, #tpu.memory_space<vmem>> -> memref<128xi32, #tpu.memory_space<vmem>>
        %dma_wait3A_102 = arith.constant 0 : i32
        %dma_wait3A_103 = arith.constant 0 : i32
        %dma_wait3A_104 = tpu.memref_slice %arg2[%dma_wait3A_102, %dma_wait3A_103] : memref<10240x128xf32, #tpu.memory_space<hbm>> -> memref<10240x128xf32, #tpu.memory_space<hbm>>
        tpu.wait_indirect_dma semaphore(%arg20 : memref<!tpu.dma_semaphore, #tpu.memory_space<semaphore_mem>>) src(%dma_wait3A_104 : memref<10240x128xf32, #tpu.memory_space<hbm>>) dst(%dma_wait3A_98 : memref<128x128xf32, #tpu.memory_space<vmem>>)
        %run_scoped3A = arith.constant 0 : i32
        "tpu.region"() ({
          %run_scoped3A_120 = tpu.sem_alloc : memref<!tpu.dma_semaphore, #tpu.memory_space<semaphore_mem>>
          %dma_start3A_121 = arith.constant 0 : i32
          %dma_start3A_122 = arith.constant 0 : i32
          %dma_start3A_123 = tpu.memref_slice %arg13[%dma_start3A_121, %dma_start3A_122] : memref<128x128xf32, #tpu.memory_space<vmem>> -> memref<128x128xf32, #tpu.memory_space<vmem>>
          %dma_start3A_124 = arith.constant 0 : i32
          %dma_start3A_125 = tpu.memref_slice %arg12[%run_scoped3A, %dma_start3A_124] : memref<1x128xi32, #tpu.memory_space<vmem>> -> memref<1x128xi32, #tpu.memory_space<vmem>>
          %dma_start3A_126 = tpu.memref_squeeze %dma_start3A_125 : memref<1x128xi32, #tpu.memory_space<vmem>> -> memref<128xi32, #tpu.memory_space<vmem>>
          %dma_start3A_127 = arith.constant 0 : i32
          %dma_start3A_128 = arith.constant 0 : i32
          %dma_start3A_129 = tpu.memref_slice %arg18[%dma_start3A_127, %dma_start3A_128] : memref<10240x128xf32, #tpu.memory_space<vmem_shared>> -> memref<10240x128xf32, #tpu.memory_space<vmem_shared>>
          tpu.enqueue_indirect_dma source(%dma_start3A_123 : memref<128x128xf32, #tpu.memory_space<vmem>>) target(%dma_start3A_129 : memref<10240x128xf32, #tpu.memory_space<vmem_shared>>) offsets(%dma_start3A_126 : memref<128xi32, #tpu.memory_space<vmem>>) semaphore(%run_scoped3A_120 : memref<!tpu.dma_semaphore, #tpu.memory_space<semaphore_mem>>) {add = true}
          %dma_wait3A_130 = arith.constant 0 : i32
          %dma_wait3A_131 = arith.constant 0 : i32
          %dma_wait3A_132 = tpu.memref_slice %arg13[%dma_wait3A_130, %dma_wait3A_131] : memref<128x128xf32, #tpu.memory_space<vmem>> -> memref<128x128xf32, #tpu.memory_space<vmem>>
          %dma_wait3A_133 = arith.constant 0 : i32
          %dma_wait3A_134 = tpu.memref_slice %arg12[%run_scoped3A, %dma_wait3A_133] : memref<1x128xi32, #tpu.memory_space<vmem>> -> memref<1x128xi32, #tpu.memory_space<vmem>>
          %dma_wait3A_135 = tpu.memref_squeeze %dma_wait3A_134 : memref<1x128xi32, #tpu.memory_space<vmem>> -> memref<128xi32, #tpu.memory_space<vmem>>
          %dma_wait3A_136 = arith.constant 0 : i32
          %dma_wait3A_137 = arith.constant 0 : i32
          %dma_wait3A_138 = tpu.memref_slice %arg18[%dma_wait3A_136, %dma_wait3A_137] : memref<10240x128xf32, #tpu.memory_space<vmem_shared>> -> memref<10240x128xf32, #tpu.memory_space<vmem_shared>>
          tpu.wait_indirect_dma semaphore(%run_scoped3A_120 : memref<!tpu.dma_semaphore, #tpu.memory_space<semaphore_mem>>) src(%dma_wait3A_132 : memref<128x128xf32, #tpu.memory_space<vmem>>) dst(%dma_wait3A_138 : memref<10240x128xf32, #tpu.memory_space<vmem_shared>>)
          tpu.yield
        }) : () -> ()
        %run_scoped3A_105 = arith.constant 0 : i32
        "tpu.region"() ({
          %run_scoped3A_120 = tpu.sem_alloc : memref<!tpu.dma_semaphore, #tpu.memory_space<semaphore_mem>>
          %dma_start3A_121 = arith.constant 0 : i32
          %dma_start3A_122 = tpu.memref_slice %arg12[%run_scoped3A_105, %dma_start3A_121] : memref<1x128xi32, #tpu.memory_space<vmem>> -> memref<1x128xi32, #tpu.memory_space<vmem>>
          %dma_start3A_123 = tpu.memref_squeeze %dma_start3A_122 : memref<1x128xi32, #tpu.memory_space<vmem>> -> memref<128xi32, #tpu.memory_space<vmem>>
          %dma_start3A_124 = arith.constant 0 : i32
          %dma_start3A_125 = tpu.memref_slice %arg19[%dma_start3A_124] : memref<10240xf32, #tpu.memory_space<vmem_shared>> -> memref<10240xf32, #tpu.memory_space<vmem_shared>>
          tpu.enqueue_indirect_dma source(%arg15 : memref<128xf32, #tpu.memory_space<vmem>>) target(%dma_start3A_125 : memref<10240xf32, #tpu.memory_space<vmem_shared>>) offsets(%dma_start3A_123 : memref<128xi32, #tpu.memory_space<vmem>>) semaphore(%run_scoped3A_120 : memref<!tpu.dma_semaphore, #tpu.memory_space<semaphore_mem>>) {add = true}
          %dma_wait3A_126 = arith.constant 0 : i32
          %dma_wait3A_127 = tpu.memref_slice %arg12[%run_scoped3A_105, %dma_wait3A_126] : memref<1x128xi32, #tpu.memory_space<vmem>> -> memref<1x128xi32, #tpu.memory_space<vmem>>
          %dma_wait3A_128 = tpu.memref_squeeze %dma_wait3A_127 : memref<1x128xi32, #tpu.memory_space<vmem>> -> memref<128xi32, #tpu.memory_space<vmem>>
          %dma_wait3A_129 = arith.constant 0 : i32
          %dma_wait3A_130 = tpu.memref_slice %arg19[%dma_wait3A_129] : memref<10240xf32, #tpu.memory_space<vmem_shared>> -> memref<10240xf32, #tpu.memory_space<vmem_shared>>
          tpu.wait_indirect_dma semaphore(%run_scoped3A_120 : memref<!tpu.dma_semaphore, #tpu.memory_space<semaphore_mem>>) src(%arg15 : memref<128xf32, #tpu.memory_space<vmem>>) dst(%dma_wait3A_130 : memref<10240xf32, #tpu.memory_space<vmem_shared>>)
          tpu.yield
        }) : () -> ()
        %dma_wait3A_106 = arith.constant 0 : i32
        %dma_wait3A_107 = arith.constant 0 : i32
        %dma_wait3A_108 = arith.constant 0 : i32
        %dma_wait3A_109 = tpu.memref_slice %arg14[%dma_wait3A_107, %dma_wait3A_108] : memref<128x128xf32, #tpu.memory_space<vmem>> -> memref<128x128xf32, #tpu.memory_space<vmem>>
        %dma_wait3A_110 = arith.constant 0 : i32
        %dma_wait3A_111 = tpu.memref_slice %arg11[%dma_wait3A_106, %dma_wait3A_110] : memref<1x128xi32, #tpu.memory_space<vmem>> -> memref<1x128xi32, #tpu.memory_space<vmem>>
        %dma_wait3A_112 = tpu.memref_squeeze %dma_wait3A_111 : memref<1x128xi32, #tpu.memory_space<vmem>> -> memref<128xi32, #tpu.memory_space<vmem>>
        %dma_wait3A_113 = arith.constant 0 : i32
        %dma_wait3A_114 = arith.constant 0 : i32
        %dma_wait3A_115 = tpu.memref_slice %arg7[%dma_wait3A_113, %dma_wait3A_114] : memref<10240x128xf32, #tpu.memory_space<hbm>> -> memref<10240x128xf32, #tpu.memory_space<hbm>>
        tpu.wait_indirect_dma semaphore(%arg21 : memref<!tpu.dma_semaphore, #tpu.memory_space<semaphore_mem>>) src(%dma_wait3A_115 : memref<10240x128xf32, #tpu.memory_space<hbm>>) dst(%dma_wait3A_109 : memref<128x128xf32, #tpu.memory_space<vmem>>)
        %mul3A_116 = arith.constant 128 : i32
        %mul3A_117 = arith.muli %add3A_69, %mul3A_116 : i32
        %add3A_118 = arith.constant 0 : i32
        %add3A_119 = arith.addi %mul3A_117, %add3A_118 : i32
        "tpu.region"() ({
          %run_scoped3A_120 = tpu.sem_alloc : memref<!tpu.dma_semaphore, #tpu.memory_space<semaphore_mem>>
          %dma_start3A_121 = arith.constant 0 : i32
          %dma_start3A_122 = arith.constant 0 : i32
          %dma_start3A_123 = tpu.memref_slice %arg14[%dma_start3A_121, %dma_start3A_122] : memref<128x128xf32, #tpu.memory_space<vmem>> -> memref<128x128xf32, #tpu.memory_space<vmem>>
          %dma_start3A_124 = arith.constant 0 : i32
          %dma_start3A_125 = tpu.memref_slice %arg10[%add3A_119, %dma_start3A_124] : memref<320000x128xf32, #tpu.memory_space<hbm>> -> memref<128x128xf32, #tpu.memory_space<hbm>>
          %dma_start3A_126 = arith.constant 0 : i32
          %dma_start3A_127 = tpu.memref_slice %arg10[%add3A_119, %dma_start3A_126] : memref<320000x128xf32, #tpu.memory_space<hbm>> -> memref<128x128xf32, #tpu.memory_space<hbm>>
          %dma_start3A_128 = arith.constant 0 : i32
          %dma_start3A_129 = arith.constant 0 : i32
          %dma_start3A_130 = tpu.memref_slice %arg14[%dma_start3A_128, %dma_start3A_129] : memref<128x128xf32, #tpu.memory_space<vmem>> -> memref<128x128xf32, #tpu.memory_space<vmem>>
          tpu.enqueue_dma source(%dma_start3A_130 : memref<128x128xf32, #tpu.memory_space<vmem>>) target(%dma_start3A_127 : memref<128x128xf32, #tpu.memory_space<hbm>>) target_semaphore(%run_scoped3A_120 : memref<!tpu.dma_semaphore, #tpu.memory_space<semaphore_mem>>)
          %dma_wait3A_131 = arith.constant 0 : i32
          %dma_wait3A_132 = arith.constant 0 : i32
          %dma_wait3A_133 = tpu.memref_slice %arg14[%dma_wait3A_131, %dma_wait3A_132] : memref<128x128xf32, #tpu.memory_space<vmem>> -> memref<128x128xf32, #tpu.memory_space<vmem>>
          %dma_wait3A_134 = arith.constant 0 : i32
          %dma_wait3A_135 = tpu.memref_slice %arg10[%add3A_119, %dma_wait3A_134] : memref<320000x128xf32, #tpu.memory_space<hbm>> -> memref<128x128xf32, #tpu.memory_space<hbm>>
          %dma_wait3A_136 = arith.constant 0 : i32
          %dma_wait3A_137 = tpu.memref_slice %arg10[%add3A_119, %dma_wait3A_136] : memref<320000x128xf32, #tpu.memory_space<hbm>> -> memref<128x128xf32, #tpu.memory_space<hbm>>
          %dma_wait3A_138 = arith.constant 0 : i32
          %dma_wait3A_139 = arith.constant 0 : i32
          %dma_wait3A_140 = tpu.memref_slice %arg14[%dma_wait3A_138, %dma_wait3A_139] : memref<128x128xf32, #tpu.memory_space<vmem>> -> memref<128x128xf32, #tpu.memory_space<vmem>>
          tpu.wait_dma2 semaphore(%run_scoped3A_120 : memref<!tpu.dma_semaphore, #tpu.memory_space<semaphore_mem>>) src(%dma_wait3A_140 : memref<128x128xf32, #tpu.memory_space<vmem>>) dst(%dma_wait3A_137 : memref<128x128xf32, #tpu.memory_space<hbm>>)
          tpu.yield
        }) : () -> ()
      } else {
      }
    }
    %scan3A_58 = arith.constant 79 : i32
    %barrier3A_59 = arith.constant 0 : index
    tpu.barrier barrier_id(%barrier3A_59)
    %mul3A_60 = arith.constant 640 : i32
    %mul3A_61 = arith.muli %arg1, %mul3A_60 : i32
    %mul3A_62 = arith.constant 640 : i32
    %mul3A_63 = arith.muli %arg1, %mul3A_62 : i32
    "tpu.region"() ({
      %run_scoped3A = tpu.sem_alloc : memref<!tpu.dma_semaphore, #tpu.memory_space<semaphore_mem>>
      %dma_start3A = arith.constant 0 : i32
      %dma_start3A_66 = arith.constant 0 : i32
      %dma_start3A_67 = tpu.memref_slice %arg8[%arg0, %dma_start3A, %dma_start3A_66] : memref<2x10240x128xf32, #tpu.memory_space<hbm>> -> memref<1x10240x128xf32, #tpu.memory_space<hbm>>
      %dma_start3A_68 = tpu.memref_squeeze %dma_start3A_67 : memref<1x10240x128xf32, #tpu.memory_space<hbm>> -> memref<10240x128xf32, #tpu.memory_space<hbm>>
      %dma_start3A_69 = arith.constant 0 : i32
      %dma_start3A_70 = tpu.memref_slice %dma_start3A_68[%mul3A_63, %dma_start3A_69] : memref<10240x128xf32, #tpu.memory_space<hbm>> -> memref<640x128xf32, #tpu.memory_space<hbm>>
      %dma_start3A_71 = arith.constant 0 : i32
      %dma_start3A_72 = tpu.memref_slice %arg18[%mul3A_61, %dma_start3A_71] : memref<10240x128xf32, #tpu.memory_space<vmem_shared>> -> memref<640x128xf32, #tpu.memory_space<vmem_shared>>
      tpu.enqueue_dma source(%dma_start3A_72 : memref<640x128xf32, #tpu.memory_space<vmem_shared>>) target(%dma_start3A_70 : memref<640x128xf32, #tpu.memory_space<hbm>>) target_semaphore(%run_scoped3A : memref<!tpu.dma_semaphore, #tpu.memory_space<semaphore_mem>>)
      %dma_wait3A = arith.constant 0 : i32
      %dma_wait3A_73 = arith.constant 0 : i32
      %dma_wait3A_74 = tpu.memref_slice %arg8[%arg0, %dma_wait3A, %dma_wait3A_73] : memref<2x10240x128xf32, #tpu.memory_space<hbm>> -> memref<1x10240x128xf32, #tpu.memory_space<hbm>>
      %dma_wait3A_75 = tpu.memref_squeeze %dma_wait3A_74 : memref<1x10240x128xf32, #tpu.memory_space<hbm>> -> memref<10240x128xf32, #tpu.memory_space<hbm>>
      %dma_wait3A_76 = arith.constant 0 : i32
      %dma_wait3A_77 = tpu.memref_slice %dma_wait3A_75[%mul3A_63, %dma_wait3A_76] : memref<10240x128xf32, #tpu.memory_space<hbm>> -> memref<640x128xf32, #tpu.memory_space<hbm>>
      %dma_wait3A_78 = arith.constant 0 : i32
      %dma_wait3A_79 = tpu.memref_slice %arg18[%mul3A_61, %dma_wait3A_78] : memref<10240x128xf32, #tpu.memory_space<vmem_shared>> -> memref<640x128xf32, #tpu.memory_space<vmem_shared>>
      tpu.wait_dma2 semaphore(%run_scoped3A : memref<!tpu.dma_semaphore, #tpu.memory_space<semaphore_mem>>) src(%dma_wait3A_79 : memref<640x128xf32, #tpu.memory_space<vmem_shared>>) dst(%dma_wait3A_77 : memref<640x128xf32, #tpu.memory_space<hbm>>)
      tpu.yield
    }) : () -> ()
    %lt3A = arith.constant 10 : i32
    %lt3A_64 = arith.cmpi slt, %arg1, %lt3A : i32
    %convert_element_type3A = arith.extui %lt3A_64 : i1 to i32
    %cond3A = arith.constant 0 : i32
    %cond3A_65 = arith.cmpi ne, %convert_element_type3A, %cond3A : i32
    scf.if %cond3A_65 {
      %mul3A_66 = arith.constant 1024 : i32
      %mul3A_67 = arith.muli %arg1, %mul3A_66 : i32
      "tpu.region"() ({
        %run_scoped3A = tpu.sem_alloc : memref<!tpu.dma_semaphore, #tpu.memory_space<semaphore_mem>>
        %dma_start3A = tpu.memref_slice %arg19[%mul3A_67] : memref<10240xf32, #tpu.memory_space<vmem_shared>> -> memref<1024xf32, #tpu.memory_space<vmem_shared>>
        %dma_start3A_645 = tpu.memref_slice %arg19[%mul3A_67] : memref<10240xf32, #tpu.memory_space<vmem_shared>> -> memref<1024xf32, #tpu.memory_space<vmem_shared>>
        tpu.enqueue_dma source(%dma_start3A_645 : memref<1024xf32, #tpu.memory_space<vmem_shared>>) target(%arg16 : memref<1024xf32, #tpu.memory_space<vmem>>) target_semaphore(%run_scoped3A : memref<!tpu.dma_semaphore, #tpu.memory_space<semaphore_mem>>)
        %dma_wait3A = tpu.memref_slice %arg19[%mul3A_67] : memref<10240xf32, #tpu.memory_space<vmem_shared>> -> memref<1024xf32, #tpu.memory_space<vmem_shared>>
        %dma_wait3A_646 = tpu.memref_slice %arg19[%mul3A_67] : memref<10240xf32, #tpu.memory_space<vmem_shared>> -> memref<1024xf32, #tpu.memory_space<vmem_shared>>
        tpu.wait_dma2 semaphore(%run_scoped3A : memref<!tpu.dma_semaphore, #tpu.memory_space<semaphore_mem>>) src(%dma_wait3A_646 : memref<1024xf32, #tpu.memory_space<vmem_shared>>) dst(%arg16 : memref<1024xf32, #tpu.memory_space<vmem>>)
        tpu.yield
      }) : () -> ()
      %get3A = arith.constant 0 : index
      %get3A_68 = tpu.vector_load %arg16[%get3A] {strides = array<i32>} : memref<1024xf32, #tpu.memory_space<vmem>>, vector<16xf32>,
      %get3A_69 = vector.shape_cast %get3A_68 : vector<16xf32> to vector<16xf32>
      %swap3A_70 = arith.constant 0 : i32
      %swap3A_71 = arith.index_cast %swap3A_70 : i32 to index
      %swap3A_72 = arith.constant 0 : index
      %swap3A_73 = tpu.vector_load %arg17[%swap3A_71, %swap3A_72] {strides = array<i32>} : memref<8x128xf32, #tpu.memory_space<vmem>>, vector<1x16xf32>,
      %swap3A_74 = vector.shape_cast %swap3A_73 : vector<1x16xf32> to vector<16xf32>
      %swap3A_75 = vector.shape_cast %get3A_69 : vector<16xf32> to vector<1x16xf32>
      tpu.vector_store %arg17[%swap3A_71, %swap3A_72], %swap3A_75 {strides = array<i32>} : memref<8x128xf32, #tpu.memory_space<vmem>>, vector<1x16xf32>,
      %get3A_76 = arith.constant 16 : index
      %get3A_77 = tpu.vector_load %arg16[%get3A_76] {strides = array<i32>} : memref<1024xf32, #tpu.memory_space<vmem>>, vector<16xf32>,
      %get3A_78 = vector.shape_cast %get3A_77 : vector<16xf32> to vector<16xf32>
      %swap3A_79 = arith.constant 0 : i32
      %swap3A_80 = arith.index_cast %swap3A_79 : i32 to index
      %swap3A_81 = arith.constant 16 : index
      %swap3A_82 = tpu.vector_load %arg17[%swap3A_80, %swap3A_81] {strides = array<i32>} : memref<8x128xf32, #tpu.memory_space<vmem>>, vector<1x16xf32>,
      %swap3A_83 = vector.shape_cast %swap3A_82 : vector<1x16xf32> to vector<16xf32>
      %swap3A_84 = vector.shape_cast %get3A_78 : vector<16xf32> to vector<1x16xf32>
      tpu.vector_store %arg17[%swap3A_80, %swap3A_81], %swap3A_84 {strides = array<i32>} : memref<8x128xf32, #tpu.memory_space<vmem>>, vector<1x16xf32>,
      %get3A_85 = arith.constant 32 : index
      %get3A_86 = tpu.vector_load %arg16[%get3A_85] {strides = array<i32>} : memref<1024xf32, #tpu.memory_space<vmem>>, vector<16xf32>,
      %get3A_87 = vector.shape_cast %get3A_86 : vector<16xf32> to vector<16xf32>
      %swap3A_88 = arith.constant 0 : i32
      %swap3A_89 = arith.index_cast %swap3A_88 : i32 to index
      %swap3A_90 = arith.constant 32 : index
      %swap3A_91 = tpu.vector_load %arg17[%swap3A_89, %swap3A_90] {strides = array<i32>} : memref<8x128xf32, #tpu.memory_space<vmem>>, vector<1x16xf32>,
      %swap3A_92 = vector.shape_cast %swap3A_91 : vector<1x16xf32> to vector<16xf32>
      %swap3A_93 = vector.shape_cast %get3A_87 : vector<16xf32> to vector<1x16xf32>
      tpu.vector_store %arg17[%swap3A_89, %swap3A_90], %swap3A_93 {strides = array<i32>} : memref<8x128xf32, #tpu.memory_space<vmem>>, vector<1x16xf32>,
      %get3A_94 = arith.constant 48 : index
      %get3A_95 = tpu.vector_load %arg16[%get3A_94] {strides = array<i32>} : memref<1024xf32, #tpu.memory_space<vmem>>, vector<16xf32>,
      %get3A_96 = vector.shape_cast %get3A_95 : vector<16xf32> to vector<16xf32>
      %swap3A_97 = arith.constant 0 : i32
      %swap3A_98 = arith.index_cast %swap3A_97 : i32 to index
      %swap3A_99 = arith.constant 48 : index
      %swap3A_100 = tpu.vector_load %arg17[%swap3A_98, %swap3A_99] {strides = array<i32>} : memref<8x128xf32, #tpu.memory_space<vmem>>, vector<1x16xf32>,
      %swap3A_101 = vector.shape_cast %swap3A_100 : vector<1x16xf32> to vector<16xf32>
      %swap3A_102 = vector.shape_cast %get3A_96 : vector<16xf32> to vector<1x16xf32>
      tpu.vector_store %arg17[%swap3A_98, %swap3A_99], %swap3A_102 {strides = array<i32>} : memref<8x128xf32, #tpu.memory_space<vmem>>, vector<1x16xf32>,
      %get3A_103 = arith.constant 64 : index
      %get3A_104 = tpu.vector_load %arg16[%get3A_103] {strides = array<i32>} : memref<1024xf32, #tpu.memory_space<vmem>>, vector<16xf32>,
      %get3A_105 = vector.shape_cast %get3A_104 : vector<16xf32> to vector<16xf32>
      %swap3A_106 = arith.constant 0 : i32
      %swap3A_107 = arith.index_cast %swap3A_106 : i32 to index
      %swap3A_108 = arith.constant 64 : index
      %swap3A_109 = tpu.vector_load %arg17[%swap3A_107, %swap3A_108] {strides = array<i32>} : memref<8x128xf32, #tpu.memory_space<vmem>>, vector<1x16xf32>,
      %swap3A_110 = vector.shape_cast %swap3A_109 : vector<1x16xf32> to vector<16xf32>
      %swap3A_111 = vector.shape_cast %get3A_105 : vector<16xf32> to vector<1x16xf32>
      tpu.vector_store %arg17[%swap3A_107, %swap3A_108], %swap3A_111 {strides = array<i32>} : memref<8x128xf32, #tpu.memory_space<vmem>>, vector<1x16xf32>,
      %get3A_112 = arith.constant 80 : index
      %get3A_113 = tpu.vector_load %arg16[%get3A_112] {strides = array<i32>} : memref<1024xf32, #tpu.memory_space<vmem>>, vector<16xf32>,
      %get3A_114 = vector.shape_cast %get3A_113 : vector<16xf32> to vector<16xf32>
      %swap3A_115 = arith.constant 0 : i32
      %swap3A_116 = arith.index_cast %swap3A_115 : i32 to index
      %swap3A_117 = arith.constant 80 : index
      %swap3A_118 = tpu.vector_load %arg17[%swap3A_116, %swap3A_117] {strides = array<i32>} : memref<8x128xf32, #tpu.memory_space<vmem>>, vector<1x16xf32>,
      %swap3A_119 = vector.shape_cast %swap3A_118 : vector<1x16xf32> to vector<16xf32>
      %swap3A_120 = vector.shape_cast %get3A_114 : vector<16xf32> to vector<1x16xf32>
      tpu.vector_store %arg17[%swap3A_116, %swap3A_117], %swap3A_120 {strides = array<i32>} : memref<8x128xf32, #tpu.memory_space<vmem>>, vector<1x16xf32>,
      %get3A_121 = arith.constant 96 : index
      %get3A_122 = tpu.vector_load %arg16[%get3A_121] {strides = array<i32>} : memref<1024xf32, #tpu.memory_space<vmem>>, vector<16xf32>,
      %get3A_123 = vector.shape_cast %get3A_122 : vector<16xf32> to vector<16xf32>
      %swap3A_124 = arith.constant 0 : i32
      %swap3A_125 = arith.index_cast %swap3A_124 : i32 to index
      %swap3A_126 = arith.constant 96 : index
      %swap3A_127 = tpu.vector_load %arg17[%swap3A_125, %swap3A_126] {strides = array<i32>} : memref<8x128xf32, #tpu.memory_space<vmem>>, vector<1x16xf32>,
      %swap3A_128 = vector.shape_cast %swap3A_127 : vector<1x16xf32> to vector<16xf32>
      %swap3A_129 = vector.shape_cast %get3A_123 : vector<16xf32> to vector<1x16xf32>
      tpu.vector_store %arg17[%swap3A_125, %swap3A_126], %swap3A_129 {strides = array<i32>} : memref<8x128xf32, #tpu.memory_space<vmem>>, vector<1x16xf32>,
      %get3A_130 = arith.constant 112 : index
      %get3A_131 = tpu.vector_load %arg16[%get3A_130] {strides = array<i32>} : memref<1024xf32, #tpu.memory_space<vmem>>, vector<16xf32>,
      %get3A_132 = vector.shape_cast %get3A_131 : vector<16xf32> to vector<16xf32>
      %swap3A_133 = arith.constant 0 : i32
      %swap3A_134 = arith.index_cast %swap3A_133 : i32 to index
      %swap3A_135 = arith.constant 112 : index
      %swap3A_136 = tpu.vector_load %arg17[%swap3A_134, %swap3A_135] {strides = array<i32>} : memref<8x128xf32, #tpu.memory_space<vmem>>, vector<1x16xf32>,
      %swap3A_137 = vector.shape_cast %swap3A_136 : vector<1x16xf32> to vector<16xf32>
      %swap3A_138 = vector.shape_cast %get3A_132 : vector<16xf32> to vector<1x16xf32>
      tpu.vector_store %arg17[%swap3A_134, %swap3A_135], %swap3A_138 {strides = array<i32>} : memref<8x128xf32, #tpu.memory_space<vmem>>, vector<1x16xf32>,
      %get3A_139 = arith.constant 128 : index
      %get3A_140 = tpu.vector_load %arg16[%get3A_139] {strides = array<i32>} : memref<1024xf32, #tpu.memory_space<vmem>>, vector<16xf32>,
      %get3A_141 = vector.shape_cast %get3A_140 : vector<16xf32> to vector<16xf32>
      %swap3A_142 = arith.constant 1 : i32
      %swap3A_143 = arith.index_cast %swap3A_142 : i32 to index
      %swap3A_144 = arith.constant 0 : index
      %swap3A_145 = tpu.vector_load %arg17[%swap3A_143, %swap3A_144] {strides = array<i32>} : memref<8x128xf32, #tpu.memory_space<vmem>>, vector<1x16xf32>,
      %swap3A_146 = vector.shape_cast %swap3A_145 : vector<1x16xf32> to vector<16xf32>
      %swap3A_147 = vector.shape_cast %get3A_141 : vector<16xf32> to vector<1x16xf32>
      tpu.vector_store %arg17[%swap3A_143, %swap3A_144], %swap3A_147 {strides = array<i32>} : memref<8x128xf32, #tpu.memory_space<vmem>>, vector<1x16xf32>,
      %get3A_148 = arith.constant 144 : index
      %get3A_149 = tpu.vector_load %arg16[%get3A_148] {strides = array<i32>} : memref<1024xf32, #tpu.memory_space<vmem>>, vector<16xf32>,
      %get3A_150 = vector.shape_cast %get3A_149 : vector<16xf32> to vector<16xf32>
      %swap3A_151 = arith.constant 1 : i32
      %swap3A_152 = arith.index_cast %swap3A_151 : i32 to index
      %swap3A_153 = arith.constant 16 : index
      %swap3A_154 = tpu.vector_load %arg17[%swap3A_152, %swap3A_153] {strides = array<i32>} : memref<8x128xf32, #tpu.memory_space<vmem>>, vector<1x16xf32>,
      %swap3A_155 = vector.shape_cast %swap3A_154 : vector<1x16xf32> to vector<16xf32>
      %swap3A_156 = vector.shape_cast %get3A_150 : vector<16xf32> to vector<1x16xf32>
      tpu.vector_store %arg17[%swap3A_152, %swap3A_153], %swap3A_156 {strides = array<i32>} : memref<8x128xf32, #tpu.memory_space<vmem>>, vector<1x16xf32>,
      %get3A_157 = arith.constant 160 : index
      %get3A_158 = tpu.vector_load %arg16[%get3A_157] {strides = array<i32>} : memref<1024xf32, #tpu.memory_space<vmem>>, vector<16xf32>,
      %get3A_159 = vector.shape_cast %get3A_158 : vector<16xf32> to vector<16xf32>
      %swap3A_160 = arith.constant 1 : i32
      %swap3A_161 = arith.index_cast %swap3A_160 : i32 to index
      %swap3A_162 = arith.constant 32 : index
      %swap3A_163 = tpu.vector_load %arg17[%swap3A_161, %swap3A_162] {strides = array<i32>} : memref<8x128xf32, #tpu.memory_space<vmem>>, vector<1x16xf32>,
      %swap3A_164 = vector.shape_cast %swap3A_163 : vector<1x16xf32> to vector<16xf32>
      %swap3A_165 = vector.shape_cast %get3A_159 : vector<16xf32> to vector<1x16xf32>
      tpu.vector_store %arg17[%swap3A_161, %swap3A_162], %swap3A_165 {strides = array<i32>} : memref<8x128xf32, #tpu.memory_space<vmem>>, vector<1x16xf32>,
      %get3A_166 = arith.constant 176 : index
      %get3A_167 = tpu.vector_load %arg16[%get3A_166] {strides = array<i32>} : memref<1024xf32, #tpu.memory_space<vmem>>, vector<16xf32>,
      %get3A_168 = vector.shape_cast %get3A_167 : vector<16xf32> to vector<16xf32>
      %swap3A_169 = arith.constant 1 : i32
      %swap3A_170 = arith.index_cast %swap3A_169 : i32 to index
      %swap3A_171 = arith.constant 48 : index
      %swap3A_172 = tpu.vector_load %arg17[%swap3A_170, %swap3A_171] {strides = array<i32>} : memref<8x128xf32, #tpu.memory_space<vmem>>, vector<1x16xf32>,
      %swap3A_173 = vector.shape_cast %swap3A_172 : vector<1x16xf32> to vector<16xf32>
      %swap3A_174 = vector.shape_cast %get3A_168 : vector<16xf32> to vector<1x16xf32>
      tpu.vector_store %arg17[%swap3A_170, %swap3A_171], %swap3A_174 {strides = array<i32>} : memref<8x128xf32, #tpu.memory_space<vmem>>, vector<1x16xf32>,
      %get3A_175 = arith.constant 192 : index
      %get3A_176 = tpu.vector_load %arg16[%get3A_175] {strides = array<i32>} : memref<1024xf32, #tpu.memory_space<vmem>>, vector<16xf32>,
      %get3A_177 = vector.shape_cast %get3A_176 : vector<16xf32> to vector<16xf32>
      %swap3A_178 = arith.constant 1 : i32
      %swap3A_179 = arith.index_cast %swap3A_178 : i32 to index
      %swap3A_180 = arith.constant 64 : index
      %swap3A_181 = tpu.vector_load %arg17[%swap3A_179, %swap3A_180] {strides = array<i32>} : memref<8x128xf32, #tpu.memory_space<vmem>>, vector<1x16xf32>,
      %swap3A_182 = vector.shape_cast %swap3A_181 : vector<1x16xf32> to vector<16xf32>
      %swap3A_183 = vector.shape_cast %get3A_177 : vector<16xf32> to vector<1x16xf32>
      tpu.vector_store %arg17[%swap3A_179, %swap3A_180], %swap3A_183 {strides = array<i32>} : memref<8x128xf32, #tpu.memory_space<vmem>>, vector<1x16xf32>,
      %get3A_184 = arith.constant 208 : index
      %get3A_185 = tpu.vector_load %arg16[%get3A_184] {strides = array<i32>} : memref<1024xf32, #tpu.memory_space<vmem>>, vector<16xf32>,
      %get3A_186 = vector.shape_cast %get3A_185 : vector<16xf32> to vector<16xf32>
      %swap3A_187 = arith.constant 1 : i32
      %swap3A_188 = arith.index_cast %swap3A_187 : i32 to index
      %swap3A_189 = arith.constant 80 : index
      %swap3A_190 = tpu.vector_load %arg17[%swap3A_188, %swap3A_189] {strides = array<i32>} : memref<8x128xf32, #tpu.memory_space<vmem>>, vector<1x16xf32>,
      %swap3A_191 = vector.shape_cast %swap3A_190 : vector<1x16xf32> to vector<16xf32>
      %swap3A_192 = vector.shape_cast %get3A_186 : vector<16xf32> to vector<1x16xf32>
      tpu.vector_store %arg17[%swap3A_188, %swap3A_189], %swap3A_192 {strides = array<i32>} : memref<8x128xf32, #tpu.memory_space<vmem>>, vector<1x16xf32>,
      %get3A_193 = arith.constant 224 : index
      %get3A_194 = tpu.vector_load %arg16[%get3A_193] {strides = array<i32>} : memref<1024xf32, #tpu.memory_space<vmem>>, vector<16xf32>,
      %get3A_195 = vector.shape_cast %get3A_194 : vector<16xf32> to vector<16xf32>
      %swap3A_196 = arith.constant 1 : i32
      %swap3A_197 = arith.index_cast %swap3A_196 : i32 to index
      %swap3A_198 = arith.constant 96 : index
      %swap3A_199 = tpu.vector_load %arg17[%swap3A_197, %swap3A_198] {strides = array<i32>} : memref<8x128xf32, #tpu.memory_space<vmem>>, vector<1x16xf32>,
      %swap3A_200 = vector.shape_cast %swap3A_199 : vector<1x16xf32> to vector<16xf32>
      %swap3A_201 = vector.shape_cast %get3A_195 : vector<16xf32> to vector<1x16xf32>
      tpu.vector_store %arg17[%swap3A_197, %swap3A_198], %swap3A_201 {strides = array<i32>} : memref<8x128xf32, #tpu.memory_space<vmem>>, vector<1x16xf32>,
      %get3A_202 = arith.constant 240 : index
      %get3A_203 = tpu.vector_load %arg16[%get3A_202] {strides = array<i32>} : memref<1024xf32, #tpu.memory_space<vmem>>, vector<16xf32>,
      %get3A_204 = vector.shape_cast %get3A_203 : vector<16xf32> to vector<16xf32>
      %swap3A_205 = arith.constant 1 : i32
      %swap3A_206 = arith.index_cast %swap3A_205 : i32 to index
      %swap3A_207 = arith.constant 112 : index
      %swap3A_208 = tpu.vector_load %arg17[%swap3A_206, %swap3A_207] {strides = array<i32>} : memref<8x128xf32, #tpu.memory_space<vmem>>, vector<1x16xf32>,
      %swap3A_209 = vector.shape_cast %swap3A_208 : vector<1x16xf32> to vector<16xf32>
      %swap3A_210 = vector.shape_cast %get3A_204 : vector<16xf32> to vector<1x16xf32>
      tpu.vector_store %arg17[%swap3A_206, %swap3A_207], %swap3A_210 {strides = array<i32>} : memref<8x128xf32, #tpu.memory_space<vmem>>, vector<1x16xf32>,
      %get3A_211 = arith.constant 256 : index
      %get3A_212 = tpu.vector_load %arg16[%get3A_211] {strides = array<i32>} : memref<1024xf32, #tpu.memory_space<vmem>>, vector<16xf32>,
      %get3A_213 = vector.shape_cast %get3A_212 : vector<16xf32> to vector<16xf32>
      %swap3A_214 = arith.constant 2 : i32
      %swap3A_215 = arith.index_cast %swap3A_214 : i32 to index
      %swap3A_216 = arith.constant 0 : index
      %swap3A_217 = tpu.vector_load %arg17[%swap3A_215, %swap3A_216] {strides = array<i32>} : memref<8x128xf32, #tpu.memory_space<vmem>>, vector<1x16xf32>,
      %swap3A_218 = vector.shape_cast %swap3A_217 : vector<1x16xf32> to vector<16xf32>
      %swap3A_219 = vector.shape_cast %get3A_213 : vector<16xf32> to vector<1x16xf32>
      tpu.vector_store %arg17[%swap3A_215, %swap3A_216], %swap3A_219 {strides = array<i32>} : memref<8x128xf32, #tpu.memory_space<vmem>>, vector<1x16xf32>,
      %get3A_220 = arith.constant 272 : index
      %get3A_221 = tpu.vector_load %arg16[%get3A_220] {strides = array<i32>} : memref<1024xf32, #tpu.memory_space<vmem>>, vector<16xf32>,
      %get3A_222 = vector.shape_cast %get3A_221 : vector<16xf32> to vector<16xf32>
      %swap3A_223 = arith.constant 2 : i32
      %swap3A_224 = arith.index_cast %swap3A_223 : i32 to index
      %swap3A_225 = arith.constant 16 : index
      %swap3A_226 = tpu.vector_load %arg17[%swap3A_224, %swap3A_225] {strides = array<i32>} : memref<8x128xf32, #tpu.memory_space<vmem>>, vector<1x16xf32>,
      %swap3A_227 = vector.shape_cast %swap3A_226 : vector<1x16xf32> to vector<16xf32>
      %swap3A_228 = vector.shape_cast %get3A_222 : vector<16xf32> to vector<1x16xf32>
      tpu.vector_store %arg17[%swap3A_224, %swap3A_225], %swap3A_228 {strides = array<i32>} : memref<8x128xf32, #tpu.memory_space<vmem>>, vector<1x16xf32>,
      %get3A_229 = arith.constant 288 : index
      %get3A_230 = tpu.vector_load %arg16[%get3A_229] {strides = array<i32>} : memref<1024xf32, #tpu.memory_space<vmem>>, vector<16xf32>,
      %get3A_231 = vector.shape_cast %get3A_230 : vector<16xf32> to vector<16xf32>
      %swap3A_232 = arith.constant 2 : i32
      %swap3A_233 = arith.index_cast %swap3A_232 : i32 to index
      %swap3A_234 = arith.constant 32 : index
      %swap3A_235 = tpu.vector_load %arg17[%swap3A_233, %swap3A_234] {strides = array<i32>} : memref<8x128xf32, #tpu.memory_space<vmem>>, vector<1x16xf32>,
      %swap3A_236 = vector.shape_cast %swap3A_235 : vector<1x16xf32> to vector<16xf32>
      %swap3A_237 = vector.shape_cast %get3A_231 : vector<16xf32> to vector<1x16xf32>
      tpu.vector_store %arg17[%swap3A_233, %swap3A_234], %swap3A_237 {strides = array<i32>} : memref<8x128xf32, #tpu.memory_space<vmem>>, vector<1x16xf32>,
      %get3A_238 = arith.constant 304 : index
      %get3A_239 = tpu.vector_load %arg16[%get3A_238] {strides = array<i32>} : memref<1024xf32, #tpu.memory_space<vmem>>, vector<16xf32>,
      %get3A_240 = vector.shape_cast %get3A_239 : vector<16xf32> to vector<16xf32>
      %swap3A_241 = arith.constant 2 : i32
      %swap3A_242 = arith.index_cast %swap3A_241 : i32 to index
      %swap3A_243 = arith.constant 48 : index
      %swap3A_244 = tpu.vector_load %arg17[%swap3A_242, %swap3A_243] {strides = array<i32>} : memref<8x128xf32, #tpu.memory_space<vmem>>, vector<1x16xf32>,
      %swap3A_245 = vector.shape_cast %swap3A_244 : vector<1x16xf32> to vector<16xf32>
      %swap3A_246 = vector.shape_cast %get3A_240 : vector<16xf32> to vector<1x16xf32>
      tpu.vector_store %arg17[%swap3A_242, %swap3A_243], %swap3A_246 {strides = array<i32>} : memref<8x128xf32, #tpu.memory_space<vmem>>, vector<1x16xf32>,
      %get3A_247 = arith.constant 320 : index
      %get3A_248 = tpu.vector_load %arg16[%get3A_247] {strides = array<i32>} : memref<1024xf32, #tpu.memory_space<vmem>>, vector<16xf32>,
      %get3A_249 = vector.shape_cast %get3A_248 : vector<16xf32> to vector<16xf32>
      %swap3A_250 = arith.constant 2 : i32
      %swap3A_251 = arith.index_cast %swap3A_250 : i32 to index
      %swap3A_252 = arith.constant 64 : index
      %swap3A_253 = tpu.vector_load %arg17[%swap3A_251, %swap3A_252] {strides = array<i32>} : memref<8x128xf32, #tpu.memory_space<vmem>>, vector<1x16xf32>,
      %swap3A_254 = vector.shape_cast %swap3A_253 : vector<1x16xf32> to vector<16xf32>
      %swap3A_255 = vector.shape_cast %get3A_249 : vector<16xf32> to vector<1x16xf32>
      tpu.vector_store %arg17[%swap3A_251, %swap3A_252], %swap3A_255 {strides = array<i32>} : memref<8x128xf32, #tpu.memory_space<vmem>>, vector<1x16xf32>,
      %get3A_256 = arith.constant 336 : index
      %get3A_257 = tpu.vector_load %arg16[%get3A_256] {strides = array<i32>} : memref<1024xf32, #tpu.memory_space<vmem>>, vector<16xf32>,
      %get3A_258 = vector.shape_cast %get3A_257 : vector<16xf32> to vector<16xf32>
      %swap3A_259 = arith.constant 2 : i32
      %swap3A_260 = arith.index_cast %swap3A_259 : i32 to index
      %swap3A_261 = arith.constant 80 : index
      %swap3A_262 = tpu.vector_load %arg17[%swap3A_260, %swap3A_261] {strides = array<i32>} : memref<8x128xf32, #tpu.memory_space<vmem>>, vector<1x16xf32>,
      %swap3A_263 = vector.shape_cast %swap3A_262 : vector<1x16xf32> to vector<16xf32>
      %swap3A_264 = vector.shape_cast %get3A_258 : vector<16xf32> to vector<1x16xf32>
      tpu.vector_store %arg17[%swap3A_260, %swap3A_261], %swap3A_264 {strides = array<i32>} : memref<8x128xf32, #tpu.memory_space<vmem>>, vector<1x16xf32>,
      %get3A_265 = arith.constant 352 : index
      %get3A_266 = tpu.vector_load %arg16[%get3A_265] {strides = array<i32>} : memref<1024xf32, #tpu.memory_space<vmem>>, vector<16xf32>,
      %get3A_267 = vector.shape_cast %get3A_266 : vector<16xf32> to vector<16xf32>
      %swap3A_268 = arith.constant 2 : i32
      %swap3A_269 = arith.index_cast %swap3A_268 : i32 to index
      %swap3A_270 = arith.constant 96 : index
      %swap3A_271 = tpu.vector_load %arg17[%swap3A_269, %swap3A_270] {strides = array<i32>} : memref<8x128xf32, #tpu.memory_space<vmem>>, vector<1x16xf32>,
      %swap3A_272 = vector.shape_cast %swap3A_271 : vector<1x16xf32> to vector<16xf32>
      %swap3A_273 = vector.shape_cast %get3A_267 : vector<16xf32> to vector<1x16xf32>
      tpu.vector_store %arg17[%swap3A_269, %swap3A_270], %swap3A_273 {strides = array<i32>} : memref<8x128xf32, #tpu.memory_space<vmem>>, vector<1x16xf32>,
      %get3A_274 = arith.constant 368 : index
      %get3A_275 = tpu.vector_load %arg16[%get3A_274] {strides = array<i32>} : memref<1024xf32, #tpu.memory_space<vmem>>, vector<16xf32>,
      %get3A_276 = vector.shape_cast %get3A_275 : vector<16xf32> to vector<16xf32>
      %swap3A_277 = arith.constant 2 : i32
      %swap3A_278 = arith.index_cast %swap3A_277 : i32 to index
      %swap3A_279 = arith.constant 112 : index
      %swap3A_280 = tpu.vector_load %arg17[%swap3A_278, %swap3A_279] {strides = array<i32>} : memref<8x128xf32, #tpu.memory_space<vmem>>, vector<1x16xf32>,
      %swap3A_281 = vector.shape_cast %swap3A_280 : vector<1x16xf32> to vector<16xf32>
      %swap3A_282 = vector.shape_cast %get3A_276 : vector<16xf32> to vector<1x16xf32>
      tpu.vector_store %arg17[%swap3A_278, %swap3A_279], %swap3A_282 {strides = array<i32>} : memref<8x128xf32, #tpu.memory_space<vmem>>, vector<1x16xf32>,
      %get3A_283 = arith.constant 384 : index
      %get3A_284 = tpu.vector_load %arg16[%get3A_283] {strides = array<i32>} : memref<1024xf32, #tpu.memory_space<vmem>>, vector<16xf32>,
      %get3A_285 = vector.shape_cast %get3A_284 : vector<16xf32> to vector<16xf32>
      %swap3A_286 = arith.constant 3 : i32
      %swap3A_287 = arith.index_cast %swap3A_286 : i32 to index
      %swap3A_288 = arith.constant 0 : index
      %swap3A_289 = tpu.vector_load %arg17[%swap3A_287, %swap3A_288] {strides = array<i32>} : memref<8x128xf32, #tpu.memory_space<vmem>>, vector<1x16xf32>,
      %swap3A_290 = vector.shape_cast %swap3A_289 : vector<1x16xf32> to vector<16xf32>
      %swap3A_291 = vector.shape_cast %get3A_285 : vector<16xf32> to vector<1x16xf32>
      tpu.vector_store %arg17[%swap3A_287, %swap3A_288], %swap3A_291 {strides = array<i32>} : memref<8x128xf32, #tpu.memory_space<vmem>>, vector<1x16xf32>,
      %get3A_292 = arith.constant 400 : index
      %get3A_293 = tpu.vector_load %arg16[%get3A_292] {strides = array<i32>} : memref<1024xf32, #tpu.memory_space<vmem>>, vector<16xf32>,
      %get3A_294 = vector.shape_cast %get3A_293 : vector<16xf32> to vector<16xf32>
      %swap3A_295 = arith.constant 3 : i32
      %swap3A_296 = arith.index_cast %swap3A_295 : i32 to index
      %swap3A_297 = arith.constant 16 : index
      %swap3A_298 = tpu.vector_load %arg17[%swap3A_296, %swap3A_297] {strides = array<i32>} : memref<8x128xf32, #tpu.memory_space<vmem>>, vector<1x16xf32>,
      %swap3A_299 = vector.shape_cast %swap3A_298 : vector<1x16xf32> to vector<16xf32>
      %swap3A_300 = vector.shape_cast %get3A_294 : vector<16xf32> to vector<1x16xf32>
      tpu.vector_store %arg17[%swap3A_296, %swap3A_297], %swap3A_300 {strides = array<i32>} : memref<8x128xf32, #tpu.memory_space<vmem>>, vector<1x16xf32>,
      %get3A_301 = arith.constant 416 : index
      %get3A_302 = tpu.vector_load %arg16[%get3A_301] {strides = array<i32>} : memref<1024xf32, #tpu.memory_space<vmem>>, vector<16xf32>,
      %get3A_303 = vector.shape_cast %get3A_302 : vector<16xf32> to vector<16xf32>
      %swap3A_304 = arith.constant 3 : i32
      %swap3A_305 = arith.index_cast %swap3A_304 : i32 to index
      %swap3A_306 = arith.constant 32 : index
      %swap3A_307 = tpu.vector_load %arg17[%swap3A_305, %swap3A_306] {strides = array<i32>} : memref<8x128xf32, #tpu.memory_space<vmem>>, vector<1x16xf32>,
      %swap3A_308 = vector.shape_cast %swap3A_307 : vector<1x16xf32> to vector<16xf32>
      %swap3A_309 = vector.shape_cast %get3A_303 : vector<16xf32> to vector<1x16xf32>
      tpu.vector_store %arg17[%swap3A_305, %swap3A_306], %swap3A_309 {strides = array<i32>} : memref<8x128xf32, #tpu.memory_space<vmem>>, vector<1x16xf32>,
      %get3A_310 = arith.constant 432 : index
      %get3A_311 = tpu.vector_load %arg16[%get3A_310] {strides = array<i32>} : memref<1024xf32, #tpu.memory_space<vmem>>, vector<16xf32>,
      %get3A_312 = vector.shape_cast %get3A_311 : vector<16xf32> to vector<16xf32>
      %swap3A_313 = arith.constant 3 : i32
      %swap3A_314 = arith.index_cast %swap3A_313 : i32 to index
      %swap3A_315 = arith.constant 48 : index
      %swap3A_316 = tpu.vector_load %arg17[%swap3A_314, %swap3A_315] {strides = array<i32>} : memref<8x128xf32, #tpu.memory_space<vmem>>, vector<1x16xf32>,
      %swap3A_317 = vector.shape_cast %swap3A_316 : vector<1x16xf32> to vector<16xf32>
      %swap3A_318 = vector.shape_cast %get3A_312 : vector<16xf32> to vector<1x16xf32>
      tpu.vector_store %arg17[%swap3A_314, %swap3A_315], %swap3A_318 {strides = array<i32>} : memref<8x128xf32, #tpu.memory_space<vmem>>, vector<1x16xf32>,
      %get3A_319 = arith.constant 448 : index
      %get3A_320 = tpu.vector_load %arg16[%get3A_319] {strides = array<i32>} : memref<1024xf32, #tpu.memory_space<vmem>>, vector<16xf32>,
      %get3A_321 = vector.shape_cast %get3A_320 : vector<16xf32> to vector<16xf32>
      %swap3A_322 = arith.constant 3 : i32
      %swap3A_323 = arith.index_cast %swap3A_322 : i32 to index
      %swap3A_324 = arith.constant 64 : index
      %swap3A_325 = tpu.vector_load %arg17[%swap3A_323, %swap3A_324] {strides = array<i32>} : memref<8x128xf32, #tpu.memory_space<vmem>>, vector<1x16xf32>,
      %swap3A_326 = vector.shape_cast %swap3A_325 : vector<1x16xf32> to vector<16xf32>
      %swap3A_327 = vector.shape_cast %get3A_321 : vector<16xf32> to vector<1x16xf32>
      tpu.vector_store %arg17[%swap3A_323, %swap3A_324], %swap3A_327 {strides = array<i32>} : memref<8x128xf32, #tpu.memory_space<vmem>>, vector<1x16xf32>,
      %get3A_328 = arith.constant 464 : index
      %get3A_329 = tpu.vector_load %arg16[%get3A_328] {strides = array<i32>} : memref<1024xf32, #tpu.memory_space<vmem>>, vector<16xf32>,
      %get3A_330 = vector.shape_cast %get3A_329 : vector<16xf32> to vector<16xf32>
      %swap3A_331 = arith.constant 3 : i32
      %swap3A_332 = arith.index_cast %swap3A_331 : i32 to index
      %swap3A_333 = arith.constant 80 : index
      %swap3A_334 = tpu.vector_load %arg17[%swap3A_332, %swap3A_333] {strides = array<i32>} : memref<8x128xf32, #tpu.memory_space<vmem>>, vector<1x16xf32>,
      %swap3A_335 = vector.shape_cast %swap3A_334 : vector<1x16xf32> to vector<16xf32>
      %swap3A_336 = vector.shape_cast %get3A_330 : vector<16xf32> to vector<1x16xf32>
      tpu.vector_store %arg17[%swap3A_332, %swap3A_333], %swap3A_336 {strides = array<i32>} : memref<8x128xf32, #tpu.memory_space<vmem>>, vector<1x16xf32>,
      %get3A_337 = arith.constant 480 : index
      %get3A_338 = tpu.vector_load %arg16[%get3A_337] {strides = array<i32>} : memref<1024xf32, #tpu.memory_space<vmem>>, vector<16xf32>,
      %get3A_339 = vector.shape_cast %get3A_338 : vector<16xf32> to vector<16xf32>
      %swap3A_340 = arith.constant 3 : i32
      %swap3A_341 = arith.index_cast %swap3A_340 : i32 to index
      %swap3A_342 = arith.constant 96 : index
      %swap3A_343 = tpu.vector_load %arg17[%swap3A_341, %swap3A_342] {strides = array<i32>} : memref<8x128xf32, #tpu.memory_space<vmem>>, vector<1x16xf32>,
      %swap3A_344 = vector.shape_cast %swap3A_343 : vector<1x16xf32> to vector<16xf32>
      %swap3A_345 = vector.shape_cast %get3A_339 : vector<16xf32> to vector<1x16xf32>
      tpu.vector_store %arg17[%swap3A_341, %swap3A_342], %swap3A_345 {strides = array<i32>} : memref<8x128xf32, #tpu.memory_space<vmem>>, vector<1x16xf32>,
      %get3A_346 = arith.constant 496 : index
      %get3A_347 = tpu.vector_load %arg16[%get3A_346] {strides = array<i32>} : memref<1024xf32, #tpu.memory_space<vmem>>, vector<16xf32>,
      %get3A_348 = vector.shape_cast %get3A_347 : vector<16xf32> to vector<16xf32>
      %swap3A_349 = arith.constant 3 : i32
      %swap3A_350 = arith.index_cast %swap3A_349 : i32 to index
      %swap3A_351 = arith.constant 112 : index
      %swap3A_352 = tpu.vector_load %arg17[%swap3A_350, %swap3A_351] {strides = array<i32>} : memref<8x128xf32, #tpu.memory_space<vmem>>, vector<1x16xf32>,
      %swap3A_353 = vector.shape_cast %swap3A_352 : vector<1x16xf32> to vector<16xf32>
      %swap3A_354 = vector.shape_cast %get3A_348 : vector<16xf32> to vector<1x16xf32>
      tpu.vector_store %arg17[%swap3A_350, %swap3A_351], %swap3A_354 {strides = array<i32>} : memref<8x128xf32, #tpu.memory_space<vmem>>, vector<1x16xf32>,
      %get3A_355 = arith.constant 512 : index
      %get3A_356 = tpu.vector_load %arg16[%get3A_355] {strides = array<i32>} : memref<1024xf32, #tpu.memory_space<vmem>>, vector<16xf32>,
      %get3A_357 = vector.shape_cast %get3A_356 : vector<16xf32> to vector<16xf32>
      %swap3A_358 = arith.constant 4 : i32
      %swap3A_359 = arith.index_cast %swap3A_358 : i32 to index
      %swap3A_360 = arith.constant 0 : index
      %swap3A_361 = tpu.vector_load %arg17[%swap3A_359, %swap3A_360] {strides = array<i32>} : memref<8x128xf32, #tpu.memory_space<vmem>>, vector<1x16xf32>,
      %swap3A_362 = vector.shape_cast %swap3A_361 : vector<1x16xf32> to vector<16xf32>
      %swap3A_363 = vector.shape_cast %get3A_357 : vector<16xf32> to vector<1x16xf32>
      tpu.vector_store %arg17[%swap3A_359, %swap3A_360], %swap3A_363 {strides = array<i32>} : memref<8x128xf32, #tpu.memory_space<vmem>>, vector<1x16xf32>,
      %get3A_364 = arith.constant 528 : index
      %get3A_365 = tpu.vector_load %arg16[%get3A_364] {strides = array<i32>} : memref<1024xf32, #tpu.memory_space<vmem>>, vector<16xf32>,
      %get3A_366 = vector.shape_cast %get3A_365 : vector<16xf32> to vector<16xf32>
      %swap3A_367 = arith.constant 4 : i32
      %swap3A_368 = arith.index_cast %swap3A_367 : i32 to index
      %swap3A_369 = arith.constant 16 : index
      %swap3A_370 = tpu.vector_load %arg17[%swap3A_368, %swap3A_369] {strides = array<i32>} : memref<8x128xf32, #tpu.memory_space<vmem>>, vector<1x16xf32>,
      %swap3A_371 = vector.shape_cast %swap3A_370 : vector<1x16xf32> to vector<16xf32>
      %swap3A_372 = vector.shape_cast %get3A_366 : vector<16xf32> to vector<1x16xf32>
      tpu.vector_store %arg17[%swap3A_368, %swap3A_369], %swap3A_372 {strides = array<i32>} : memref<8x128xf32, #tpu.memory_space<vmem>>, vector<1x16xf32>,
      %get3A_373 = arith.constant 544 : index
      %get3A_374 = tpu.vector_load %arg16[%get3A_373] {strides = array<i32>} : memref<1024xf32, #tpu.memory_space<vmem>>, vector<16xf32>,
      %get3A_375 = vector.shape_cast %get3A_374 : vector<16xf32> to vector<16xf32>
      %swap3A_376 = arith.constant 4 : i32
      %swap3A_377 = arith.index_cast %swap3A_376 : i32 to index
      %swap3A_378 = arith.constant 32 : index
      %swap3A_379 = tpu.vector_load %arg17[%swap3A_377, %swap3A_378] {strides = array<i32>} : memref<8x128xf32, #tpu.memory_space<vmem>>, vector<1x16xf32>,
      %swap3A_380 = vector.shape_cast %swap3A_379 : vector<1x16xf32> to vector<16xf32>
      %swap3A_381 = vector.shape_cast %get3A_375 : vector<16xf32> to vector<1x16xf32>
      tpu.vector_store %arg17[%swap3A_377, %swap3A_378], %swap3A_381 {strides = array<i32>} : memref<8x128xf32, #tpu.memory_space<vmem>>, vector<1x16xf32>,
      %get3A_382 = arith.constant 560 : index
      %get3A_383 = tpu.vector_load %arg16[%get3A_382] {strides = array<i32>} : memref<1024xf32, #tpu.memory_space<vmem>>, vector<16xf32>,
      %get3A_384 = vector.shape_cast %get3A_383 : vector<16xf32> to vector<16xf32>
      %swap3A_385 = arith.constant 4 : i32
      %swap3A_386 = arith.index_cast %swap3A_385 : i32 to index
      %swap3A_387 = arith.constant 48 : index
      %swap3A_388 = tpu.vector_load %arg17[%swap3A_386, %swap3A_387] {strides = array<i32>} : memref<8x128xf32, #tpu.memory_space<vmem>>, vector<1x16xf32>,
      %swap3A_389 = vector.shape_cast %swap3A_388 : vector<1x16xf32> to vector<16xf32>
      %swap3A_390 = vector.shape_cast %get3A_384 : vector<16xf32> to vector<1x16xf32>
      tpu.vector_store %arg17[%swap3A_386, %swap3A_387], %swap3A_390 {strides = array<i32>} : memref<8x128xf32, #tpu.memory_space<vmem>>, vector<1x16xf32>,
      %get3A_391 = arith.constant 576 : index
      %get3A_392 = tpu.vector_load %arg16[%get3A_391] {strides = array<i32>} : memref<1024xf32, #tpu.memory_space<vmem>>, vector<16xf32>,
      %get3A_393 = vector.shape_cast %get3A_392 : vector<16xf32> to vector<16xf32>
      %swap3A_394 = arith.constant 4 : i32
      %swap3A_395 = arith.index_cast %swap3A_394 : i32 to index
      %swap3A_396 = arith.constant 64 : index
      %swap3A_397 = tpu.vector_load %arg17[%swap3A_395, %swap3A_396] {strides = array<i32>} : memref<8x128xf32, #tpu.memory_space<vmem>>, vector<1x16xf32>,
      %swap3A_398 = vector.shape_cast %swap3A_397 : vector<1x16xf32> to vector<16xf32>
      %swap3A_399 = vector.shape_cast %get3A_393 : vector<16xf32> to vector<1x16xf32>
      tpu.vector_store %arg17[%swap3A_395, %swap3A_396], %swap3A_399 {strides = array<i32>} : memref<8x128xf32, #tpu.memory_space<vmem>>, vector<1x16xf32>,
      %get3A_400 = arith.constant 592 : index
      %get3A_401 = tpu.vector_load %arg16[%get3A_400] {strides = array<i32>} : memref<1024xf32, #tpu.memory_space<vmem>>, vector<16xf32>,
      %get3A_402 = vector.shape_cast %get3A_401 : vector<16xf32> to vector<16xf32>
      %swap3A_403 = arith.constant 4 : i32
      %swap3A_404 = arith.index_cast %swap3A_403 : i32 to index
      %swap3A_405 = arith.constant 80 : index
      %swap3A_406 = tpu.vector_load %arg17[%swap3A_404, %swap3A_405] {strides = array<i32>} : memref<8x128xf32, #tpu.memory_space<vmem>>, vector<1x16xf32>,
      %swap3A_407 = vector.shape_cast %swap3A_406 : vector<1x16xf32> to vector<16xf32>
      %swap3A_408 = vector.shape_cast %get3A_402 : vector<16xf32> to vector<1x16xf32>
      tpu.vector_store %arg17[%swap3A_404, %swap3A_405], %swap3A_408 {strides = array<i32>} : memref<8x128xf32, #tpu.memory_space<vmem>>, vector<1x16xf32>,
      %get3A_409 = arith.constant 608 : index
      %get3A_410 = tpu.vector_load %arg16[%get3A_409] {strides = array<i32>} : memref<1024xf32, #tpu.memory_space<vmem>>, vector<16xf32>,
      %get3A_411 = vector.shape_cast %get3A_410 : vector<16xf32> to vector<16xf32>
      %swap3A_412 = arith.constant 4 : i32
      %swap3A_413 = arith.index_cast %swap3A_412 : i32 to index
      %swap3A_414 = arith.constant 96 : index
      %swap3A_415 = tpu.vector_load %arg17[%swap3A_413, %swap3A_414] {strides = array<i32>} : memref<8x128xf32, #tpu.memory_space<vmem>>, vector<1x16xf32>,
      %swap3A_416 = vector.shape_cast %swap3A_415 : vector<1x16xf32> to vector<16xf32>
      %swap3A_417 = vector.shape_cast %get3A_411 : vector<16xf32> to vector<1x16xf32>
      tpu.vector_store %arg17[%swap3A_413, %swap3A_414], %swap3A_417 {strides = array<i32>} : memref<8x128xf32, #tpu.memory_space<vmem>>, vector<1x16xf32>,
      %get3A_418 = arith.constant 624 : index
      %get3A_419 = tpu.vector_load %arg16[%get3A_418] {strides = array<i32>} : memref<1024xf32, #tpu.memory_space<vmem>>, vector<16xf32>,
      %get3A_420 = vector.shape_cast %get3A_419 : vector<16xf32> to vector<16xf32>
      %swap3A_421 = arith.constant 4 : i32
      %swap3A_422 = arith.index_cast %swap3A_421 : i32 to index
      %swap3A_423 = arith.constant 112 : index
      %swap3A_424 = tpu.vector_load %arg17[%swap3A_422, %swap3A_423] {strides = array<i32>} : memref<8x128xf32, #tpu.memory_space<vmem>>, vector<1x16xf32>,
      %swap3A_425 = vector.shape_cast %swap3A_424 : vector<1x16xf32> to vector<16xf32>
      %swap3A_426 = vector.shape_cast %get3A_420 : vector<16xf32> to vector<1x16xf32>
      tpu.vector_store %arg17[%swap3A_422, %swap3A_423], %swap3A_426 {strides = array<i32>} : memref<8x128xf32, #tpu.memory_space<vmem>>, vector<1x16xf32>,
      %get3A_427 = arith.constant 640 : index
      %get3A_428 = tpu.vector_load %arg16[%get3A_427] {strides = array<i32>} : memref<1024xf32, #tpu.memory_space<vmem>>, vector<16xf32>,
      %get3A_429 = vector.shape_cast %get3A_428 : vector<16xf32> to vector<16xf32>
      %swap3A_430 = arith.constant 5 : i32
      %swap3A_431 = arith.index_cast %swap3A_430 : i32 to index
      %swap3A_432 = arith.constant 0 : index
      %swap3A_433 = tpu.vector_load %arg17[%swap3A_431, %swap3A_432] {strides = array<i32>} : memref<8x128xf32, #tpu.memory_space<vmem>>, vector<1x16xf32>,
      %swap3A_434 = vector.shape_cast %swap3A_433 : vector<1x16xf32> to vector<16xf32>
      %swap3A_435 = vector.shape_cast %get3A_429 : vector<16xf32> to vector<1x16xf32>
      tpu.vector_store %arg17[%swap3A_431, %swap3A_432], %swap3A_435 {strides = array<i32>} : memref<8x128xf32, #tpu.memory_space<vmem>>, vector<1x16xf32>,
      %get3A_436 = arith.constant 656 : index
      %get3A_437 = tpu.vector_load %arg16[%get3A_436] {strides = array<i32>} : memref<1024xf32, #tpu.memory_space<vmem>>, vector<16xf32>,
      %get3A_438 = vector.shape_cast %get3A_437 : vector<16xf32> to vector<16xf32>
      %swap3A_439 = arith.constant 5 : i32
      %swap3A_440 = arith.index_cast %swap3A_439 : i32 to index
      %swap3A_441 = arith.constant 16 : index
      %swap3A_442 = tpu.vector_load %arg17[%swap3A_440, %swap3A_441] {strides = array<i32>} : memref<8x128xf32, #tpu.memory_space<vmem>>, vector<1x16xf32>,
      %swap3A_443 = vector.shape_cast %swap3A_442 : vector<1x16xf32> to vector<16xf32>
      %swap3A_444 = vector.shape_cast %get3A_438 : vector<16xf32> to vector<1x16xf32>
      tpu.vector_store %arg17[%swap3A_440, %swap3A_441], %swap3A_444 {strides = array<i32>} : memref<8x128xf32, #tpu.memory_space<vmem>>, vector<1x16xf32>,
      %get3A_445 = arith.constant 672 : index
      %get3A_446 = tpu.vector_load %arg16[%get3A_445] {strides = array<i32>} : memref<1024xf32, #tpu.memory_space<vmem>>, vector<16xf32>,
      %get3A_447 = vector.shape_cast %get3A_446 : vector<16xf32> to vector<16xf32>
      %swap3A_448 = arith.constant 5 : i32
      %swap3A_449 = arith.index_cast %swap3A_448 : i32 to index
      %swap3A_450 = arith.constant 32 : index
      %swap3A_451 = tpu.vector_load %arg17[%swap3A_449, %swap3A_450] {strides = array<i32>} : memref<8x128xf32, #tpu.memory_space<vmem>>, vector<1x16xf32>,
      %swap3A_452 = vector.shape_cast %swap3A_451 : vector<1x16xf32> to vector<16xf32>
      %swap3A_453 = vector.shape_cast %get3A_447 : vector<16xf32> to vector<1x16xf32>
      tpu.vector_store %arg17[%swap3A_449, %swap3A_450], %swap3A_453 {strides = array<i32>} : memref<8x128xf32, #tpu.memory_space<vmem>>, vector<1x16xf32>,
      %get3A_454 = arith.constant 688 : index
      %get3A_455 = tpu.vector_load %arg16[%get3A_454] {strides = array<i32>} : memref<1024xf32, #tpu.memory_space<vmem>>, vector<16xf32>,
      %get3A_456 = vector.shape_cast %get3A_455 : vector<16xf32> to vector<16xf32>
      %swap3A_457 = arith.constant 5 : i32
      %swap3A_458 = arith.index_cast %swap3A_457 : i32 to index
      %swap3A_459 = arith.constant 48 : index
      %swap3A_460 = tpu.vector_load %arg17[%swap3A_458, %swap3A_459] {strides = array<i32>} : memref<8x128xf32, #tpu.memory_space<vmem>>, vector<1x16xf32>,
      %swap3A_461 = vector.shape_cast %swap3A_460 : vector<1x16xf32> to vector<16xf32>
      %swap3A_462 = vector.shape_cast %get3A_456 : vector<16xf32> to vector<1x16xf32>
      tpu.vector_store %arg17[%swap3A_458, %swap3A_459], %swap3A_462 {strides = array<i32>} : memref<8x128xf32, #tpu.memory_space<vmem>>, vector<1x16xf32>,
      %get3A_463 = arith.constant 704 : index
      %get3A_464 = tpu.vector_load %arg16[%get3A_463] {strides = array<i32>} : memref<1024xf32, #tpu.memory_space<vmem>>, vector<16xf32>,
      %get3A_465 = vector.shape_cast %get3A_464 : vector<16xf32> to vector<16xf32>
      %swap3A_466 = arith.constant 5 : i32
      %swap3A_467 = arith.index_cast %swap3A_466 : i32 to index
      %swap3A_468 = arith.constant 64 : index
      %swap3A_469 = tpu.vector_load %arg17[%swap3A_467, %swap3A_468] {strides = array<i32>} : memref<8x128xf32, #tpu.memory_space<vmem>>, vector<1x16xf32>,
      %swap3A_470 = vector.shape_cast %swap3A_469 : vector<1x16xf32> to vector<16xf32>
      %swap3A_471 = vector.shape_cast %get3A_465 : vector<16xf32> to vector<1x16xf32>
      tpu.vector_store %arg17[%swap3A_467, %swap3A_468], %swap3A_471 {strides = array<i32>} : memref<8x128xf32, #tpu.memory_space<vmem>>, vector<1x16xf32>,
      %get3A_472 = arith.constant 720 : index
      %get3A_473 = tpu.vector_load %arg16[%get3A_472] {strides = array<i32>} : memref<1024xf32, #tpu.memory_space<vmem>>, vector<16xf32>,
      %get3A_474 = vector.shape_cast %get3A_473 : vector<16xf32> to vector<16xf32>
      %swap3A_475 = arith.constant 5 : i32
      %swap3A_476 = arith.index_cast %swap3A_475 : i32 to index
      %swap3A_477 = arith.constant 80 : index
      %swap3A_478 = tpu.vector_load %arg17[%swap3A_476, %swap3A_477] {strides = array<i32>} : memref<8x128xf32, #tpu.memory_space<vmem>>, vector<1x16xf32>,
      %swap3A_479 = vector.shape_cast %swap3A_478 : vector<1x16xf32> to vector<16xf32>
      %swap3A_480 = vector.shape_cast %get3A_474 : vector<16xf32> to vector<1x16xf32>
      tpu.vector_store %arg17[%swap3A_476, %swap3A_477], %swap3A_480 {strides = array<i32>} : memref<8x128xf32, #tpu.memory_space<vmem>>, vector<1x16xf32>,
      %get3A_481 = arith.constant 736 : index
      %get3A_482 = tpu.vector_load %arg16[%get3A_481] {strides = array<i32>} : memref<1024xf32, #tpu.memory_space<vmem>>, vector<16xf32>,
      %get3A_483 = vector.shape_cast %get3A_482 : vector<16xf32> to vector<16xf32>
      %swap3A_484 = arith.constant 5 : i32
      %swap3A_485 = arith.index_cast %swap3A_484 : i32 to index
      %swap3A_486 = arith.constant 96 : index
      %swap3A_487 = tpu.vector_load %arg17[%swap3A_485, %swap3A_486] {strides = array<i32>} : memref<8x128xf32, #tpu.memory_space<vmem>>, vector<1x16xf32>,
      %swap3A_488 = vector.shape_cast %swap3A_487 : vector<1x16xf32> to vector<16xf32>
      %swap3A_489 = vector.shape_cast %get3A_483 : vector<16xf32> to vector<1x16xf32>
      tpu.vector_store %arg17[%swap3A_485, %swap3A_486], %swap3A_489 {strides = array<i32>} : memref<8x128xf32, #tpu.memory_space<vmem>>, vector<1x16xf32>,
      %get3A_490 = arith.constant 752 : index
      %get3A_491 = tpu.vector_load %arg16[%get3A_490] {strides = array<i32>} : memref<1024xf32, #tpu.memory_space<vmem>>, vector<16xf32>,
      %get3A_492 = vector.shape_cast %get3A_491 : vector<16xf32> to vector<16xf32>
      %swap3A_493 = arith.constant 5 : i32
      %swap3A_494 = arith.index_cast %swap3A_493 : i32 to index
      %swap3A_495 = arith.constant 112 : index
      %swap3A_496 = tpu.vector_load %arg17[%swap3A_494, %swap3A_495] {strides = array<i32>} : memref<8x128xf32, #tpu.memory_space<vmem>>, vector<1x16xf32>,
      %swap3A_497 = vector.shape_cast %swap3A_496 : vector<1x16xf32> to vector<16xf32>
      %swap3A_498 = vector.shape_cast %get3A_492 : vector<16xf32> to vector<1x16xf32>
      tpu.vector_store %arg17[%swap3A_494, %swap3A_495], %swap3A_498 {strides = array<i32>} : memref<8x128xf32, #tpu.memory_space<vmem>>, vector<1x16xf32>,
      %get3A_499 = arith.constant 768 : index
      %get3A_500 = tpu.vector_load %arg16[%get3A_499] {strides = array<i32>} : memref<1024xf32, #tpu.memory_space<vmem>>, vector<16xf32>,
      %get3A_501 = vector.shape_cast %get3A_500 : vector<16xf32> to vector<16xf32>
      %swap3A_502 = arith.constant 6 : i32
      %swap3A_503 = arith.index_cast %swap3A_502 : i32 to index
      %swap3A_504 = arith.constant 0 : index
      %swap3A_505 = tpu.vector_load %arg17[%swap3A_503, %swap3A_504] {strides = array<i32>} : memref<8x128xf32, #tpu.memory_space<vmem>>, vector<1x16xf32>,
      %swap3A_506 = vector.shape_cast %swap3A_505 : vector<1x16xf32> to vector<16xf32>
      %swap3A_507 = vector.shape_cast %get3A_501 : vector<16xf32> to vector<1x16xf32>
      tpu.vector_store %arg17[%swap3A_503, %swap3A_504], %swap3A_507 {strides = array<i32>} : memref<8x128xf32, #tpu.memory_space<vmem>>, vector<1x16xf32>,
      %get3A_508 = arith.constant 784 : index
      %get3A_509 = tpu.vector_load %arg16[%get3A_508] {strides = array<i32>} : memref<1024xf32, #tpu.memory_space<vmem>>, vector<16xf32>,
      %get3A_510 = vector.shape_cast %get3A_509 : vector<16xf32> to vector<16xf32>
      %swap3A_511 = arith.constant 6 : i32
      %swap3A_512 = arith.index_cast %swap3A_511 : i32 to index
      %swap3A_513 = arith.constant 16 : index
      %swap3A_514 = tpu.vector_load %arg17[%swap3A_512, %swap3A_513] {strides = array<i32>} : memref<8x128xf32, #tpu.memory_space<vmem>>, vector<1x16xf32>,
      %swap3A_515 = vector.shape_cast %swap3A_514 : vector<1x16xf32> to vector<16xf32>
      %swap3A_516 = vector.shape_cast %get3A_510 : vector<16xf32> to vector<1x16xf32>
      tpu.vector_store %arg17[%swap3A_512, %swap3A_513], %swap3A_516 {strides = array<i32>} : memref<8x128xf32, #tpu.memory_space<vmem>>, vector<1x16xf32>,
      %get3A_517 = arith.constant 800 : index
      %get3A_518 = tpu.vector_load %arg16[%get3A_517] {strides = array<i32>} : memref<1024xf32, #tpu.memory_space<vmem>>, vector<16xf32>,
      %get3A_519 = vector.shape_cast %get3A_518 : vector<16xf32> to vector<16xf32>
      %swap3A_520 = arith.constant 6 : i32
      %swap3A_521 = arith.index_cast %swap3A_520 : i32 to index
      %swap3A_522 = arith.constant 32 : index
      %swap3A_523 = tpu.vector_load %arg17[%swap3A_521, %swap3A_522] {strides = array<i32>} : memref<8x128xf32, #tpu.memory_space<vmem>>, vector<1x16xf32>,
      %swap3A_524 = vector.shape_cast %swap3A_523 : vector<1x16xf32> to vector<16xf32>
      %swap3A_525 = vector.shape_cast %get3A_519 : vector<16xf32> to vector<1x16xf32>
      tpu.vector_store %arg17[%swap3A_521, %swap3A_522], %swap3A_525 {strides = array<i32>} : memref<8x128xf32, #tpu.memory_space<vmem>>, vector<1x16xf32>,
      %get3A_526 = arith.constant 816 : index
      %get3A_527 = tpu.vector_load %arg16[%get3A_526] {strides = array<i32>} : memref<1024xf32, #tpu.memory_space<vmem>>, vector<16xf32>,
      %get3A_528 = vector.shape_cast %get3A_527 : vector<16xf32> to vector<16xf32>
      %swap3A_529 = arith.constant 6 : i32
      %swap3A_530 = arith.index_cast %swap3A_529 : i32 to index
      %swap3A_531 = arith.constant 48 : index
      %swap3A_532 = tpu.vector_load %arg17[%swap3A_530, %swap3A_531] {strides = array<i32>} : memref<8x128xf32, #tpu.memory_space<vmem>>, vector<1x16xf32>,
      %swap3A_533 = vector.shape_cast %swap3A_532 : vector<1x16xf32> to vector<16xf32>
      %swap3A_534 = vector.shape_cast %get3A_528 : vector<16xf32> to vector<1x16xf32>
      tpu.vector_store %arg17[%swap3A_530, %swap3A_531], %swap3A_534 {strides = array<i32>} : memref<8x128xf32, #tpu.memory_space<vmem>>, vector<1x16xf32>,
      %get3A_535 = arith.constant 832 : index
      %get3A_536 = tpu.vector_load %arg16[%get3A_535] {strides = array<i32>} : memref<1024xf32, #tpu.memory_space<vmem>>, vector<16xf32>,
      %get3A_537 = vector.shape_cast %get3A_536 : vector<16xf32> to vector<16xf32>
      %swap3A_538 = arith.constant 6 : i32
      %swap3A_539 = arith.index_cast %swap3A_538 : i32 to index
      %swap3A_540 = arith.constant 64 : index
      %swap3A_541 = tpu.vector_load %arg17[%swap3A_539, %swap3A_540] {strides = array<i32>} : memref<8x128xf32, #tpu.memory_space<vmem>>, vector<1x16xf32>,
      %swap3A_542 = vector.shape_cast %swap3A_541 : vector<1x16xf32> to vector<16xf32>
      %swap3A_543 = vector.shape_cast %get3A_537 : vector<16xf32> to vector<1x16xf32>
      tpu.vector_store %arg17[%swap3A_539, %swap3A_540], %swap3A_543 {strides = array<i32>} : memref<8x128xf32, #tpu.memory_space<vmem>>, vector<1x16xf32>,
      %get3A_544 = arith.constant 848 : index
      %get3A_545 = tpu.vector_load %arg16[%get3A_544] {strides = array<i32>} : memref<1024xf32, #tpu.memory_space<vmem>>, vector<16xf32>,
      %get3A_546 = vector.shape_cast %get3A_545 : vector<16xf32> to vector<16xf32>
      %swap3A_547 = arith.constant 6 : i32
      %swap3A_548 = arith.index_cast %swap3A_547 : i32 to index
      %swap3A_549 = arith.constant 80 : index
      %swap3A_550 = tpu.vector_load %arg17[%swap3A_548, %swap3A_549] {strides = array<i32>} : memref<8x128xf32, #tpu.memory_space<vmem>>, vector<1x16xf32>,
      %swap3A_551 = vector.shape_cast %swap3A_550 : vector<1x16xf32> to vector<16xf32>
      %swap3A_552 = vector.shape_cast %get3A_546 : vector<16xf32> to vector<1x16xf32>
      tpu.vector_store %arg17[%swap3A_548, %swap3A_549], %swap3A_552 {strides = array<i32>} : memref<8x128xf32, #tpu.memory_space<vmem>>, vector<1x16xf32>,
      %get3A_553 = arith.constant 864 : index
      %get3A_554 = tpu.vector_load %arg16[%get3A_553] {strides = array<i32>} : memref<1024xf32, #tpu.memory_space<vmem>>, vector<16xf32>,
      %get3A_555 = vector.shape_cast %get3A_554 : vector<16xf32> to vector<16xf32>
      %swap3A_556 = arith.constant 6 : i32
      %swap3A_557 = arith.index_cast %swap3A_556 : i32 to index
      %swap3A_558 = arith.constant 96 : index
      %swap3A_559 = tpu.vector_load %arg17[%swap3A_557, %swap3A_558] {strides = array<i32>} : memref<8x128xf32, #tpu.memory_space<vmem>>, vector<1x16xf32>,
      %swap3A_560 = vector.shape_cast %swap3A_559 : vector<1x16xf32> to vector<16xf32>
      %swap3A_561 = vector.shape_cast %get3A_555 : vector<16xf32> to vector<1x16xf32>
      tpu.vector_store %arg17[%swap3A_557, %swap3A_558], %swap3A_561 {strides = array<i32>} : memref<8x128xf32, #tpu.memory_space<vmem>>, vector<1x16xf32>,
      %get3A_562 = arith.constant 880 : index
      %get3A_563 = tpu.vector_load %arg16[%get3A_562] {strides = array<i32>} : memref<1024xf32, #tpu.memory_space<vmem>>, vector<16xf32>,
      %get3A_564 = vector.shape_cast %get3A_563 : vector<16xf32> to vector<16xf32>
      %swap3A_565 = arith.constant 6 : i32
      %swap3A_566 = arith.index_cast %swap3A_565 : i32 to index
      %swap3A_567 = arith.constant 112 : index
      %swap3A_568 = tpu.vector_load %arg17[%swap3A_566, %swap3A_567] {strides = array<i32>} : memref<8x128xf32, #tpu.memory_space<vmem>>, vector<1x16xf32>,
      %swap3A_569 = vector.shape_cast %swap3A_568 : vector<1x16xf32> to vector<16xf32>
      %swap3A_570 = vector.shape_cast %get3A_564 : vector<16xf32> to vector<1x16xf32>
      tpu.vector_store %arg17[%swap3A_566, %swap3A_567], %swap3A_570 {strides = array<i32>} : memref<8x128xf32, #tpu.memory_space<vmem>>, vector<1x16xf32>,
      %get3A_571 = arith.constant 896 : index
      %get3A_572 = tpu.vector_load %arg16[%get3A_571] {strides = array<i32>} : memref<1024xf32, #tpu.memory_space<vmem>>, vector<16xf32>,
      %get3A_573 = vector.shape_cast %get3A_572 : vector<16xf32> to vector<16xf32>
      %swap3A_574 = arith.constant 7 : i32
      %swap3A_575 = arith.index_cast %swap3A_574 : i32 to index
      %swap3A_576 = arith.constant 0 : index
      %swap3A_577 = tpu.vector_load %arg17[%swap3A_575, %swap3A_576] {strides = array<i32>} : memref<8x128xf32, #tpu.memory_space<vmem>>, vector<1x16xf32>,
      %swap3A_578 = vector.shape_cast %swap3A_577 : vector<1x16xf32> to vector<16xf32>
      %swap3A_579 = vector.shape_cast %get3A_573 : vector<16xf32> to vector<1x16xf32>
      tpu.vector_store %arg17[%swap3A_575, %swap3A_576], %swap3A_579 {strides = array<i32>} : memref<8x128xf32, #tpu.memory_space<vmem>>, vector<1x16xf32>,
      %get3A_580 = arith.constant 912 : index
      %get3A_581 = tpu.vector_load %arg16[%get3A_580] {strides = array<i32>} : memref<1024xf32, #tpu.memory_space<vmem>>, vector<16xf32>,
      %get3A_582 = vector.shape_cast %get3A_581 : vector<16xf32> to vector<16xf32>
      %swap3A_583 = arith.constant 7 : i32
      %swap3A_584 = arith.index_cast %swap3A_583 : i32 to index
      %swap3A_585 = arith.constant 16 : index
      %swap3A_586 = tpu.vector_load %arg17[%swap3A_584, %swap3A_585] {strides = array<i32>} : memref<8x128xf32, #tpu.memory_space<vmem>>, vector<1x16xf32>,
      %swap3A_587 = vector.shape_cast %swap3A_586 : vector<1x16xf32> to vector<16xf32>
      %swap3A_588 = vector.shape_cast %get3A_582 : vector<16xf32> to vector<1x16xf32>
      tpu.vector_store %arg17[%swap3A_584, %swap3A_585], %swap3A_588 {strides = array<i32>} : memref<8x128xf32, #tpu.memory_space<vmem>>, vector<1x16xf32>,
      %get3A_589 = arith.constant 928 : index
      %get3A_590 = tpu.vector_load %arg16[%get3A_589] {strides = array<i32>} : memref<1024xf32, #tpu.memory_space<vmem>>, vector<16xf32>,
      %get3A_591 = vector.shape_cast %get3A_590 : vector<16xf32> to vector<16xf32>
      %swap3A_592 = arith.constant 7 : i32
      %swap3A_593 = arith.index_cast %swap3A_592 : i32 to index
      %swap3A_594 = arith.constant 32 : index
      %swap3A_595 = tpu.vector_load %arg17[%swap3A_593, %swap3A_594] {strides = array<i32>} : memref<8x128xf32, #tpu.memory_space<vmem>>, vector<1x16xf32>,
      %swap3A_596 = vector.shape_cast %swap3A_595 : vector<1x16xf32> to vector<16xf32>
      %swap3A_597 = vector.shape_cast %get3A_591 : vector<16xf32> to vector<1x16xf32>
      tpu.vector_store %arg17[%swap3A_593, %swap3A_594], %swap3A_597 {strides = array<i32>} : memref<8x128xf32, #tpu.memory_space<vmem>>, vector<1x16xf32>,
      %get3A_598 = arith.constant 944 : index
      %get3A_599 = tpu.vector_load %arg16[%get3A_598] {strides = array<i32>} : memref<1024xf32, #tpu.memory_space<vmem>>, vector<16xf32>,
      %get3A_600 = vector.shape_cast %get3A_599 : vector<16xf32> to vector<16xf32>
      %swap3A_601 = arith.constant 7 : i32
      %swap3A_602 = arith.index_cast %swap3A_601 : i32 to index
      %swap3A_603 = arith.constant 48 : index
      %swap3A_604 = tpu.vector_load %arg17[%swap3A_602, %swap3A_603] {strides = array<i32>} : memref<8x128xf32, #tpu.memory_space<vmem>>, vector<1x16xf32>,
      %swap3A_605 = vector.shape_cast %swap3A_604 : vector<1x16xf32> to vector<16xf32>
      %swap3A_606 = vector.shape_cast %get3A_600 : vector<16xf32> to vector<1x16xf32>
      tpu.vector_store %arg17[%swap3A_602, %swap3A_603], %swap3A_606 {strides = array<i32>} : memref<8x128xf32, #tpu.memory_space<vmem>>, vector<1x16xf32>,
      %get3A_607 = arith.constant 960 : index
      %get3A_608 = tpu.vector_load %arg16[%get3A_607] {strides = array<i32>} : memref<1024xf32, #tpu.memory_space<vmem>>, vector<16xf32>,
      %get3A_609 = vector.shape_cast %get3A_608 : vector<16xf32> to vector<16xf32>
      %swap3A_610 = arith.constant 7 : i32
      %swap3A_611 = arith.index_cast %swap3A_610 : i32 to index
      %swap3A_612 = arith.constant 64 : index
      %swap3A_613 = tpu.vector_load %arg17[%swap3A_611, %swap3A_612] {strides = array<i32>} : memref<8x128xf32, #tpu.memory_space<vmem>>, vector<1x16xf32>,
      %swap3A_614 = vector.shape_cast %swap3A_613 : vector<1x16xf32> to vector<16xf32>
      %swap3A_615 = vector.shape_cast %get3A_609 : vector<16xf32> to vector<1x16xf32>
      tpu.vector_store %arg17[%swap3A_611, %swap3A_612], %swap3A_615 {strides = array<i32>} : memref<8x128xf32, #tpu.memory_space<vmem>>, vector<1x16xf32>,
      %get3A_616 = arith.constant 976 : index
      %get3A_617 = tpu.vector_load %arg16[%get3A_616] {strides = array<i32>} : memref<1024xf32, #tpu.memory_space<vmem>>, vector<16xf32>,
      %get3A_618 = vector.shape_cast %get3A_617 : vector<16xf32> to vector<16xf32>
      %swap3A_619 = arith.constant 7 : i32
      %swap3A_620 = arith.index_cast %swap3A_619 : i32 to index
      %swap3A_621 = arith.constant 80 : index
      %swap3A_622 = tpu.vector_load %arg17[%swap3A_620, %swap3A_621] {strides = array<i32>} : memref<8x128xf32, #tpu.memory_space<vmem>>, vector<1x16xf32>,
      %swap3A_623 = vector.shape_cast %swap3A_622 : vector<1x16xf32> to vector<16xf32>
      %swap3A_624 = vector.shape_cast %get3A_618 : vector<16xf32> to vector<1x16xf32>
      tpu.vector_store %arg17[%swap3A_620, %swap3A_621], %swap3A_624 {strides = array<i32>} : memref<8x128xf32, #tpu.memory_space<vmem>>, vector<1x16xf32>,
      %get3A_625 = arith.constant 992 : index
      %get3A_626 = tpu.vector_load %arg16[%get3A_625] {strides = array<i32>} : memref<1024xf32, #tpu.memory_space<vmem>>, vector<16xf32>,
      %get3A_627 = vector.shape_cast %get3A_626 : vector<16xf32> to vector<16xf32>
      %swap3A_628 = arith.constant 7 : i32
      %swap3A_629 = arith.index_cast %swap3A_628 : i32 to index
      %swap3A_630 = arith.constant 96 : index
      %swap3A_631 = tpu.vector_load %arg17[%swap3A_629, %swap3A_630] {strides = array<i32>} : memref<8x128xf32, #tpu.memory_space<vmem>>, vector<1x16xf32>,
      %swap3A_632 = vector.shape_cast %swap3A_631 : vector<1x16xf32> to vector<16xf32>
      %swap3A_633 = vector.shape_cast %get3A_627 : vector<16xf32> to vector<1x16xf32>
      tpu.vector_store %arg17[%swap3A_629, %swap3A_630], %swap3A_633 {strides = array<i32>} : memref<8x128xf32, #tpu.memory_space<vmem>>, vector<1x16xf32>,
      %get3A_634 = arith.constant 1008 : index
      %get3A_635 = tpu.vector_load %arg16[%get3A_634] {strides = array<i32>} : memref<1024xf32, #tpu.memory_space<vmem>>, vector<16xf32>,
      %get3A_636 = vector.shape_cast %get3A_635 : vector<16xf32> to vector<16xf32>
      %swap3A_637 = arith.constant 7 : i32
      %swap3A_638 = arith.index_cast %swap3A_637 : i32 to index
      %swap3A_639 = arith.constant 112 : index
      %swap3A_640 = tpu.vector_load %arg17[%swap3A_638, %swap3A_639] {strides = array<i32>} : memref<8x128xf32, #tpu.memory_space<vmem>>, vector<1x16xf32>,
      %swap3A_641 = vector.shape_cast %swap3A_640 : vector<1x16xf32> to vector<16xf32>
      %swap3A_642 = vector.shape_cast %get3A_636 : vector<16xf32> to vector<1x16xf32>
      tpu.vector_store %arg17[%swap3A_638, %swap3A_639], %swap3A_642 {strides = array<i32>} : memref<8x128xf32, #tpu.memory_space<vmem>>, vector<1x16xf32>,
      %mul3A_643 = arith.constant 8 : i32
      %mul3A_644 = arith.muli %arg1, %mul3A_643 : i32
      "tpu.region"() ({
        %run_scoped3A = tpu.sem_alloc : memref<!tpu.dma_semaphore, #tpu.memory_space<semaphore_mem>>
        %dma_start3A = arith.constant 0 : i32
        %dma_start3A_645 = arith.constant 0 : i32
        %dma_start3A_646 = tpu.memref_slice %arg9[%arg0, %dma_start3A, %dma_start3A_645] : memref<2x80x128xf32, #tpu.memory_space<hbm>> -> memref<1x80x128xf32, #tpu.memory_space<hbm>>
        %dma_start3A_647 = tpu.memref_squeeze %dma_start3A_646 : memref<1x80x128xf32, #tpu.memory_space<hbm>> -> memref<80x128xf32, #tpu.memory_space<hbm>>
        %dma_start3A_648 = arith.constant 0 : i32
        %dma_start3A_649 = tpu.memref_slice %dma_start3A_647[%mul3A_644, %dma_start3A_648] : memref<80x128xf32, #tpu.memory_space<hbm>> -> memref<8x128xf32, #tpu.memory_space<hbm>>
        %dma_start3A_650 = arith.constant 0 : i32
        %dma_start3A_651 = arith.constant 0 : i32
        %dma_start3A_652 = tpu.memref_slice %arg9[%arg0, %dma_start3A_650, %dma_start3A_651] : memref<2x80x128xf32, #tpu.memory_space<hbm>> -> memref<1x80x128xf32, #tpu.memory_space<hbm>>
        %dma_start3A_653 = tpu.memref_squeeze %dma_start3A_652 : memref<1x80x128xf32, #tpu.memory_space<hbm>> -> memref<80x128xf32, #tpu.memory_space<hbm>>
        %dma_start3A_654 = arith.constant 0 : i32
        %dma_start3A_655 = tpu.memref_slice %dma_start3A_653[%mul3A_644, %dma_start3A_654] : memref<80x128xf32, #tpu.memory_space<hbm>> -> memref<8x128xf32, #tpu.memory_space<hbm>>
        tpu.enqueue_dma source(%arg17 : memref<8x128xf32, #tpu.memory_space<vmem>>) target(%dma_start3A_655 : memref<8x128xf32, #tpu.memory_space<hbm>>) target_semaphore(%run_scoped3A : memref<!tpu.dma_semaphore, #tpu.memory_space<semaphore_mem>>)
        %dma_wait3A = arith.constant 0 : i32
        %dma_wait3A_656 = arith.constant 0 : i32
        %dma_wait3A_657 = tpu.memref_slice %arg9[%arg0, %dma_wait3A, %dma_wait3A_656] : memref<2x80x128xf32, #tpu.memory_space<hbm>> -> memref<1x80x128xf32, #tpu.memory_space<hbm>>
        %dma_wait3A_658 = tpu.memref_squeeze %dma_wait3A_657 : memref<1x80x128xf32, #tpu.memory_space<hbm>> -> memref<80x128xf32, #tpu.memory_space<hbm>>
        %dma_wait3A_659 = arith.constant 0 : i32
        %dma_wait3A_660 = tpu.memref_slice %dma_wait3A_658[%mul3A_644, %dma_wait3A_659] : memref<80x128xf32, #tpu.memory_space<hbm>> -> memref<8x128xf32, #tpu.memory_space<hbm>>
        %dma_wait3A_661 = arith.constant 0 : i32
        %dma_wait3A_662 = arith.constant 0 : i32
        %dma_wait3A_663 = tpu.memref_slice %arg9[%arg0, %dma_wait3A_661, %dma_wait3A_662] : memref<2x80x128xf32, #tpu.memory_space<hbm>> -> memref<1x80x128xf32, #tpu.memory_space<hbm>>
        %dma_wait3A_664 = tpu.memref_squeeze %dma_wait3A_663 : memref<1x80x128xf32, #tpu.memory_space<hbm>> -> memref<80x128xf32, #tpu.memory_space<hbm>>
        %dma_wait3A_665 = arith.constant 0 : i32
        %dma_wait3A_666 = tpu.memref_slice %dma_wait3A_664[%mul3A_644, %dma_wait3A_665] : memref<80x128xf32, #tpu.memory_space<hbm>> -> memref<8x128xf32, #tpu.memory_space<hbm>>
        tpu.wait_dma2 semaphore(%run_scoped3A : memref<!tpu.dma_semaphore, #tpu.memory_space<semaphore_mem>>) src(%arg17 : memref<8x128xf32, #tpu.memory_space<vmem>>) dst(%dma_wait3A_666 : memref<8x128xf32, #tpu.memory_space<hbm>>)
        tpu.yield
      }) : () -> ()
    } else {
    }
    return
  }
}

#map = affine_map<(d0, d1) -> (0, 0)>
#map1 = affine_map<(d0, d1) -> (0)>
#map2 = affine_map<(d0, d1) -> (0, 0, 0)>
module attributes {stable_mosaic.version = 14 : i64} {
  func.func @body(%arg0: i32, %arg1: i32, %arg2: memref<10240x128xf32, #tpu.memory_space<hbm>>, %arg3: memref<2500x128xi32, #tpu.memory_space<hbm>>, %arg4: memref<2500x128xi32, #tpu.memory_space<hbm>>, %arg5: memref<10240x128xf32, #tpu.memory_space<hbm>>, %arg6: memref<10240xf32, #tpu.memory_space<hbm>>, %arg7: memref<2x10240x128xf32, #tpu.memory_space<hbm>>, %arg8: memref<2x128xi32, #tpu.memory_space<vmem>>, %arg9: memref<2x128xi32, #tpu.memory_space<vmem>>, %arg10: memref<256x128xf32, #tpu.memory_space<vmem>>, %arg11: memref<256x128xf32, #tpu.memory_space<vmem>>, %arg12: memref<128xf32, #tpu.memory_space<vmem>>, %arg13: memref<1024xf32, #tpu.memory_space<vmem>>, %arg14: memref<8x128xf32, #tpu.memory_space<vmem>>, %arg15: memref<10240x128xf32, #tpu.memory_space<vmem_shared>>, %arg16: memref<10240xf32, #tpu.memory_space<vmem_shared>>, %arg17: memref<!tpu.dma_semaphore, #tpu.memory_space<semaphore_mem>>, %arg18: memref<!tpu.dma_semaphore, #tpu.memory_space<semaphore_mem>>) attributes {dimension_semantics = [#tpu.dimension_semantics<core_parallel>, #tpu.dimension_semantics<subcore_parallel>], iteration_bounds = array<i64: 2, 16>, scalar_prefetch = 0 : i64, scratch_operands = 11 : i64, tpu.core_type = #tpu.core_type<sc_vector_subcore>, window_params = [{transform_indices = #map}, {transform_indices = #map}, {transform_indices = #map}, {transform_indices = #map}, {transform_indices = #map1}, {transform_indices = #map2}]} {
    %mul3A = arith.constant 16 : i32
    %mul3A_0 = arith.muli %arg0, %mul3A : i32
    %add3A = arith.addi %mul3A_0, %arg1 : i32
    %mul3A_1 = arith.constant 640 : i32
    %mul3A_2 = arith.muli %arg1, %mul3A_1 : i32
    %mul3A_3 = arith.constant 640 : i32
    %mul3A_4 = arith.muli %arg1, %mul3A_3 : i32
    "tpu.region"() ({
      %run_scoped3A = tpu.sem_alloc : memref<!tpu.dma_semaphore, #tpu.memory_space<semaphore_mem>>
      %dma_start3A = arith.constant 0 : i32
      %dma_start3A_14 = tpu.memref_slice %arg15[%mul3A_4, %dma_start3A] : memref<10240x128xf32, #tpu.memory_space<vmem_shared>> -> memref<640x128xf32, #tpu.memory_space<vmem_shared>>
      %dma_start3A_15 = arith.constant 0 : i32
      %dma_start3A_16 = tpu.memref_slice %arg5[%mul3A_2, %dma_start3A_15] : memref<10240x128xf32, #tpu.memory_space<hbm>> -> memref<640x128xf32, #tpu.memory_space<hbm>>
      tpu.enqueue_dma source(%dma_start3A_16 : memref<640x128xf32, #tpu.memory_space<hbm>>) target(%dma_start3A_14 : memref<640x128xf32, #tpu.memory_space<vmem_shared>>) target_semaphore(%run_scoped3A : memref<!tpu.dma_semaphore, #tpu.memory_space<semaphore_mem>>)
      %dma_wait3A = arith.constant 0 : i32
      %dma_wait3A_17 = tpu.memref_slice %arg15[%mul3A_4, %dma_wait3A] : memref<10240x128xf32, #tpu.memory_space<vmem_shared>> -> memref<640x128xf32, #tpu.memory_space<vmem_shared>>
      %dma_wait3A_18 = arith.constant 0 : i32
      %dma_wait3A_19 = tpu.memref_slice %arg5[%mul3A_2, %dma_wait3A_18] : memref<10240x128xf32, #tpu.memory_space<hbm>> -> memref<640x128xf32, #tpu.memory_space<hbm>>
      tpu.wait_dma2 semaphore(%run_scoped3A : memref<!tpu.dma_semaphore, #tpu.memory_space<semaphore_mem>>) src(%dma_wait3A_19 : memref<640x128xf32, #tpu.memory_space<hbm>>) dst(%dma_wait3A_17 : memref<640x128xf32, #tpu.memory_space<vmem_shared>>)
      tpu.yield
    }) : () -> ()
    %barrier3A = arith.constant 0 : index
    tpu.barrier barrier_id(%barrier3A)
    %scan3A = arith.constant 0 : i32
    %scan3A_5 = arith.constant 40 : i32
    %scan3A_6 = arith.addi %scan3A, %scan3A_5 : i32
    %scan3A_7 = arith.constant 1 : i32
    scf.for %scan3A_14 = %scan3A to %scan3A_6 step %scan3A_7  : i32 {
      %mul3A_15 = arith.constant 32 : i32
      %mul3A_16 = arith.muli %scan3A_14, %mul3A_15 : i32
      %add3A_17 = arith.addi %mul3A_16, %add3A : i32
      %lt3A = arith.constant 1250 : i32
      %lt3A_18 = arith.cmpi slt, %add3A_17, %lt3A : i32
      %convert_element_type3A = arith.extui %lt3A_18 : i1 to i32
      %cond3A = arith.constant 0 : i32
      %cond3A_19 = arith.cmpi ne, %convert_element_type3A, %cond3A : i32
      scf.if %cond3A_19 {
        %mul3A_20 = arith.constant 2 : i32
        %mul3A_21 = arith.muli %add3A_17, %mul3A_20 : i32
        "tpu.region"() ({
          %run_scoped3A_61 = tpu.sem_alloc : memref<!tpu.dma_semaphore, #tpu.memory_space<semaphore_mem>>
          %dma_start3A_62 = arith.constant 0 : i32
          %dma_start3A_63 = tpu.memref_slice %arg3[%mul3A_21, %dma_start3A_62] : memref<2500x128xi32, #tpu.memory_space<hbm>> -> memref<2x128xi32, #tpu.memory_space<hbm>>
          %dma_start3A_64 = arith.constant 0 : i32
          %dma_start3A_65 = tpu.memref_slice %arg3[%mul3A_21, %dma_start3A_64] : memref<2500x128xi32, #tpu.memory_space<hbm>> -> memref<2x128xi32, #tpu.memory_space<hbm>>
          tpu.enqueue_dma source(%dma_start3A_65 : memref<2x128xi32, #tpu.memory_space<hbm>>) target(%arg8 : memref<2x128xi32, #tpu.memory_space<vmem>>) target_semaphore(%run_scoped3A_61 : memref<!tpu.dma_semaphore, #tpu.memory_space<semaphore_mem>>)
          %dma_wait3A_66 = arith.constant 0 : i32
          %dma_wait3A_67 = tpu.memref_slice %arg3[%mul3A_21, %dma_wait3A_66] : memref<2500x128xi32, #tpu.memory_space<hbm>> -> memref<2x128xi32, #tpu.memory_space<hbm>>
          %dma_wait3A_68 = arith.constant 0 : i32
          %dma_wait3A_69 = tpu.memref_slice %arg3[%mul3A_21, %dma_wait3A_68] : memref<2500x128xi32, #tpu.memory_space<hbm>> -> memref<2x128xi32, #tpu.memory_space<hbm>>
          tpu.wait_dma2 semaphore(%run_scoped3A_61 : memref<!tpu.dma_semaphore, #tpu.memory_space<semaphore_mem>>) src(%dma_wait3A_69 : memref<2x128xi32, #tpu.memory_space<hbm>>) dst(%arg8 : memref<2x128xi32, #tpu.memory_space<vmem>>)
          tpu.yield
        }) : () -> ()
        "tpu.region"() ({
          %run_scoped3A_61 = tpu.sem_alloc : memref<!tpu.dma_semaphore, #tpu.memory_space<semaphore_mem>>
          %dma_start3A_62 = arith.constant 0 : i32
          %dma_start3A_63 = tpu.memref_slice %arg4[%mul3A_21, %dma_start3A_62] : memref<2500x128xi32, #tpu.memory_space<hbm>> -> memref<2x128xi32, #tpu.memory_space<hbm>>
          %dma_start3A_64 = arith.constant 0 : i32
          %dma_start3A_65 = tpu.memref_slice %arg4[%mul3A_21, %dma_start3A_64] : memref<2500x128xi32, #tpu.memory_space<hbm>> -> memref<2x128xi32, #tpu.memory_space<hbm>>
          tpu.enqueue_dma source(%dma_start3A_65 : memref<2x128xi32, #tpu.memory_space<hbm>>) target(%arg9 : memref<2x128xi32, #tpu.memory_space<vmem>>) target_semaphore(%run_scoped3A_61 : memref<!tpu.dma_semaphore, #tpu.memory_space<semaphore_mem>>)
          %dma_wait3A_66 = arith.constant 0 : i32
          %dma_wait3A_67 = tpu.memref_slice %arg4[%mul3A_21, %dma_wait3A_66] : memref<2500x128xi32, #tpu.memory_space<hbm>> -> memref<2x128xi32, #tpu.memory_space<hbm>>
          %dma_wait3A_68 = arith.constant 0 : i32
          %dma_wait3A_69 = tpu.memref_slice %arg4[%mul3A_21, %dma_wait3A_68] : memref<2500x128xi32, #tpu.memory_space<hbm>> -> memref<2x128xi32, #tpu.memory_space<hbm>>
          tpu.wait_dma2 semaphore(%run_scoped3A_61 : memref<!tpu.dma_semaphore, #tpu.memory_space<semaphore_mem>>) src(%dma_wait3A_69 : memref<2x128xi32, #tpu.memory_space<hbm>>) dst(%arg9 : memref<2x128xi32, #tpu.memory_space<vmem>>)
          tpu.yield
        }) : () -> ()
        %dma_start3A = arith.constant 0 : i32
        %dma_start3A_22 = arith.constant 0 : i32
        %dma_start3A_23 = arith.constant 0 : i32
        %dma_start3A_24 = tpu.memref_slice %arg10[%dma_start3A_22, %dma_start3A_23] : memref<256x128xf32, #tpu.memory_space<vmem>> -> memref<128x128xf32, #tpu.memory_space<vmem>>
        %dma_start3A_25 = arith.constant 0 : i32
        %dma_start3A_26 = tpu.memref_slice %arg8[%dma_start3A, %dma_start3A_25] : memref<2x128xi32, #tpu.memory_space<vmem>> -> memref<1x128xi32, #tpu.memory_space<vmem>>
        %dma_start3A_27 = tpu.memref_squeeze %dma_start3A_26 : memref<1x128xi32, #tpu.memory_space<vmem>> -> memref<128xi32, #tpu.memory_space<vmem>>
        %dma_start3A_28 = arith.constant 0 : i32
        %dma_start3A_29 = arith.constant 0 : i32
        %dma_start3A_30 = tpu.memref_slice %arg2[%dma_start3A_28, %dma_start3A_29] : memref<10240x128xf32, #tpu.memory_space<hbm>> -> memref<10240x128xf32, #tpu.memory_space<hbm>>
        tpu.enqueue_indirect_dma source(%dma_start3A_30 : memref<10240x128xf32, #tpu.memory_space<hbm>>) target(%dma_start3A_24 : memref<128x128xf32, #tpu.memory_space<vmem>>) offsets(%dma_start3A_27 : memref<128xi32, #tpu.memory_space<vmem>>) semaphore(%arg17 : memref<!tpu.dma_semaphore, #tpu.memory_space<semaphore_mem>>)
        %dma_start3A_31 = arith.constant 1 : i32
        %dma_start3A_32 = arith.constant 128 : i32
        %dma_start3A_33 = arith.constant 0 : i32
        %dma_start3A_34 = tpu.memref_slice %arg10[%dma_start3A_32, %dma_start3A_33] : memref<256x128xf32, #tpu.memory_space<vmem>> -> memref<128x128xf32, #tpu.memory_space<vmem>>
        %dma_start3A_35 = arith.constant 0 : i32
        %dma_start3A_36 = tpu.memref_slice %arg8[%dma_start3A_31, %dma_start3A_35] : memref<2x128xi32, #tpu.memory_space<vmem>> -> memref<1x128xi32, #tpu.memory_space<vmem>>
        %dma_start3A_37 = tpu.memref_squeeze %dma_start3A_36 : memref<1x128xi32, #tpu.memory_space<vmem>> -> memref<128xi32, #tpu.memory_space<vmem>>
        %dma_start3A_38 = arith.constant 0 : i32
        %dma_start3A_39 = arith.constant 0 : i32
        %dma_start3A_40 = tpu.memref_slice %arg2[%dma_start3A_38, %dma_start3A_39] : memref<10240x128xf32, #tpu.memory_space<hbm>> -> memref<10240x128xf32, #tpu.memory_space<hbm>>
        tpu.enqueue_indirect_dma source(%dma_start3A_40 : memref<10240x128xf32, #tpu.memory_space<hbm>>) target(%dma_start3A_34 : memref<128x128xf32, #tpu.memory_space<vmem>>) offsets(%dma_start3A_37 : memref<128xi32, #tpu.memory_space<vmem>>) semaphore(%arg17 : memref<!tpu.dma_semaphore, #tpu.memory_space<semaphore_mem>>)
        %dma_wait3A = arith.constant 0 : i32
        %dma_wait3A_41 = arith.constant 0 : i32
        %dma_wait3A_42 = arith.constant 0 : i32
        %dma_wait3A_43 = tpu.memref_slice %arg10[%dma_wait3A_41, %dma_wait3A_42] : memref<256x128xf32, #tpu.memory_space<vmem>> -> memref<128x128xf32, #tpu.memory_space<vmem>>
        %dma_wait3A_44 = arith.constant 0 : i32
        %dma_wait3A_45 = tpu.memref_slice %arg8[%dma_wait3A, %dma_wait3A_44] : memref<2x128xi32, #tpu.memory_space<vmem>> -> memref<1x128xi32, #tpu.memory_space<vmem>>
        %dma_wait3A_46 = tpu.memref_squeeze %dma_wait3A_45 : memref<1x128xi32, #tpu.memory_space<vmem>> -> memref<128xi32, #tpu.memory_space<vmem>>
        %dma_wait3A_47 = arith.constant 0 : i32
        %dma_wait3A_48 = arith.constant 0 : i32
        %dma_wait3A_49 = tpu.memref_slice %arg2[%dma_wait3A_47, %dma_wait3A_48] : memref<10240x128xf32, #tpu.memory_space<hbm>> -> memref<10240x128xf32, #tpu.memory_space<hbm>>
        tpu.wait_indirect_dma semaphore(%arg17 : memref<!tpu.dma_semaphore, #tpu.memory_space<semaphore_mem>>) src(%dma_wait3A_49 : memref<10240x128xf32, #tpu.memory_space<hbm>>) dst(%dma_wait3A_43 : memref<128x128xf32, #tpu.memory_space<vmem>>)
        %dma_wait3A_50 = arith.constant 1 : i32
        %dma_wait3A_51 = arith.constant 128 : i32
        %dma_wait3A_52 = arith.constant 0 : i32
        %dma_wait3A_53 = tpu.memref_slice %arg10[%dma_wait3A_51, %dma_wait3A_52] : memref<256x128xf32, #tpu.memory_space<vmem>> -> memref<128x128xf32, #tpu.memory_space<vmem>>
        %dma_wait3A_54 = arith.constant 0 : i32
        %dma_wait3A_55 = tpu.memref_slice %arg8[%dma_wait3A_50, %dma_wait3A_54] : memref<2x128xi32, #tpu.memory_space<vmem>> -> memref<1x128xi32, #tpu.memory_space<vmem>>
        %dma_wait3A_56 = tpu.memref_squeeze %dma_wait3A_55 : memref<1x128xi32, #tpu.memory_space<vmem>> -> memref<128xi32, #tpu.memory_space<vmem>>
        %dma_wait3A_57 = arith.constant 0 : i32
        %dma_wait3A_58 = arith.constant 0 : i32
        %dma_wait3A_59 = tpu.memref_slice %arg2[%dma_wait3A_57, %dma_wait3A_58] : memref<10240x128xf32, #tpu.memory_space<hbm>> -> memref<10240x128xf32, #tpu.memory_space<hbm>>
        tpu.wait_indirect_dma semaphore(%arg17 : memref<!tpu.dma_semaphore, #tpu.memory_space<semaphore_mem>>) src(%dma_wait3A_59 : memref<10240x128xf32, #tpu.memory_space<hbm>>) dst(%dma_wait3A_53 : memref<128x128xf32, #tpu.memory_space<vmem>>)
        %run_scoped3A = arith.constant 0 : i32
        "tpu.region"() ({
          %run_scoped3A_61 = tpu.sem_alloc : memref<!tpu.dma_semaphore, #tpu.memory_space<semaphore_mem>>
          %dma_start3A_62 = arith.constant 0 : i32
          %dma_start3A_63 = arith.constant 0 : i32
          %dma_start3A_64 = tpu.memref_slice %arg10[%dma_start3A_62, %dma_start3A_63] : memref<256x128xf32, #tpu.memory_space<vmem>> -> memref<128x128xf32, #tpu.memory_space<vmem>>
          %dma_start3A_65 = arith.constant 0 : i32
          %dma_start3A_66 = tpu.memref_slice %arg9[%run_scoped3A, %dma_start3A_65] : memref<2x128xi32, #tpu.memory_space<vmem>> -> memref<1x128xi32, #tpu.memory_space<vmem>>
          %dma_start3A_67 = tpu.memref_squeeze %dma_start3A_66 : memref<1x128xi32, #tpu.memory_space<vmem>> -> memref<128xi32, #tpu.memory_space<vmem>>
          %dma_start3A_68 = arith.constant 0 : i32
          %dma_start3A_69 = arith.constant 0 : i32
          %dma_start3A_70 = tpu.memref_slice %arg15[%dma_start3A_68, %dma_start3A_69] : memref<10240x128xf32, #tpu.memory_space<vmem_shared>> -> memref<10240x128xf32, #tpu.memory_space<vmem_shared>>
          tpu.enqueue_indirect_dma source(%dma_start3A_64 : memref<128x128xf32, #tpu.memory_space<vmem>>) target(%dma_start3A_70 : memref<10240x128xf32, #tpu.memory_space<vmem_shared>>) offsets(%dma_start3A_67 : memref<128xi32, #tpu.memory_space<vmem>>) semaphore(%run_scoped3A_61 : memref<!tpu.dma_semaphore, #tpu.memory_space<semaphore_mem>>) {add = true}
          %dma_wait3A_71 = arith.constant 0 : i32
          %dma_wait3A_72 = arith.constant 0 : i32
          %dma_wait3A_73 = tpu.memref_slice %arg10[%dma_wait3A_71, %dma_wait3A_72] : memref<256x128xf32, #tpu.memory_space<vmem>> -> memref<128x128xf32, #tpu.memory_space<vmem>>
          %dma_wait3A_74 = arith.constant 0 : i32
          %dma_wait3A_75 = tpu.memref_slice %arg9[%run_scoped3A, %dma_wait3A_74] : memref<2x128xi32, #tpu.memory_space<vmem>> -> memref<1x128xi32, #tpu.memory_space<vmem>>
          %dma_wait3A_76 = tpu.memref_squeeze %dma_wait3A_75 : memref<1x128xi32, #tpu.memory_space<vmem>> -> memref<128xi32, #tpu.memory_space<vmem>>
          %dma_wait3A_77 = arith.constant 0 : i32
          %dma_wait3A_78 = arith.constant 0 : i32
          %dma_wait3A_79 = tpu.memref_slice %arg15[%dma_wait3A_77, %dma_wait3A_78] : memref<10240x128xf32, #tpu.memory_space<vmem_shared>> -> memref<10240x128xf32, #tpu.memory_space<vmem_shared>>
          tpu.wait_indirect_dma semaphore(%run_scoped3A_61 : memref<!tpu.dma_semaphore, #tpu.memory_space<semaphore_mem>>) src(%dma_wait3A_73 : memref<128x128xf32, #tpu.memory_space<vmem>>) dst(%dma_wait3A_79 : memref<10240x128xf32, #tpu.memory_space<vmem_shared>>)
          tpu.yield
        }) : () -> ()
        %run_scoped3A_60 = arith.constant 1 : i32
        "tpu.region"() ({
          %run_scoped3A_61 = tpu.sem_alloc : memref<!tpu.dma_semaphore, #tpu.memory_space<semaphore_mem>>
          %dma_start3A_62 = arith.constant 128 : i32
          %dma_start3A_63 = arith.constant 0 : i32
          %dma_start3A_64 = tpu.memref_slice %arg10[%dma_start3A_62, %dma_start3A_63] : memref<256x128xf32, #tpu.memory_space<vmem>> -> memref<128x128xf32, #tpu.memory_space<vmem>>
          %dma_start3A_65 = arith.constant 0 : i32
          %dma_start3A_66 = tpu.memref_slice %arg9[%run_scoped3A_60, %dma_start3A_65] : memref<2x128xi32, #tpu.memory_space<vmem>> -> memref<1x128xi32, #tpu.memory_space<vmem>>
          %dma_start3A_67 = tpu.memref_squeeze %dma_start3A_66 : memref<1x128xi32, #tpu.memory_space<vmem>> -> memref<128xi32, #tpu.memory_space<vmem>>
          %dma_start3A_68 = arith.constant 0 : i32
          %dma_start3A_69 = arith.constant 0 : i32
          %dma_start3A_70 = tpu.memref_slice %arg15[%dma_start3A_68, %dma_start3A_69] : memref<10240x128xf32, #tpu.memory_space<vmem_shared>> -> memref<10240x128xf32, #tpu.memory_space<vmem_shared>>
          tpu.enqueue_indirect_dma source(%dma_start3A_64 : memref<128x128xf32, #tpu.memory_space<vmem>>) target(%dma_start3A_70 : memref<10240x128xf32, #tpu.memory_space<vmem_shared>>) offsets(%dma_start3A_67 : memref<128xi32, #tpu.memory_space<vmem>>) semaphore(%run_scoped3A_61 : memref<!tpu.dma_semaphore, #tpu.memory_space<semaphore_mem>>) {add = true}
          %dma_wait3A_71 = arith.constant 128 : i32
          %dma_wait3A_72 = arith.constant 0 : i32
          %dma_wait3A_73 = tpu.memref_slice %arg10[%dma_wait3A_71, %dma_wait3A_72] : memref<256x128xf32, #tpu.memory_space<vmem>> -> memref<128x128xf32, #tpu.memory_space<vmem>>
          %dma_wait3A_74 = arith.constant 0 : i32
          %dma_wait3A_75 = tpu.memref_slice %arg9[%run_scoped3A_60, %dma_wait3A_74] : memref<2x128xi32, #tpu.memory_space<vmem>> -> memref<1x128xi32, #tpu.memory_space<vmem>>
          %dma_wait3A_76 = tpu.memref_squeeze %dma_wait3A_75 : memref<1x128xi32, #tpu.memory_space<vmem>> -> memref<128xi32, #tpu.memory_space<vmem>>
          %dma_wait3A_77 = arith.constant 0 : i32
          %dma_wait3A_78 = arith.constant 0 : i32
          %dma_wait3A_79 = tpu.memref_slice %arg15[%dma_wait3A_77, %dma_wait3A_78] : memref<10240x128xf32, #tpu.memory_space<vmem_shared>> -> memref<10240x128xf32, #tpu.memory_space<vmem_shared>>
          tpu.wait_indirect_dma semaphore(%run_scoped3A_61 : memref<!tpu.dma_semaphore, #tpu.memory_space<semaphore_mem>>) src(%dma_wait3A_73 : memref<128x128xf32, #tpu.memory_space<vmem>>) dst(%dma_wait3A_79 : memref<10240x128xf32, #tpu.memory_space<vmem_shared>>)
          tpu.yield
        }) : () -> ()
      } else {
      }
    }
    %scan3A_8 = arith.constant 40 : i32
    %barrier3A_9 = arith.constant 0 : index
    tpu.barrier barrier_id(%barrier3A_9)
    %mul3A_10 = arith.constant 640 : i32
    %mul3A_11 = arith.muli %arg1, %mul3A_10 : i32
    %mul3A_12 = arith.constant 640 : i32
    %mul3A_13 = arith.muli %arg1, %mul3A_12 : i32
    "tpu.region"() ({
      %run_scoped3A = tpu.sem_alloc : memref<!tpu.dma_semaphore, #tpu.memory_space<semaphore_mem>>
      %dma_start3A = arith.constant 0 : i32
      %dma_start3A_14 = arith.constant 0 : i32
      %dma_start3A_15 = tpu.memref_slice %arg7[%arg0, %dma_start3A, %dma_start3A_14] : memref<2x10240x128xf32, #tpu.memory_space<hbm>> -> memref<1x10240x128xf32, #tpu.memory_space<hbm>>
      %dma_start3A_16 = tpu.memref_squeeze %dma_start3A_15 : memref<1x10240x128xf32, #tpu.memory_space<hbm>> -> memref<10240x128xf32, #tpu.memory_space<hbm>>
      %dma_start3A_17 = arith.constant 0 : i32
      %dma_start3A_18 = tpu.memref_slice %dma_start3A_16[%mul3A_13, %dma_start3A_17] : memref<10240x128xf32, #tpu.memory_space<hbm>> -> memref<640x128xf32, #tpu.memory_space<hbm>>
      %dma_start3A_19 = arith.constant 0 : i32
      %dma_start3A_20 = tpu.memref_slice %arg15[%mul3A_11, %dma_start3A_19] : memref<10240x128xf32, #tpu.memory_space<vmem_shared>> -> memref<640x128xf32, #tpu.memory_space<vmem_shared>>
      tpu.enqueue_dma source(%dma_start3A_20 : memref<640x128xf32, #tpu.memory_space<vmem_shared>>) target(%dma_start3A_18 : memref<640x128xf32, #tpu.memory_space<hbm>>) target_semaphore(%run_scoped3A : memref<!tpu.dma_semaphore, #tpu.memory_space<semaphore_mem>>)
      %dma_wait3A = arith.constant 0 : i32
      %dma_wait3A_21 = arith.constant 0 : i32
      %dma_wait3A_22 = tpu.memref_slice %arg7[%arg0, %dma_wait3A, %dma_wait3A_21] : memref<2x10240x128xf32, #tpu.memory_space<hbm>> -> memref<1x10240x128xf32, #tpu.memory_space<hbm>>
      %dma_wait3A_23 = tpu.memref_squeeze %dma_wait3A_22 : memref<1x10240x128xf32, #tpu.memory_space<hbm>> -> memref<10240x128xf32, #tpu.memory_space<hbm>>
      %dma_wait3A_24 = arith.constant 0 : i32
      %dma_wait3A_25 = tpu.memref_slice %dma_wait3A_23[%mul3A_13, %dma_wait3A_24] : memref<10240x128xf32, #tpu.memory_space<hbm>> -> memref<640x128xf32, #tpu.memory_space<hbm>>
      %dma_wait3A_26 = arith.constant 0 : i32
      %dma_wait3A_27 = tpu.memref_slice %arg15[%mul3A_11, %dma_wait3A_26] : memref<10240x128xf32, #tpu.memory_space<vmem_shared>> -> memref<640x128xf32, #tpu.memory_space<vmem_shared>>
      tpu.wait_dma2 semaphore(%run_scoped3A : memref<!tpu.dma_semaphore, #tpu.memory_space<semaphore_mem>>) src(%dma_wait3A_27 : memref<640x128xf32, #tpu.memory_space<vmem_shared>>) dst(%dma_wait3A_25 : memref<640x128xf32, #tpu.memory_space<hbm>>)
      tpu.yield
    }) : () -> ()
    return
  }
}

#map = affine_map<(d0, d1) -> (0, 0)>
#map1 = affine_map<(d0, d1) -> (0)>
#map2 = affine_map<(d0, d1) -> (0, 0, 0)>
module attributes {stable_mosaic.version = 14 : i64} {
  func.func @body(%arg0: i32, %arg1: i32, %arg2: memref<10240x128xf32, #tpu.memory_space<hbm>>, %arg3: memref<2500x128xi32, #tpu.memory_space<hbm>>, %arg4: memref<2500x128xi32, #tpu.memory_space<hbm>>, %arg5: memref<10240x128xf32, #tpu.memory_space<hbm>>, %arg6: memref<10240xf32, #tpu.memory_space<hbm>>, %arg7: memref<2x10240x128xf32, #tpu.memory_space<hbm>>, %arg8: memref<2x128xi32, #tpu.memory_space<vmem>>, %arg9: memref<2x128xi32, #tpu.memory_space<vmem>>, %arg10: memref<256x128xf32, #tpu.memory_space<vmem>>, %arg11: memref<256x128xf32, #tpu.memory_space<vmem>>, %arg12: memref<128xf32, #tpu.memory_space<vmem>>, %arg13: memref<1024xf32, #tpu.memory_space<vmem>>, %arg14: memref<8x128xf32, #tpu.memory_space<vmem>>, %arg15: memref<10240x128xf32, #tpu.memory_space<vmem_shared>>, %arg16: memref<10240xf32, #tpu.memory_space<vmem_shared>>, %arg17: memref<!tpu.dma_semaphore, #tpu.memory_space<semaphore_mem>>, %arg18: memref<!tpu.dma_semaphore, #tpu.memory_space<semaphore_mem>>) attributes {dimension_semantics = [#tpu.dimension_semantics<core_parallel>, #tpu.dimension_semantics<subcore_parallel>], iteration_bounds = array<i64: 2, 16>, scalar_prefetch = 0 : i64, scratch_operands = 11 : i64, tpu.core_type = #tpu.core_type<sc_vector_subcore>, window_params = [{transform_indices = #map}, {transform_indices = #map}, {transform_indices = #map}, {transform_indices = #map}, {transform_indices = #map1}, {transform_indices = #map2}]} {
    %mul3A = arith.constant 16 : i32
    %mul3A_0 = arith.muli %arg0, %mul3A : i32
    %add3A = arith.addi %mul3A_0, %arg1 : i32
    %mul3A_1 = arith.constant 640 : i32
    %mul3A_2 = arith.muli %arg1, %mul3A_1 : i32
    %mul3A_3 = arith.constant 640 : i32
    %mul3A_4 = arith.muli %arg1, %mul3A_3 : i32
    "tpu.region"() ({
      %run_scoped3A = tpu.sem_alloc : memref<!tpu.dma_semaphore, #tpu.memory_space<semaphore_mem>>
      %dma_start3A = arith.constant 0 : i32
      %dma_start3A_14 = tpu.memref_slice %arg15[%mul3A_4, %dma_start3A] : memref<10240x128xf32, #tpu.memory_space<vmem_shared>> -> memref<640x128xf32, #tpu.memory_space<vmem_shared>>
      %dma_start3A_15 = arith.constant 0 : i32
      %dma_start3A_16 = tpu.memref_slice %arg5[%mul3A_2, %dma_start3A_15] : memref<10240x128xf32, #tpu.memory_space<hbm>> -> memref<640x128xf32, #tpu.memory_space<hbm>>
      tpu.enqueue_dma source(%dma_start3A_16 : memref<640x128xf32, #tpu.memory_space<hbm>>) target(%dma_start3A_14 : memref<640x128xf32, #tpu.memory_space<vmem_shared>>) target_semaphore(%run_scoped3A : memref<!tpu.dma_semaphore, #tpu.memory_space<semaphore_mem>>)
      %dma_wait3A = arith.constant 0 : i32
      %dma_wait3A_17 = tpu.memref_slice %arg15[%mul3A_4, %dma_wait3A] : memref<10240x128xf32, #tpu.memory_space<vmem_shared>> -> memref<640x128xf32, #tpu.memory_space<vmem_shared>>
      %dma_wait3A_18 = arith.constant 0 : i32
      %dma_wait3A_19 = tpu.memref_slice %arg5[%mul3A_2, %dma_wait3A_18] : memref<10240x128xf32, #tpu.memory_space<hbm>> -> memref<640x128xf32, #tpu.memory_space<hbm>>
      tpu.wait_dma2 semaphore(%run_scoped3A : memref<!tpu.dma_semaphore, #tpu.memory_space<semaphore_mem>>) src(%dma_wait3A_19 : memref<640x128xf32, #tpu.memory_space<hbm>>) dst(%dma_wait3A_17 : memref<640x128xf32, #tpu.memory_space<vmem_shared>>)
      tpu.yield
    }) : () -> ()
    %barrier3A = arith.constant 0 : index
    tpu.barrier barrier_id(%barrier3A)
    %scan3A = arith.constant 0 : i32
    %scan3A_5 = arith.constant 40 : i32
    %scan3A_6 = arith.addi %scan3A, %scan3A_5 : i32
    %scan3A_7 = arith.constant 1 : i32
    scf.for %scan3A_14 = %scan3A to %scan3A_6 step %scan3A_7  : i32 {
      %mul3A_15 = arith.constant 32 : i32
      %mul3A_16 = arith.muli %scan3A_14, %mul3A_15 : i32
      %add3A_17 = arith.addi %mul3A_16, %add3A : i32
      %lt3A = arith.constant 1250 : i32
      %lt3A_18 = arith.cmpi slt, %add3A_17, %lt3A : i32
      %convert_element_type3A = arith.extui %lt3A_18 : i1 to i32
      %cond3A = arith.constant 0 : i32
      %cond3A_19 = arith.cmpi ne, %convert_element_type3A, %cond3A : i32
      scf.if %cond3A_19 {
        %mul3A_20 = arith.constant 2 : i32
        %mul3A_21 = arith.muli %add3A_17, %mul3A_20 : i32
        "tpu.region"() ({
          %run_scoped3A_61 = tpu.sem_alloc : memref<!tpu.dma_semaphore, #tpu.memory_space<semaphore_mem>>
          %dma_start3A_62 = arith.constant 0 : i32
          %dma_start3A_63 = tpu.memref_slice %arg3[%mul3A_21, %dma_start3A_62] : memref<2500x128xi32, #tpu.memory_space<hbm>> -> memref<2x128xi32, #tpu.memory_space<hbm>>
          %dma_start3A_64 = arith.constant 0 : i32
          %dma_start3A_65 = tpu.memref_slice %arg3[%mul3A_21, %dma_start3A_64] : memref<2500x128xi32, #tpu.memory_space<hbm>> -> memref<2x128xi32, #tpu.memory_space<hbm>>
          tpu.enqueue_dma source(%dma_start3A_65 : memref<2x128xi32, #tpu.memory_space<hbm>>) target(%arg8 : memref<2x128xi32, #tpu.memory_space<vmem>>) target_semaphore(%run_scoped3A_61 : memref<!tpu.dma_semaphore, #tpu.memory_space<semaphore_mem>>)
          %dma_wait3A_66 = arith.constant 0 : i32
          %dma_wait3A_67 = tpu.memref_slice %arg3[%mul3A_21, %dma_wait3A_66] : memref<2500x128xi32, #tpu.memory_space<hbm>> -> memref<2x128xi32, #tpu.memory_space<hbm>>
          %dma_wait3A_68 = arith.constant 0 : i32
          %dma_wait3A_69 = tpu.memref_slice %arg3[%mul3A_21, %dma_wait3A_68] : memref<2500x128xi32, #tpu.memory_space<hbm>> -> memref<2x128xi32, #tpu.memory_space<hbm>>
          tpu.wait_dma2 semaphore(%run_scoped3A_61 : memref<!tpu.dma_semaphore, #tpu.memory_space<semaphore_mem>>) src(%dma_wait3A_69 : memref<2x128xi32, #tpu.memory_space<hbm>>) dst(%arg8 : memref<2x128xi32, #tpu.memory_space<vmem>>)
          tpu.yield
        }) : () -> ()
        "tpu.region"() ({
          %run_scoped3A_61 = tpu.sem_alloc : memref<!tpu.dma_semaphore, #tpu.memory_space<semaphore_mem>>
          %dma_start3A_62 = arith.constant 0 : i32
          %dma_start3A_63 = tpu.memref_slice %arg4[%mul3A_21, %dma_start3A_62] : memref<2500x128xi32, #tpu.memory_space<hbm>> -> memref<2x128xi32, #tpu.memory_space<hbm>>
          %dma_start3A_64 = arith.constant 0 : i32
          %dma_start3A_65 = tpu.memref_slice %arg4[%mul3A_21, %dma_start3A_64] : memref<2500x128xi32, #tpu.memory_space<hbm>> -> memref<2x128xi32, #tpu.memory_space<hbm>>
          tpu.enqueue_dma source(%dma_start3A_65 : memref<2x128xi32, #tpu.memory_space<hbm>>) target(%arg9 : memref<2x128xi32, #tpu.memory_space<vmem>>) target_semaphore(%run_scoped3A_61 : memref<!tpu.dma_semaphore, #tpu.memory_space<semaphore_mem>>)
          %dma_wait3A_66 = arith.constant 0 : i32
          %dma_wait3A_67 = tpu.memref_slice %arg4[%mul3A_21, %dma_wait3A_66] : memref<2500x128xi32, #tpu.memory_space<hbm>> -> memref<2x128xi32, #tpu.memory_space<hbm>>
          %dma_wait3A_68 = arith.constant 0 : i32
          %dma_wait3A_69 = tpu.memref_slice %arg4[%mul3A_21, %dma_wait3A_68] : memref<2500x128xi32, #tpu.memory_space<hbm>> -> memref<2x128xi32, #tpu.memory_space<hbm>>
          tpu.wait_dma2 semaphore(%run_scoped3A_61 : memref<!tpu.dma_semaphore, #tpu.memory_space<semaphore_mem>>) src(%dma_wait3A_69 : memref<2x128xi32, #tpu.memory_space<hbm>>) dst(%arg9 : memref<2x128xi32, #tpu.memory_space<vmem>>)
          tpu.yield
        }) : () -> ()
        %dma_start3A = arith.constant 0 : i32
        %dma_start3A_22 = arith.constant 0 : i32
        %dma_start3A_23 = arith.constant 0 : i32
        %dma_start3A_24 = tpu.memref_slice %arg10[%dma_start3A_22, %dma_start3A_23] : memref<256x128xf32, #tpu.memory_space<vmem>> -> memref<128x128xf32, #tpu.memory_space<vmem>>
        %dma_start3A_25 = arith.constant 0 : i32
        %dma_start3A_26 = tpu.memref_slice %arg8[%dma_start3A, %dma_start3A_25] : memref<2x128xi32, #tpu.memory_space<vmem>> -> memref<1x128xi32, #tpu.memory_space<vmem>>
        %dma_start3A_27 = tpu.memref_squeeze %dma_start3A_26 : memref<1x128xi32, #tpu.memory_space<vmem>> -> memref<128xi32, #tpu.memory_space<vmem>>
        %dma_start3A_28 = arith.constant 0 : i32
        %dma_start3A_29 = arith.constant 0 : i32
        %dma_start3A_30 = tpu.memref_slice %arg2[%dma_start3A_28, %dma_start3A_29] : memref<10240x128xf32, #tpu.memory_space<hbm>> -> memref<10240x128xf32, #tpu.memory_space<hbm>>
        tpu.enqueue_indirect_dma source(%dma_start3A_30 : memref<10240x128xf32, #tpu.memory_space<hbm>>) target(%dma_start3A_24 : memref<128x128xf32, #tpu.memory_space<vmem>>) offsets(%dma_start3A_27 : memref<128xi32, #tpu.memory_space<vmem>>) semaphore(%arg17 : memref<!tpu.dma_semaphore, #tpu.memory_space<semaphore_mem>>)
        %dma_start3A_31 = arith.constant 1 : i32
        %dma_start3A_32 = arith.constant 128 : i32
        %dma_start3A_33 = arith.constant 0 : i32
        %dma_start3A_34 = tpu.memref_slice %arg10[%dma_start3A_32, %dma_start3A_33] : memref<256x128xf32, #tpu.memory_space<vmem>> -> memref<128x128xf32, #tpu.memory_space<vmem>>
        %dma_start3A_35 = arith.constant 0 : i32
        %dma_start3A_36 = tpu.memref_slice %arg8[%dma_start3A_31, %dma_start3A_35] : memref<2x128xi32, #tpu.memory_space<vmem>> -> memref<1x128xi32, #tpu.memory_space<vmem>>
        %dma_start3A_37 = tpu.memref_squeeze %dma_start3A_36 : memref<1x128xi32, #tpu.memory_space<vmem>> -> memref<128xi32, #tpu.memory_space<vmem>>
        %dma_start3A_38 = arith.constant 0 : i32
        %dma_start3A_39 = arith.constant 0 : i32
        %dma_start3A_40 = tpu.memref_slice %arg2[%dma_start3A_38, %dma_start3A_39] : memref<10240x128xf32, #tpu.memory_space<hbm>> -> memref<10240x128xf32, #tpu.memory_space<hbm>>
        tpu.enqueue_indirect_dma source(%dma_start3A_40 : memref<10240x128xf32, #tpu.memory_space<hbm>>) target(%dma_start3A_34 : memref<128x128xf32, #tpu.memory_space<vmem>>) offsets(%dma_start3A_37 : memref<128xi32, #tpu.memory_space<vmem>>) semaphore(%arg17 : memref<!tpu.dma_semaphore, #tpu.memory_space<semaphore_mem>>)
        %dma_wait3A = arith.constant 0 : i32
        %dma_wait3A_41 = arith.constant 0 : i32
        %dma_wait3A_42 = arith.constant 0 : i32
        %dma_wait3A_43 = tpu.memref_slice %arg10[%dma_wait3A_41, %dma_wait3A_42] : memref<256x128xf32, #tpu.memory_space<vmem>> -> memref<128x128xf32, #tpu.memory_space<vmem>>
        %dma_wait3A_44 = arith.constant 0 : i32
        %dma_wait3A_45 = tpu.memref_slice %arg8[%dma_wait3A, %dma_wait3A_44] : memref<2x128xi32, #tpu.memory_space<vmem>> -> memref<1x128xi32, #tpu.memory_space<vmem>>
        %dma_wait3A_46 = tpu.memref_squeeze %dma_wait3A_45 : memref<1x128xi32, #tpu.memory_space<vmem>> -> memref<128xi32, #tpu.memory_space<vmem>>
        %dma_wait3A_47 = arith.constant 0 : i32
        %dma_wait3A_48 = arith.constant 0 : i32
        %dma_wait3A_49 = tpu.memref_slice %arg2[%dma_wait3A_47, %dma_wait3A_48] : memref<10240x128xf32, #tpu.memory_space<hbm>> -> memref<10240x128xf32, #tpu.memory_space<hbm>>
        tpu.wait_indirect_dma semaphore(%arg17 : memref<!tpu.dma_semaphore, #tpu.memory_space<semaphore_mem>>) src(%dma_wait3A_49 : memref<10240x128xf32, #tpu.memory_space<hbm>>) dst(%dma_wait3A_43 : memref<128x128xf32, #tpu.memory_space<vmem>>)
        %dma_wait3A_50 = arith.constant 1 : i32
        %dma_wait3A_51 = arith.constant 128 : i32
        %dma_wait3A_52 = arith.constant 0 : i32
        %dma_wait3A_53 = tpu.memref_slice %arg10[%dma_wait3A_51, %dma_wait3A_52] : memref<256x128xf32, #tpu.memory_space<vmem>> -> memref<128x128xf32, #tpu.memory_space<vmem>>
        %dma_wait3A_54 = arith.constant 0 : i32
        %dma_wait3A_55 = tpu.memref_slice %arg8[%dma_wait3A_50, %dma_wait3A_54] : memref<2x128xi32, #tpu.memory_space<vmem>> -> memref<1x128xi32, #tpu.memory_space<vmem>>
        %dma_wait3A_56 = tpu.memref_squeeze %dma_wait3A_55 : memref<1x128xi32, #tpu.memory_space<vmem>> -> memref<128xi32, #tpu.memory_space<vmem>>
        %dma_wait3A_57 = arith.constant 0 : i32
        %dma_wait3A_58 = arith.constant 0 : i32
        %dma_wait3A_59 = tpu.memref_slice %arg2[%dma_wait3A_57, %dma_wait3A_58] : memref<10240x128xf32, #tpu.memory_space<hbm>> -> memref<10240x128xf32, #tpu.memory_space<hbm>>
        tpu.wait_indirect_dma semaphore(%arg17 : memref<!tpu.dma_semaphore, #tpu.memory_space<semaphore_mem>>) src(%dma_wait3A_59 : memref<10240x128xf32, #tpu.memory_space<hbm>>) dst(%dma_wait3A_53 : memref<128x128xf32, #tpu.memory_space<vmem>>)
        %run_scoped3A = arith.constant 0 : i32
        "tpu.region"() ({
          %run_scoped3A_61 = tpu.sem_alloc : memref<!tpu.dma_semaphore, #tpu.memory_space<semaphore_mem>>
          %dma_start3A_62 = arith.constant 0 : i32
          %dma_start3A_63 = arith.constant 0 : i32
          %dma_start3A_64 = tpu.memref_slice %arg10[%dma_start3A_62, %dma_start3A_63] : memref<256x128xf32, #tpu.memory_space<vmem>> -> memref<128x128xf32, #tpu.memory_space<vmem>>
          %dma_start3A_65 = arith.constant 0 : i32
          %dma_start3A_66 = tpu.memref_slice %arg9[%run_scoped3A, %dma_start3A_65] : memref<2x128xi32, #tpu.memory_space<vmem>> -> memref<1x128xi32, #tpu.memory_space<vmem>>
          %dma_start3A_67 = tpu.memref_squeeze %dma_start3A_66 : memref<1x128xi32, #tpu.memory_space<vmem>> -> memref<128xi32, #tpu.memory_space<vmem>>
          %dma_start3A_68 = arith.constant 0 : i32
          %dma_start3A_69 = arith.constant 0 : i32
          %dma_start3A_70 = tpu.memref_slice %arg15[%dma_start3A_68, %dma_start3A_69] : memref<10240x128xf32, #tpu.memory_space<vmem_shared>> -> memref<10240x128xf32, #tpu.memory_space<vmem_shared>>
          tpu.enqueue_indirect_dma source(%dma_start3A_64 : memref<128x128xf32, #tpu.memory_space<vmem>>) target(%dma_start3A_70 : memref<10240x128xf32, #tpu.memory_space<vmem_shared>>) offsets(%dma_start3A_67 : memref<128xi32, #tpu.memory_space<vmem>>) semaphore(%run_scoped3A_61 : memref<!tpu.dma_semaphore, #tpu.memory_space<semaphore_mem>>) {add = true}
          %dma_wait3A_71 = arith.constant 0 : i32
          %dma_wait3A_72 = arith.constant 0 : i32
          %dma_wait3A_73 = tpu.memref_slice %arg10[%dma_wait3A_71, %dma_wait3A_72] : memref<256x128xf32, #tpu.memory_space<vmem>> -> memref<128x128xf32, #tpu.memory_space<vmem>>
          %dma_wait3A_74 = arith.constant 0 : i32
          %dma_wait3A_75 = tpu.memref_slice %arg9[%run_scoped3A, %dma_wait3A_74] : memref<2x128xi32, #tpu.memory_space<vmem>> -> memref<1x128xi32, #tpu.memory_space<vmem>>
          %dma_wait3A_76 = tpu.memref_squeeze %dma_wait3A_75 : memref<1x128xi32, #tpu.memory_space<vmem>> -> memref<128xi32, #tpu.memory_space<vmem>>
          %dma_wait3A_77 = arith.constant 0 : i32
          %dma_wait3A_78 = arith.constant 0 : i32
          %dma_wait3A_79 = tpu.memref_slice %arg15[%dma_wait3A_77, %dma_wait3A_78] : memref<10240x128xf32, #tpu.memory_space<vmem_shared>> -> memref<10240x128xf32, #tpu.memory_space<vmem_shared>>
          tpu.wait_indirect_dma semaphore(%run_scoped3A_61 : memref<!tpu.dma_semaphore, #tpu.memory_space<semaphore_mem>>) src(%dma_wait3A_73 : memref<128x128xf32, #tpu.memory_space<vmem>>) dst(%dma_wait3A_79 : memref<10240x128xf32, #tpu.memory_space<vmem_shared>>)
          tpu.yield
        }) : () -> ()
        %run_scoped3A_60 = arith.constant 1 : i32
        "tpu.region"() ({
          %run_scoped3A_61 = tpu.sem_alloc : memref<!tpu.dma_semaphore, #tpu.memory_space<semaphore_mem>>
          %dma_start3A_62 = arith.constant 128 : i32
          %dma_start3A_63 = arith.constant 0 : i32
          %dma_start3A_64 = tpu.memref_slice %arg10[%dma_start3A_62, %dma_start3A_63] : memref<256x128xf32, #tpu.memory_space<vmem>> -> memref<128x128xf32, #tpu.memory_space<vmem>>
          %dma_start3A_65 = arith.constant 0 : i32
          %dma_start3A_66 = tpu.memref_slice %arg9[%run_scoped3A_60, %dma_start3A_65] : memref<2x128xi32, #tpu.memory_space<vmem>> -> memref<1x128xi32, #tpu.memory_space<vmem>>
          %dma_start3A_67 = tpu.memref_squeeze %dma_start3A_66 : memref<1x128xi32, #tpu.memory_space<vmem>> -> memref<128xi32, #tpu.memory_space<vmem>>
          %dma_start3A_68 = arith.constant 0 : i32
          %dma_start3A_69 = arith.constant 0 : i32
          %dma_start3A_70 = tpu.memref_slice %arg15[%dma_start3A_68, %dma_start3A_69] : memref<10240x128xf32, #tpu.memory_space<vmem_shared>> -> memref<10240x128xf32, #tpu.memory_space<vmem_shared>>
          tpu.enqueue_indirect_dma source(%dma_start3A_64 : memref<128x128xf32, #tpu.memory_space<vmem>>) target(%dma_start3A_70 : memref<10240x128xf32, #tpu.memory_space<vmem_shared>>) offsets(%dma_start3A_67 : memref<128xi32, #tpu.memory_space<vmem>>) semaphore(%run_scoped3A_61 : memref<!tpu.dma_semaphore, #tpu.memory_space<semaphore_mem>>) {add = true}
          %dma_wait3A_71 = arith.constant 128 : i32
          %dma_wait3A_72 = arith.constant 0 : i32
          %dma_wait3A_73 = tpu.memref_slice %arg10[%dma_wait3A_71, %dma_wait3A_72] : memref<256x128xf32, #tpu.memory_space<vmem>> -> memref<128x128xf32, #tpu.memory_space<vmem>>
          %dma_wait3A_74 = arith.constant 0 : i32
          %dma_wait3A_75 = tpu.memref_slice %arg9[%run_scoped3A_60, %dma_wait3A_74] : memref<2x128xi32, #tpu.memory_space<vmem>> -> memref<1x128xi32, #tpu.memory_space<vmem>>
          %dma_wait3A_76 = tpu.memref_squeeze %dma_wait3A_75 : memref<1x128xi32, #tpu.memory_space<vmem>> -> memref<128xi32, #tpu.memory_space<vmem>>
          %dma_wait3A_77 = arith.constant 0 : i32
          %dma_wait3A_78 = arith.constant 0 : i32
          %dma_wait3A_79 = tpu.memref_slice %arg15[%dma_wait3A_77, %dma_wait3A_78] : memref<10240x128xf32, #tpu.memory_space<vmem_shared>> -> memref<10240x128xf32, #tpu.memory_space<vmem_shared>>
          tpu.wait_indirect_dma semaphore(%run_scoped3A_61 : memref<!tpu.dma_semaphore, #tpu.memory_space<semaphore_mem>>) src(%dma_wait3A_73 : memref<128x128xf32, #tpu.memory_space<vmem>>) dst(%dma_wait3A_79 : memref<10240x128xf32, #tpu.memory_space<vmem_shared>>)
          tpu.yield
        }) : () -> ()
      } else {
      }
    }
    %scan3A_8 = arith.constant 40 : i32
    %barrier3A_9 = arith.constant 0 : index
    tpu.barrier barrier_id(%barrier3A_9)
    %mul3A_10 = arith.constant 640 : i32
    %mul3A_11 = arith.muli %arg1, %mul3A_10 : i32
    %mul3A_12 = arith.constant 640 : i32
    %mul3A_13 = arith.muli %arg1, %mul3A_12 : i32
    "tpu.region"() ({
      %run_scoped3A = tpu.sem_alloc : memref<!tpu.dma_semaphore, #tpu.memory_space<semaphore_mem>>
      %dma_start3A = arith.constant 0 : i32
      %dma_start3A_14 = arith.constant 0 : i32
      %dma_start3A_15 = tpu.memref_slice %arg7[%arg0, %dma_start3A, %dma_start3A_14] : memref<2x10240x128xf32, #tpu.memory_space<hbm>> -> memref<1x10240x128xf32, #tpu.memory_space<hbm>>
      %dma_start3A_16 = tpu.memref_squeeze %dma_start3A_15 : memref<1x10240x128xf32, #tpu.memory_space<hbm>> -> memref<10240x128xf32, #tpu.memory_space<hbm>>
      %dma_start3A_17 = arith.constant 0 : i32
      %dma_start3A_18 = tpu.memref_slice %dma_start3A_16[%mul3A_13, %dma_start3A_17] : memref<10240x128xf32, #tpu.memory_space<hbm>> -> memref<640x128xf32, #tpu.memory_space<hbm>>
      %dma_start3A_19 = arith.constant 0 : i32
      %dma_start3A_20 = tpu.memref_slice %arg15[%mul3A_11, %dma_start3A_19] : memref<10240x128xf32, #tpu.memory_space<vmem_shared>> -> memref<640x128xf32, #tpu.memory_space<vmem_shared>>
      tpu.enqueue_dma source(%dma_start3A_20 : memref<640x128xf32, #tpu.memory_space<vmem_shared>>) target(%dma_start3A_18 : memref<640x128xf32, #tpu.memory_space<hbm>>) target_semaphore(%run_scoped3A : memref<!tpu.dma_semaphore, #tpu.memory_space<semaphore_mem>>)
      %dma_wait3A = arith.constant 0 : i32
      %dma_wait3A_21 = arith.constant 0 : i32
      %dma_wait3A_22 = tpu.memref_slice %arg7[%arg0, %dma_wait3A, %dma_wait3A_21] : memref<2x10240x128xf32, #tpu.memory_space<hbm>> -> memref<1x10240x128xf32, #tpu.memory_space<hbm>>
      %dma_wait3A_23 = tpu.memref_squeeze %dma_wait3A_22 : memref<1x10240x128xf32, #tpu.memory_space<hbm>> -> memref<10240x128xf32, #tpu.memory_space<hbm>>
      %dma_wait3A_24 = arith.constant 0 : i32
      %dma_wait3A_25 = tpu.memref_slice %dma_wait3A_23[%mul3A_13, %dma_wait3A_24] : memref<10240x128xf32, #tpu.memory_space<hbm>> -> memref<640x128xf32, #tpu.memory_space<hbm>>
      %dma_wait3A_26 = arith.constant 0 : i32
      %dma_wait3A_27 = tpu.memref_slice %arg15[%mul3A_11, %dma_wait3A_26] : memref<10240x128xf32, #tpu.memory_space<vmem_shared>> -> memref<640x128xf32, #tpu.memory_space<vmem_shared>>
      tpu.wait_dma2 semaphore(%run_scoped3A : memref<!tpu.dma_semaphore, #tpu.memory_space<semaphore_mem>>) src(%dma_wait3A_27 : memref<640x128xf32, #tpu.memory_space<vmem_shared>>) dst(%dma_wait3A_25 : memref<640x128xf32, #tpu.memory_space<hbm>>)
      tpu.yield
    }) : () -> ()
    return
  }
}

module attributes {stable_mosaic.version = 14 : i64} {
  func.func @_tc_a_body(%arg0: i32, %arg1: memref<512x128xf32, #tpu.memory_space<vmem>>, %arg2: memref<512x128xf32, #tpu.memory_space<vmem>>, %arg3: memref<128x128xf32, #tpu.memory_space<vmem>>, %arg4: memref<1x128xf32, #tpu.memory_space<vmem>>, %arg5: memref<128x128xf32, #tpu.memory_space<vmem>>, %arg6: memref<128x128xf32, #tpu.memory_space<vmem>>, %arg7: memref<512x128xf32, #tpu.memory_space<vmem>>, %arg8: memref<512x128xf32, #tpu.memory_space<vmem>>, %arg9: memref<512x128xf32, #tpu.memory_space<vmem>>) attributes {dimension_semantics = [#tpu.dimension_semantics<arbitrary>], iteration_bounds = array<i64: 20>, scalar_prefetch = 0 : i64, scratch_operands = 0 : i64, tpu.core_type = #tpu.core_type<tc>, window_params = [{transform_indices = @transform_0, window_bounds = array<i64: 512, 128>}, {transform_indices = @transform_1, window_bounds = array<i64: 512, 128>}, {pipeline_mode = #tpu.pipeline_mode<synchronous>, transform_indices = @transform_2, window_bounds = array<i64: 128, 128>}, {pipeline_mode = #tpu.pipeline_mode<synchronous>, transform_indices = @transform_3, window_bounds = array<i64: 1, 128>}, {pipeline_mode = #tpu.pipeline_mode<synchronous>, transform_indices = @transform_4, window_bounds = array<i64: 128, 128>}, {pipeline_mode = #tpu.pipeline_mode<synchronous>, transform_indices = @transform_5, window_bounds = array<i64: 128, 128>}, {transform_indices = @transform_6, window_bounds = array<i64: 512, 128>}, {transform_indices = @transform_7, window_bounds = array<i64: 512, 128>}, {transform_indices = @transform_8, window_bounds = array<i64: 512, 128>}]} {
    %get3A = arith.constant 0 : index
    %get3A_0 = arith.constant 0 : index
    %get3A_1 = vector.load %arg1[%get3A, %get3A_0] : memref<512x128xf32, #tpu.memory_space<vmem>>, vector<512x128xf32>
    %get3A_2 = arith.constant 0 : index
    %get3A_3 = arith.constant 0 : index
    %get3A_4 = vector.load %arg2[%get3A_2, %get3A_3] : memref<512x128xf32, #tpu.memory_space<vmem>>, vector<512x128xf32>
    %get3A_5 = arith.constant 0 : index
    %get3A_6 = arith.constant 0 : index
    %get3A_7 = vector.load %arg3[%get3A_5, %get3A_6] : memref<128x128xf32, #tpu.memory_space<vmem>>, vector<128x128xf32>
    %dot_general3A = arith.constant dense<0.000000e+00> : vector<512x128xf32>
    %dot_general3A_8 = tpu.matmul %get3A_1, %get3A_7, %dot_general3A {dimension_numbers = #tpu.dot_dimension_numbers<[1], [0], [0], [1], [0, 0, 1, 1], [], []>, transpose_lhs_hint = false} : vector<512x128xf32>, vector<128x128xf32>, vector<512x128xf32> -> vector<512x128xf32>
    %get3A_9 = arith.constant 0 : index
    %get3A_10 = arith.constant 0 : index
    %get3A_11 = vector.load %arg4[%get3A_9, %get3A_10] : memref<1x128xf32, #tpu.memory_space<vmem>>, vector<1x128xf32>
    %add3A = vector.broadcast %get3A_11 : vector<1x128xf32> to vector<512x128xf32>
    %add3A_12 = arith.addf %dot_general3A_8, %add3A : vector<512x128xf32>
    %max3A = arith.constant 0.000000e+00 : f32
    %max3A_13 = vector.broadcast %max3A : f32 to vector<512x128xf32>
    %max3A_14 = arith.maximumf %add3A_12, %max3A_13 : vector<512x128xf32>
    %swap3A = arith.constant 0 : index
    %swap3A_15 = arith.constant 0 : index
    %swap3A_16 = vector.load %arg7[%swap3A, %swap3A_15] : memref<512x128xf32, #tpu.memory_space<vmem>>, vector<512x128xf32>
    tpu.vector_store %arg7[%swap3A, %swap3A_15], %max3A_14 {strides = array<i32>} : memref<512x128xf32, #tpu.memory_space<vmem>>, vector<512x128xf32>,
    %get3A_17 = arith.constant 0 : index
    %get3A_18 = arith.constant 0 : index
    %get3A_19 = vector.load %arg5[%get3A_17, %get3A_18] : memref<128x128xf32, #tpu.memory_space<vmem>>, vector<128x128xf32>
    %dot_general3A_20 = arith.constant dense<0.000000e+00> : vector<512x128xf32>
    %dot_general3A_21 = tpu.matmul %get3A_4, %get3A_19, %dot_general3A_20 {dimension_numbers = #tpu.dot_dimension_numbers<[1], [0], [0], [1], [0, 0, 1, 1], [], []>, transpose_lhs_hint = false} : vector<512x128xf32>, vector<128x128xf32>, vector<512x128xf32> -> vector<512x128xf32>
    %swap3A_22 = arith.constant 0 : index
    %swap3A_23 = arith.constant 0 : index
    %swap3A_24 = vector.load %arg8[%swap3A_22, %swap3A_23] : memref<512x128xf32, #tpu.memory_space<vmem>>, vector<512x128xf32>
    tpu.vector_store %arg8[%swap3A_22, %swap3A_23], %dot_general3A_21 {strides = array<i32>} : memref<512x128xf32, #tpu.memory_space<vmem>>, vector<512x128xf32>,
    %get3A_25 = arith.constant 0 : index
    %get3A_26 = arith.constant 0 : index
    %get3A_27 = vector.load %arg6[%get3A_25, %get3A_26] : memref<128x128xf32, #tpu.memory_space<vmem>>, vector<128x128xf32>
    %dot_general3A_28 = arith.constant dense<0.000000e+00> : vector<512x128xf32>
    %dot_general3A_29 = tpu.matmul %get3A_4, %get3A_27, %dot_general3A_28 {dimension_numbers = #tpu.dot_dimension_numbers<[1], [0], [0], [1], [0, 0, 1, 1], [], []>, transpose_lhs_hint = false} : vector<512x128xf32>, vector<128x128xf32>, vector<512x128xf32> -> vector<512x128xf32>
    %swap3A_30 = arith.constant 0 : index
    %swap3A_31 = arith.constant 0 : index
    %swap3A_32 = vector.load %arg9[%swap3A_30, %swap3A_31] : memref<512x128xf32, #tpu.memory_space<vmem>>, vector<512x128xf32>
    tpu.vector_store %arg9[%swap3A_30, %swap3A_31], %dot_general3A_29 {strides = array<i32>} : memref<512x128xf32, #tpu.memory_space<vmem>>, vector<512x128xf32>,
    return
  }
  func.func @transform_0(%arg0: i32) -> (i32, i32) {
    %c0_i32 = arith.constant 0 : i32
    %c0_i32_0 = arith.constant 0 : i32
    return %arg0, %c0_i32 : i32, i32
  }
  func.func @transform_1(%arg0: i32) -> (i32, i32) {
    %c0_i32 = arith.constant 0 : i32
    %c0_i32_0 = arith.constant 0 : i32
    return %arg0, %c0_i32 : i32, i32
  }
  func.func @transform_2(%arg0: i32) -> (i32, i32) {
    %c0_i32 = arith.constant 0 : i32
    %c0_i32_0 = arith.constant 0 : i32
    %c0_i32_1 = arith.constant 0 : i32
    return %c0_i32, %c0_i32_0 : i32, i32
  }
  func.func @transform_3(%arg0: i32) -> (i32, i32) {
    %c0_i32 = arith.constant 0 : i32
    %c0_i32_0 = arith.constant 0 : i32
    %c0_i32_1 = arith.constant 0 : i32
    return %c0_i32, %c0_i32_0 : i32, i32
  }
  func.func @transform_4(%arg0: i32) -> (i32, i32) {
    %c0_i32 = arith.constant 0 : i32
    %c0_i32_0 = arith.constant 0 : i32
    %c0_i32_1 = arith.constant 0 : i32
    return %c0_i32, %c0_i32_0 : i32, i32
  }
  func.func @transform_5(%arg0: i32) -> (i32, i32) {
    %c0_i32 = arith.constant 0 : i32
    %c0_i32_0 = arith.constant 0 : i32
    %c0_i32_1 = arith.constant 0 : i32
    return %c0_i32, %c0_i32_0 : i32, i32
  }
  func.func @transform_6(%arg0: i32) -> (i32, i32) {
    %c0_i32 = arith.constant 0 : i32
    %c0_i32_0 = arith.constant 0 : i32
    return %arg0, %c0_i32 : i32, i32
  }
  func.func @transform_7(%arg0: i32) -> (i32, i32) {
    %c0_i32 = arith.constant 0 : i32
    %c0_i32_0 = arith.constant 0 : i32
    return %arg0, %c0_i32 : i32, i32
  }
  func.func @transform_8(%arg0: i32) -> (i32, i32) {
    %c0_i32 = arith.constant 0 : i32
    %c0_i32_0 = arith.constant 0 : i32
    return %arg0, %c0_i32 : i32, i32
  }
}

module attributes {stable_mosaic.version = 14 : i64} {
  func.func @_tc_be_body(%arg0: i32, %arg1: memref<512x128xf32, #tpu.memory_space<vmem>>, %arg2: memref<512x128xf32, #tpu.memory_space<vmem>>, %arg3: memref<512x1xf32, #tpu.memory_space<vmem>>, %arg4: memref<1x128xf32, #tpu.memory_space<vmem>>, %arg5: memref<128x128xf32, #tpu.memory_space<vmem>>, %arg6: memref<128x128xf32, #tpu.memory_space<vmem>>, %arg7: memref<512x128xf32, #tpu.memory_space<vmem>>, %arg8: memref<512x128xf32, #tpu.memory_space<vmem>>, %arg9: memref<512x128xf32, #tpu.memory_space<vmem>>) attributes {dimension_semantics = [#tpu.dimension_semantics<arbitrary>], iteration_bounds = array<i64: 20>, scalar_prefetch = 0 : i64, scratch_operands = 0 : i64, tpu.core_type = #tpu.core_type<tc>, window_params = [{transform_indices = @transform_0, window_bounds = array<i64: 512, 128>}, {transform_indices = @transform_1, window_bounds = array<i64: 512, 128>}, {transform_indices = @transform_2, window_bounds = array<i64: 512, 1>}, {pipeline_mode = #tpu.pipeline_mode<synchronous>, transform_indices = @transform_3, window_bounds = array<i64: 1, 128>}, {pipeline_mode = #tpu.pipeline_mode<synchronous>, transform_indices = @transform_4, window_bounds = array<i64: 128, 128>}, {pipeline_mode = #tpu.pipeline_mode<synchronous>, transform_indices = @transform_5, window_bounds = array<i64: 128, 128>}, {transform_indices = @transform_6, window_bounds = array<i64: 512, 128>}, {transform_indices = @transform_7, window_bounds = array<i64: 512, 128>}, {transform_indices = @transform_8, window_bounds = array<i64: 512, 128>}]} {
    %get3A = arith.constant 0 : index
    %get3A_0 = arith.constant 0 : index
    %get3A_1 = vector.load %arg3[%get3A, %get3A_0] : memref<512x1xf32, #tpu.memory_space<vmem>>, vector<512x1xf32>
    %gt3A = arith.constant 0.000000e+00 : f32
    %gt3A_2 = vector.broadcast %gt3A : f32 to vector<512x1xf32>
    %gt3A_3 = arith.cmpf ogt, %get3A_1, %gt3A_2 : vector<512x1xf32>
    %get3A_4 = arith.constant 0 : index
    %get3A_5 = arith.constant 0 : index
    %get3A_6 = vector.load %arg1[%get3A_4, %get3A_5] : memref<512x128xf32, #tpu.memory_space<vmem>>, vector<512x128xf32>
    %get3A_7 = arith.constant 0 : index
    %get3A_8 = arith.constant 0 : index
    %get3A_9 = vector.load %arg4[%get3A_7, %get3A_8] : memref<1x128xf32, #tpu.memory_space<vmem>>, vector<1x128xf32>
    %add3A = vector.broadcast %get3A_9 : vector<1x128xf32> to vector<512x128xf32>
    %add3A_10 = arith.addf %get3A_6, %add3A : vector<512x128xf32>
    %get3A_11 = arith.constant 0 : index
    %get3A_12 = arith.constant 0 : index
    %get3A_13 = vector.load %arg2[%get3A_11, %get3A_12] : memref<512x128xf32, #tpu.memory_space<vmem>>, vector<512x128xf32>
    %add3A_14 = arith.addf %add3A_10, %get3A_13 : vector<512x128xf32>
    %jit3A = arith.constant 0.000000e+00 : f32
    %broadcast_in_dim3A = vector.shape_cast %gt3A_3 : vector<512x1xi1> to vector<512x1xi1>
    %broadcast_in_dim3A_15 = vector.broadcast %broadcast_in_dim3A : vector<512x1xi1> to vector<512x128xi1>
    %broadcast_in_dim3A_16 = vector.broadcast %jit3A : f32 to vector<512x128xf32>
    %select_n3A = arith.select %broadcast_in_dim3A_15, %add3A_14, %broadcast_in_dim3A_16 : vector<512x128xi1>, vector<512x128xf32>
    %swap3A = arith.constant 0 : index
    %swap3A_17 = arith.constant 0 : index
    %swap3A_18 = vector.load %arg7[%swap3A, %swap3A_17] : memref<512x128xf32, #tpu.memory_space<vmem>>, vector<512x128xf32>
    tpu.vector_store %arg7[%swap3A, %swap3A_17], %select_n3A {strides = array<i32>} : memref<512x128xf32, #tpu.memory_space<vmem>>, vector<512x128xf32>,
    %max3A = arith.constant 0.000000e+00 : f32
    %max3A_19 = vector.broadcast %max3A : f32 to vector<512x128xf32>
    %max3A_20 = arith.maximumf %select_n3A, %max3A_19 : vector<512x128xf32>
    %get3A_21 = arith.constant 0 : index
    %get3A_22 = arith.constant 0 : index
    %get3A_23 = vector.load %arg5[%get3A_21, %get3A_22] : memref<128x128xf32, #tpu.memory_space<vmem>>, vector<128x128xf32>
    %dot_general3A = arith.constant dense<0.000000e+00> : vector<512x128xf32>
    %dot_general3A_24 = tpu.matmul %max3A_20, %get3A_23, %dot_general3A {dimension_numbers = #tpu.dot_dimension_numbers<[1], [0], [0], [1], [0, 0, 1, 1], [], []>, transpose_lhs_hint = false} : vector<512x128xf32>, vector<128x128xf32>, vector<512x128xf32> -> vector<512x128xf32>
    %swap3A_25 = arith.constant 0 : index
    %swap3A_26 = arith.constant 0 : index
    %swap3A_27 = vector.load %arg8[%swap3A_25, %swap3A_26] : memref<512x128xf32, #tpu.memory_space<vmem>>, vector<512x128xf32>
    tpu.vector_store %arg8[%swap3A_25, %swap3A_26], %dot_general3A_24 {strides = array<i32>} : memref<512x128xf32, #tpu.memory_space<vmem>>, vector<512x128xf32>,
    %get3A_28 = arith.constant 0 : index
    %get3A_29 = arith.constant 0 : index
    %get3A_30 = vector.load %arg6[%get3A_28, %get3A_29] : memref<128x128xf32, #tpu.memory_space<vmem>>, vector<128x128xf32>
    %dot_general3A_31 = arith.constant dense<0.000000e+00> : vector<512x128xf32>
    %dot_general3A_32 = tpu.matmul %max3A_20, %get3A_30, %dot_general3A_31 {dimension_numbers = #tpu.dot_dimension_numbers<[1], [0], [0], [1], [0, 0, 1, 1], [], []>, transpose_lhs_hint = false} : vector<512x128xf32>, vector<128x128xf32>, vector<512x128xf32> -> vector<512x128xf32>
    %swap3A_33 = arith.constant 0 : index
    %swap3A_34 = arith.constant 0 : index
    %swap3A_35 = vector.load %arg9[%swap3A_33, %swap3A_34] : memref<512x128xf32, #tpu.memory_space<vmem>>, vector<512x128xf32>
    tpu.vector_store %arg9[%swap3A_33, %swap3A_34], %dot_general3A_32 {strides = array<i32>} : memref<512x128xf32, #tpu.memory_space<vmem>>, vector<512x128xf32>,
    return
  }
  func.func @transform_0(%arg0: i32) -> (i32, i32) {
    %c0_i32 = arith.constant 0 : i32
    %c0_i32_0 = arith.constant 0 : i32
    return %arg0, %c0_i32 : i32, i32
  }
  func.func @transform_1(%arg0: i32) -> (i32, i32) {
    %c0_i32 = arith.constant 0 : i32
    %c0_i32_0 = arith.constant 0 : i32
    return %arg0, %c0_i32 : i32, i32
  }
  func.func @transform_2(%arg0: i32) -> (i32, i32) {
    %c0_i32 = arith.constant 0 : i32
    %c0_i32_0 = arith.constant 0 : i32
    return %arg0, %c0_i32 : i32, i32
  }
  func.func @transform_3(%arg0: i32) -> (i32, i32) {
    %c0_i32 = arith.constant 0 : i32
    %c0_i32_0 = arith.constant 0 : i32
    %c0_i32_1 = arith.constant 0 : i32
    return %c0_i32, %c0_i32_0 : i32, i32
  }
  func.func @transform_4(%arg0: i32) -> (i32, i32) {
    %c0_i32 = arith.constant 0 : i32
    %c0_i32_0 = arith.constant 0 : i32
    %c0_i32_1 = arith.constant 0 : i32
    return %c0_i32, %c0_i32_0 : i32, i32
  }
  func.func @transform_5(%arg0: i32) -> (i32, i32) {
    %c0_i32 = arith.constant 0 : i32
    %c0_i32_0 = arith.constant 0 : i32
    %c0_i32_1 = arith.constant 0 : i32
    return %c0_i32, %c0_i32_0 : i32, i32
  }
  func.func @transform_6(%arg0: i32) -> (i32, i32) {
    %c0_i32 = arith.constant 0 : i32
    %c0_i32_0 = arith.constant 0 : i32
    return %arg0, %c0_i32 : i32, i32
  }
  func.func @transform_7(%arg0: i32) -> (i32, i32) {
    %c0_i32 = arith.constant 0 : i32
    %c0_i32_0 = arith.constant 0 : i32
    return %arg0, %c0_i32 : i32, i32
  }
  func.func @transform_8(%arg0: i32) -> (i32, i32) {
    %c0_i32 = arith.constant 0 : i32
    %c0_i32_0 = arith.constant 0 : i32
    return %arg0, %c0_i32 : i32, i32
  }
}

module attributes {stable_mosaic.version = 14 : i64} {
  func.func @_tc_bn_body(%arg0: i32, %arg1: memref<2x512x128xf32, #tpu.memory_space<vmem>>, %arg2: memref<512x128xf32, #tpu.memory_space<vmem>>, %arg3: memref<512x1xf32, #tpu.memory_space<vmem>>, %arg4: memref<128x1408xf32, #tpu.memory_space<vmem>>, %arg5: memref<128x1408xf32, #tpu.memory_space<vmem>>, %arg6: memref<1x11x128xf32, #tpu.memory_space<vmem>>, %arg7: memref<128x384xf32, #tpu.memory_space<vmem>>, %arg8: memref<128x384xf32, #tpu.memory_space<vmem>>, %arg9: memref<1x384xf32, #tpu.memory_space<vmem>>, %arg10: memref<1x384xf32, #tpu.memory_space<vmem>>, %arg11: memref<512x128xf32, #tpu.memory_space<vmem>>, %arg12: memref<512x128xf32, #tpu.memory_space<vmem>>) attributes {dimension_semantics = [#tpu.dimension_semantics<arbitrary>], iteration_bounds = array<i64: 20>, scalar_prefetch = 0 : i64, scratch_operands = 0 : i64, tpu.core_type = #tpu.core_type<tc>, window_params = [{transform_indices = @transform_0, window_bounds = array<i64: 2, 512, 128>}, {transform_indices = @transform_1, window_bounds = array<i64: 512, 128>}, {transform_indices = @transform_2, window_bounds = array<i64: 512, 1>}, {pipeline_mode = #tpu.pipeline_mode<synchronous>, transform_indices = @transform_3, window_bounds = array<i64: 128, 1408>}, {pipeline_mode = #tpu.pipeline_mode<synchronous>, transform_indices = @transform_4, window_bounds = array<i64: 128, 1408>}, {pipeline_mode = #tpu.pipeline_mode<synchronous>, transform_indices = @transform_5, window_bounds = array<i64: 1, 11, 128>}, {pipeline_mode = #tpu.pipeline_mode<synchronous>, transform_indices = @transform_6, window_bounds = array<i64: 128, 384>}, {pipeline_mode = #tpu.pipeline_mode<synchronous>, transform_indices = @transform_7, window_bounds = array<i64: 128, 384>}, {pipeline_mode = #tpu.pipeline_mode<synchronous>, transform_indices = @transform_8, window_bounds = array<i64: 1, 384>}, {pipeline_mode = #tpu.pipeline_mode<synchronous>, transform_indices = @transform_9, window_bounds = array<i64: 1, 384>}, {transform_indices = @transform_10, window_bounds = array<i64: 512, 128>}, {transform_indices = @transform_11, window_bounds = array<i64: 512, 128>}]} {
    %get3A = arith.constant 0 : index
    %get3A_0 = arith.constant 0 : index
    %get3A_1 = arith.constant 0 : index
    %get3A_2 = vector.load %arg1[%get3A, %get3A_0, %get3A_1] : memref<2x512x128xf32, #tpu.memory_space<vmem>>, vector<2x512x128xf32>
    %slice3A = vector.extract_strided_slice %get3A_2 {offsets = [0, 0, 0], sizes = [1, 512, 128], strides = [1, 1, 1]} : vector<2x512x128xf32> to vector<1x512x128xf32>
    %squeeze3A = vector.shape_cast %slice3A : vector<1x512x128xf32> to vector<512x128xf32>
    %slice3A_3 = vector.extract_strided_slice %get3A_2 {offsets = [1, 0, 0], sizes = [1, 512, 128], strides = [1, 1, 1]} : vector<2x512x128xf32> to vector<1x512x128xf32>
    %squeeze3A_4 = vector.shape_cast %slice3A_3 : vector<1x512x128xf32> to vector<512x128xf32>
    %add3A = arith.addf %squeeze3A, %squeeze3A_4 : vector<512x128xf32>
    %get3A_5 = arith.constant 0 : index
    %get3A_6 = arith.constant 0 : index
    %get3A_7 = vector.load %arg2[%get3A_5, %get3A_6] : memref<512x128xf32, #tpu.memory_space<vmem>>, vector<512x128xf32>
    %get3A_8 = arith.constant 0 : index
    %get3A_9 = arith.constant 0 : index
    %get3A_10 = vector.load %arg4[%get3A_8, %get3A_9] : memref<128x1408xf32, #tpu.memory_space<vmem>>, vector<128x1408xf32>
    %dot_general3A = arith.constant dense<0.000000e+00> : vector<512x1408xf32>
    %dot_general3A_11 = tpu.matmul %add3A, %get3A_10, %dot_general3A {dimension_numbers = #tpu.dot_dimension_numbers<[1], [0], [0], [1], [0, 0, 1, 1], [], []>, transpose_lhs_hint = false} : vector<512x128xf32>, vector<128x1408xf32>, vector<512x1408xf32> -> vector<512x1408xf32>
    %get3A_12 = arith.constant 0 : index
    %get3A_13 = arith.constant 0 : index
    %get3A_14 = vector.load %arg5[%get3A_12, %get3A_13] : memref<128x1408xf32, #tpu.memory_space<vmem>>, vector<128x1408xf32>
    %dot_general3A_15 = arith.constant dense<0.000000e+00> : vector<512x1408xf32>
    %dot_general3A_16 = tpu.matmul %get3A_7, %get3A_14, %dot_general3A_15 {dimension_numbers = #tpu.dot_dimension_numbers<[1], [0], [0], [1], [0, 0, 1, 1], [], []>, transpose_lhs_hint = false} : vector<512x128xf32>, vector<128x1408xf32>, vector<512x1408xf32> -> vector<512x1408xf32>
    %add3A_17 = arith.addf %dot_general3A_11, %dot_general3A_16 : vector<512x1408xf32>
    %reshape3A = vector.shape_cast %add3A_17 : vector<512x1408xf32> to vector<512x11x128xf32>
    %get3A_18 = arith.constant 0 : index
    %get3A_19 = arith.constant 0 : index
    %get3A_20 = arith.constant 0 : index
    %get3A_21 = vector.load %arg6[%get3A_18, %get3A_19, %get3A_20] : memref<1x11x128xf32, #tpu.memory_space<vmem>>, vector<1x11x128xf32>
    %add3A_22 = vector.broadcast %get3A_21 : vector<1x11x128xf32> to vector<512x11x128xf32>
    %add3A_23 = arith.addf %reshape3A, %add3A_22 : vector<512x11x128xf32>
    %get3A_24 = arith.constant 0 : index
    %get3A_25 = arith.constant 0 : index
    %get3A_26 = vector.load %arg3[%get3A_24, %get3A_25] : memref<512x1xf32, #tpu.memory_space<vmem>>, vector<512x1xf32>
    %jit3A = arith.constant 0.000000e+00 : f32
    %jit3A_27 = arith.constant 1.000000e+01 : f32
    %max3A = vector.broadcast %jit3A : f32 to vector<512x1xf32>
    %max3A_28 = arith.maximumf %max3A, %get3A_26 : vector<512x1xf32>
    %min3A = vector.broadcast %jit3A_27 : f32 to vector<512x1xf32>
    %min3A_29 = arith.minimumf %min3A, %max3A_28 : vector<512x1xf32>
    %reshape3A_30 = vector.shape_cast %min3A_29 : vector<512x1xf32> to vector<512x1x1xf32>
    %convert_element_type3A = arith.fptosi %reshape3A_30 : vector<512x1x1xf32> to vector<512x1x1xi32>
    %iota3A = tpu.iota {dimensions = array<i32: 1>} : vector<512x11x1xi32>
    %eq3A = vector.broadcast %convert_element_type3A : vector<512x1x1xi32> to vector<512x11x1xi32>
    %eq3A_31 = arith.cmpi eq, %iota3A, %eq3A : vector<512x11x1xi32>
    %jit3A_32 = arith.constant 0.000000e+00 : f32
    %broadcast_in_dim3A = vector.shape_cast %eq3A_31 : vector<512x11x1xi1> to vector<512x11x1xi1>
    %broadcast_in_dim3A_33 = vector.broadcast %broadcast_in_dim3A : vector<512x11x1xi1> to vector<512x11x128xi1>
    %broadcast_in_dim3A_34 = vector.broadcast %jit3A_32 : f32 to vector<512x11x128xf32>
    %select_n3A = arith.select %broadcast_in_dim3A_33, %add3A_23, %broadcast_in_dim3A_34 : vector<512x11x128xi1>, vector<512x11x128xf32>
    %reduce_sum3A = arith.constant dense<0.000000e+00> : vector<512x128xf32>
    %reduce_sum3A_35 = vector.multi_reduction <add>, %select_n3A, %reduce_sum3A [1] : vector<512x11x128xf32> to vector<512x128xf32>
    %max3A_36 = arith.constant 0.000000e+00 : f32
    %max3A_37 = vector.broadcast %max3A_36 : f32 to vector<512x128xf32>
    %max3A_38 = arith.maximumf %reduce_sum3A_35, %max3A_37 : vector<512x128xf32>
    %swap3A = arith.constant 0 : index
    %swap3A_39 = arith.constant 0 : index
    %swap3A_40 = vector.load %arg12[%swap3A, %swap3A_39] : memref<512x128xf32, #tpu.memory_space<vmem>>, vector<512x128xf32>
    tpu.vector_store %arg12[%swap3A, %swap3A_39], %max3A_38 {strides = array<i32>} : memref<512x128xf32, #tpu.memory_space<vmem>>, vector<512x128xf32>,
    %get3A_41 = arith.constant 0 : index
    %get3A_42 = arith.constant 0 : index
    %get3A_43 = vector.load %arg7[%get3A_41, %get3A_42] : memref<128x384xf32, #tpu.memory_space<vmem>>, vector<128x384xf32>
    %dot_general3A_44 = arith.constant dense<0.000000e+00> : vector<512x384xf32>
    %dot_general3A_45 = tpu.matmul %max3A_38, %get3A_43, %dot_general3A_44 {dimension_numbers = #tpu.dot_dimension_numbers<[1], [0], [0], [1], [0, 0, 1, 1], [], []>, transpose_lhs_hint = false} : vector<512x128xf32>, vector<128x384xf32>, vector<512x384xf32> -> vector<512x384xf32>
    %get3A_46 = arith.constant 0 : index
    %get3A_47 = arith.constant 0 : index
    %get3A_48 = vector.load %arg9[%get3A_46, %get3A_47] : memref<1x384xf32, #tpu.memory_space<vmem>>, vector<1x384xf32>
    %add3A_49 = vector.broadcast %get3A_48 : vector<1x384xf32> to vector<512x384xf32>
    %add3A_50 = arith.addf %dot_general3A_45, %add3A_49 : vector<512x384xf32>
    %get3A_51 = arith.constant 0 : index
    %get3A_52 = arith.constant 0 : index
    %get3A_53 = vector.load %arg8[%get3A_51, %get3A_52] : memref<128x384xf32, #tpu.memory_space<vmem>>, vector<128x384xf32>
    %dot_general3A_54 = arith.constant dense<0.000000e+00> : vector<512x384xf32>
    %dot_general3A_55 = tpu.matmul %get3A_7, %get3A_53, %dot_general3A_54 {dimension_numbers = #tpu.dot_dimension_numbers<[1], [0], [0], [1], [0, 0, 1, 1], [], []>, transpose_lhs_hint = false} : vector<512x128xf32>, vector<128x384xf32>, vector<512x384xf32> -> vector<512x384xf32>
    %get3A_56 = arith.constant 0 : index
    %get3A_57 = arith.constant 0 : index
    %get3A_58 = vector.load %arg10[%get3A_56, %get3A_57] : memref<1x384xf32, #tpu.memory_space<vmem>>, vector<1x384xf32>
    %add3A_59 = vector.broadcast %get3A_58 : vector<1x384xf32> to vector<512x384xf32>
    %add3A_60 = arith.addf %dot_general3A_55, %add3A_59 : vector<512x384xf32>
    %slice3A_61 = vector.extract_strided_slice %add3A_50 {offsets = [0, 0], sizes = [512, 128], strides = [1, 1]} : vector<512x384xf32> to vector<512x128xf32>
    %slice3A_62 = vector.extract_strided_slice %add3A_50 {offsets = [0, 128], sizes = [512, 128], strides = [1, 1]} : vector<512x384xf32> to vector<512x128xf32>
    %slice3A_63 = vector.extract_strided_slice %add3A_50 {offsets = [0, 256], sizes = [512, 128], strides = [1, 1]} : vector<512x384xf32> to vector<512x128xf32>
    %slice3A_64 = vector.extract_strided_slice %add3A_60 {offsets = [0, 0], sizes = [512, 128], strides = [1, 1]} : vector<512x384xf32> to vector<512x128xf32>
    %slice3A_65 = vector.extract_strided_slice %add3A_60 {offsets = [0, 128], sizes = [512, 128], strides = [1, 1]} : vector<512x384xf32> to vector<512x128xf32>
    %slice3A_66 = vector.extract_strided_slice %add3A_60 {offsets = [0, 256], sizes = [512, 128], strides = [1, 1]} : vector<512x384xf32> to vector<512x128xf32>
    %add3A_67 = arith.addf %slice3A_61, %slice3A_64 : vector<512x128xf32>
    %logistic3A = arith.negf %add3A_67 : vector<512x128xf32>
    %logistic3A_68 = math.exp %logistic3A : vector<512x128xf32>
    %logistic3A_69 = arith.constant 1.000000e+00 : f32
    %logistic3A_70 = vector.broadcast %logistic3A_69 : f32 to vector<512x128xf32>
    %logistic3A_71 = arith.addf %logistic3A_70, %logistic3A_68 : vector<512x128xf32>
    %logistic3A_72 = arith.divf %logistic3A_70, %logistic3A_71 : vector<512x128xf32>
    %add3A_73 = arith.addf %slice3A_62, %slice3A_65 : vector<512x128xf32>
    %logistic3A_74 = arith.negf %add3A_73 : vector<512x128xf32>
    %logistic3A_75 = math.exp %logistic3A_74 : vector<512x128xf32>
    %logistic3A_76 = arith.constant 1.000000e+00 : f32
    %logistic3A_77 = vector.broadcast %logistic3A_76 : f32 to vector<512x128xf32>
    %logistic3A_78 = arith.addf %logistic3A_77, %logistic3A_75 : vector<512x128xf32>
    %logistic3A_79 = arith.divf %logistic3A_77, %logistic3A_78 : vector<512x128xf32>
    %mul3A = arith.mulf %logistic3A_72, %slice3A_66 : vector<512x128xf32>
    %add3A_80 = arith.addf %slice3A_63, %mul3A : vector<512x128xf32>
    %tanh3A = math.tanh %add3A_80 : vector<512x128xf32>
    %sub3A = arith.constant 1.000000e+00 : f32
    %sub3A_81 = vector.broadcast %sub3A : f32 to vector<512x128xf32>
    %sub3A_82 = arith.subf %sub3A_81, %logistic3A_79 : vector<512x128xf32>
    %mul3A_83 = arith.mulf %sub3A_82, %tanh3A : vector<512x128xf32>
    %mul3A_84 = arith.mulf %logistic3A_79, %get3A_7 : vector<512x128xf32>
    %add3A_85 = arith.addf %mul3A_83, %mul3A_84 : vector<512x128xf32>
    %swap3A_86 = arith.constant 0 : index
    %swap3A_87 = arith.constant 0 : index
    %swap3A_88 = vector.load %arg11[%swap3A_86, %swap3A_87] : memref<512x128xf32, #tpu.memory_space<vmem>>, vector<512x128xf32>
    tpu.vector_store %arg11[%swap3A_86, %swap3A_87], %add3A_85 {strides = array<i32>} : memref<512x128xf32, #tpu.memory_space<vmem>>, vector<512x128xf32>,
    return
  }
  func.func @transform_0(%arg0: i32) -> (i32, i32, i32) {
    %c0_i32 = arith.constant 0 : i32
    %c0_i32_0 = arith.constant 0 : i32
    %c0_i32_1 = arith.constant 0 : i32
    return %c0_i32, %arg0, %c0_i32_0 : i32, i32, i32
  }
  func.func @transform_1(%arg0: i32) -> (i32, i32) {
    %c0_i32 = arith.constant 0 : i32
    %c0_i32_0 = arith.constant 0 : i32
    return %arg0, %c0_i32 : i32, i32
  }
  func.func @transform_2(%arg0: i32) -> (i32, i32) {
    %c0_i32 = arith.constant 0 : i32
    %c0_i32_0 = arith.constant 0 : i32
    return %arg0, %c0_i32 : i32, i32
  }
  func.func @transform_3(%arg0: i32) -> (i32, i32) {
    %c0_i32 = arith.constant 0 : i32
    %c0_i32_0 = arith.constant 0 : i32
    %c0_i32_1 = arith.constant 0 : i32
    return %c0_i32, %c0_i32_0 : i32, i32
  }
  func.func @transform_4(%arg0: i32) -> (i32, i32) {
    %c0_i32 = arith.constant 0 : i32
    %c0_i32_0 = arith.constant 0 : i32
    %c0_i32_1 = arith.constant 0 : i32
    return %c0_i32, %c0_i32_0 : i32, i32
  }
  func.func @transform_5(%arg0: i32) -> (i32, i32, i32) {
    %c0_i32 = arith.constant 0 : i32
    %c0_i32_0 = arith.constant 0 : i32
    %c0_i32_1 = arith.constant 0 : i32
    %c0_i32_2 = arith.constant 0 : i32
    return %c0_i32, %c0_i32_0, %c0_i32_1 : i32, i32, i32
  }
  func.func @transform_6(%arg0: i32) -> (i32, i32) {
    %c0_i32 = arith.constant 0 : i32
    %c0_i32_0 = arith.constant 0 : i32
    %c0_i32_1 = arith.constant 0 : i32
    return %c0_i32, %c0_i32_0 : i32, i32
  }
  func.func @transform_7(%arg0: i32) -> (i32, i32) {
    %c0_i32 = arith.constant 0 : i32
    %c0_i32_0 = arith.constant 0 : i32
    %c0_i32_1 = arith.constant 0 : i32
    return %c0_i32, %c0_i32_0 : i32, i32
  }
  func.func @transform_8(%arg0: i32) -> (i32, i32) {
    %c0_i32 = arith.constant 0 : i32
    %c0_i32_0 = arith.constant 0 : i32
    %c0_i32_1 = arith.constant 0 : i32
    return %c0_i32, %c0_i32_0 : i32, i32
  }
  func.func @transform_9(%arg0: i32) -> (i32, i32) {
    %c0_i32 = arith.constant 0 : i32
    %c0_i32_0 = arith.constant 0 : i32
    %c0_i32_1 = arith.constant 0 : i32
    return %c0_i32, %c0_i32_0 : i32, i32
  }
  func.func @transform_10(%arg0: i32) -> (i32, i32) {
    %c0_i32 = arith.constant 0 : i32
    %c0_i32_0 = arith.constant 0 : i32
    return %arg0, %c0_i32 : i32, i32
  }
  func.func @transform_11(%arg0: i32) -> (i32, i32) {
    %c0_i32 = arith.constant 0 : i32
    %c0_i32_0 = arith.constant 0 : i32
    return %arg0, %c0_i32 : i32, i32
  }
}

module attributes {stable_mosaic.version = 14 : i64} {
  func.func @_tc_bn_body(%arg0: i32, %arg1: memref<2x512x128xf32, #tpu.memory_space<vmem>>, %arg2: memref<512x128xf32, #tpu.memory_space<vmem>>, %arg3: memref<512x1xf32, #tpu.memory_space<vmem>>, %arg4: memref<128x1408xf32, #tpu.memory_space<vmem>>, %arg5: memref<128x1408xf32, #tpu.memory_space<vmem>>, %arg6: memref<1x11x128xf32, #tpu.memory_space<vmem>>, %arg7: memref<128x384xf32, #tpu.memory_space<vmem>>, %arg8: memref<128x384xf32, #tpu.memory_space<vmem>>, %arg9: memref<1x384xf32, #tpu.memory_space<vmem>>, %arg10: memref<1x384xf32, #tpu.memory_space<vmem>>, %arg11: memref<512x128xf32, #tpu.memory_space<vmem>>, %arg12: memref<512x128xf32, #tpu.memory_space<vmem>>) attributes {dimension_semantics = [#tpu.dimension_semantics<arbitrary>], iteration_bounds = array<i64: 20>, scalar_prefetch = 0 : i64, scratch_operands = 0 : i64, tpu.core_type = #tpu.core_type<tc>, window_params = [{transform_indices = @transform_0, window_bounds = array<i64: 2, 512, 128>}, {transform_indices = @transform_1, window_bounds = array<i64: 512, 128>}, {transform_indices = @transform_2, window_bounds = array<i64: 512, 1>}, {pipeline_mode = #tpu.pipeline_mode<synchronous>, transform_indices = @transform_3, window_bounds = array<i64: 128, 1408>}, {pipeline_mode = #tpu.pipeline_mode<synchronous>, transform_indices = @transform_4, window_bounds = array<i64: 128, 1408>}, {pipeline_mode = #tpu.pipeline_mode<synchronous>, transform_indices = @transform_5, window_bounds = array<i64: 1, 11, 128>}, {pipeline_mode = #tpu.pipeline_mode<synchronous>, transform_indices = @transform_6, window_bounds = array<i64: 128, 384>}, {pipeline_mode = #tpu.pipeline_mode<synchronous>, transform_indices = @transform_7, window_bounds = array<i64: 128, 384>}, {pipeline_mode = #tpu.pipeline_mode<synchronous>, transform_indices = @transform_8, window_bounds = array<i64: 1, 384>}, {pipeline_mode = #tpu.pipeline_mode<synchronous>, transform_indices = @transform_9, window_bounds = array<i64: 1, 384>}, {transform_indices = @transform_10, window_bounds = array<i64: 512, 128>}, {transform_indices = @transform_11, window_bounds = array<i64: 512, 128>}]} {
    %get3A = arith.constant 0 : index
    %get3A_0 = arith.constant 0 : index
    %get3A_1 = arith.constant 0 : index
    %get3A_2 = vector.load %arg1[%get3A, %get3A_0, %get3A_1] : memref<2x512x128xf32, #tpu.memory_space<vmem>>, vector<2x512x128xf32>
    %slice3A = vector.extract_strided_slice %get3A_2 {offsets = [0, 0, 0], sizes = [1, 512, 128], strides = [1, 1, 1]} : vector<2x512x128xf32> to vector<1x512x128xf32>
    %squeeze3A = vector.shape_cast %slice3A : vector<1x512x128xf32> to vector<512x128xf32>
    %slice3A_3 = vector.extract_strided_slice %get3A_2 {offsets = [1, 0, 0], sizes = [1, 512, 128], strides = [1, 1, 1]} : vector<2x512x128xf32> to vector<1x512x128xf32>
    %squeeze3A_4 = vector.shape_cast %slice3A_3 : vector<1x512x128xf32> to vector<512x128xf32>
    %add3A = arith.addf %squeeze3A, %squeeze3A_4 : vector<512x128xf32>
    %get3A_5 = arith.constant 0 : index
    %get3A_6 = arith.constant 0 : index
    %get3A_7 = vector.load %arg2[%get3A_5, %get3A_6] : memref<512x128xf32, #tpu.memory_space<vmem>>, vector<512x128xf32>
    %get3A_8 = arith.constant 0 : index
    %get3A_9 = arith.constant 0 : index
    %get3A_10 = vector.load %arg4[%get3A_8, %get3A_9] : memref<128x1408xf32, #tpu.memory_space<vmem>>, vector<128x1408xf32>
    %dot_general3A = arith.constant dense<0.000000e+00> : vector<512x1408xf32>
    %dot_general3A_11 = tpu.matmul %add3A, %get3A_10, %dot_general3A {dimension_numbers = #tpu.dot_dimension_numbers<[1], [0], [0], [1], [0, 0, 1, 1], [], []>, transpose_lhs_hint = false} : vector<512x128xf32>, vector<128x1408xf32>, vector<512x1408xf32> -> vector<512x1408xf32>
    %get3A_12 = arith.constant 0 : index
    %get3A_13 = arith.constant 0 : index
    %get3A_14 = vector.load %arg5[%get3A_12, %get3A_13] : memref<128x1408xf32, #tpu.memory_space<vmem>>, vector<128x1408xf32>
    %dot_general3A_15 = arith.constant dense<0.000000e+00> : vector<512x1408xf32>
    %dot_general3A_16 = tpu.matmul %get3A_7, %get3A_14, %dot_general3A_15 {dimension_numbers = #tpu.dot_dimension_numbers<[1], [0], [0], [1], [0, 0, 1, 1], [], []>, transpose_lhs_hint = false} : vector<512x128xf32>, vector<128x1408xf32>, vector<512x1408xf32> -> vector<512x1408xf32>
    %add3A_17 = arith.addf %dot_general3A_11, %dot_general3A_16 : vector<512x1408xf32>
    %reshape3A = vector.shape_cast %add3A_17 : vector<512x1408xf32> to vector<512x11x128xf32>
    %get3A_18 = arith.constant 0 : index
    %get3A_19 = arith.constant 0 : index
    %get3A_20 = arith.constant 0 : index
    %get3A_21 = vector.load %arg6[%get3A_18, %get3A_19, %get3A_20] : memref<1x11x128xf32, #tpu.memory_space<vmem>>, vector<1x11x128xf32>
    %add3A_22 = vector.broadcast %get3A_21 : vector<1x11x128xf32> to vector<512x11x128xf32>
    %add3A_23 = arith.addf %reshape3A, %add3A_22 : vector<512x11x128xf32>
    %get3A_24 = arith.constant 0 : index
    %get3A_25 = arith.constant 0 : index
    %get3A_26 = vector.load %arg3[%get3A_24, %get3A_25] : memref<512x1xf32, #tpu.memory_space<vmem>>, vector<512x1xf32>
    %jit3A = arith.constant 0.000000e+00 : f32
    %jit3A_27 = arith.constant 1.000000e+01 : f32
    %max3A = vector.broadcast %jit3A : f32 to vector<512x1xf32>
    %max3A_28 = arith.maximumf %max3A, %get3A_26 : vector<512x1xf32>
    %min3A = vector.broadcast %jit3A_27 : f32 to vector<512x1xf32>
    %min3A_29 = arith.minimumf %min3A, %max3A_28 : vector<512x1xf32>
    %reshape3A_30 = vector.shape_cast %min3A_29 : vector<512x1xf32> to vector<512x1x1xf32>
    %convert_element_type3A = arith.fptosi %reshape3A_30 : vector<512x1x1xf32> to vector<512x1x1xi32>
    %iota3A = tpu.iota {dimensions = array<i32: 1>} : vector<512x11x1xi32>
    %eq3A = vector.broadcast %convert_element_type3A : vector<512x1x1xi32> to vector<512x11x1xi32>
    %eq3A_31 = arith.cmpi eq, %iota3A, %eq3A : vector<512x11x1xi32>
    %jit3A_32 = arith.constant 0.000000e+00 : f32
    %broadcast_in_dim3A = vector.shape_cast %eq3A_31 : vector<512x11x1xi1> to vector<512x11x1xi1>
    %broadcast_in_dim3A_33 = vector.broadcast %broadcast_in_dim3A : vector<512x11x1xi1> to vector<512x11x128xi1>
    %broadcast_in_dim3A_34 = vector.broadcast %jit3A_32 : f32 to vector<512x11x128xf32>
    %select_n3A = arith.select %broadcast_in_dim3A_33, %add3A_23, %broadcast_in_dim3A_34 : vector<512x11x128xi1>, vector<512x11x128xf32>
    %reduce_sum3A = arith.constant dense<0.000000e+00> : vector<512x128xf32>
    %reduce_sum3A_35 = vector.multi_reduction <add>, %select_n3A, %reduce_sum3A [1] : vector<512x11x128xf32> to vector<512x128xf32>
    %max3A_36 = arith.constant 0.000000e+00 : f32
    %max3A_37 = vector.broadcast %max3A_36 : f32 to vector<512x128xf32>
    %max3A_38 = arith.maximumf %reduce_sum3A_35, %max3A_37 : vector<512x128xf32>
    %swap3A = arith.constant 0 : index
    %swap3A_39 = arith.constant 0 : index
    %swap3A_40 = vector.load %arg12[%swap3A, %swap3A_39] : memref<512x128xf32, #tpu.memory_space<vmem>>, vector<512x128xf32>
    tpu.vector_store %arg12[%swap3A, %swap3A_39], %max3A_38 {strides = array<i32>} : memref<512x128xf32, #tpu.memory_space<vmem>>, vector<512x128xf32>,
    %get3A_41 = arith.constant 0 : index
    %get3A_42 = arith.constant 0 : index
    %get3A_43 = vector.load %arg7[%get3A_41, %get3A_42] : memref<128x384xf32, #tpu.memory_space<vmem>>, vector<128x384xf32>
    %dot_general3A_44 = arith.constant dense<0.000000e+00> : vector<512x384xf32>
    %dot_general3A_45 = tpu.matmul %max3A_38, %get3A_43, %dot_general3A_44 {dimension_numbers = #tpu.dot_dimension_numbers<[1], [0], [0], [1], [0, 0, 1, 1], [], []>, transpose_lhs_hint = false} : vector<512x128xf32>, vector<128x384xf32>, vector<512x384xf32> -> vector<512x384xf32>
    %get3A_46 = arith.constant 0 : index
    %get3A_47 = arith.constant 0 : index
    %get3A_48 = vector.load %arg9[%get3A_46, %get3A_47] : memref<1x384xf32, #tpu.memory_space<vmem>>, vector<1x384xf32>
    %add3A_49 = vector.broadcast %get3A_48 : vector<1x384xf32> to vector<512x384xf32>
    %add3A_50 = arith.addf %dot_general3A_45, %add3A_49 : vector<512x384xf32>
    %get3A_51 = arith.constant 0 : index
    %get3A_52 = arith.constant 0 : index
    %get3A_53 = vector.load %arg8[%get3A_51, %get3A_52] : memref<128x384xf32, #tpu.memory_space<vmem>>, vector<128x384xf32>
    %dot_general3A_54 = arith.constant dense<0.000000e+00> : vector<512x384xf32>
    %dot_general3A_55 = tpu.matmul %get3A_7, %get3A_53, %dot_general3A_54 {dimension_numbers = #tpu.dot_dimension_numbers<[1], [0], [0], [1], [0, 0, 1, 1], [], []>, transpose_lhs_hint = false} : vector<512x128xf32>, vector<128x384xf32>, vector<512x384xf32> -> vector<512x384xf32>
    %get3A_56 = arith.constant 0 : index
    %get3A_57 = arith.constant 0 : index
    %get3A_58 = vector.load %arg10[%get3A_56, %get3A_57] : memref<1x384xf32, #tpu.memory_space<vmem>>, vector<1x384xf32>
    %add3A_59 = vector.broadcast %get3A_58 : vector<1x384xf32> to vector<512x384xf32>
    %add3A_60 = arith.addf %dot_general3A_55, %add3A_59 : vector<512x384xf32>
    %slice3A_61 = vector.extract_strided_slice %add3A_50 {offsets = [0, 0], sizes = [512, 128], strides = [1, 1]} : vector<512x384xf32> to vector<512x128xf32>
    %slice3A_62 = vector.extract_strided_slice %add3A_50 {offsets = [0, 128], sizes = [512, 128], strides = [1, 1]} : vector<512x384xf32> to vector<512x128xf32>
    %slice3A_63 = vector.extract_strided_slice %add3A_50 {offsets = [0, 256], sizes = [512, 128], strides = [1, 1]} : vector<512x384xf32> to vector<512x128xf32>
    %slice3A_64 = vector.extract_strided_slice %add3A_60 {offsets = [0, 0], sizes = [512, 128], strides = [1, 1]} : vector<512x384xf32> to vector<512x128xf32>
    %slice3A_65 = vector.extract_strided_slice %add3A_60 {offsets = [0, 128], sizes = [512, 128], strides = [1, 1]} : vector<512x384xf32> to vector<512x128xf32>
    %slice3A_66 = vector.extract_strided_slice %add3A_60 {offsets = [0, 256], sizes = [512, 128], strides = [1, 1]} : vector<512x384xf32> to vector<512x128xf32>
    %add3A_67 = arith.addf %slice3A_61, %slice3A_64 : vector<512x128xf32>
    %logistic3A = arith.negf %add3A_67 : vector<512x128xf32>
    %logistic3A_68 = math.exp %logistic3A : vector<512x128xf32>
    %logistic3A_69 = arith.constant 1.000000e+00 : f32
    %logistic3A_70 = vector.broadcast %logistic3A_69 : f32 to vector<512x128xf32>
    %logistic3A_71 = arith.addf %logistic3A_70, %logistic3A_68 : vector<512x128xf32>
    %logistic3A_72 = arith.divf %logistic3A_70, %logistic3A_71 : vector<512x128xf32>
    %add3A_73 = arith.addf %slice3A_62, %slice3A_65 : vector<512x128xf32>
    %logistic3A_74 = arith.negf %add3A_73 : vector<512x128xf32>
    %logistic3A_75 = math.exp %logistic3A_74 : vector<512x128xf32>
    %logistic3A_76 = arith.constant 1.000000e+00 : f32
    %logistic3A_77 = vector.broadcast %logistic3A_76 : f32 to vector<512x128xf32>
    %logistic3A_78 = arith.addf %logistic3A_77, %logistic3A_75 : vector<512x128xf32>
    %logistic3A_79 = arith.divf %logistic3A_77, %logistic3A_78 : vector<512x128xf32>
    %mul3A = arith.mulf %logistic3A_72, %slice3A_66 : vector<512x128xf32>
    %add3A_80 = arith.addf %slice3A_63, %mul3A : vector<512x128xf32>
    %tanh3A = math.tanh %add3A_80 : vector<512x128xf32>
    %sub3A = arith.constant 1.000000e+00 : f32
    %sub3A_81 = vector.broadcast %sub3A : f32 to vector<512x128xf32>
    %sub3A_82 = arith.subf %sub3A_81, %logistic3A_79 : vector<512x128xf32>
    %mul3A_83 = arith.mulf %sub3A_82, %tanh3A : vector<512x128xf32>
    %mul3A_84 = arith.mulf %logistic3A_79, %get3A_7 : vector<512x128xf32>
    %add3A_85 = arith.addf %mul3A_83, %mul3A_84 : vector<512x128xf32>
    %swap3A_86 = arith.constant 0 : index
    %swap3A_87 = arith.constant 0 : index
    %swap3A_88 = vector.load %arg11[%swap3A_86, %swap3A_87] : memref<512x128xf32, #tpu.memory_space<vmem>>, vector<512x128xf32>
    tpu.vector_store %arg11[%swap3A_86, %swap3A_87], %add3A_85 {strides = array<i32>} : memref<512x128xf32, #tpu.memory_space<vmem>>, vector<512x128xf32>,
    return
  }
  func.func @transform_0(%arg0: i32) -> (i32, i32, i32) {
    %c0_i32 = arith.constant 0 : i32
    %c0_i32_0 = arith.constant 0 : i32
    %c0_i32_1 = arith.constant 0 : i32
    return %c0_i32, %arg0, %c0_i32_0 : i32, i32, i32
  }
  func.func @transform_1(%arg0: i32) -> (i32, i32) {
    %c0_i32 = arith.constant 0 : i32
    %c0_i32_0 = arith.constant 0 : i32
    return %arg0, %c0_i32 : i32, i32
  }
  func.func @transform_2(%arg0: i32) -> (i32, i32) {
    %c0_i32 = arith.constant 0 : i32
    %c0_i32_0 = arith.constant 0 : i32
    return %arg0, %c0_i32 : i32, i32
  }
  func.func @transform_3(%arg0: i32) -> (i32, i32) {
    %c0_i32 = arith.constant 0 : i32
    %c0_i32_0 = arith.constant 0 : i32
    %c0_i32_1 = arith.constant 0 : i32
    return %c0_i32, %c0_i32_0 : i32, i32
  }
  func.func @transform_4(%arg0: i32) -> (i32, i32) {
    %c0_i32 = arith.constant 0 : i32
    %c0_i32_0 = arith.constant 0 : i32
    %c0_i32_1 = arith.constant 0 : i32
    return %c0_i32, %c0_i32_0 : i32, i32
  }
  func.func @transform_5(%arg0: i32) -> (i32, i32, i32) {
    %c0_i32 = arith.constant 0 : i32
    %c0_i32_0 = arith.constant 0 : i32
    %c0_i32_1 = arith.constant 0 : i32
    %c0_i32_2 = arith.constant 0 : i32
    return %c0_i32, %c0_i32_0, %c0_i32_1 : i32, i32, i32
  }
  func.func @transform_6(%arg0: i32) -> (i32, i32) {
    %c0_i32 = arith.constant 0 : i32
    %c0_i32_0 = arith.constant 0 : i32
    %c0_i32_1 = arith.constant 0 : i32
    return %c0_i32, %c0_i32_0 : i32, i32
  }
  func.func @transform_7(%arg0: i32) -> (i32, i32) {
    %c0_i32 = arith.constant 0 : i32
    %c0_i32_0 = arith.constant 0 : i32
    %c0_i32_1 = arith.constant 0 : i32
    return %c0_i32, %c0_i32_0 : i32, i32
  }
  func.func @transform_8(%arg0: i32) -> (i32, i32) {
    %c0_i32 = arith.constant 0 : i32
    %c0_i32_0 = arith.constant 0 : i32
    %c0_i32_1 = arith.constant 0 : i32
    return %c0_i32, %c0_i32_0 : i32, i32
  }
  func.func @transform_9(%arg0: i32) -> (i32, i32) {
    %c0_i32 = arith.constant 0 : i32
    %c0_i32_0 = arith.constant 0 : i32
    %c0_i32_1 = arith.constant 0 : i32
    return %c0_i32, %c0_i32_0 : i32, i32
  }
  func.func @transform_10(%arg0: i32) -> (i32, i32) {
    %c0_i32 = arith.constant 0 : i32
    %c0_i32_0 = arith.constant 0 : i32
    return %arg0, %c0_i32 : i32, i32
  }
  func.func @transform_11(%arg0: i32) -> (i32, i32) {
    %c0_i32 = arith.constant 0 : i32
    %c0_i32_0 = arith.constant 0 : i32
    return %arg0, %c0_i32 : i32, i32
  }
}

module attributes {stable_mosaic.version = 14 : i64} {
  func.func @_tc_be_body(%arg0: i32, %arg1: memref<512x128xf32, #tpu.memory_space<vmem>>, %arg2: memref<512x128xf32, #tpu.memory_space<vmem>>, %arg3: memref<512x1xf32, #tpu.memory_space<vmem>>, %arg4: memref<1x128xf32, #tpu.memory_space<vmem>>, %arg5: memref<128x128xf32, #tpu.memory_space<vmem>>, %arg6: memref<128x128xf32, #tpu.memory_space<vmem>>, %arg7: memref<512x128xf32, #tpu.memory_space<vmem>>, %arg8: memref<512x128xf32, #tpu.memory_space<vmem>>, %arg9: memref<512x128xf32, #tpu.memory_space<vmem>>) attributes {dimension_semantics = [#tpu.dimension_semantics<arbitrary>], iteration_bounds = array<i64: 20>, scalar_prefetch = 0 : i64, scratch_operands = 0 : i64, tpu.core_type = #tpu.core_type<tc>, window_params = [{transform_indices = @transform_0, window_bounds = array<i64: 512, 128>}, {transform_indices = @transform_1, window_bounds = array<i64: 512, 128>}, {transform_indices = @transform_2, window_bounds = array<i64: 512, 1>}, {pipeline_mode = #tpu.pipeline_mode<synchronous>, transform_indices = @transform_3, window_bounds = array<i64: 1, 128>}, {pipeline_mode = #tpu.pipeline_mode<synchronous>, transform_indices = @transform_4, window_bounds = array<i64: 128, 128>}, {pipeline_mode = #tpu.pipeline_mode<synchronous>, transform_indices = @transform_5, window_bounds = array<i64: 128, 128>}, {transform_indices = @transform_6, window_bounds = array<i64: 512, 128>}, {transform_indices = @transform_7, window_bounds = array<i64: 512, 128>}, {transform_indices = @transform_8, window_bounds = array<i64: 512, 128>}]} {
    %get3A = arith.constant 0 : index
    %get3A_0 = arith.constant 0 : index
    %get3A_1 = vector.load %arg3[%get3A, %get3A_0] : memref<512x1xf32, #tpu.memory_space<vmem>>, vector<512x1xf32>
    %gt3A = arith.constant 0.000000e+00 : f32
    %gt3A_2 = vector.broadcast %gt3A : f32 to vector<512x1xf32>
    %gt3A_3 = arith.cmpf ogt, %get3A_1, %gt3A_2 : vector<512x1xf32>
    %get3A_4 = arith.constant 0 : index
    %get3A_5 = arith.constant 0 : index
    %get3A_6 = vector.load %arg1[%get3A_4, %get3A_5] : memref<512x128xf32, #tpu.memory_space<vmem>>, vector<512x128xf32>
    %get3A_7 = arith.constant 0 : index
    %get3A_8 = arith.constant 0 : index
    %get3A_9 = vector.load %arg4[%get3A_7, %get3A_8] : memref<1x128xf32, #tpu.memory_space<vmem>>, vector<1x128xf32>
    %add3A = vector.broadcast %get3A_9 : vector<1x128xf32> to vector<512x128xf32>
    %add3A_10 = arith.addf %get3A_6, %add3A : vector<512x128xf32>
    %get3A_11 = arith.constant 0 : index
    %get3A_12 = arith.constant 0 : index
    %get3A_13 = vector.load %arg2[%get3A_11, %get3A_12] : memref<512x128xf32, #tpu.memory_space<vmem>>, vector<512x128xf32>
    %add3A_14 = arith.addf %add3A_10, %get3A_13 : vector<512x128xf32>
    %jit3A = arith.constant 0.000000e+00 : f32
    %broadcast_in_dim3A = vector.shape_cast %gt3A_3 : vector<512x1xi1> to vector<512x1xi1>
    %broadcast_in_dim3A_15 = vector.broadcast %broadcast_in_dim3A : vector<512x1xi1> to vector<512x128xi1>
    %broadcast_in_dim3A_16 = vector.broadcast %jit3A : f32 to vector<512x128xf32>
    %select_n3A = arith.select %broadcast_in_dim3A_15, %add3A_14, %broadcast_in_dim3A_16 : vector<512x128xi1>, vector<512x128xf32>
    %swap3A = arith.constant 0 : index
    %swap3A_17 = arith.constant 0 : index
    %swap3A_18 = vector.load %arg7[%swap3A, %swap3A_17] : memref<512x128xf32, #tpu.memory_space<vmem>>, vector<512x128xf32>
    tpu.vector_store %arg7[%swap3A, %swap3A_17], %select_n3A {strides = array<i32>} : memref<512x128xf32, #tpu.memory_space<vmem>>, vector<512x128xf32>,
    %max3A = arith.constant 0.000000e+00 : f32
    %max3A_19 = vector.broadcast %max3A : f32 to vector<512x128xf32>
    %max3A_20 = arith.maximumf %select_n3A, %max3A_19 : vector<512x128xf32>
    %get3A_21 = arith.constant 0 : index
    %get3A_22 = arith.constant 0 : index
    %get3A_23 = vector.load %arg5[%get3A_21, %get3A_22] : memref<128x128xf32, #tpu.memory_space<vmem>>, vector<128x128xf32>
    %dot_general3A = arith.constant dense<0.000000e+00> : vector<512x128xf32>
    %dot_general3A_24 = tpu.matmul %max3A_20, %get3A_23, %dot_general3A {dimension_numbers = #tpu.dot_dimension_numbers<[1], [0], [0], [1], [0, 0, 1, 1], [], []>, transpose_lhs_hint = false} : vector<512x128xf32>, vector<128x128xf32>, vector<512x128xf32> -> vector<512x128xf32>
    %swap3A_25 = arith.constant 0 : index
    %swap3A_26 = arith.constant 0 : index
    %swap3A_27 = vector.load %arg8[%swap3A_25, %swap3A_26] : memref<512x128xf32, #tpu.memory_space<vmem>>, vector<512x128xf32>
    tpu.vector_store %arg8[%swap3A_25, %swap3A_26], %dot_general3A_24 {strides = array<i32>} : memref<512x128xf32, #tpu.memory_space<vmem>>, vector<512x128xf32>,
    %get3A_28 = arith.constant 0 : index
    %get3A_29 = arith.constant 0 : index
    %get3A_30 = vector.load %arg6[%get3A_28, %get3A_29] : memref<128x128xf32, #tpu.memory_space<vmem>>, vector<128x128xf32>
    %dot_general3A_31 = arith.constant dense<0.000000e+00> : vector<512x128xf32>
    %dot_general3A_32 = tpu.matmul %max3A_20, %get3A_30, %dot_general3A_31 {dimension_numbers = #tpu.dot_dimension_numbers<[1], [0], [0], [1], [0, 0, 1, 1], [], []>, transpose_lhs_hint = false} : vector<512x128xf32>, vector<128x128xf32>, vector<512x128xf32> -> vector<512x128xf32>
    %swap3A_33 = arith.constant 0 : index
    %swap3A_34 = arith.constant 0 : index
    %swap3A_35 = vector.load %arg9[%swap3A_33, %swap3A_34] : memref<512x128xf32, #tpu.memory_space<vmem>>, vector<512x128xf32>
    tpu.vector_store %arg9[%swap3A_33, %swap3A_34], %dot_general3A_32 {strides = array<i32>} : memref<512x128xf32, #tpu.memory_space<vmem>>, vector<512x128xf32>,
    return
  }
  func.func @transform_0(%arg0: i32) -> (i32, i32) {
    %c0_i32 = arith.constant 0 : i32
    %c0_i32_0 = arith.constant 0 : i32
    return %arg0, %c0_i32 : i32, i32
  }
  func.func @transform_1(%arg0: i32) -> (i32, i32) {
    %c0_i32 = arith.constant 0 : i32
    %c0_i32_0 = arith.constant 0 : i32
    return %arg0, %c0_i32 : i32, i32
  }
  func.func @transform_2(%arg0: i32) -> (i32, i32) {
    %c0_i32 = arith.constant 0 : i32
    %c0_i32_0 = arith.constant 0 : i32
    return %arg0, %c0_i32 : i32, i32
  }
  func.func @transform_3(%arg0: i32) -> (i32, i32) {
    %c0_i32 = arith.constant 0 : i32
    %c0_i32_0 = arith.constant 0 : i32
    %c0_i32_1 = arith.constant 0 : i32
    return %c0_i32, %c0_i32_0 : i32, i32
  }
  func.func @transform_4(%arg0: i32) -> (i32, i32) {
    %c0_i32 = arith.constant 0 : i32
    %c0_i32_0 = arith.constant 0 : i32
    %c0_i32_1 = arith.constant 0 : i32
    return %c0_i32, %c0_i32_0 : i32, i32
  }
  func.func @transform_5(%arg0: i32) -> (i32, i32) {
    %c0_i32 = arith.constant 0 : i32
    %c0_i32_0 = arith.constant 0 : i32
    %c0_i32_1 = arith.constant 0 : i32
    return %c0_i32, %c0_i32_0 : i32, i32
  }
  func.func @transform_6(%arg0: i32) -> (i32, i32) {
    %c0_i32 = arith.constant 0 : i32
    %c0_i32_0 = arith.constant 0 : i32
    return %arg0, %c0_i32 : i32, i32
  }
  func.func @transform_7(%arg0: i32) -> (i32, i32) {
    %c0_i32 = arith.constant 0 : i32
    %c0_i32_0 = arith.constant 0 : i32
    return %arg0, %c0_i32 : i32, i32
  }
  func.func @transform_8(%arg0: i32) -> (i32, i32) {
    %c0_i32 = arith.constant 0 : i32
    %c0_i32_0 = arith.constant 0 : i32
    return %arg0, %c0_i32 : i32, i32
  }
}

module attributes {stable_mosaic.version = 14 : i64} {
  func.func @_emb_edge_body(%arg0: i32, %arg1: memref<2000x128xf32, #tpu.memory_space<vmem>>, %arg2: memref<2000x128xf32, #tpu.memory_space<vmem>>) attributes {dimension_semantics = [#tpu.dimension_semantics<arbitrary>], iteration_bounds = array<i64: 160>, scalar_prefetch = 0 : i64, scratch_operands = 0 : i64, tpu.core_type = #tpu.core_type<tc>, window_params = [{transform_indices = @transform_0, window_bounds = array<i64: 2000, 128>}, {transform_indices = @transform_1, window_bounds = array<i64: 2000, 128>}]} {
    %lt3A = arith.constant 5 : i32
    %lt3A_0 = arith.cmpi slt, %arg0, %lt3A : i32
    %get3A = arith.constant 0 : index
    %get3A_1 = arith.constant 0 : index
    %get3A_2 = vector.load %arg1[%get3A, %get3A_1] : memref<2000x128xf32, #tpu.memory_space<vmem>>, vector<2000x128xf32>
    %jit3A = arith.constant 0.000000e+00 : f32
    %broadcast_in_dim3A = vector.broadcast %jit3A : f32 to vector<2000x128xf32>
    %select_n3A = arith.select %lt3A_0, %get3A_2, %broadcast_in_dim3A : vector<2000x128xf32>
    %swap3A = arith.constant 0 : index
    %swap3A_3 = arith.constant 0 : index
    %swap3A_4 = vector.load %arg2[%swap3A, %swap3A_3] : memref<2000x128xf32, #tpu.memory_space<vmem>>, vector<2000x128xf32>
    tpu.vector_store %arg2[%swap3A, %swap3A_3], %select_n3A {strides = array<i32>} : memref<2000x128xf32, #tpu.memory_space<vmem>>, vector<2000x128xf32>,
    return
  }
  func.func @transform_0(%arg0: i32) -> (i32, i32) {
    %min3A = arith.constant 4 : i32
    %min3A_0 = arith.minsi %arg0, %min3A : i32
    %c0_i32 = arith.constant 0 : i32
    %c0_i32_1 = arith.constant 0 : i32
    return %min3A_0, %c0_i32 : i32, i32
  }
  func.func @transform_1(%arg0: i32) -> (i32, i32) {
    %c0_i32 = arith.constant 0 : i32
    %c0_i32_0 = arith.constant 0 : i32
    return %arg0, %c0_i32 : i32, i32
  }
}

module attributes {stable_mosaic.version = 14 : i64} {
  func.func @_tc_d_body(%arg0: i32, %arg1: memref<2x512x128xf32, #tpu.memory_space<vmem>>, %arg2: memref<512x128xf32, #tpu.memory_space<vmem>>, %arg3: memref<512x1xf32, #tpu.memory_space<vmem>>, %arg4: memref<512x16xf32, #tpu.memory_space<vmem>>, %arg5: memref<256x32xf32, #tpu.memory_space<vmem>>, %arg6: memref<1x32xf32, #tpu.memory_space<vmem>>, %arg7: memref<32x1xf32, #tpu.memory_space<vmem>>, %arg8: memref<1x1xf32, #tpu.memory_space<vmem>>, %arg9: memref<16x1xf32, #tpu.memory_space<vmem>>, %arg10: memref<16x256xf32, #tpu.memory_space<vmem>>) attributes {dimension_semantics = [#tpu.dimension_semantics<arbitrary>], iteration_bounds = array<i64: 20>, scalar_prefetch = 0 : i64, scratch_operands = 1 : i64, tpu.core_type = #tpu.core_type<tc>, window_params = [{transform_indices = @transform_0, window_bounds = array<i64: 2, 512, 128>}, {transform_indices = @transform_1, window_bounds = array<i64: 512, 128>}, {transform_indices = @transform_2, window_bounds = array<i64: 512, 1>}, {transform_indices = @transform_3, window_bounds = array<i64: 512, 16>}, {pipeline_mode = #tpu.pipeline_mode<synchronous>, transform_indices = @transform_4, window_bounds = array<i64: 256, 32>}, {pipeline_mode = #tpu.pipeline_mode<synchronous>, transform_indices = @transform_5, window_bounds = array<i64: 1, 32>}, {pipeline_mode = #tpu.pipeline_mode<synchronous>, transform_indices = @transform_6, window_bounds = array<i64: 32, 1>}, {pipeline_mode = #tpu.pipeline_mode<synchronous>, transform_indices = @transform_7, window_bounds = array<i64: 1, 1>}, {pipeline_mode = #tpu.pipeline_mode<synchronous>, transform_indices = @transform_8, window_bounds = array<i64: 16, 1>}]} {
    %eq3A = arith.constant 0 : i32
    %eq3A_0 = arith.cmpi eq, %arg0, %eq3A : i32
    %convert_element_type3A = arith.extui %eq3A_0 : i1 to i32
    %cond3A = arith.constant 0 : i32
    %cond3A_1 = arith.cmpi ne, %convert_element_type3A, %cond3A : i32
    scf.if %cond3A_1 {
      %broadcast_in_dim3A = arith.constant 0.000000e+00 : f32
      %broadcast_in_dim3A_34 = vector.broadcast %broadcast_in_dim3A : f32 to vector<16x256xf32>
      %swap3A_35 = arith.constant 0 : index
      %swap3A_36 = arith.constant 0 : index
      %swap3A_37 = vector.load %arg10[%swap3A_35, %swap3A_36] : memref<16x256xf32, #tpu.memory_space<vmem>>, vector<16x256xf32>
      tpu.vector_store %arg10[%swap3A_35, %swap3A_36], %broadcast_in_dim3A_34 {strides = array<i32>} : memref<16x256xf32, #tpu.memory_space<vmem>>, vector<16x256xf32>,
    } else {
    }
    %get3A = arith.constant 0 : index
    %get3A_2 = arith.constant 0 : index
    %get3A_3 = vector.load %arg2[%get3A, %get3A_2] : memref<512x128xf32, #tpu.memory_space<vmem>>, vector<512x128xf32>
    %max3A = arith.constant 0.000000e+00 : f32
    %max3A_4 = vector.broadcast %max3A : f32 to vector<512x128xf32>
    %max3A_5 = arith.maximumf %get3A_3, %max3A_4 : vector<512x128xf32>
    %get3A_6 = arith.constant 0 : index
    %get3A_7 = arith.constant 0 : index
    %get3A_8 = vector.load %arg3[%get3A_6, %get3A_7] : memref<512x1xf32, #tpu.memory_space<vmem>>, vector<512x1xf32>
    %mul3A = vector.broadcast %get3A_8 : vector<512x1xf32> to vector<512x128xf32>
    %mul3A_9 = arith.mulf %max3A_5, %mul3A : vector<512x128xf32>
    %get3A_10 = arith.constant 0 : index
    %get3A_11 = arith.constant 0 : index
    %get3A_12 = vector.load %arg4[%get3A_10, %get3A_11] : memref<512x16xf32, #tpu.memory_space<vmem>>, vector<512x16xf32>
    %get3A_13 = arith.constant 0 : index
    %get3A_14 = arith.constant 0 : index
    %get3A_15 = arith.constant 0 : index
    %get3A_16 = vector.load %arg1[%get3A_13, %get3A_14, %get3A_15] : memref<2x512x128xf32, #tpu.memory_space<vmem>>, vector<2x512x128xf32>
    %transpose3A = tpu.transpose %get3A_12, [1, 0] : vector<512x16xf32> -> vector<16x512xf32>
    %slice3A = vector.extract_strided_slice %get3A_16 {offsets = [0, 0, 0], sizes = [1, 512, 128], strides = [1, 1, 1]} : vector<2x512x128xf32> to vector<1x512x128xf32>
    %squeeze3A = vector.shape_cast %slice3A : vector<1x512x128xf32> to vector<512x128xf32>
    %slice3A_17 = vector.extract_strided_slice %get3A_16 {offsets = [1, 0, 0], sizes = [1, 512, 128], strides = [1, 1, 1]} : vector<2x512x128xf32> to vector<1x512x128xf32>
    %squeeze3A_18 = vector.shape_cast %slice3A_17 : vector<1x512x128xf32> to vector<512x128xf32>
    %add3A = arith.addf %squeeze3A, %squeeze3A_18 : vector<512x128xf32>
    %dot_general3A = arith.constant dense<0.000000e+00> : vector<16x128xf32>
    %dot_general3A_19 = tpu.matmul %transpose3A, %add3A, %dot_general3A {dimension_numbers = #tpu.dot_dimension_numbers<[1], [0], [0], [1], [0, 0, 1, 1], [], []>, transpose_lhs_hint = false} : vector<16x512xf32>, vector<512x128xf32>, vector<16x128xf32> -> vector<16x128xf32>
    %transpose3A_20 = tpu.transpose %get3A_12, [1, 0] : vector<512x16xf32> -> vector<16x512xf32>
    %dot_general3A_21 = arith.constant dense<0.000000e+00> : vector<16x128xf32>
    %dot_general3A_22 = tpu.matmul %transpose3A_20, %mul3A_9, %dot_general3A_21 {dimension_numbers = #tpu.dot_dimension_numbers<[1], [0], [0], [1], [0, 0, 1, 1], [], []>, transpose_lhs_hint = false} : vector<16x512xf32>, vector<512x128xf32>, vector<16x128xf32> -> vector<16x128xf32>
    %get3A_23 = arith.constant 0 : index
    %get3A_24 = arith.constant 0 : index
    %get3A_25 = vector.load %arg10[%get3A_23, %get3A_24] : memref<16x256xf32, #tpu.memory_space<vmem>>, vector<16x256xf32>
    %concatenate3A = tpu.concatenate %dot_general3A_19, %dot_general3A_22 in 1 : vector<16x128xf32>, vector<16x128xf32> -> vector<16x256xf32>
    %add3A_26 = arith.addf %get3A_25, %concatenate3A : vector<16x256xf32>
    %swap3A = arith.constant 0 : index
    %swap3A_27 = arith.constant 0 : index
    %swap3A_28 = vector.load %arg10[%swap3A, %swap3A_27] : memref<16x256xf32, #tpu.memory_space<vmem>>, vector<16x256xf32>
    tpu.vector_store %arg10[%swap3A, %swap3A_27], %add3A_26 {strides = array<i32>} : memref<16x256xf32, #tpu.memory_space<vmem>>, vector<16x256xf32>,
    %eq3A_29 = arith.constant 19 : i32
    %eq3A_30 = arith.cmpi eq, %arg0, %eq3A_29 : i32
    %convert_element_type3A_31 = arith.extui %eq3A_30 : i1 to i32
    %cond3A_32 = arith.constant 0 : i32
    %cond3A_33 = arith.cmpi ne, %convert_element_type3A_31, %cond3A_32 : i32
    scf.if %cond3A_33 {
      %get3A_34 = arith.constant 0 : index
      %get3A_35 = arith.constant 0 : index
      %get3A_36 = vector.load %arg10[%get3A_34, %get3A_35] : memref<16x256xf32, #tpu.memory_space<vmem>>, vector<16x256xf32>
      %get3A_37 = arith.constant 0 : index
      %get3A_38 = arith.constant 0 : index
      %get3A_39 = vector.load %arg5[%get3A_37, %get3A_38] : memref<256x32xf32, #tpu.memory_space<vmem>>, vector<256x32xf32>
      %dot_general3A_40 = arith.constant dense<0.000000e+00> : vector<16x32xf32>
      %dot_general3A_41 = tpu.matmul %get3A_36, %get3A_39, %dot_general3A_40 {dimension_numbers = #tpu.dot_dimension_numbers<[1], [0], [0], [1], [0, 0, 1, 1], [], []>, transpose_lhs_hint = false} : vector<16x256xf32>, vector<256x32xf32>, vector<16x32xf32> -> vector<16x32xf32>
      %get3A_42 = arith.constant 0 : index
      %get3A_43 = arith.constant 0 : index
      %get3A_44 = vector.load %arg6[%get3A_42, %get3A_43] : memref<1x32xf32, #tpu.memory_space<vmem>>, vector<1x32xf32>
      %add3A_45 = vector.broadcast %get3A_44 : vector<1x32xf32> to vector<16x32xf32>
      %add3A_46 = arith.addf %dot_general3A_41, %add3A_45 : vector<16x32xf32>
      %max3A_47 = arith.constant 0.000000e+00 : f32
      %max3A_48 = vector.broadcast %max3A_47 : f32 to vector<16x32xf32>
      %max3A_49 = arith.maximumf %add3A_46, %max3A_48 : vector<16x32xf32>
      %get3A_50 = arith.constant 0 : index
      %get3A_51 = arith.constant 0 : index
      %get3A_52 = vector.load %arg7[%get3A_50, %get3A_51] : memref<32x1xf32, #tpu.memory_space<vmem>>, vector<32x1xf32>
      %dot_general3A_53 = arith.constant dense<0.000000e+00> : vector<16x1xf32>
      %dot_general3A_54 = tpu.matmul %max3A_49, %get3A_52, %dot_general3A_53 {dimension_numbers = #tpu.dot_dimension_numbers<[1], [0], [0], [1], [0, 0, 1, 1], [], []>, transpose_lhs_hint = false} : vector<16x32xf32>, vector<32x1xf32>, vector<16x1xf32> -> vector<16x1xf32>
      %get3A_55 = arith.constant 0 : index
      %get3A_56 = arith.constant 0 : index
      %get3A_57 = vector.load %arg8[%get3A_55, %get3A_56] : memref<1x1xf32, #tpu.memory_space<vmem>>, vector<1x1xf32>
      %add3A_58 = vector.broadcast %get3A_57 : vector<1x1xf32> to vector<16x1xf32>
      %add3A_59 = arith.addf %dot_general3A_54, %add3A_58 : vector<16x1xf32>
      %swap3A_60 = arith.constant 0 : index
      %swap3A_61 = arith.constant 0 : index
      %swap3A_62 = vector.load %arg9[%swap3A_60, %swap3A_61] : memref<16x1xf32, #tpu.memory_space<vmem>>, vector<16x1xf32>
      tpu.vector_store %arg9[%swap3A_60, %swap3A_61], %add3A_59 {strides = array<i32>} : memref<16x1xf32, #tpu.memory_space<vmem>>, vector<16x1xf32>,
    } else {
    }
    return
  }
  func.func @transform_0(%arg0: i32) -> (i32, i32, i32) {
    %c0_i32 = arith.constant 0 : i32
    %c0_i32_0 = arith.constant 0 : i32
    %c0_i32_1 = arith.constant 0 : i32
    return %c0_i32, %arg0, %c0_i32_0 : i32, i32, i32
  }
  func.func @transform_1(%arg0: i32) -> (i32, i32) {
    %c0_i32 = arith.constant 0 : i32
    %c0_i32_0 = arith.constant 0 : i32
    return %arg0, %c0_i32 : i32, i32
  }
  func.func @transform_2(%arg0: i32) -> (i32, i32) {
    %c0_i32 = arith.constant 0 : i32
    %c0_i32_0 = arith.constant 0 : i32
    return %arg0, %c0_i32 : i32, i32
  }
  func.func @transform_3(%arg0: i32) -> (i32, i32) {
    %c0_i32 = arith.constant 0 : i32
    %c0_i32_0 = arith.constant 0 : i32
    return %arg0, %c0_i32 : i32, i32
  }
  func.func @transform_4(%arg0: i32) -> (i32, i32) {
    %c0_i32 = arith.constant 0 : i32
    %c0_i32_0 = arith.constant 0 : i32
    %c0_i32_1 = arith.constant 0 : i32
    return %c0_i32, %c0_i32_0 : i32, i32
  }
  func.func @transform_5(%arg0: i32) -> (i32, i32) {
    %c0_i32 = arith.constant 0 : i32
    %c0_i32_0 = arith.constant 0 : i32
    %c0_i32_1 = arith.constant 0 : i32
    return %c0_i32, %c0_i32_0 : i32, i32
  }
  func.func @transform_6(%arg0: i32) -> (i32, i32) {
    %c0_i32 = arith.constant 0 : i32
    %c0_i32_0 = arith.constant 0 : i32
    %c0_i32_1 = arith.constant 0 : i32
    return %c0_i32, %c0_i32_0 : i32, i32
  }
  func.func @transform_7(%arg0: i32) -> (i32, i32) {
    %c0_i32 = arith.constant 0 : i32
    %c0_i32_0 = arith.constant 0 : i32
    %c0_i32_1 = arith.constant 0 : i32
    return %c0_i32, %c0_i32_0 : i32, i32
  }
  func.func @transform_8(%arg0: i32) -> (i32, i32) {
    %c0_i32 = arith.constant 0 : i32
    %c0_i32_0 = arith.constant 0 : i32
    %c0_i32_1 = arith.constant 0 : i32
    return %c0_i32, %c0_i32_0 : i32, i32
  }
}

</mosaic_0001>

<sc_bundles>
// kernel: kernel.13.cloned.1.call-start
scs
__scs_entry_jumppad:
0x0: {  	(pc) =	sbr.rel $0x88, $3  }
0x1: {  	(tag) =	ssettag $0x0;
	lr =	simm.s32 $0x1  }
0x2: {  	[smem:$0x3F8E] =	sst lr;
	_ =	strace $0xD0000000  }
0x3: {  	_ = 	snop  }
0x4: {  	_ = 	snop  }
0x5: {  	_ = 	snop  }
0x6: {  	_ = 	snop  }
0x7: {  	_ = 	snop  }
__scs_overlays_trampoline_lowered:
0x8: {  	[smem:$0x3F9D] =	sst s0  }
0x9: {  	[smem:$0x3F9E] =	sst s1  }
0xa: {  	[smem:$0x3F9F] =	sst s2  }
0xb: {  	[smem:$0x3FA0] =	sst s3  }
0xc: {  	[smem:$0x3FA1] =	sst s4  }
0xd: {  	[smem:$0x3FA2] =	sst s5  }
0xe: {  	[smem:$0x3FA3] =	sst s6  }
0xf: {  	[smem:$0x3FA4] =	sst s7  }
0x10: {  	[smem:$0x3FA5] =	sst s8  }
0x11: {  	[smem:$0x3FA6] =	sst s9;
	s0 =	simm.s32 @!p0 $0x0  }
0x12: {  	s1 =	sld [smem:$0x3F8C];
	s0 =	simm.s32 @p0 $0x1  }
0x13: {  	[smem:$0x3FA7] =	sst s0;
	s0 =	simm.s32 @!p1 $0x0  }
0x14: {  	s2 =	sld [smem:$0x3F8B];
	s0 =	simm.s32 @p1 $0x1  }
0x15: {  	[smem:$0x3FA8] =	sst s0;
	s0 =	simm.s32 @!p2 $0x0  }
0x16: {  	s3 =	sld [smem:$0x3FDB];
	s0 =	simm.s32 @p2 $0x1  }
0x17: {  	s4 =	simm.s32 $0x1BF5;
	[smem:$0x3FAA] =	sst s0  }
0x18: {  	s0 =	sld [smem:$0x3F8D];
	_ =	swait.ge [sflag:s4], $0x0  }
0x19: {  	s7 =	sld [smem:$0x3F8E]  }
0x1a: {  	s8 =	sadd.s32 $0xFFFFE003, lr  }
0x1b: {  	s9 =	sadd.s32 $0xFFFFFEF7, lr;
	s5 =	simm.s32 $0xFFFFFFFF;
	p2 =	slt.u32 s8, $0xFFFFF086  }
0x1c: {  	p1 =	slt.u32 s9, $0xF7A;
	s5 =	simm.s32 @!p2 $0x0  }
0x1d: {  	s5 =	simm.s32 @p1 $0x1;
	p0 =	seq.s32 s7, s2  }
0x1e: {  	s7 =	smul.u32 @!p0 $0xF7A, s2;
	p2 =	seq.s32 @!p0 s5, $0x0  }
0x1f: {  	s9 =	smul.u32 $0xF7A, s1;
	s8 =	simm.s32 @!p0 $0x1BF5;
	p2 =	por !p2, p0  }
0x20: {  	[sflag:s8] =	ssyncset.s32 @!p0 $0xFFFFF086;
	s6 =	sadd.s32 @!p0 s3, s7;
	s7 =	simm.s32 @!p0 $0x108  }
0x21: {  	s3 =	sadd.s32 s3, s9;
	s6 =	sadd.s32 @!p0 $0x88, s6;
	s7 =	simm.s32 @p2 $0x1082  }
0x22: {  	[simem:s7], [sflag:s8] =	dma.local @!p0 [hbm:s6], $0xF7A  }
0x23: {  	s9 =	sor.u32 $0xD0000000, s2;
	s6 =	simm.s32 $0x108;
	_ =	swait.ge @!p0 [sflag:s8], $0x0  }
0x24: {  	s3 =	sadd.s32 $0x88, s3;
	s6 =	simm.s32 @!p1 $0x1082;
	[sflag:s4] =	ssyncset.s32 $0xFFFFF086  }
0x25: {  	[simem:s6], [sflag:s4] =	dma.local [hbm:s3], $0xF7A  }
0x26: {  	[smem:$0x3F8E] =	sst s1;
	(tag) =	ssettag s2;
	_ =	strace s9  }
0x27: {  	s1 =	sld [smem:$0x3F9E]  }
0x28: {  	s2 =	sld [smem:$0x3F9F]  }
0x29: {  	s4 =	sld [smem:$0x3FA1]  }
0x2a: {  	p0 =	seq.s32 s5, $0x0;
	s5 =	sld [smem:$0x3FA2]  }
0x2b: {  	s6 =	sld [smem:$0x3FA3]  }
0x2c: {  	s7 =	sld [smem:$0x3FA4]  }
0x2d: {  	s3 =	simm.s32 $0x108;
	s8 =	sld [smem:$0x3FA5]  }
0x2e: {  	s3 =	simm.s32 @!p0 $0x1082;
	s9 =	sld [smem:$0x3FA6]  }
0x2f: {  	lr =	sadd.s32 s0, s3;
	s0 =	sld [smem:$0x3F9D]  }
0x30: {  	s3 =	sld [smem:$0x3FA0]  }
0x31: {  	[smem:$0x3FA9] =	sst s10  }
0x32: {  	s10 =	sld [smem:$0x3FA7];
	_ =	sdelay $0x3  }
0x33: {  	p0 =	seq.s32 s10, $0x1;
	s10 =	sld [smem:$0x3FA9];
	_ =	sdelay $0x3  }
0x34: {  	[smem:$0x3FA9] =	sst s10  }
0x35: {  	s10 =	sld [smem:$0x3FA8];
	_ =	sdelay $0x3  }
0x36: {  	p1 =	seq.s32 s10, $0x1;
	s10 =	sld [smem:$0x3FA9];
	_ =	sdelay $0x3  }
0x37: {  	[smem:$0x3FA9] =	sst s10  }
0x38: {  	s10 =	sld [smem:$0x3FAA]  }
0x39: {  	_ = 	snop;
	(pc) =	sbr.ind lr, $3  }
0x3a: {  	_ = 	snop  }
0x3b: {  	_ = 	snop  }
0x3c: {  	p2 =	seq.s32 s10, $0x1;
	s10 =	sld [smem:$0x3FA9]  }
0x3d: {  	_ =	shalt  }
0x3e: {  	_ =	shalt  }
0x3f: {  	_ =	shalt  }
0x40: {  	_ =	shalt  }
0x41: {  	_ =	shalt  }
0x42: {  	_ =	shalt  }
0x43: {  	_ =	shalt  }
0x44: {  	_ =	shalt  }
0x45: {  	_ =	shalt  }
0x46: {  	_ =	shalt  }
0x47: {  	_ =	shalt  }
0x48: {  	_ =	shalt  }
0x49: {  	_ =	shalt  }
0x4a: {  	_ =	shalt  }
0x4b: {  	_ =	shalt  }
0x4c: {  	_ =	shalt  }
0x4d: {  	_ =	shalt  }
0x4e: {  	_ =	shalt  }
0x4f: {  	_ =	shalt  }
0x50: {  	_ =	shalt  }
0x51: {  	_ =	shalt  }
0x52: {  	_ =	shalt  }
0x53: {  	_ =	shalt  }
0x54: {  	_ =	shalt  }
0x55: {  	_ =	shalt  }
0x56: {  	_ =	shalt  }
0x57: {  	_ =	shalt  }
0x58: {  	_ =	shalt  }
0x59: {  	_ =	shalt  }
0x5a: {  	_ =	shalt  }
0x5b: {  	_ =	shalt  }
0x5c: {  	_ =	shalt  }
0x5d: {  	_ =	shalt  }
0x5e: {  	_ =	shalt  }
0x5f: {  	_ =	shalt  }
0x60: {  	_ =	shalt  }
0x61: {  	_ =	shalt  }
0x62: {  	_ =	shalt  }
0x63: {  	_ =	shalt  }
0x64: {  	_ =	shalt  }
0x65: {  	_ =	shalt  }
0x66: {  	_ =	shalt  }
0x67: {  	_ =	shalt  }
0x68: {  	_ =	shalt  }
0x69: {  	_ =	shalt  }
0x6a: {  	_ =	shalt  }
0x6b: {  	_ =	shalt  }
0x6c: {  	_ =	shalt  }
0x6d: {  	_ =	shalt  }
0x6e: {  	_ =	shalt  }
0x6f: {  	_ =	shalt  }
0x70: {  	_ =	shalt  }
0x71: {  	_ =	shalt  }
0x72: {  	_ =	shalt  }
0x73: {  	_ =	shalt  }
0x74: {  	_ =	shalt  }
0x75: {  	_ =	shalt  }
0x76: {  	_ =	shalt  }
0x77: {  	_ =	shalt  }
0x78: {  	_ =	shalt  }
0x79: {  	_ =	shalt  }
0x7a: {  	_ =	shalt  }
0x7b: {  	_ =	shalt  }
0x7c: {  	_ =	shalt  }
0x7d: {  	_ =	shalt  }
0x7e: {  	_ =	shalt  }
0x7f: {  	_ =	shalt  }
0x80: {  	_ =	shalt  }
0x81: {  	_ =	shalt  }
0x82: {  	_ =	shalt  }
0x83: {  	_ =	shalt  }
0x84: {  	_ =	shalt  }
0x85: {  	_ =	shalt  }
0x86: {  	_ =	shalt  }
0x87: {  	_ =	shalt  }
.Lfunc_end0:
.L_simem_size_0:
called_computation.2_lowered:
.L_overlay_start_0:
0x88: {  	s2 =	sld [smem:$0x3FD9]  }
0x89: {  	s3 =	sld [smem:$0x3FFE];
	_ =	sdelay $0x1  }
0x8a: {  	s1 =	srdreg.scid  }
0x8b: {  	s0 =	sand.u32 $0x1, s1  }
0x8c: {  	s14 =	sshll.u32 s0, $0xA;
	s2 =	sadd.s32 s3, s2  }
0x8d: {  	s2 =	sadd.s32 s2, s14  }
0x8e: {  	[smem:$0x3FB5] =	sst s2  }
0x8f: {  	_ = 	snop  }
0x90: {  	s2 =	sld [smem:$0x3FD0];
	_ =	sdelay $0x2  }
0x91: {  	s15 =	simm.s32 $0xB;
	s4 =	simm.s32 $0x10  }
0x92: {  	[smem:s4], [sflag:s15] =	dma.local [hbm:s2], $0x1  }
0x93: {  	_ =	swait.eq [sflag:s15], $0x1  }
0x94: {  	[sflag:s15] =	ssyncset.done $0x0  }
0x95: {  	s16 =	sld [smem:$0x11];
	[sflag:s15] =	ssyncadd.s32 $0xFFFFFFFF  }
0x96: {  	s17 =	sld [smem:$0x12];
	(tm) =	ssettm $0x1  }
0x97: {  	s18 =	sld [smem:$0x3FFB];
	_ =	sdelay $0x3  }
0x98: {  	_ =	strace s18  }
0x99: {  	s4 =	sld [smem:$0x3FFC];
	_ =	sdelay $0x3  }
0x9a: {  	_ =	strace s4  }
0x9b: {  	s4 =	sld [smem:$0x3FFD];
	_ =	sdelay $0x3  }
0x9c: {  	_ =	strace s4  }
0x9d: {  	_ =	strace $0x8FFFFFFF  }
0x9e: {  	s19 =	sld [smem:$0x3FDB];
	_ =	sdelay $0x1  }
0x9f: {  	s5 =	simm.s32 $_scs_section_size  }
0xa0: {  	s6 =	simm.s32 $_size__tile_overlayer_lowered;
	s7 =	simm.s32 $_tile_overlayer_lowered  }
0xa1: {  	s22 =	simm.s32 $0x1BFF;
	s21 =	sshll.u32 s7, $0x1;
	s4 =	sadd.s32 s5, s19  }
0xa2: {  	s8 =	simm.s32 $0x0;
	s20 =	sshll.u32 s6, $0x1;
	s6 =	sadd.s32 s21, s4  }
0xa3: {  	[timem:s8], [sflag:s22] =	dma.local [hbm:s6], s20  }
0xa4: {  	_ =	swait.ge [sflag:s22], s20  }
0xa5: {  	s5 =	ssub.s32 $0x0, s20;
	[sflag:s22] =	ssyncset.done $0x0  }
0xa6: {  	[sflag:s22] =	ssyncadd.s32 s5;
	_ =	sdelay $0x1  }
0xa7: {  	s23 =	simm.s32 $0x1B8B  }
0xa8: {  	_ =	swait.ge [sflag:s23], $0x1  }
0xa9: {  	[sflag:s23] =	ssyncset.done $0x0  }
0xaa: {  	s25 =	simm.s32 $0x1B8E;
	s24 =	sld [smem:$0x3FFE];
	[sflag:s23] =	ssyncadd.s32 $0xFFFFFFFF  }
0xab: {  	s26 =	simm.s32 $execute0_lowered;
	[smem:$0x3FD2] =	sst s25  }
0xac: {  	s6 =	sshll.u32 s26, $0x1;
	_ =	strace $0x80000046;
	[dreg:$0x1] =	wrdreg $0xFFFFFFFF  }
0xad: {  	s28 =	simm.s32 $_size_execute0_lowered;
	s4 =	sadd.s32 s4, s6;
	[dreg:$0x0] =	wrdreg $0x0  }
0xae: {  	s6 =	sshll.u32 s28, $0x1;
	[dreg:$0x2] =	wrdreg s4  }
0xaf: {  	[dreg:$0x3] =	wrdreg s6  }
0xb0: {  	[dreg:$0x4] =	wrdreg $0xC0  }
0xb1: {  	_ =	task [dreg:s8], $0x5FFFF  }
0xb2: {  	[dreg:$0x1] =	wrdreg $0xFFFFFFFF  }
0xb3: {  	[dreg:$0x0] =	wrdreg $0x60  }
0xb4: {  	[dreg:$0x2] =	wrdreg s24  }
0xb5: {  	[dreg:$0x3] =	wrdreg s16  }
0xb6: {  	[dreg:$0x4] =	wrdreg s17  }
0xb7: {  	[dreg:$0x5] =	wrdreg $0x89800  }
0xb8: {  	[dreg:$0x6] =	wrdreg $0x1C9800  }
0xb9: {  	[dreg:$0x7] =	wrdreg $0x9  }
0xba: {  	_ =	task.clear_ibuf [dreg:s8], $0x8FFFF;
	_ =	strace $0x90000046  }
0xbb: {  	s29 =	simm.s32 $0x9;
	_ =	strace $0x80000048  }
0xbc: {  	_ =	swait.ge [sflag:s29], $0x1  }
0xbd: {  	[sflag:s29] =	ssyncadd.s32 $0xFFFFFFFF  }
0xbe: {  	_ =	strace $0x90000048  }
0xbf: {  	_ =	sfence  }
0xc0: {  	s30 =	sld [smem:$0x0];
	_ =	sdelay $0x2  }
0xc1: {  	s31 =	sshll.u32 s1, $0xD;
	s1 =	sshrl.u32 s1, $0x2  }
0xc2: {  	s3 =	sand.u32 $0x4000, s31;
	s1 =	sadd.s32 s1, s30  }
0xc3: {  	s0 =	sor.u32 s3, s0;
	s1 =	sshll.u32 s1, $0x11  }
0xc4: {  	s0 =	sor.u32 s1, s0  }
0xc5: {  	s0 =	sadd.s32 $0x8F2B, s0  }
0xc6: {  	[sflag:s0] =	ssyncadd.remote.s32 $0x1  }
0xc7: {  	_ =	sfence.sel $0xFFFF  }
0xc8: {  	[dreg:$0x0] =	wrdreg $0xFFFFFFFF;
	(pc) =	sbr.abs _section_cstart, $3  }
0xc9: {  	[dreg:$0x1] =	wrdreg $0xFFFFFFFF  }
0xca: {  	_ =	task.clear_ibuf [dreg:s8], $0x2FFFF;
	_ =	strace $0x9FFFFFFF  }
0xcb: {  	(tm) =	ssettm $0x7FFFFFFF  }
tec
execute0_lowered:
.L_overlay_start_1:
0x0: {  	(tag) =	ssettag $0x1  }
0x1: {  	s7 =	rddreg [dreg:$0x0]  }
0x2: {  	s11 =	rddreg [dreg:$0x1]  }
0x3: {  	s13 =	rddreg [dreg:$0x2]  }
0x4: {  	s1 =	rddreg [dreg:$0x3]  }
0x5: {  	s3 =	rddreg [dreg:$0x4];
	s0 =	stileid.u32  }
0x6: {  	s2 =	simm.s32 $0x0;
	s6 =	srdreg.scid;
	s19 =	smul.u32 $0x2800, s0  }
0x7: {  	[smem:$0x7FF] =	sst s2;
	s10 =	sshll.u32 s0, $0x4;
	s9 =	smul.u32 $0x280, s0  }
0x8: {  	s5 =	sshll.u32 s6, $0x8;
	s14 =	sand.u32 $0x1, s6;
	s20 =	smul.u32 $0x50000, s0  }
0x9: {  	s6 =	sadd.s32 $0x1CA00, s7;
	s25 =	sshll.u32 s0, $0x6;
	s29 =	sshll.u32 s0, $0xA  }
0xa: {  	p0 =	sgt.u32 s0, $0x9;
	_ =	strace $0x80000047;
	s8 =	sor.u32 s10, s5  }
0xb: {  	s5 =	sadd.s32 $0x44A00, s7;
	s15 =	smul.u32 $0x28000, s14;
	s16 =	ssub.s32 $0x2, s14  }
0xc: {  	s4 =	sshll.u32 s14, $0x4;
	s28 =	smul.u32 $0x500, s14;
	s22 =	sand.u32 $0x70, s10  }
0xd: {  	s10 =	sadd.s32 s29, s3;
	s14 =	sshll.u32 s14, $0xF;
	s8 =	sand.u32 $0x180, s8  }
0xe: {  	s31 =	sadd.s32 s19, s7;
	s2 =	sshrl.u32 s9, $0x3;
	s18 =	sshrl.u32 s16, $0x1  }
0xf: {  	s24 =	sshrl.u32 s20, $0x2;
	s26 =	sadd.s32 s9, s3;
	s14 =	sadd.s32 s14, s13  }
0x10: {  	s20 =	simm.s32 $0x8180;
	s12 =	sadd.s32 s8, s7;
	s17 =	sadd.s32 s2, s7  }
0x11: {  	s15 =	sadd.s32 s15, s7;
	s16 =	ssub.s32 s16, s18;
	s21 =	sadd.s32 s24, s1  }
0x12: {  	s7 =	sadd.s32 $0x94A00, s31;
	s8 =	sor.u32 $0x1C03, s25;
	s24 =	sadd.s32 s11, s28  }
0x13: {  	s25 =	sshll.u32 s0, $0x7;
	s31 =	sshll.u32 s0, $0xB;
	s18 =	sshrl.u32 s26, $0x3  }
.Ltmp0:
0x14: {  	s9 =	sadd.s32 $0xBCA00, s17;
	s23 =	sadd.s32 $0xBD000, s15;
	(pc) =	sbr.rel .LBB2_1-.Ltmp0, $4  }
0x15: {  	s11 =	smax.u32 s16, $0x1;
	s30 =	sadd.s32 s22, s12;
	s14 =	sadd.s32 s31, s14  }
0x16: {  	s15 =	sor.u32 s4, s0;
	s16 =	sshrl.u32 s21, $0x3;
	s17 =	simm.s32 $0x3  }
0x17: {  	s21 =	sadd.s32 s25, s24;
	s22 =	simm.s32 $0x8580;
	s12 =	sadd.s32 $0x12400, s30  }
0x18: {  	v0 =	vimm.f32 $1.000000000e+00;
	s13 =	sadd.s32 $0x8600, s30;
	s19 =	sadd.s32 s19, s23;
	s23 =	simm.s32 $0x0  }
.LBB2_5:
0x19: {  	s23 =	sadd.s32 $0x1, s23  }
0x1a: {  	p1 =	sne.s32 s23, s11  }
.Ltmp1:
0x1b: {  	_ = 	snop;
	(pc) =	sbr.rel @!p1 .LBB2_6-.Ltmp1, $1  }
0x1c: {  	_ =	sdelay $0x3  }
.LBB2_1:
0x1d: {  	[spmem:s16], [sflag:s8] =	dma.local [hbm:s7], $0x2800  }
0x1e: {  	_ =	swait.ge [sflag:s17], $0x2800  }
0x1f: {  	[sflag:s17] =	ssyncset.done $0x0  }
0x20: {  	[sflag:s17] =	ssyncadd.s32 $0xFFFFD800  }
0x21: {  	[spmem:s18], [sflag:s8] =	dma.local [hbm:s9], $0x50  }
0x22: {  	_ =	swait.ge [sflag:s17], $0x50  }
0x23: {  	[sflag:s17] =	ssyncset.done $0x0  }
0x24: {  	[sflag:s17] =	ssyncadd.s32 $0xFFFFFFB0  }
0x25: {  	[tilespmem:$0x8100] =	vst v0  }
0x26: {  	[tilespmem:$0x8110] =	vst v0  }
0x27: {  	[tilespmem:$0x8120] =	vst v0  }
0x28: {  	[tilespmem:$0x8130] =	vst v0  }
0x29: {  	[tilespmem:$0x8140] =	vst v0  }
0x2a: {  	[tilespmem:$0x8150] =	vst v0  }
0x2b: {  	p1 =	sgt.u32 s15, $0x9C3;
	[tilespmem:$0x8160] =	vst v0  }
0x2c: {  	s24 =	sadd.s32 @!p1 $0x0, s12;
	[tilespmem:$0x8170] =	vst v0  }
0x2d: {  	s26 =	simm.s32 @!p1 $0x0;
	s25 =	simm.s32 @!p1 $0x4;
	[bflag:$0x0] =	sbarrier.arrive $0xFFFF  }
0x2e: {  	[tilespmem:s26], [sflag:$0x4] =	stream.linear.gather @!p1 [hbm4b:s24+s26], $0x80, $0x38;
	[tilespmem:$0x1CC00] =	vst v63  }
0x2f: {  	_ =	swait.ge @!p1 [sflag:s25], $0x80;
	p1 =	por p1, p1  }
0x30: {  	[sflag:s25] =	ssyncset.done @!p1 $0x0  }
0x31: {  	s24 =	sadd.s32 @!p1 $0x0, s13;
	s28 =	simm.s32 @!p1 $0x80;
	[sflag:s25] =	ssyncadd.s32 @!p1 $0xFFFFFF80  }
0x32: {  	[tilespmem:s28], [sflag:$0x4] =	stream.linear.gather @!p1 [hbm4b:s24+s26], $0x80, $0x38;
	[tilespmem:$0x1CC00] =	vst v63  }
0x33: {  	_ =	swait.ge @!p1 [sflag:s25], $0x80  }
0x34: {  	[sflag:s25] =	ssyncset.done @!p1 $0x0  }
0x35: {  	s24 =	simm.s32 @!p1 $0x100;
	[sflag:s25] =	ssyncadd.s32 @!p1 $0xFFFFFF80  }
0x36: {  	[tilespmem:s24], [sflag:$0x1] =	stream.indirect.gather @!p1 [hbm4b:s5+s28], $0x80, s26, s28, $0xb8;
	[tilespmem:$0x1CC00] =	vst v63  }
0x37: {  	s29 =	simm.s32 @!p1 $0x4100;
	s30 =	simm.s32 @!p1 $0x1  }
0x38: {  	[tilespmem:s29], [sflag:$0x2] =	stream.indirect.gather @!p1 [hbm4b:s6+s28], $0x80, s26, s28, $0xb8;
	[tilespmem:$0x1CC00] =	vst v63  }
0x39: {  	_ =	swait.ge @!p1 [sflag:s30], $0x4000  }
0x3a: {  	[sflag:s30] =	ssyncset.done @!p1 $0x0  }
0x3b: {  	[sflag:s30] =	ssyncadd.s32 @!p1 $0xFFFFC000  }
0x3c: {  	[spmem:s1] =	stream.indirect.scatter.add.f32 @!p1 [tilespmem:s24], [sflag:$0x4], $0x80, s28, s28, $0xb8;
	[tilespmem:$0x1CC00] =	vst v63  }
0x3d: {  	_ =	swait.ge @!p1 [sflag:s25], $0x4000  }
0x3e: {  	[sflag:s25] =	ssyncset.done @!p1 $0x0  }
0x3f: {  	s24 =	simm.s32 @!p1 $0x8100;
	[sflag:s25] =	ssyncadd.s32 @!p1 $0xFFFFC000  }
0x40: {  	[spmem:s3] =	stream.indirect.scatter.add.f32 @!p1 [tilespmem:s24], [sflag:$0x4], $0x1, s28, s28, $0xb8;
	[tilespmem:$0x1CC00] =	vst v63  }
0x41: {  	_ =	swait.ge @!p1 [sflag:s25], $0x80  }
0x42: {  	[sflag:s25] =	ssyncset.done @!p1 $0x0  }
0x43: {  	s24 =	simm.s32 @!p1 $0x2;
	[sflag:s25] =	ssyncadd.s32 @!p1 $0xFFFFFF80  }
0x44: {  	_ =	swait.ge @!p1 [sflag:s24], $0x4000  }
0x45: {  	s30 =	simm.s32 @!p1 $0x3;
	s28 =	sadd.s32 $0x20, s15;
	[sflag:s24] =	ssyncset.done @!p1 $0x0  }
0x46: {  	p3 =	sgt.u32 s28, $0x9C3;
	s25 =	simm.s32 $0x200;
	[sflag:s24] =	ssyncadd.s32 @!p1 $0xFFFFC000  }
0x47: {  	[hbm4b:s14+s26] =	stream.linear.scatter @!p1 [tilespmem:s29], [sflag:$0x3], $0x4000, $0x38;
	[tilespmem:$0x1CC00] =	vst v63  }
0x48: {  	s24 =	sadd.s32 $0x10000, s14;
	s26 =	simm.s32 $0x400;
	_ =	swait.ge @!p1 [sflag:s30], $0x4000  }
.LBB2_2:
0x49: {  	s31 =	sadd.s32 @!p3 s25, s12  }
0x4a: {  	s29 =	simm.s32 @!p3 $0x0;
	[sflag:s30] =	ssyncset.done @!p1 $0x0;
	s0 =	smov.u32 s26  }
0x4b: {  	s26 =	sadd.s32 $0x200, s26;
	s2 =	simm.s32 @!p3 $0x4;
	[sflag:s30] =	ssyncadd.s32 @!p1 $0xFFFFC000  }
0x4c: {  	[tilespmem:s29], [sflag:$0x4] =	stream.linear.gather @!p3 [hbm4b:s31+s29], $0x80, $0x38;
	[tilespmem:$0x1CC00] =	vst v63  }
0x4d: {  	p2 =	sne.s32 s26, $0x9E00;
	p1 =	por p3, p3;
	_ =	swait.ge @!p3 [sflag:s2], $0x80  }
0x4e: {  	[sflag:s2] =	ssyncset.done @!p1 $0x0  }
0x4f: {  	s25 =	sadd.s32 @!p1 s25, s13;
	s30 =	simm.s32 @!p1 $0x80;
	[sflag:s2] =	ssyncadd.s32 @!p1 $0xFFFFFF80  }
0x50: {  	[tilespmem:s30], [sflag:$0x4] =	stream.linear.gather @!p1 [hbm4b:s25+s29], $0x80, $0x38;
	[tilespmem:$0x1CC00] =	vst v63  }
0x51: {  	s25 =	smov.u32 s0;
	_ =	swait.ge @!p1 [sflag:s2], $0x80  }
0x52: {  	[sflag:s2] =	ssyncset.done @!p1 $0x0  }
0x53: {  	s0 =	simm.s32 @!p1 $0x100;
	[sflag:s2] =	ssyncadd.s32 @!p1 $0xFFFFFF80  }
0x54: {  	[tilespmem:s0], [sflag:$0x1] =	stream.indirect.gather @!p1 [hbm4b:s5+s30], $0x80, s29, s30, $0xb8;
	[tilespmem:$0x1CC00] =	vst v63  }
0x55: {  	s31 =	simm.s32 @!p1 $0x4100;
	s4 =	simm.s32 @!p1 $0x1  }
0x56: {  	[tilespmem:s31], [sflag:$0x2] =	stream.indirect.gather @!p1 [hbm4b:s6+s30], $0x80, s29, s30, $0xb8;
	[tilespmem:$0x1CC00] =	vst v63  }
0x57: {  	_ =	swait.ge @!p1 [sflag:s4], $0x4000  }
0x58: {  	[sflag:s4] =	ssyncset.done @!p1 $0x0  }
0x59: {  	[sflag:s4] =	ssyncadd.s32 @!p1 $0xFFFFC000  }
0x5a: {  	[spmem:s1] =	stream.indirect.scatter.add.f32 @!p1 [tilespmem:s0], [sflag:$0x4], $0x80, s30, s30, $0xb8;
	[tilespmem:$0x1CC00] =	vst v63  }
0x5b: {  	_ =	swait.ge @!p1 [sflag:s2], $0x4000  }
0x5c: {  	[sflag:s2] =	ssyncset.done @!p1 $0x0  }
0x5d: {  	s0 =	simm.s32 @!p1 $0x8100;
	[sflag:s2] =	ssyncadd.s32 @!p1 $0xFFFFC000  }
0x5e: {  	[spmem:s3] =	stream.indirect.scatter.add.f32 @!p1 [tilespmem:s0], [sflag:$0x4], $0x1, s30, s30, $0xb8;
	[tilespmem:$0x1CC00] =	vst v63  }
0x5f: {  	_ =	swait.ge @!p1 [sflag:s2], $0x80  }
0x60: {  	[sflag:s2] =	ssyncset.done @!p1 $0x0  }
0x61: {  	s0 =	simm.s32 @!p1 $0x2;
	[sflag:s2] =	ssyncadd.s32 @!p1 $0xFFFFFF80  }
.Ltmp2:
0x62: {  	_ =	swait.ge @!p1 [sflag:s0], $0x4000;
	(pc) =	sbr.rel @p2 .LBB2_2-.Ltmp2, $4  }
0x63: {  	[sflag:s0] =	ssyncset.done @!p1 $0x0  }
0x64: {  	s28 =	sadd.s32 $0x20, s28;
	s30 =	simm.s32 @!p1 $0x3;
	[sflag:s0] =	ssyncadd.s32 @!p1 $0xFFFFC000  }
0x65: {  	[hbm4b:s24+s29] =	stream.linear.scatter @!p1 [tilespmem:s31], [sflag:$0x3], $0x4000, $0x38;
	[tilespmem:$0x1CC00] =	vst v63  }
0x66: {  	p3 =	sgt.u32 s28, $0x9C3;
	s24 =	sadd.s32 $0x10000, s24;
	_ =	swait.ge @!p1 [sflag:s30], $0x4000  }
0x67: {  	s0 =	sadd.s32 @!p3 s25, s12;
	[sflag:s30] =	ssyncset.done @!p1 $0x0  }
0x68: {  	s2 =	simm.s32 @!p3 $0x0;
	s4 =	simm.s32 @!p3 $0x4;
	[sflag:s30] =	ssyncadd.s32 @!p1 $0xFFFFC000  }
0x69: {  	[tilespmem:s2], [sflag:$0x4] =	stream.linear.gather @!p3 [hbm4b:s0+s2], $0x80, $0x38;
	[tilespmem:$0x1CC00] =	vst v63  }
0x6a: {  	p1 =	por p3, p3;
	_ =	swait.ge @!p3 [sflag:s4], $0x80  }
0x6b: {  	[sflag:s4] =	ssyncset.done @!p1 $0x0  }
0x6c: {  	s0 =	sadd.s32 @!p1 s25, s13;
	s25 =	simm.s32 @!p1 $0x80;
	[sflag:s4] =	ssyncadd.s32 @!p1 $0xFFFFFF80  }
0x6d: {  	[tilespmem:s25], [sflag:$0x4] =	stream.linear.gather @!p1 [hbm4b:s0+s2], $0x80, $0x38;
	[tilespmem:$0x1CC00] =	vst v63  }
0x6e: {  	_ =	swait.ge @!p1 [sflag:s4], $0x80  }
0x6f: {  	[sflag:s4] =	ssyncset.done @!p1 $0x0  }
0x70: {  	s0 =	simm.s32 @!p1 $0x100;
	[sflag:s4] =	ssyncadd.s32 @!p1 $0xFFFFFF80  }
0x71: {  	[tilespmem:s0], [sflag:$0x1] =	stream.indirect.gather @!p1 [hbm4b:s5+s25], $0x80, s2, s25, $0xb8;
	[tilespmem:$0x1CC00] =	vst v63  }
0x72: {  	s26 =	simm.s32 @!p1 $0x4100;
	s28 =	simm.s32 @!p1 $0x1  }
0x73: {  	[tilespmem:s26], [sflag:$0x2] =	stream.indirect.gather @!p1 [hbm4b:s6+s25], $0x80, s2, s25, $0xb8;
	[tilespmem:$0x1CC00] =	vst v63  }
0x74: {  	_ =	swait.ge @!p1 [sflag:s28], $0x4000  }
0x75: {  	[sflag:s28] =	ssyncset.done @!p1 $0x0  }
0x76: {  	[sflag:s28] =	ssyncadd.s32 @!p1 $0xFFFFC000  }
0x77: {  	[spmem:s1] =	stream.indirect.scatter.add.f32 @!p1 [tilespmem:s0], [sflag:$0x4], $0x80, s25, s25, $0xb8;
	[tilespmem:$0x1CC00] =	vst v63  }
0x78: {  	_ =	swait.ge @!p1 [sflag:s4], $0x4000  }
0x79: {  	[sflag:s4] =	ssyncset.done @!p1 $0x0  }
0x7a: {  	s0 =	simm.s32 @!p1 $0x8100;
	[sflag:s4] =	ssyncadd.s32 @!p1 $0xFFFFC000  }
0x7b: {  	[spmem:s3] =	stream.indirect.scatter.add.f32 @!p1 [tilespmem:s0], [sflag:$0x4], $0x1, s25, s25, $0xb8;
	[tilespmem:$0x1CC00] =	vst v63  }
0x7c: {  	_ =	swait.ge @!p1 [sflag:s4], $0x80  }
0x7d: {  	[sflag:s4] =	ssyncset.done @!p1 $0x0  }
0x7e: {  	s0 =	simm.s32 @!p1 $0x2;
	[sflag:s4] =	ssyncadd.s32 @!p1 $0xFFFFFF80  }
0x7f: {  	_ =	swait.ge @!p1 [sflag:s0], $0x4000  }
0x80: {  	[sflag:s0] =	ssyncset.done @!p1 $0x0  }
0x81: {  	[sflag:s0] =	ssyncadd.s32 @!p1 $0xFFFFC000;
	s0 =	simm.s32 @!p1 $0x3  }
0x82: {  	[hbm4b:s24+s2] =	stream.linear.scatter @!p1 [tilespmem:s26], [sflag:$0x3], $0x4000, $0x38;
	[tilespmem:$0x1CC00] =	vst v63  }
0x83: {  	_ =	swait.ge @!p1 [sflag:s0], $0x4000  }
0x84: {  	[sflag:s0] =	ssyncset.done @!p1 $0x0  }
0x85: {  	[sflag:s0] =	ssyncadd.s32 @!p1 $0xFFFFC000  }
.Ltmp3:
0x86: {  	[bflag:$0x0] =	sbarrier.arrive $0xFFFF;
	(pc) =	sbr.rel @p0 .LBB2_5-.Ltmp3, $4  }
0x87: {  	[hbm:s19], [sflag:s8] =	dma.local [spmem:s16], $0x2800  }
0x88: {  	_ =	swait.ge [sflag:s17], $0x2800  }
0x89: {  	[sflag:s17] =	ssyncset.done $0x0  }
0x8a: {  	[sflag:s17] =	ssyncadd.s32 $0xFFFFD800  }
0x8b: {  	[tilespmem:s20], [sflag:$0x3] =	stream.linear.gather [spmem:s10], $0x400, $0x38;
	[tilespmem:$0x1CC00] =	vst v63  }
0x8c: {  	_ =	swait.ge [sflag:s17], $0x400  }
0x8d: {  	[sflag:s17] =	ssyncset.done $0x0  }
0x8e: {  	[sflag:s17] =	ssyncadd.s32 $0xFFFFFC00  }
0x8f: {  	v1 =	vld [tilespmem:$0x8180]  }
0x90: {  	v2 =	vld [tilespmem:$0x8190]  }
0x91: {  	v3 =	vld [tilespmem:$0x81A0]  }
0x92: {  	v4 =	vld [tilespmem:$0x81B0]  }
0x93: {  	v5 =	vld [tilespmem:$0x81C0]  }
0x94: {  	v41 =	vld [tilespmem:$0x8200];
	[tilespmem:$0x8580] =	vst v1  }
0x95: {  	v1 =	vld [tilespmem:$0x81D0];
	[tilespmem:$0x8590] =	vst v2  }
0x96: {  	v2 =	vld [tilespmem:$0x81E0];
	[tilespmem:$0x85A0] =	vst v3  }
0x97: {  	v3 =	vld [tilespmem:$0x81F0];
	[tilespmem:$0x85B0] =	vst v4  }
0x98: {  	v42 =	vld [tilespmem:$0x8210];
	[tilespmem:$0x85C0] =	vst v5  }
0x99: {  	v43 =	vld [tilespmem:$0x8250];
	[tilespmem:$0x8600] =	vst v41  }
0x9a: {  	[tilespmem:$0x85D0] =	vst v1;
	v1 =	vld [tilespmem:$0x8220]  }
0x9b: {  	[tilespmem:$0x85E0] =	vst v2;
	v2 =	vld [tilespmem:$0x8230]  }
0x9c: {  	[tilespmem:$0x85F0] =	vst v3;
	v3 =	vld [tilespmem:$0x8240]  }
0x9d: {  	v44 =	vld [tilespmem:$0x8260];
	[tilespmem:$0x8610] =	vst v42  }
0x9e: {  	v45 =	vld [tilespmem:$0x82A0];
	[tilespmem:$0x8650] =	vst v43  }
0x9f: {  	[tilespmem:$0x8620] =	vst v1;
	v1 =	vld [tilespmem:$0x8270]  }
0xa0: {  	[tilespmem:$0x8630] =	vst v2;
	v2 =	vld [tilespmem:$0x8280]  }
0xa1: {  	[tilespmem:$0x8640] =	vst v3;
	v3 =	vld [tilespmem:$0x8290]  }
0xa2: {  	v46 =	vld [tilespmem:$0x82B0];
	[tilespmem:$0x8660] =	vst v44  }
0xa3: {  	v47 =	vld [tilespmem:$0x82F0];
	[tilespmem:$0x86A0] =	vst v45  }
0xa4: {  	[tilespmem:$0x8670] =	vst v1;
	v1 =	vld [tilespmem:$0x82C0]  }
0xa5: {  	[tilespmem:$0x8680] =	vst v2;
	v2 =	vld [tilespmem:$0x82D0]  }
0xa6: {  	[tilespmem:$0x8690] =	vst v3;
	v3 =	vld [tilespmem:$0x82E0]  }
0xa7: {  	v48 =	vld [tilespmem:$0x8300];
	[tilespmem:$0x86B0] =	vst v46  }
0xa8: {  	v49 =	vld [tilespmem:$0x8340];
	[tilespmem:$0x86F0] =	vst v47  }
0xa9: {  	[tilespmem:$0x86C0] =	vst v1;
	v1 =	vld [tilespmem:$0x8310]  }
0xaa: {  	[tilespmem:$0x86D0] =	vst v2;
	v2 =	vld [tilespmem:$0x8320]  }
0xab: {  	[tilespmem:$0x86E0] =	vst v3;
	v3 =	vld [tilespmem:$0x8330]  }
0xac: {  	v50 =	vld [tilespmem:$0x8350];
	[tilespmem:$0x8700] =	vst v48  }
0xad: {  	v51 =	vld [tilespmem:$0x8390];
	[tilespmem:$0x8740] =	vst v49  }
0xae: {  	[tilespmem:$0x8710] =	vst v1;
	v1 =	vld [tilespmem:$0x8360]  }
0xaf: {  	[tilespmem:$0x8720] =	vst v2;
	v2 =	vld [tilespmem:$0x8370]  }
0xb0: {  	[tilespmem:$0x8730] =	vst v3;
	v3 =	vld [tilespmem:$0x8380]  }
0xb1: {  	v52 =	vld [tilespmem:$0x83A0];
	[tilespmem:$0x8750] =	vst v50  }
0xb2: {  	v53 =	vld [tilespmem:$0x83E0];
	[tilespmem:$0x8790] =	vst v51  }
0xb3: {  	[tilespmem:$0x8760] =	vst v1;
	v1 =	vld [tilespmem:$0x83B0]  }
0xb4: {  	[tilespmem:$0x8770] =	vst v2;
	v2 =	vld [tilespmem:$0x83C0]  }
0xb5: {  	[tilespmem:$0x8780] =	vst v3;
	v3 =	vld [tilespmem:$0x83D0]  }
0xb6: {  	v54 =	vld [tilespmem:$0x83F0];
	[tilespmem:$0x87A0] =	vst v52  }
0xb7: {  	v55 =	vld [tilespmem:$0x8430];
	[tilespmem:$0x87E0] =	vst v53  }
0xb8: {  	[tilespmem:$0x87B0] =	vst v1;
	v1 =	vld [tilespmem:$0x8400]  }
0xb9: {  	[tilespmem:$0x87C0] =	vst v2;
	v2 =	vld [tilespmem:$0x8410]  }
0xba: {  	[tilespmem:$0x87D0] =	vst v3;
	v3 =	vld [tilespmem:$0x8420]  }
0xbb: {  	v56 =	vld [tilespmem:$0x8440];
	[tilespmem:$0x87F0] =	vst v54  }
0xbc: {  	v57 =	vld [tilespmem:$0x8480];
	[tilespmem:$0x8830] =	vst v55  }
0xbd: {  	[tilespmem:$0x8800] =	vst v1;
	v1 =	vld [tilespmem:$0x8450]  }
0xbe: {  	[tilespmem:$0x8810] =	vst v2;
	v2 =	vld [tilespmem:$0x8460]  }
0xbf: {  	[tilespmem:$0x8820] =	vst v3;
	v3 =	vld [tilespmem:$0x8470]  }
0xc0: {  	v58 =	vld [tilespmem:$0x8490];
	[tilespmem:$0x8840] =	vst v56  }
0xc1: {  	v59 =	vld [tilespmem:$0x84D0];
	[tilespmem:$0x8880] =	vst v57  }
0xc2: {  	[tilespmem:$0x8850] =	vst v1;
	v1 =	vld [tilespmem:$0x84A0]  }
0xc3: {  	[tilespmem:$0x8860] =	vst v2;
	v2 =	vld [tilespmem:$0x84B0]  }
0xc4: {  	[tilespmem:$0x8870] =	vst v3;
	v3 =	vld [tilespmem:$0x84C0]  }
0xc5: {  	v60 =	vld [tilespmem:$0x84E0];
	[tilespmem:$0x8890] =	vst v58  }
0xc6: {  	v61 =	vld [tilespmem:$0x8520];
	[tilespmem:$0x88D0] =	vst v59  }
0xc7: {  	[tilespmem:$0x88A0] =	vst v1;
	v1 =	vld [tilespmem:$0x84F0]  }
0xc8: {  	[tilespmem:$0x88B0] =	vst v2;
	v2 =	vld [tilespmem:$0x8500]  }
0xc9: {  	[tilespmem:$0x88C0] =	vst v3;
	v3 =	vld [tilespmem:$0x8510]  }
0xca: {  	v62 =	vld [tilespmem:$0x8530];
	[tilespmem:$0x88E0] =	vst v60  }
0xcb: {  	v63 =	vld [tilespmem:$0x8570];
	[tilespmem:$0x8920] =	vst v61  }
0xcc: {  	[tilespmem:$0x88F0] =	vst v1;
	v1 =	vld [tilespmem:$0x8540]  }
0xcd: {  	[tilespmem:$0x8900] =	vst v2;
	v2 =	vld [tilespmem:$0x8550]  }
0xce: {  	[tilespmem:$0x8910] =	vst v3;
	v3 =	vld [tilespmem:$0x8560]  }
0xcf: {  	[tilespmem:$0x8930] =	vst v62  }
0xd0: {  	[tilespmem:$0x8970] =	vst v63  }
0xd1: {  	[tilespmem:$0x8940] =	vst v1  }
0xd2: {  	[tilespmem:$0x8950] =	vst v2  }
.Ltmp4:
0xd3: {  	s0 =	simm.s32 $0x0;
	[tilespmem:$0x8960] =	vst v3;
	(pc) =	sbr.rel .LBB2_5-.Ltmp4, $4  }
0xd4: {  	[hbm4b:s21+s0] =	stream.linear.scatter [tilespmem:s22], [sflag:$0x3], $0x400, $0x38;
	[tilespmem:$0x1CC00] =	vst v63  }
0xd5: {  	_ =	swait.ge [sflag:s17], $0x400  }
0xd6: {  	[sflag:s17] =	ssyncset.done $0x0  }
0xd7: {  	[sflag:s17] =	ssyncadd.s32 $0xFFFFFC00  }
.LBB2_6:
0xd8: {  	_ =	sfence.sel $0x180000  }
0xd9: {  	[bflag:$0x0] =	sbarrier.arrive $0xFFFF  }
0xda: {  	_ =	strace $0x90000047  }
0xdb: {  	s0 =	stileid.u32;
	[bflag:$0x2] =	sbarrier.arrive $0xFFFF  }
0xdc: {  	p0 =	sne.s32 s0, $0x0;
	s0 =	rddreg [dreg:$0x5]  }
0xdd: {  	s0 =	sadd.s32 @!p0 $0x100000, s0  }
0xde: {  	[sflag:s0] =	ssyncadd.tile.s32 @!p0 $0x1;
	_ =	shalt  }
.Lfunc_end2:
_tile_overlayer_lowered:
.L_overlay_start_2:
0xdf: {  	(tag) =	ssettag $0x2  }
0xe0: {  	s0 =	rddreg [dreg:$0x0];
	s2 =	stileid.u32  }
0xe1: {  	s1 =	rddreg [dreg:$0x1];
	p0 =	sne.s32 s2, $0x0  }
0xe2: {  	s3 =	rddreg [dreg:$0x2];
	[bflag:$0x3] =	sbarrier.arrive $0xFFFF;
	s2 =	simm.s32 @!p0 $0x1C03  }
0xe3: {  	[timem:s3], [sflag:s2] =	dma.local @!p0 [hbm:s0], s1  }
0xe4: {  	s0 =	simm.s32 @!p0 $0x3  }
0xe5: {  	_ =	swait.ge @!p0 [sflag:s0], s1  }
0xe6: {  	s1 =	ssub.s32 @!p0 $0x0, s1;
	[sflag:s0] =	ssyncset.done @!p0 $0x0  }
0xe7: {  	[sflag:s0] =	ssyncadd.s32 @!p0 s1  }
0xe8: {  	[bflag:$0x3] =	sbarrier.arrive $0xFFFF  }
0xe9: {  	_ =	shalt  }

// kernel: kernel.16.cloned.1.call-start
scs
__scs_entry_jumppad:
0x0: {  	(pc) =	sbr.rel $0x88, $3  }
0x1: {  	(tag) =	ssettag $0x0;
	lr =	simm.s32 $0x1  }
0x2: {  	[smem:$0x3F8E] =	sst lr;
	_ =	strace $0xD0000000  }
0x3: {  	_ = 	snop  }
0x4: {  	_ = 	snop  }
0x5: {  	_ = 	snop  }
0x6: {  	_ = 	snop  }
0x7: {  	_ = 	snop  }
__scs_overlays_trampoline_lowered:
0x8: {  	[smem:$0x3F9D] =	sst s0  }
0x9: {  	[smem:$0x3F9E] =	sst s1  }
0xa: {  	[smem:$0x3F9F] =	sst s2  }
0xb: {  	[smem:$0x3FA0] =	sst s3  }
0xc: {  	[smem:$0x3FA1] =	sst s4  }
0xd: {  	[smem:$0x3FA2] =	sst s5  }
0xe: {  	[smem:$0x3FA3] =	sst s6  }
0xf: {  	[smem:$0x3FA4] =	sst s7  }
0x10: {  	[smem:$0x3FA5] =	sst s8  }
0x11: {  	[smem:$0x3FA6] =	sst s9;
	s0 =	simm.s32 @!p0 $0x0  }
0x12: {  	s1 =	sld [smem:$0x3F8C];
	s0 =	simm.s32 @p0 $0x1  }
0x13: {  	[smem:$0x3FA7] =	sst s0;
	s0 =	simm.s32 @!p1 $0x0  }
0x14: {  	s2 =	sld [smem:$0x3F8B];
	s0 =	simm.s32 @p1 $0x1  }
0x15: {  	[smem:$0x3FA8] =	sst s0;
	s0 =	simm.s32 @!p2 $0x0  }
0x16: {  	s3 =	sld [smem:$0x3FDB];
	s0 =	simm.s32 @p2 $0x1  }
0x17: {  	s4 =	simm.s32 $0x1BF5;
	[smem:$0x3FAA] =	sst s0  }
0x18: {  	s0 =	sld [smem:$0x3F8D];
	_ =	swait.ge [sflag:s4], $0x0  }
0x19: {  	s7 =	sld [smem:$0x3F8E]  }
0x1a: {  	s8 =	sadd.s32 $0xFFFFE003, lr  }
0x1b: {  	s9 =	sadd.s32 $0xFFFFFEF7, lr;
	s5 =	simm.s32 $0xFFFFFFFF;
	p2 =	slt.u32 s8, $0xFFFFF086  }
0x1c: {  	p1 =	slt.u32 s9, $0xF7A;
	s5 =	simm.s32 @!p2 $0x0  }
0x1d: {  	s5 =	simm.s32 @p1 $0x1;
	p0 =	seq.s32 s7, s2  }
0x1e: {  	s7 =	smul.u32 @!p0 $0xF7A, s2;
	p2 =	seq.s32 @!p0 s5, $0x0  }
0x1f: {  	s9 =	smul.u32 $0xF7A, s1;
	s8 =	simm.s32 @!p0 $0x1BF5;
	p2 =	por !p2, p0  }
0x20: {  	[sflag:s8] =	ssyncset.s32 @!p0 $0xFFFFF086;
	s6 =	sadd.s32 @!p0 s3, s7;
	s7 =	simm.s32 @!p0 $0x108  }
0x21: {  	s3 =	sadd.s32 s3, s9;
	s6 =	sadd.s32 @!p0 $0x88, s6;
	s7 =	simm.s32 @p2 $0x1082  }
0x22: {  	[simem:s7], [sflag:s8] =	dma.local @!p0 [hbm:s6], $0xF7A  }
0x23: {  	s9 =	sor.u32 $0xD0000000, s2;
	s6 =	simm.s32 $0x108;
	_ =	swait.ge @!p0 [sflag:s8], $0x0  }
0x24: {  	s3 =	sadd.s32 $0x88, s3;
	s6 =	simm.s32 @!p1 $0x1082;
	[sflag:s4] =	ssyncset.s32 $0xFFFFF086  }
0x25: {  	[simem:s6], [sflag:s4] =	dma.local [hbm:s3], $0xF7A  }
0x26: {  	[smem:$0x3F8E] =	sst s1;
	(tag) =	ssettag s2;
	_ =	strace s9  }
0x27: {  	s1 =	sld [smem:$0x3F9E]  }
0x28: {  	s2 =	sld [smem:$0x3F9F]  }
0x29: {  	s4 =	sld [smem:$0x3FA1]  }
0x2a: {  	p0 =	seq.s32 s5, $0x0;
	s5 =	sld [smem:$0x3FA2]  }
0x2b: {  	s6 =	sld [smem:$0x3FA3]  }
0x2c: {  	s7 =	sld [smem:$0x3FA4]  }
0x2d: {  	s3 =	simm.s32 $0x108;
	s8 =	sld [smem:$0x3FA5]  }
0x2e: {  	s3 =	simm.s32 @!p0 $0x1082;
	s9 =	sld [smem:$0x3FA6]  }
0x2f: {  	lr =	sadd.s32 s0, s3;
	s0 =	sld [smem:$0x3F9D]  }
0x30: {  	s3 =	sld [smem:$0x3FA0]  }
0x31: {  	[smem:$0x3FA9] =	sst s10  }
0x32: {  	s10 =	sld [smem:$0x3FA7];
	_ =	sdelay $0x3  }
0x33: {  	p0 =	seq.s32 s10, $0x1;
	s10 =	sld [smem:$0x3FA9];
	_ =	sdelay $0x3  }
0x34: {  	[smem:$0x3FA9] =	sst s10  }
0x35: {  	s10 =	sld [smem:$0x3FA8];
	_ =	sdelay $0x3  }
0x36: {  	p1 =	seq.s32 s10, $0x1;
	s10 =	sld [smem:$0x3FA9];
	_ =	sdelay $0x3  }
0x37: {  	[smem:$0x3FA9] =	sst s10  }
0x38: {  	s10 =	sld [smem:$0x3FAA]  }
0x39: {  	_ = 	snop;
	(pc) =	sbr.ind lr, $3  }
0x3a: {  	_ = 	snop  }
0x3b: {  	_ = 	snop  }
0x3c: {  	p2 =	seq.s32 s10, $0x1;
	s10 =	sld [smem:$0x3FA9]  }
0x3d: {  	_ =	shalt  }
0x3e: {  	_ =	shalt  }
0x3f: {  	_ =	shalt  }
0x40: {  	_ =	shalt  }
0x41: {  	_ =	shalt  }
0x42: {  	_ =	shalt  }
0x43: {  	_ =	shalt  }
0x44: {  	_ =	shalt  }
0x45: {  	_ =	shalt  }
0x46: {  	_ =	shalt  }
0x47: {  	_ =	shalt  }
0x48: {  	_ =	shalt  }
0x49: {  	_ =	shalt  }
0x4a: {  	_ =	shalt  }
0x4b: {  	_ =	shalt  }
0x4c: {  	_ =	shalt  }
0x4d: {  	_ =	shalt  }
0x4e: {  	_ =	shalt  }
0x4f: {  	_ =	shalt  }
0x50: {  	_ =	shalt  }
0x51: {  	_ =	shalt  }
0x52: {  	_ =	shalt  }
0x53: {  	_ =	shalt  }
0x54: {  	_ =	shalt  }
0x55: {  	_ =	shalt  }
0x56: {  	_ =	shalt  }
0x57: {  	_ =	shalt  }
0x58: {  	_ =	shalt  }
0x59: {  	_ =	shalt  }
0x5a: {  	_ =	shalt  }
0x5b: {  	_ =	shalt  }
0x5c: {  	_ =	shalt  }
0x5d: {  	_ =	shalt  }
0x5e: {  	_ =	shalt  }
0x5f: {  	_ =	shalt  }
0x60: {  	_ =	shalt  }
0x61: {  	_ =	shalt  }
0x62: {  	_ =	shalt  }
0x63: {  	_ =	shalt  }
0x64: {  	_ =	shalt  }
0x65: {  	_ =	shalt  }
0x66: {  	_ =	shalt  }
0x67: {  	_ =	shalt  }
0x68: {  	_ =	shalt  }
0x69: {  	_ =	shalt  }
0x6a: {  	_ =	shalt  }
0x6b: {  	_ =	shalt  }
0x6c: {  	_ =	shalt  }
0x6d: {  	_ =	shalt  }
0x6e: {  	_ =	shalt  }
0x6f: {  	_ =	shalt  }
0x70: {  	_ =	shalt  }
0x71: {  	_ =	shalt  }
0x72: {  	_ =	shalt  }
0x73: {  	_ =	shalt  }
0x74: {  	_ =	shalt  }
0x75: {  	_ =	shalt  }
0x76: {  	_ =	shalt  }
0x77: {  	_ =	shalt  }
0x78: {  	_ =	shalt  }
0x79: {  	_ =	shalt  }
0x7a: {  	_ =	shalt  }
0x7b: {  	_ =	shalt  }
0x7c: {  	_ =	shalt  }
0x7d: {  	_ =	shalt  }
0x7e: {  	_ =	shalt  }
0x7f: {  	_ =	shalt  }
0x80: {  	_ =	shalt  }
0x81: {  	_ =	shalt  }
0x82: {  	_ =	shalt  }
0x83: {  	_ =	shalt  }
0x84: {  	_ =	shalt  }
0x85: {  	_ =	shalt  }
0x86: {  	_ =	shalt  }
0x87: {  	_ =	shalt  }
.Lfunc_end0:
.L_simem_size_0:
called_computation.3_lowered:
.L_overlay_start_0:
0x88: {  	s2 =	sld [smem:$0x3FD9]  }
0x89: {  	s3 =	sld [smem:$0x3FFE];
	_ =	sdelay $0x1  }
0x8a: {  	s1 =	srdreg.scid  }
0x8b: {  	s0 =	sand.u32 $0x1, s1  }
0x8c: {  	s17 =	sshll.u32 s0, $0xA;
	s2 =	sadd.s32 s3, s2  }
0x8d: {  	s2 =	sadd.s32 s2, s17  }
0x8e: {  	[smem:$0x3FB5] =	sst s2  }
0x8f: {  	_ = 	snop  }
0x90: {  	(tm) =	ssettm $0x1  }
0x91: {  	s18 =	sld [smem:$0x3FFB];
	_ =	sdelay $0x3  }
0x92: {  	_ =	strace s18  }
0x93: {  	s2 =	sld [smem:$0x3FFC];
	_ =	sdelay $0x3  }
0x94: {  	_ =	strace s2  }
0x95: {  	s2 =	sld [smem:$0x3FFD];
	_ =	sdelay $0x3  }
0x96: {  	_ =	strace s2  }
0x97: {  	_ =	strace $0x8FFFFFFF  }
0x98: {  	s19 =	sld [smem:$0x3FDB];
	_ =	sdelay $0x1  }
0x99: {  	s20 =	simm.s32 $_scs_section_size  }
0x9a: {  	s4 =	simm.s32 $_size__tile_overlayer_lowered;
	s5 =	simm.s32 $_tile_overlayer_lowered  }
0x9b: {  	s6 =	simm.s32 $0x1BFF;
	s21 =	sshll.u32 s5, $0x1;
	s3 =	sadd.s32 s20, s19  }
0x9c: {  	s22 =	simm.s32 $0x0;
	s4 =	sshll.u32 s4, $0x1;
	s5 =	sadd.s32 s21, s3  }
0x9d: {  	[timem:s22], [sflag:s6] =	dma.local [hbm:s5], s4  }
0x9e: {  	_ =	swait.ge [sflag:s6], s4  }
0x9f: {  	s4 =	ssub.s32 $0x0, s4;
	[sflag:s6] =	ssyncset.done $0x0  }
0xa0: {  	[sflag:s6] =	ssyncadd.s32 s4;
	_ =	sdelay $0x1  }
0xa1: {  	s23 =	simm.s32 $0x1B8B  }
0xa2: {  	_ =	swait.ge [sflag:s23], $0x1  }
0xa3: {  	[sflag:s23] =	ssyncset.done $0x0  }
0xa4: {  	[sflag:s23] =	ssyncadd.s32 $0xFFFFFFFF  }
0xa5: {  	s4 =	sld [smem:$0x0]  }
0xa6: {  	s5 =	sand.u32 $0xFFFFFFFE, s1  }
0xa7: {  	p0 =	sne.s32 s1, s5  }
0xa8: {  	s5 =	sshll.u32 @p0 s5, $0xE  }
0xa9: {  	s5 =	sadd.s32 @p0 $0x11B8D, s5;
	s6 =	sshll.u32 @p0 s4, $0x11  }
0xaa: {  	s5 =	sor.u32 @p0 s6, s5  }
0xab: {  	[sflag:s5] =	ssyncadd.remote.s32 @p0 $0x1;
	_ =	sdelay $0x1  }
0xac: {  	s5 =	simm.s32 @p0 $0x1B8D  }
0xad: {  	_ =	swait.eq @p0 [sflag:s5], $0x1  }
0xae: {  	[sflag:s5] =	ssyncadd.s32 @p0 $0xFFFFFFFF  }
0xaf: {  	s6 =	sshll.u32 @!p0 s1, $0xE  }
0xb0: {  	s6 =	sor.u32 @!p0 $0x4000, s6;
	s5 =	simm.s32 @!p0 $0x1B8D  }
0xb1: {  	s4 =	sshll.u32 @!p0 s4, $0x11;
	s6 =	sadd.s32 @!p0 $0x11B8D, s6;
	_ =	swait.eq @!p0 [sflag:s5], $0x1  }
0xb2: {  	s4 =	sor.u32 @!p0 s4, s6;
	[sflag:s5] =	ssyncadd.s32 @!p0 $0xFFFFFFFF  }
0xb3: {  	s25 =	simm.s32 $0x1B8E;
	s24 =	sld [smem:$0x3FFE];
	[sflag:s4] =	ssyncadd.remote.s32 @!p0 $0x1  }
0xb4: {  	s26 =	simm.s32 $execute0_lowered;
	[smem:$0x3FD2] =	sst s25  }
0xb5: {  	s5 =	sshll.u32 s26, $0x1;
	_ =	strace $0x80000052;
	[dreg:$0x1] =	wrdreg $0xFFFFFFFF  }
0xb6: {  	s28 =	simm.s32 $_size_execute0_lowered;
	s3 =	sadd.s32 s3, s5;
	[dreg:$0x0] =	wrdreg $0x0  }
0xb7: {  	s5 =	sshll.u32 s28, $0x1;
	[dreg:$0x2] =	wrdreg s3  }
0xb8: {  	[dreg:$0x3] =	wrdreg s5  }
0xb9: {  	[dreg:$0x4] =	wrdreg $0xC0  }
0xba: {  	_ =	task [dreg:s22], $0x5FFFF  }
0xbb: {  	[dreg:$0x1] =	wrdreg $0xFFFFFFFF  }
0xbc: {  	[dreg:$0x0] =	wrdreg $0x60  }
0xbd: {  	[dreg:$0x2] =	wrdreg s24  }
0xbe: {  	[dreg:$0x3] =	wrdreg $0x82000  }
0xbf: {  	[dreg:$0x4] =	wrdreg $0xA  }
0xc0: {  	_ =	task.clear_ibuf [dreg:s22], $0x5FFFF;
	_ =	strace $0x90000052  }
0xc1: {  	s29 =	simm.s32 $0xA;
	_ =	strace $0x80000054  }
0xc2: {  	_ =	swait.ge [sflag:s29], $0x1  }
0xc3: {  	[sflag:s29] =	ssyncadd.s32 $0xFFFFFFFF  }
0xc4: {  	_ =	strace $0x90000054  }
0xc5: {  	_ =	sfence  }
0xc6: {  	s30 =	sld [smem:$0x0];
	_ =	sdelay $0x2  }
0xc7: {  	s31 =	sshll.u32 s1, $0xD;
	s1 =	sshrl.u32 s1, $0x2  }
0xc8: {  	s4 =	sand.u32 $0x4000, s31;
	s1 =	sadd.s32 s1, s30  }
0xc9: {  	s0 =	sor.u32 s4, s0;
	s1 =	sshll.u32 s1, $0x11  }
0xca: {  	s0 =	sor.u32 s1, s0  }
0xcb: {  	s0 =	sadd.s32 $0x8F2B, s0  }
0xcc: {  	[sflag:s0] =	ssyncadd.remote.s32 $0x1  }
0xcd: {  	_ =	sfence.sel $0xFFFF  }
0xce: {  	[dreg:$0x0] =	wrdreg $0xFFFFFFFF;
	(pc) =	sbr.abs _section_cstart, $3  }
0xcf: {  	[dreg:$0x1] =	wrdreg $0xFFFFFFFF  }
0xd0: {  	_ =	task.clear_ibuf [dreg:s22], $0x2FFFF;
	_ =	strace $0x9FFFFFFF  }
0xd1: {  	(tm) =	ssettm $0x7FFFFFFF  }
tec
execute0_lowered:
.L_overlay_start_1:
0x0: {  	(tag) =	ssettag $0x1  }
0x1: {  	s5 =	rddreg [dreg:$0x0]  }
0x2: {  	s2 =	rddreg [dreg:$0x1]  }
0x3: {  	s0 =	rddreg [dreg:$0x2]  }
0x4: {  	s3 =	simm.s32 $0x0;
	s1 =	stileid.u32;
	s4 =	srdreg.scid  }
0x5: {  	[smem:$0x7FF] =	sst s3;
	s7 =	sshll.u32 s1, $0x5;
	s6 =	sshll.u32 s4, $0x9  }
0x6: {  	s13 =	smul.u32 $0x2800, s1;
	s8 =	sand.u32 $0x1, s4;
	s4 =	sadd.s32 $0x44A00, s5  }
0x7: {  	s11 =	smul.u32 $0x50000, s1;
	s29 =	sshll.u32 s1, $0x6;
	_ =	strace $0x80000053  }
0x8: {  	s6 =	sor.u32 s7, s6;
	s9 =	smul.u32 $0x28000, s8;
	s10 =	ssub.s32 $0x2, s8  }
0x9: {  	s26 =	sshll.u32 s8, $0x4;
	s30 =	sand.u32 $0x60, s7;
	s6 =	sand.u32 $0x380, s6  }
0xa: {  	s24 =	sadd.s32 s13, s5;
	s14 =	sshrl.u32 s10, $0x1;
	s25 =	sshrl.u32 s11, $0x2  }
0xb: {  	s12 =	sadd.s32 s6, s5;
	s9 =	sadd.s32 s9, s5;
	s10 =	ssub.s32 s10, s14  }
0xc: {  	s28 =	sadd.s32 s25, s2;
	s5 =	sadd.s32 $0x94A00, s24;
	s6 =	sor.u32 $0x1C02, s29  }
0xd: {  	s15 =	sadd.s32 $0xBD000, s9;
	s7 =	smax.u32 s10, $0x1;
	s31 =	sadd.s32 s30, s12  }
0xe: {  	s10 =	sor.u32 s26, s1;
	s11 =	sshrl.u32 s28, $0x3;
	s12 =	simm.s32 $0x2  }
0xf: {  	s8 =	sadd.s32 $0x12400, s31;
	s9 =	sadd.s32 $0x8600, s31;
	s13 =	sadd.s32 s13, s15  }
.LBB2_1:
0x10: {  	[spmem:s11], [sflag:s6] =	dma.local [hbm:s5], $0x2800  }
0x11: {  	_ =	swait.ge [sflag:s12], $0x2800  }
0x12: {  	p0 =	sgt.u32 s10, $0x4E1;
	[sflag:s12] =	ssyncset.done $0x0  }
0x13: {  	s14 =	sadd.s32 @!p0 $0x0, s8;
	[sflag:s12] =	ssyncadd.s32 $0xFFFFD800  }
0x14: {  	s15 =	simm.s32 @!p0 $0x0;
	s16 =	simm.s32 @!p0 $0x3;
	[bflag:$0x0] =	sbarrier.arrive $0xFFFF  }
0x15: {  	[tilespmem:s15], [sflag:$0x3] =	stream.linear.gather @!p0 [hbm4b:s14+s15], $0x100, $0x38;
	[tilespmem:$0x1C200] =	vst v63  }
0x16: {  	_ =	swait.ge @!p0 [sflag:s16], $0x100;
	p0 =	por p0, p0  }
0x17: {  	[sflag:s16] =	ssyncset.done @!p0 $0x0  }
0x18: {  	s14 =	sadd.s32 @!p0 $0x0, s9;
	s17 =	simm.s32 @!p0 $0x100;
	[sflag:s16] =	ssyncadd.s32 @!p0 $0xFFFFFF00  }
0x19: {  	[tilespmem:s17], [sflag:$0x3] =	stream.linear.gather @!p0 [hbm4b:s14+s15], $0x100, $0x38;
	[tilespmem:$0x1C200] =	vst v63  }
0x1a: {  	_ =	swait.ge @!p0 [sflag:s16], $0x100  }
0x1b: {  	[sflag:s16] =	ssyncset.done @!p0 $0x0  }
0x1c: {  	s18 =	simm.s32 @!p0 $0x200;
	s14 =	simm.s32 @!p0 $0x80;
	[sflag:s16] =	ssyncadd.s32 @!p0 $0xFFFFFF00  }
0x1d: {  	[tilespmem:s18], [sflag:$0x1] =	stream.indirect.gather @!p0 [hbm4b:s4+s14], $0x80, s15, s14, $0xb8;
	[tilespmem:$0x1C200] =	vst v63  }
0x1e: {  	s19 =	simm.s32 @!p0 $0x1;
	s15 =	simm.s32 @!p0 $0x4200  }
0x1f: {  	[tilespmem:s15], [sflag:$0x1] =	stream.indirect.gather @!p0 [hbm4b:s4+s14], $0x80, s14, s14, $0xb8;
	[tilespmem:$0x1C200] =	vst v63  }
0x20: {  	_ =	swait.ge @!p0 [sflag:s19], $0x4000  }
0x21: {  	[sflag:s19] =	ssyncset.done @!p0 $0x0  }
0x22: {  	[sflag:s19] =	ssyncadd.s32 @!p0 $0xFFFFC000  }
0x23: {  	_ =	swait.ge @!p0 [sflag:s19], $0x4000  }
0x24: {  	[sflag:s19] =	ssyncset.done @!p0 $0x0  }
0x25: {  	[sflag:s19] =	ssyncadd.s32 @!p0 $0xFFFFC000  }
0x26: {  	[spmem:s2] =	stream.indirect.scatter.add.f32 @!p0 [tilespmem:s18], [sflag:$0x3], $0x80, s17, s14, $0xb8;
	[tilespmem:$0x1C200] =	vst v63  }
0x27: {  	_ =	swait.ge @!p0 [sflag:s16], $0x4000  }
0x28: {  	[sflag:s16] =	ssyncset.done @!p0 $0x0  }
0x29: {  	[sflag:s16] =	ssyncadd.s32 @!p0 $0xFFFFC000;
	s16 =	simm.s32 @!p0 $0x180  }
0x2a: {  	[spmem:s2] =	stream.indirect.scatter.add.f32 @!p0 [tilespmem:s15], [sflag:$0x2], $0x80, s16, s14, $0xb8;
	[tilespmem:$0x1C200] =	vst v63  }
0x2b: {  	s17 =	simm.s32 @!p0 $0x2;
	s14 =	simm.s32 $0x400;
	s15 =	sadd.s32 $0x20, s10  }
0x2c: {  	s16 =	simm.s32 $0x800;
	p2 =	sgt.u32 s15, $0x4E1;
	_ =	swait.ge @!p0 [sflag:s17], $0x4000  }
.LBB2_2:
0x2d: {  	s18 =	sadd.s32 @!p2 s14, s8  }
0x2e: {  	s19 =	simm.s32 @!p2 $0x0;
	[sflag:s17] =	ssyncset.done @!p0 $0x0;
	s20 =	smov.u32 s16  }
0x2f: {  	s16 =	sadd.s32 $0x400, s16;
	s21 =	simm.s32 @!p2 $0x3;
	[sflag:s17] =	ssyncadd.s32 @!p0 $0xFFFFC000  }
0x30: {  	[tilespmem:s19], [sflag:$0x3] =	stream.linear.gather @!p2 [hbm4b:s18+s19], $0x100, $0x38;
	[tilespmem:$0x1C200] =	vst v63  }
0x31: {  	p1 =	sne.s32 s16, $0xA000;
	p0 =	por p2, p2;
	_ =	swait.ge @!p2 [sflag:s21], $0x100  }
0x32: {  	[sflag:s21] =	ssyncset.done @!p0 $0x0  }
0x33: {  	s14 =	sadd.s32 @!p0 s14, s9;
	s17 =	simm.s32 @!p0 $0x100;
	[sflag:s21] =	ssyncadd.s32 @!p0 $0xFFFFFF00  }
0x34: {  	[tilespmem:s17], [sflag:$0x3] =	stream.linear.gather @!p0 [hbm4b:s14+s19], $0x100, $0x38;
	[tilespmem:$0x1C200] =	vst v63  }
0x35: {  	s14 =	smov.u32 s20;
	_ =	swait.ge @!p0 [sflag:s21], $0x100  }
0x36: {  	[sflag:s21] =	ssyncset.done @!p0 $0x0  }
0x37: {  	s18 =	simm.s32 @!p0 $0x80;
	s20 =	simm.s32 @!p0 $0x200;
	[sflag:s21] =	ssyncadd.s32 @!p0 $0xFFFFFF00  }
0x38: {  	[tilespmem:s20], [sflag:$0x1] =	stream.indirect.gather @!p0 [hbm4b:s4+s18], $0x80, s19, s18, $0xb8;
	[tilespmem:$0x1C200] =	vst v63  }
0x39: {  	s22 =	simm.s32 @!p0 $0x1;
	s19 =	simm.s32 @!p0 $0x4200  }
0x3a: {  	[tilespmem:s19], [sflag:$0x1] =	stream.indirect.gather @!p0 [hbm4b:s4+s18], $0x80, s18, s18, $0xb8;
	[tilespmem:$0x1C200] =	vst v63  }
0x3b: {  	_ =	swait.ge @!p0 [sflag:s22], $0x4000  }
0x3c: {  	[sflag:s22] =	ssyncset.done @!p0 $0x0  }
0x3d: {  	[sflag:s22] =	ssyncadd.s32 @!p0 $0xFFFFC000  }
0x3e: {  	_ =	swait.ge @!p0 [sflag:s22], $0x4000  }
0x3f: {  	[sflag:s22] =	ssyncset.done @!p0 $0x0  }
0x40: {  	[sflag:s22] =	ssyncadd.s32 @!p0 $0xFFFFC000  }
0x41: {  	[spmem:s2] =	stream.indirect.scatter.add.f32 @!p0 [tilespmem:s20], [sflag:$0x3], $0x80, s17, s18, $0xb8;
	[tilespmem:$0x1C200] =	vst v63  }
.Ltmp0:
0x42: {  	_ =	swait.ge @!p0 [sflag:s21], $0x4000;
	(pc) =	sbr.rel @p1 .LBB2_2-.Ltmp0, $4  }
0x43: {  	s15 =	sadd.s32 $0x20, s15;
	[sflag:s21] =	ssyncset.done @!p0 $0x0  }
0x44: {  	s20 =	simm.s32 @!p0 $0x180;
	s17 =	simm.s32 @!p0 $0x2;
	[sflag:s21] =	ssyncadd.s32 @!p0 $0xFFFFC000  }
0x45: {  	[spmem:s2] =	stream.indirect.scatter.add.f32 @!p0 [tilespmem:s19], [sflag:$0x2], $0x80, s20, s18, $0xb8;
	[tilespmem:$0x1C200] =	vst v63  }
0x46: {  	p2 =	sgt.u32 s15, $0x4E1;
	_ =	swait.ge @!p0 [sflag:s17], $0x4000  }
0x47: {  	s15 =	sadd.s32 @!p2 s14, s8;
	[sflag:s17] =	ssyncset.done @!p0 $0x0  }
0x48: {  	s16 =	simm.s32 @!p2 $0x0;
	s18 =	simm.s32 @!p2 $0x3;
	[sflag:s17] =	ssyncadd.s32 @!p0 $0xFFFFC000  }
0x49: {  	[tilespmem:s16], [sflag:$0x3] =	stream.linear.gather @!p2 [hbm4b:s15+s16], $0x100, $0x38;
	[tilespmem:$0x1C200] =	vst v63  }
0x4a: {  	p0 =	por p2, p2;
	_ =	swait.ge @!p2 [sflag:s18], $0x100  }
0x4b: {  	[sflag:s18] =	ssyncset.done @!p0 $0x0  }
0x4c: {  	s14 =	sadd.s32 @!p0 s14, s9;
	s15 =	simm.s32 @!p0 $0x100;
	[sflag:s18] =	ssyncadd.s32 @!p0 $0xFFFFFF00  }
0x4d: {  	[tilespmem:s15], [sflag:$0x3] =	stream.linear.gather @!p0 [hbm4b:s14+s16], $0x100, $0x38;
	[tilespmem:$0x1C200] =	vst v63  }
0x4e: {  	_ =	swait.ge @!p0 [sflag:s18], $0x100  }
0x4f: {  	[sflag:s18] =	ssyncset.done @!p0 $0x0  }
0x50: {  	s17 =	simm.s32 @!p0 $0x200;
	s14 =	simm.s32 @!p0 $0x80;
	[sflag:s18] =	ssyncadd.s32 @!p0 $0xFFFFFF00  }
0x51: {  	[tilespmem:s17], [sflag:$0x1] =	stream.indirect.gather @!p0 [hbm4b:s4+s14], $0x80, s16, s14, $0xb8;
	[tilespmem:$0x1C200] =	vst v63  }
0x52: {  	s19 =	simm.s32 @!p0 $0x1;
	s16 =	simm.s32 @!p0 $0x4200  }
0x53: {  	[tilespmem:s16], [sflag:$0x1] =	stream.indirect.gather @!p0 [hbm4b:s4+s14], $0x80, s14, s14, $0xb8;
	[tilespmem:$0x1C200] =	vst v63  }
0x54: {  	_ =	swait.ge @!p0 [sflag:s19], $0x4000  }
0x55: {  	[sflag:s19] =	ssyncset.done @!p0 $0x0  }
0x56: {  	[sflag:s19] =	ssyncadd.s32 @!p0 $0xFFFFC000  }
0x57: {  	_ =	swait.ge @!p0 [sflag:s19], $0x4000  }
0x58: {  	[sflag:s19] =	ssyncset.done @!p0 $0x0  }
0x59: {  	[sflag:s19] =	ssyncadd.s32 @!p0 $0xFFFFC000  }
0x5a: {  	[spmem:s2] =	stream.indirect.scatter.add.f32 @!p0 [tilespmem:s17], [sflag:$0x3], $0x80, s15, s14, $0xb8;
	[tilespmem:$0x1C200] =	vst v63  }
0x5b: {  	_ =	swait.ge @!p0 [sflag:s18], $0x4000  }
0x5c: {  	[sflag:s18] =	ssyncset.done @!p0 $0x0  }
0x5d: {  	s15 =	simm.s32 @!p0 $0x180;
	s17 =	simm.s32 @!p0 $0x2;
	[sflag:s18] =	ssyncadd.s32 @!p0 $0xFFFFC000  }
0x5e: {  	[spmem:s2] =	stream.indirect.scatter.add.f32 @!p0 [tilespmem:s16], [sflag:$0x2], $0x80, s15, s14, $0xb8;
	[tilespmem:$0x1C200] =	vst v63  }
0x5f: {  	_ =	swait.ge @!p0 [sflag:s17], $0x4000  }
0x60: {  	s3 =	sadd.s32 $0x1, s3;
	[sflag:s17] =	ssyncset.done @!p0 $0x0  }
0x61: {  	[sflag:s17] =	ssyncadd.s32 @!p0 $0xFFFFC000;
	p0 =	sne.s32 s3, s7  }
.Ltmp1:
0x62: {  	[bflag:$0x0] =	sbarrier.arrive $0xFFFF;
	(pc) =	sbr.rel @p0 .LBB2_1-.Ltmp1, $4  }
0x63: {  	[hbm:s13], [sflag:s6] =	dma.local [spmem:s11], $0x2800  }
0x64: {  	_ =	swait.ge [sflag:s12], $0x2800  }
0x65: {  	[sflag:s12] =	ssyncset.done $0x0  }
0x66: {  	[sflag:s12] =	ssyncadd.s32 $0xFFFFD800  }
0x67: {  	_ =	sfence.sel $0x180000  }
0x68: {  	[bflag:$0x0] =	sbarrier.arrive $0xFFFF  }
0x69: {  	p0 =	sne.s32 s1, $0x0;
	_ =	strace $0x90000053  }
0x6a: {  	s0 =	sadd.s32 @!p0 $0x100000, s0;
	[bflag:$0x2] =	sbarrier.arrive $0xFFFF  }
0x6b: {  	[sflag:s0] =	ssyncadd.tile.s32 @!p0 $0x1;
	_ =	shalt  }
.Lfunc_end2:
_tile_overlayer_lowered:
.L_overlay_start_2:
0x6c: {  	(tag) =	ssettag $0x2  }
0x6d: {  	s0 =	rddreg [dreg:$0x0];
	s2 =	stileid.u32  }
0x6e: {  	s1 =	rddreg [dreg:$0x1];
	p0 =	sne.s32 s2, $0x0  }
0x6f: {  	s3 =	rddreg [dreg:$0x2];
	[bflag:$0x3] =	sbarrier.arrive $0xFFFF;
	s2 =	simm.s32 @!p0 $0x1C02  }
0x70: {  	[timem:s3], [sflag:s2] =	dma.local @!p0 [hbm:s0], s1  }
0x71: {  	s0 =	simm.s32 @!p0 $0x2  }
0x72: {  	_ =	swait.ge @!p0 [sflag:s0], s1  }
0x73: {  	s1 =	ssub.s32 @!p0 $0x0, s1;
	[sflag:s0] =	ssyncset.done @!p0 $0x0  }
0x74: {  	[sflag:s0] =	ssyncadd.s32 @!p0 s1  }
0x75: {  	[bflag:$0x3] =	sbarrier.arrive $0xFFFF  }
0x76: {  	_ =	shalt  }

// kernel: kernel.19.cloned.1.call-start
scs
__scs_entry_jumppad:
0x0: {  	(pc) =	sbr.rel $0x88, $3  }
0x1: {  	(tag) =	ssettag $0x0;
	lr =	simm.s32 $0x1  }
0x2: {  	[smem:$0x3F8E] =	sst lr;
	_ =	strace $0xD0000000  }
0x3: {  	_ = 	snop  }
0x4: {  	_ = 	snop  }
0x5: {  	_ = 	snop  }
0x6: {  	_ = 	snop  }
0x7: {  	_ = 	snop  }
__scs_overlays_trampoline_lowered:
0x8: {  	[smem:$0x3F9D] =	sst s0  }
0x9: {  	[smem:$0x3F9E] =	sst s1  }
0xa: {  	[smem:$0x3F9F] =	sst s2  }
0xb: {  	[smem:$0x3FA0] =	sst s3  }
0xc: {  	[smem:$0x3FA1] =	sst s4  }
0xd: {  	[smem:$0x3FA2] =	sst s5  }
0xe: {  	[smem:$0x3FA3] =	sst s6  }
0xf: {  	[smem:$0x3FA4] =	sst s7  }
0x10: {  	[smem:$0x3FA5] =	sst s8  }
0x11: {  	[smem:$0x3FA6] =	sst s9;
	s0 =	simm.s32 @!p0 $0x0  }
0x12: {  	s1 =	sld [smem:$0x3F8C];
	s0 =	simm.s32 @p0 $0x1  }
0x13: {  	[smem:$0x3FA7] =	sst s0;
	s0 =	simm.s32 @!p1 $0x0  }
0x14: {  	s2 =	sld [smem:$0x3F8B];
	s0 =	simm.s32 @p1 $0x1  }
0x15: {  	[smem:$0x3FA8] =	sst s0;
	s0 =	simm.s32 @!p2 $0x0  }
0x16: {  	s3 =	sld [smem:$0x3FDB];
	s0 =	simm.s32 @p2 $0x1  }
0x17: {  	s4 =	simm.s32 $0x1BF5;
	[smem:$0x3FAA] =	sst s0  }
0x18: {  	s0 =	sld [smem:$0x3F8D];
	_ =	swait.ge [sflag:s4], $0x0  }
0x19: {  	s7 =	sld [smem:$0x3F8E]  }
0x1a: {  	s8 =	sadd.s32 $0xFFFFE003, lr  }
0x1b: {  	s9 =	sadd.s32 $0xFFFFFEF7, lr;
	s5 =	simm.s32 $0xFFFFFFFF;
	p2 =	slt.u32 s8, $0xFFFFF086  }
0x1c: {  	p1 =	slt.u32 s9, $0xF7A;
	s5 =	simm.s32 @!p2 $0x0  }
0x1d: {  	s5 =	simm.s32 @p1 $0x1;
	p0 =	seq.s32 s7, s2  }
0x1e: {  	s7 =	smul.u32 @!p0 $0xF7A, s2;
	p2 =	seq.s32 @!p0 s5, $0x0  }
0x1f: {  	s9 =	smul.u32 $0xF7A, s1;
	s8 =	simm.s32 @!p0 $0x1BF5;
	p2 =	por !p2, p0  }
0x20: {  	[sflag:s8] =	ssyncset.s32 @!p0 $0xFFFFF086;
	s6 =	sadd.s32 @!p0 s3, s7;
	s7 =	simm.s32 @!p0 $0x108  }
0x21: {  	s3 =	sadd.s32 s3, s9;
	s6 =	sadd.s32 @!p0 $0x88, s6;
	s7 =	simm.s32 @p2 $0x1082  }
0x22: {  	[simem:s7], [sflag:s8] =	dma.local @!p0 [hbm:s6], $0xF7A  }
0x23: {  	s9 =	sor.u32 $0xD0000000, s2;
	s6 =	simm.s32 $0x108;
	_ =	swait.ge @!p0 [sflag:s8], $0x0  }
0x24: {  	s3 =	sadd.s32 $0x88, s3;
	s6 =	simm.s32 @!p1 $0x1082;
	[sflag:s4] =	ssyncset.s32 $0xFFFFF086  }
0x25: {  	[simem:s6], [sflag:s4] =	dma.local [hbm:s3], $0xF7A  }
0x26: {  	[smem:$0x3F8E] =	sst s1;
	(tag) =	ssettag s2;
	_ =	strace s9  }
0x27: {  	s1 =	sld [smem:$0x3F9E]  }
0x28: {  	s2 =	sld [smem:$0x3F9F]  }
0x29: {  	s4 =	sld [smem:$0x3FA1]  }
0x2a: {  	p0 =	seq.s32 s5, $0x0;
	s5 =	sld [smem:$0x3FA2]  }
0x2b: {  	s6 =	sld [smem:$0x3FA3]  }
0x2c: {  	s7 =	sld [smem:$0x3FA4]  }
0x2d: {  	s3 =	simm.s32 $0x108;
	s8 =	sld [smem:$0x3FA5]  }
0x2e: {  	s3 =	simm.s32 @!p0 $0x1082;
	s9 =	sld [smem:$0x3FA6]  }
0x2f: {  	lr =	sadd.s32 s0, s3;
	s0 =	sld [smem:$0x3F9D]  }
0x30: {  	s3 =	sld [smem:$0x3FA0]  }
0x31: {  	[smem:$0x3FA9] =	sst s10  }
0x32: {  	s10 =	sld [smem:$0x3FA7];
	_ =	sdelay $0x3  }
0x33: {  	p0 =	seq.s32 s10, $0x1;
	s10 =	sld [smem:$0x3FA9];
	_ =	sdelay $0x3  }
0x34: {  	[smem:$0x3FA9] =	sst s10  }
0x35: {  	s10 =	sld [smem:$0x3FA8];
	_ =	sdelay $0x3  }
0x36: {  	p1 =	seq.s32 s10, $0x1;
	s10 =	sld [smem:$0x3FA9];
	_ =	sdelay $0x3  }
0x37: {  	[smem:$0x3FA9] =	sst s10  }
0x38: {  	s10 =	sld [smem:$0x3FAA]  }
0x39: {  	_ = 	snop;
	(pc) =	sbr.ind lr, $3  }
0x3a: {  	_ = 	snop  }
0x3b: {  	_ = 	snop  }
0x3c: {  	p2 =	seq.s32 s10, $0x1;
	s10 =	sld [smem:$0x3FA9]  }
0x3d: {  	_ =	shalt  }
0x3e: {  	_ =	shalt  }
0x3f: {  	_ =	shalt  }
0x40: {  	_ =	shalt  }
0x41: {  	_ =	shalt  }
0x42: {  	_ =	shalt  }
0x43: {  	_ =	shalt  }
0x44: {  	_ =	shalt  }
0x45: {  	_ =	shalt  }
0x46: {  	_ =	shalt  }
0x47: {  	_ =	shalt  }
0x48: {  	_ =	shalt  }
0x49: {  	_ =	shalt  }
0x4a: {  	_ =	shalt  }
0x4b: {  	_ =	shalt  }
0x4c: {  	_ =	shalt  }
0x4d: {  	_ =	shalt  }
0x4e: {  	_ =	shalt  }
0x4f: {  	_ =	shalt  }
0x50: {  	_ =	shalt  }
0x51: {  	_ =	shalt  }
0x52: {  	_ =	shalt  }
0x53: {  	_ =	shalt  }
0x54: {  	_ =	shalt  }
0x55: {  	_ =	shalt  }
0x56: {  	_ =	shalt  }
0x57: {  	_ =	shalt  }
0x58: {  	_ =	shalt  }
0x59: {  	_ =	shalt  }
0x5a: {  	_ =	shalt  }
0x5b: {  	_ =	shalt  }
0x5c: {  	_ =	shalt  }
0x5d: {  	_ =	shalt  }
0x5e: {  	_ =	shalt  }
0x5f: {  	_ =	shalt  }
0x60: {  	_ =	shalt  }
0x61: {  	_ =	shalt  }
0x62: {  	_ =	shalt  }
0x63: {  	_ =	shalt  }
0x64: {  	_ =	shalt  }
0x65: {  	_ =	shalt  }
0x66: {  	_ =	shalt  }
0x67: {  	_ =	shalt  }
0x68: {  	_ =	shalt  }
0x69: {  	_ =	shalt  }
0x6a: {  	_ =	shalt  }
0x6b: {  	_ =	shalt  }
0x6c: {  	_ =	shalt  }
0x6d: {  	_ =	shalt  }
0x6e: {  	_ =	shalt  }
0x6f: {  	_ =	shalt  }
0x70: {  	_ =	shalt  }
0x71: {  	_ =	shalt  }
0x72: {  	_ =	shalt  }
0x73: {  	_ =	shalt  }
0x74: {  	_ =	shalt  }
0x75: {  	_ =	shalt  }
0x76: {  	_ =	shalt  }
0x77: {  	_ =	shalt  }
0x78: {  	_ =	shalt  }
0x79: {  	_ =	shalt  }
0x7a: {  	_ =	shalt  }
0x7b: {  	_ =	shalt  }
0x7c: {  	_ =	shalt  }
0x7d: {  	_ =	shalt  }
0x7e: {  	_ =	shalt  }
0x7f: {  	_ =	shalt  }
0x80: {  	_ =	shalt  }
0x81: {  	_ =	shalt  }
0x82: {  	_ =	shalt  }
0x83: {  	_ =	shalt  }
0x84: {  	_ =	shalt  }
0x85: {  	_ =	shalt  }
0x86: {  	_ =	shalt  }
0x87: {  	_ =	shalt  }
.Lfunc_end0:
.L_simem_size_0:
called_computation.4_lowered:
.L_overlay_start_0:
0x88: {  	s2 =	sld [smem:$0x3FD9]  }
0x89: {  	s3 =	sld [smem:$0x3FFE];
	_ =	sdelay $0x1  }
0x8a: {  	s1 =	srdreg.scid  }
0x8b: {  	s0 =	sand.u32 $0x1, s1  }
0x8c: {  	s14 =	sshll.u32 s0, $0xA;
	s2 =	sadd.s32 s3, s2  }
0x8d: {  	s2 =	sadd.s32 s2, s14  }
0x8e: {  	[smem:$0x3FB5] =	sst s2  }
0x8f: {  	_ = 	snop  }
0x90: {  	s2 =	sld [smem:$0x3FD0];
	_ =	sdelay $0x2  }
0x91: {  	s15 =	simm.s32 $0xB;
	s4 =	simm.s32 $0x10  }
0x92: {  	[smem:s4], [sflag:s15] =	dma.local [hbm:s2], $0x1  }
0x93: {  	_ =	swait.eq [sflag:s15], $0x1  }
0x94: {  	[sflag:s15] =	ssyncset.done $0x0  }
0x95: {  	[sflag:s15] =	ssyncadd.s32 $0xFFFFFFFF  }
0x96: {  	s16 =	sld [smem:$0x12];
	(tm) =	ssettm $0x1  }
0x97: {  	s17 =	sld [smem:$0x3FFB];
	_ =	sdelay $0x3  }
0x98: {  	_ =	strace s17  }
0x99: {  	s3 =	sld [smem:$0x3FFC];
	_ =	sdelay $0x3  }
0x9a: {  	_ =	strace s3  }
0x9b: {  	s3 =	sld [smem:$0x3FFD];
	_ =	sdelay $0x3  }
0x9c: {  	_ =	strace s3  }
0x9d: {  	_ =	strace $0x8FFFFFFF  }
0x9e: {  	s18 =	sld [smem:$0x3FDB];
	_ =	sdelay $0x1  }
0x9f: {  	s19 =	simm.s32 $_scs_section_size  }
0xa0: {  	s5 =	simm.s32 $_size__tile_overlayer_lowered;
	s6 =	simm.s32 $_tile_overlayer_lowered  }
0xa1: {  	s22 =	simm.s32 $0x1BFF;
	s21 =	sshll.u32 s6, $0x1;
	s3 =	sadd.s32 s19, s18  }
0xa2: {  	s7 =	simm.s32 $0x0;
	s20 =	sshll.u32 s5, $0x1;
	s5 =	sadd.s32 s21, s3  }
0xa3: {  	[timem:s7], [sflag:s22] =	dma.local [hbm:s5], s20  }
0xa4: {  	_ =	swait.ge [sflag:s22], s20  }
0xa5: {  	s4 =	ssub.s32 $0x0, s20;
	[sflag:s22] =	ssyncset.done $0x0  }
0xa6: {  	[sflag:s22] =	ssyncadd.s32 s4;
	_ =	sdelay $0x1  }
0xa7: {  	s23 =	simm.s32 $0x1B8B  }
0xa8: {  	_ =	swait.ge [sflag:s23], $0x1  }
0xa9: {  	[sflag:s23] =	ssyncset.done $0x0  }
0xaa: {  	s25 =	simm.s32 $0x1B8E;
	s24 =	sld [smem:$0x3FFE];
	[sflag:s23] =	ssyncadd.s32 $0xFFFFFFFF  }
0xab: {  	s26 =	simm.s32 $execute0_lowered;
	[smem:$0x3FD2] =	sst s25  }
0xac: {  	s5 =	sshll.u32 s26, $0x1;
	_ =	strace $0x8000004F;
	[dreg:$0x1] =	wrdreg $0xFFFFFFFF  }
0xad: {  	s28 =	simm.s32 $_size_execute0_lowered;
	s3 =	sadd.s32 s3, s5;
	[dreg:$0x0] =	wrdreg $0x0  }
0xae: {  	s5 =	sshll.u32 s28, $0x1;
	[dreg:$0x2] =	wrdreg s3  }
0xaf: {  	[dreg:$0x3] =	wrdreg s5  }
0xb0: {  	[dreg:$0x4] =	wrdreg $0xC0  }
0xb1: {  	_ =	task [dreg:s7], $0x5FFFF  }
0xb2: {  	[dreg:$0x1] =	wrdreg $0xFFFFFFFF  }
0xb3: {  	[dreg:$0x0] =	wrdreg $0x60  }
0xb4: {  	[dreg:$0x2] =	wrdreg s24  }
0xb5: {  	[dreg:$0x3] =	wrdreg s16  }
0xb6: {  	[dreg:$0x4] =	wrdreg $0x9  }
0xb7: {  	_ =	task.clear_ibuf [dreg:s7], $0x5FFFF;
	_ =	strace $0x9000004F  }
0xb8: {  	s29 =	simm.s32 $0x9;
	_ =	strace $0x80000051  }
0xb9: {  	_ =	swait.ge [sflag:s29], $0x1  }
0xba: {  	[sflag:s29] =	ssyncadd.s32 $0xFFFFFFFF  }
0xbb: {  	_ =	strace $0x90000051  }
0xbc: {  	_ =	sfence  }
0xbd: {  	s30 =	sld [smem:$0x0];
	_ =	sdelay $0x2  }
0xbe: {  	s31 =	sshll.u32 s1, $0xD;
	s1 =	sshrl.u32 s1, $0x2  }
0xbf: {  	s3 =	sand.u32 $0x4000, s31;
	s1 =	sadd.s32 s1, s30  }
0xc0: {  	s0 =	sor.u32 s3, s0;
	s1 =	sshll.u32 s1, $0x11  }
0xc1: {  	s0 =	sor.u32 s1, s0  }
0xc2: {  	s0 =	sadd.s32 $0x8F2B, s0  }
0xc3: {  	[sflag:s0] =	ssyncadd.remote.s32 $0x1  }
0xc4: {  	_ =	sfence.sel $0xFFFF  }
0xc5: {  	[dreg:$0x0] =	wrdreg $0xFFFFFFFF;
	(pc) =	sbr.abs _section_cstart, $3  }
0xc6: {  	[dreg:$0x1] =	wrdreg $0xFFFFFFFF  }
0xc7: {  	_ =	task.clear_ibuf [dreg:s7], $0x2FFFF;
	_ =	strace $0x9FFFFFFF  }
0xc8: {  	(tm) =	ssettm $0x7FFFFFFF  }
0xc9: {  	_ =	shalt  }
tec
execute0_lowered:
.L_overlay_start_1:
0x0: {  	(tag) =	ssettag $0x1  }
0x1: {  	s3 =	rddreg [dreg:$0x0]  }
0x2: {  	s5 =	rddreg [dreg:$0x1]  }
0x3: {  	s4 =	srdreg.scid;
	s1 =	stileid.u32  }
0x4: {  	s0 =	rddreg [dreg:$0x2];
	s2 =	simm.s32 $0x0;
	s6 =	sshll.u32 s1, $0x6  }
0x5: {  	s7 =	sshll.u32 s4, $0xA;
	s8 =	sand.u32 $0x1, s4;
	[smem:$0x7FF] =	sst s2  }
0x6: {  	s31 =	sshll.u32 s1, $0xD;
	s7 =	sor.u32 s6, s7;
	s28 =	ssub.s32 $0x2, s8  }
0x7: {  	_ =	strace $0x80000050;
	s30 =	sshll.u32 s8, $0x4;
	s6 =	sand.u32 $0x40, s6  }
0x8: {  	s8 =	sshll.u32 s8, $0x11;
	s26 =	sand.u32 $0x780, s7;
	s29 =	sshrl.u32 s28, $0x1  }
0x9: {  	s8 =	sadd.s32 s8, s5;
	s7 =	sor.u32 s30, s1;
	s9 =	sadd.s32 s26, s3  }
0xa: {  	s3 =	sadd.s32 $0x6CA00, s3;
	s4 =	ssub.s32 s28, s29;
	s6 =	sadd.s32 s6, s9  }
0xb: {  	s4 =	smax.u32 s4, $0x1;
	s5 =	sadd.s32 $0x12400, s6;
	s6 =	sadd.s32 s31, s8  }
.LBB2_1:
0xc: {  	p0 =	sgt.u32 s7, $0x270  }
0xd: {  	s9 =	simm.s32 @!p0 $0x0;
	s10 =	simm.s32 @!p0 $0x3  }
0xe: {  	[tilespmem:s9], [sflag:$0x3] =	stream.linear.gather @!p0 [hbm4b:s5+s9], $0x200, $0x38;
	[tilespmem:$0x10200] =	vst v63  }
0xf: {  	_ =	swait.ge @!p0 [sflag:s10], $0x200  }
0x10: {  	[sflag:s10] =	ssyncset.done @!p0 $0x0;
	p0 =	por p0, p0  }
0x11: {  	[sflag:s10] =	ssyncadd.s32 @!p0 $0xFFFFFE00;
	s8 =	simm.s32 @!p0 $0x80;
	s11 =	simm.s32 @!p0 $0x200  }
0x12: {  	[tilespmem:s11], [sflag:$0x1] =	stream.indirect.gather @!p0 [hbm4b:s3+s8], $0x80, s9, s8, $0xb8;
	[tilespmem:$0x10200] =	vst v63  }
0x13: {  	s12 =	simm.s32 @!p0 $0x4200  }
0x14: {  	[tilespmem:s12], [sflag:$0x1] =	stream.indirect.gather @!p0 [hbm4b:s3+s8], $0x80, s8, s8, $0xb8;
	[tilespmem:$0x10200] =	vst v63  }
0x15: {  	s13 =	simm.s32 @!p0 $0x100;
	s14 =	simm.s32 @!p0 $0x8200  }
0x16: {  	[tilespmem:s14], [sflag:$0x1] =	stream.indirect.gather @!p0 [hbm4b:s3+s8], $0x80, s13, s8, $0xb8;
	[tilespmem:$0x10200] =	vst v63  }
0x17: {  	s15 =	simm.s32 @!p0 $0xC200;
	s16 =	simm.s32 @!p0 $0x1;
	s13 =	simm.s32 @!p0 $0x180  }
0x18: {  	[tilespmem:s15], [sflag:$0x1] =	stream.indirect.gather @!p0 [hbm4b:s3+s8], $0x80, s13, s8, $0xb8;
	[tilespmem:$0x10200] =	vst v63  }
0x19: {  	_ =	swait.ge @!p0 [sflag:s16], $0x4000  }
0x1a: {  	[sflag:s16] =	ssyncset.done @!p0 $0x0  }
0x1b: {  	[sflag:s16] =	ssyncadd.s32 @!p0 $0xFFFFC000  }
0x1c: {  	_ =	swait.ge @!p0 [sflag:s16], $0x4000  }
0x1d: {  	[sflag:s16] =	ssyncset.done @!p0 $0x0  }
0x1e: {  	[sflag:s16] =	ssyncadd.s32 @!p0 $0xFFFFC000  }
0x1f: {  	_ =	swait.ge @!p0 [sflag:s16], $0x4000  }
0x20: {  	[sflag:s16] =	ssyncset.done @!p0 $0x0  }
0x21: {  	[sflag:s16] =	ssyncadd.s32 @!p0 $0xFFFFC000  }
0x22: {  	_ =	swait.ge @!p0 [sflag:s16], $0x4000  }
0x23: {  	[sflag:s16] =	ssyncset.done @!p0 $0x0  }
0x24: {  	s13 =	sadd.s32 @!p0 $0x0, s6;
	[sflag:s16] =	ssyncadd.s32 @!p0 $0xFFFFC000  }
0x25: {  	[hbm4b:s13+s9] =	stream.linear.scatter @!p0 [tilespmem:s11], [sflag:$0x3], $0x4000, $0x38;
	[tilespmem:$0x10200] =	vst v63  }
0x26: {  	_ =	swait.ge @!p0 [sflag:s10], $0x4000  }
0x27: {  	[sflag:s10] =	ssyncset.done @!p0 $0x0  }
0x28: {  	s8 =	sadd.s32 @!p0 $0x800, s13;
	[sflag:s10] =	ssyncadd.s32 @!p0 $0xFFFFC000  }
0x29: {  	[hbm4b:s8+s9] =	stream.linear.scatter @!p0 [tilespmem:s12], [sflag:$0x3], $0x4000, $0x38;
	[tilespmem:$0x10200] =	vst v63  }
0x2a: {  	_ =	swait.ge @!p0 [sflag:s10], $0x4000  }
0x2b: {  	[sflag:s10] =	ssyncset.done @!p0 $0x0  }
0x2c: {  	s8 =	sadd.s32 @!p0 $0x1000, s13;
	[sflag:s10] =	ssyncadd.s32 @!p0 $0xFFFFC000  }
0x2d: {  	[hbm4b:s8+s9] =	stream.linear.scatter @!p0 [tilespmem:s14], [sflag:$0x3], $0x4000, $0x38;
	[tilespmem:$0x10200] =	vst v63  }
0x2e: {  	_ =	swait.ge @!p0 [sflag:s10], $0x4000  }
0x2f: {  	s11 =	sadd.s32 @!p0 $0x1800, s13;
	[sflag:s10] =	ssyncset.done @!p0 $0x0  }
0x30: {  	s8 =	simm.s32 $0x40000;
	s14 =	simm.s32 @!p0 $0x2;
	[sflag:s10] =	ssyncadd.s32 @!p0 $0xFFFFC000  }
0x31: {  	[hbm4b:s11+s9] =	stream.linear.scatter @!p0 [tilespmem:s15], [sflag:$0x2], $0x4000, $0x38;
	[tilespmem:$0x10200] =	vst v63  }
0x32: {  	s10 =	sadd.s32 $0x800, s5;
	s11 =	sadd.s32 $0x20, s7;
	_ =	swait.ge @!p0 [sflag:s14], $0x4000  }
0x33: {  	s9 =	simm.s32 $0x80000;
	p2 =	sgt.u32 s11, $0x270;
	[sflag:s14] =	ssyncset.done @!p0 $0x0  }
.LBB2_2:
0x34: {  	s12 =	simm.s32 @!p2 $0x0;
	s13 =	simm.s32 @!p2 $0x3;
	[sflag:s14] =	ssyncadd.s32 @!p0 $0xFFFFC000  }
0x35: {  	[tilespmem:s12], [sflag:$0x3] =	stream.linear.gather @!p2 [hbm4b:s10+s12], $0x200, $0x38;
	[tilespmem:$0x10200] =	vst v63  }
0x36: {  	s14 =	smov.u32 s9;
	s9 =	sadd.s32 $0x40000, s9;
	_ =	swait.ge @!p2 [sflag:s13], $0x200  }
0x37: {  	p0 =	por p2, p2;
	p1 =	sne.s32 s9, $0x500000;
	[sflag:s13] =	ssyncset.done @!p2 $0x0  }
0x38: {  	s15 =	simm.s32 @!p0 $0x80;
	s16 =	simm.s32 @!p0 $0x200;
	[sflag:s13] =	ssyncadd.s32 @!p0 $0xFFFFFE00  }
0x39: {  	[tilespmem:s16], [sflag:$0x1] =	stream.indirect.gather @!p0 [hbm4b:s3+s15], $0x80, s12, s15, $0xb8;
	[tilespmem:$0x10200] =	vst v63  }
0x3a: {  	s17 =	simm.s32 @!p0 $0x4200  }
0x3b: {  	[tilespmem:s17], [sflag:$0x1] =	stream.indirect.gather @!p0 [hbm4b:s3+s15], $0x80, s15, s15, $0xb8;
	[tilespmem:$0x10200] =	vst v63  }
0x3c: {  	s18 =	simm.s32 @!p0 $0x100;
	s19 =	simm.s32 @!p0 $0x8200  }
0x3d: {  	[tilespmem:s19], [sflag:$0x1] =	stream.indirect.gather @!p0 [hbm4b:s3+s15], $0x80, s18, s15, $0xb8;
	[tilespmem:$0x10200] =	vst v63  }
0x3e: {  	s20 =	simm.s32 @!p0 $0xC200;
	s21 =	simm.s32 @!p0 $0x1;
	s18 =	simm.s32 @!p0 $0x180  }
0x3f: {  	[tilespmem:s20], [sflag:$0x1] =	stream.indirect.gather @!p0 [hbm4b:s3+s15], $0x80, s18, s15, $0xb8;
	[tilespmem:$0x10200] =	vst v63  }
0x40: {  	_ =	swait.ge @!p0 [sflag:s21], $0x4000  }
0x41: {  	[sflag:s21] =	ssyncset.done @!p0 $0x0  }
0x42: {  	[sflag:s21] =	ssyncadd.s32 @!p0 $0xFFFFC000  }
0x43: {  	_ =	swait.ge @!p0 [sflag:s21], $0x4000  }
0x44: {  	[sflag:s21] =	ssyncset.done @!p0 $0x0  }
0x45: {  	[sflag:s21] =	ssyncadd.s32 @!p0 $0xFFFFC000  }
0x46: {  	_ =	swait.ge @!p0 [sflag:s21], $0x4000  }
0x47: {  	[sflag:s21] =	ssyncset.done @!p0 $0x0  }
0x48: {  	[sflag:s21] =	ssyncadd.s32 @!p0 $0xFFFFC000  }
0x49: {  	_ =	swait.ge @!p0 [sflag:s21], $0x4000  }
0x4a: {  	[sflag:s21] =	ssyncset.done @!p0 $0x0  }
0x4b: {  	s15 =	sadd.s32 @!p0 s8, s6;
	s8 =	smov.u32 s14;
	[sflag:s21] =	ssyncadd.s32 @!p0 $0xFFFFC000  }
0x4c: {  	[hbm4b:s15+s12] =	stream.linear.scatter @!p0 [tilespmem:s16], [sflag:$0x3], $0x4000, $0x38;
	[tilespmem:$0x10200] =	vst v63  }
0x4d: {  	s14 =	sadd.s32 @!p0 $0x800, s15;
	s16 =	sadd.s32 @!p0 $0x1000, s15;
	_ =	swait.ge @!p0 [sflag:s13], $0x4000  }
0x4e: {  	s15 =	sadd.s32 @!p0 $0x1800, s15;
	[sflag:s13] =	ssyncset.done @!p0 $0x0  }
0x4f: {  	[sflag:s13] =	ssyncadd.s32 @!p0 $0xFFFFC000  }
0x50: {  	[hbm4b:s14+s12] =	stream.linear.scatter @!p0 [tilespmem:s17], [sflag:$0x3], $0x4000, $0x38;
	[tilespmem:$0x10200] =	vst v63  }
0x51: {  	_ =	swait.ge @!p0 [sflag:s13], $0x4000  }
0x52: {  	[sflag:s13] =	ssyncset.done @!p0 $0x0  }
0x53: {  	[sflag:s13] =	ssyncadd.s32 @!p0 $0xFFFFC000  }
0x54: {  	[hbm4b:s16+s12] =	stream.linear.scatter @!p0 [tilespmem:s19], [sflag:$0x3], $0x4000, $0x38;
	[tilespmem:$0x10200] =	vst v63  }
0x55: {  	_ =	swait.ge @!p0 [sflag:s13], $0x4000  }
.Ltmp0:
0x56: {  	[sflag:s13] =	ssyncset.done @!p0 $0x0;
	(pc) =	sbr.rel @p1 .LBB2_2-.Ltmp0, $4  }
0x57: {  	s14 =	simm.s32 @!p0 $0x2;
	[sflag:s13] =	ssyncadd.s32 @!p0 $0xFFFFC000  }
0x58: {  	[hbm4b:s15+s12] =	stream.linear.scatter @!p0 [tilespmem:s20], [sflag:$0x2], $0x4000, $0x38;
	[tilespmem:$0x10200] =	vst v63  }
0x59: {  	s11 =	sadd.s32 $0x20, s11;
	_ =	swait.ge @!p0 [sflag:s14], $0x4000  }
0x5a: {  	s10 =	sadd.s32 $0x800, s10;
	p2 =	sgt.u32 s11, $0x270;
	[sflag:s14] =	ssyncset.done @!p0 $0x0  }
0x5b: {  	s9 =	simm.s32 @!p2 $0x0;
	s11 =	simm.s32 @!p2 $0x3;
	[sflag:s14] =	ssyncadd.s32 @!p0 $0xFFFFC000  }
0x5c: {  	[tilespmem:s9], [sflag:$0x3] =	stream.linear.gather @!p2 [hbm4b:s10+s9], $0x200, $0x38;
	[tilespmem:$0x10200] =	vst v63  }
0x5d: {  	_ =	swait.ge @!p2 [sflag:s11], $0x200  }
0x5e: {  	p0 =	por p2, p2;
	[sflag:s11] =	ssyncset.done @!p2 $0x0  }
0x5f: {  	s10 =	simm.s32 @!p0 $0x80;
	s12 =	simm.s32 @!p0 $0x200;
	[sflag:s11] =	ssyncadd.s32 @!p0 $0xFFFFFE00  }
0x60: {  	[tilespmem:s12], [sflag:$0x1] =	stream.indirect.gather @!p0 [hbm4b:s3+s10], $0x80, s9, s10, $0xb8;
	[tilespmem:$0x10200] =	vst v63  }
0x61: {  	s13 =	simm.s32 @!p0 $0x4200  }
0x62: {  	[tilespmem:s13], [sflag:$0x1] =	stream.indirect.gather @!p0 [hbm4b:s3+s10], $0x80, s10, s10, $0xb8;
	[tilespmem:$0x10200] =	vst v63  }
0x63: {  	s14 =	simm.s32 @!p0 $0x100;
	s15 =	simm.s32 @!p0 $0x8200  }
0x64: {  	[tilespmem:s15], [sflag:$0x1] =	stream.indirect.gather @!p0 [hbm4b:s3+s10], $0x80, s14, s10, $0xb8;
	[tilespmem:$0x10200] =	vst v63  }
0x65: {  	s16 =	simm.s32 @!p0 $0xC200;
	s17 =	simm.s32 @!p0 $0x1;
	s14 =	simm.s32 @!p0 $0x180  }
0x66: {  	[tilespmem:s16], [sflag:$0x1] =	stream.indirect.gather @!p0 [hbm4b:s3+s10], $0x80, s14, s10, $0xb8;
	[tilespmem:$0x10200] =	vst v63  }
0x67: {  	_ =	swait.ge @!p0 [sflag:s17], $0x4000  }
0x68: {  	[sflag:s17] =	ssyncset.done @!p0 $0x0  }
0x69: {  	[sflag:s17] =	ssyncadd.s32 @!p0 $0xFFFFC000  }
0x6a: {  	_ =	swait.ge @!p0 [sflag:s17], $0x4000  }
0x6b: {  	[sflag:s17] =	ssyncset.done @!p0 $0x0  }
0x6c: {  	[sflag:s17] =	ssyncadd.s32 @!p0 $0xFFFFC000  }
0x6d: {  	_ =	swait.ge @!p0 [sflag:s17], $0x4000  }
0x6e: {  	[sflag:s17] =	ssyncset.done @!p0 $0x0  }
0x6f: {  	[sflag:s17] =	ssyncadd.s32 @!p0 $0xFFFFC000  }
0x70: {  	_ =	swait.ge @!p0 [sflag:s17], $0x4000  }
0x71: {  	[sflag:s17] =	ssyncset.done @!p0 $0x0  }
0x72: {  	s8 =	sadd.s32 @!p0 s8, s6;
	[sflag:s17] =	ssyncadd.s32 @!p0 $0xFFFFC000  }
0x73: {  	[hbm4b:s8+s9] =	stream.linear.scatter @!p0 [tilespmem:s12], [sflag:$0x3], $0x4000, $0x38;
	[tilespmem:$0x10200] =	vst v63  }
0x74: {  	_ =	swait.ge @!p0 [sflag:s11], $0x4000  }
0x75: {  	[sflag:s11] =	ssyncset.done @!p0 $0x0  }
0x76: {  	s10 =	sadd.s32 @!p0 $0x800, s8;
	[sflag:s11] =	ssyncadd.s32 @!p0 $0xFFFFC000  }
0x77: {  	[hbm4b:s10+s9] =	stream.linear.scatter @!p0 [tilespmem:s13], [sflag:$0x3], $0x4000, $0x38;
	[tilespmem:$0x10200] =	vst v63  }
0x78: {  	_ =	swait.ge @!p0 [sflag:s11], $0x4000  }
0x79: {  	[sflag:s11] =	ssyncset.done @!p0 $0x0  }
0x7a: {  	s10 =	sadd.s32 @!p0 $0x1000, s8;
	[sflag:s11] =	ssyncadd.s32 @!p0 $0xFFFFC000  }
0x7b: {  	[hbm4b:s10+s9] =	stream.linear.scatter @!p0 [tilespmem:s15], [sflag:$0x3], $0x4000, $0x38;
	[tilespmem:$0x10200] =	vst v63  }
0x7c: {  	s2 =	sadd.s32 $0x1, s2;
	_ =	swait.ge @!p0 [sflag:s11], $0x4000  }
0x7d: {  	p1 =	sne.s32 s2, s4;
	s8 =	sadd.s32 @!p0 $0x1800, s8;
	[sflag:s11] =	ssyncset.done @!p0 $0x0  }
.Ltmp1:
0x7e: {  	s10 =	simm.s32 @!p0 $0x2;
	[sflag:s11] =	ssyncadd.s32 @!p0 $0xFFFFC000;
	(pc) =	sbr.rel @p1 .LBB2_1-.Ltmp1, $4  }
0x7f: {  	[hbm4b:s8+s9] =	stream.linear.scatter @!p0 [tilespmem:s16], [sflag:$0x2], $0x4000, $0x38;
	[tilespmem:$0x10200] =	vst v63  }
0x80: {  	_ =	swait.ge @!p0 [sflag:s10], $0x4000  }
0x81: {  	[sflag:s10] =	ssyncset.done @!p0 $0x0  }
0x82: {  	[sflag:s10] =	ssyncadd.s32 @!p0 $0xFFFFC000  }
0x83: {  	_ =	sfence.sel $0x180000  }
0x84: {  	[bflag:$0x0] =	sbarrier.arrive $0xFFFF  }
0x85: {  	p0 =	sne.s32 s1, $0x0;
	_ =	strace $0x90000050  }
0x86: {  	s0 =	sadd.s32 @!p0 $0x100000, s0;
	[bflag:$0x2] =	sbarrier.arrive $0xFFFF  }
0x87: {  	[sflag:s0] =	ssyncadd.tile.s32 @!p0 $0x1;
	_ =	shalt  }
.Lfunc_end2:
_tile_overlayer_lowered:
.L_overlay_start_2:
0x88: {  	(tag) =	ssettag $0x2  }
0x89: {  	s0 =	rddreg [dreg:$0x0];
	s2 =	stileid.u32  }
0x8a: {  	s1 =	rddreg [dreg:$0x1];
	p0 =	sne.s32 s2, $0x0  }
0x8b: {  	s3 =	rddreg [dreg:$0x2];
	[bflag:$0x3] =	sbarrier.arrive $0xFFFF;
	s2 =	simm.s32 @!p0 $0x1C02  }
0x8c: {  	[timem:s3], [sflag:s2] =	dma.local @!p0 [hbm:s0], s1  }
0x8d: {  	s0 =	simm.s32 @!p0 $0x2  }
0x8e: {  	_ =	swait.ge @!p0 [sflag:s0], s1  }
0x8f: {  	s1 =	ssub.s32 @!p0 $0x0, s1;
	[sflag:s0] =	ssyncset.done @!p0 $0x0  }
0x90: {  	[sflag:s0] =	ssyncadd.s32 @!p0 s1  }
0x91: {  	[bflag:$0x3] =	sbarrier.arrive $0xFFFF  }
0x92: {  	_ =	shalt  }

// kernel: kernel.22.cloned.1.call-start
scs
__scs_entry_jumppad:
0x0: {  	(pc) =	sbr.rel $0x88, $3  }
0x1: {  	(tag) =	ssettag $0x0;
	lr =	simm.s32 $0x1  }
0x2: {  	[smem:$0x3F8E] =	sst lr;
	_ =	strace $0xD0000000  }
0x3: {  	_ = 	snop  }
0x4: {  	_ = 	snop  }
0x5: {  	_ = 	snop  }
0x6: {  	_ = 	snop  }
0x7: {  	_ = 	snop  }
__scs_overlays_trampoline_lowered:
0x8: {  	[smem:$0x3F9D] =	sst s0  }
0x9: {  	[smem:$0x3F9E] =	sst s1  }
0xa: {  	[smem:$0x3F9F] =	sst s2  }
0xb: {  	[smem:$0x3FA0] =	sst s3  }
0xc: {  	[smem:$0x3FA1] =	sst s4  }
0xd: {  	[smem:$0x3FA2] =	sst s5  }
0xe: {  	[smem:$0x3FA3] =	sst s6  }
0xf: {  	[smem:$0x3FA4] =	sst s7  }
0x10: {  	[smem:$0x3FA5] =	sst s8  }
0x11: {  	[smem:$0x3FA6] =	sst s9;
	s0 =	simm.s32 @!p0 $0x0  }
0x12: {  	s1 =	sld [smem:$0x3F8C];
	s0 =	simm.s32 @p0 $0x1  }
0x13: {  	[smem:$0x3FA7] =	sst s0;
	s0 =	simm.s32 @!p1 $0x0  }
0x14: {  	s2 =	sld [smem:$0x3F8B];
	s0 =	simm.s32 @p1 $0x1  }
0x15: {  	[smem:$0x3FA8] =	sst s0;
	s0 =	simm.s32 @!p2 $0x0  }
0x16: {  	s3 =	sld [smem:$0x3FDB];
	s0 =	simm.s32 @p2 $0x1  }
0x17: {  	s4 =	simm.s32 $0x1BF5;
	[smem:$0x3FAA] =	sst s0  }
0x18: {  	s0 =	sld [smem:$0x3F8D];
	_ =	swait.ge [sflag:s4], $0x0  }
0x19: {  	s7 =	sld [smem:$0x3F8E]  }
0x1a: {  	s8 =	sadd.s32 $0xFFFFE003, lr  }
0x1b: {  	s9 =	sadd.s32 $0xFFFFFEF7, lr;
	s5 =	simm.s32 $0xFFFFFFFF;
	p2 =	slt.u32 s8, $0xFFFFF086  }
0x1c: {  	p1 =	slt.u32 s9, $0xF7A;
	s5 =	simm.s32 @!p2 $0x0  }
0x1d: {  	s5 =	simm.s32 @p1 $0x1;
	p0 =	seq.s32 s7, s2  }
0x1e: {  	s7 =	smul.u32 @!p0 $0xF7A, s2;
	p2 =	seq.s32 @!p0 s5, $0x0  }
0x1f: {  	s9 =	smul.u32 $0xF7A, s1;
	s8 =	simm.s32 @!p0 $0x1BF5;
	p2 =	por !p2, p0  }
0x20: {  	[sflag:s8] =	ssyncset.s32 @!p0 $0xFFFFF086;
	s6 =	sadd.s32 @!p0 s3, s7;
	s7 =	simm.s32 @!p0 $0x108  }
0x21: {  	s3 =	sadd.s32 s3, s9;
	s6 =	sadd.s32 @!p0 $0x88, s6;
	s7 =	simm.s32 @p2 $0x1082  }
0x22: {  	[simem:s7], [sflag:s8] =	dma.local @!p0 [hbm:s6], $0xF7A  }
0x23: {  	s9 =	sor.u32 $0xD0000000, s2;
	s6 =	simm.s32 $0x108;
	_ =	swait.ge @!p0 [sflag:s8], $0x0  }
0x24: {  	s3 =	sadd.s32 $0x88, s3;
	s6 =	simm.s32 @!p1 $0x1082;
	[sflag:s4] =	ssyncset.s32 $0xFFFFF086  }
0x25: {  	[simem:s6], [sflag:s4] =	dma.local [hbm:s3], $0xF7A  }
0x26: {  	[smem:$0x3F8E] =	sst s1;
	(tag) =	ssettag s2;
	_ =	strace s9  }
0x27: {  	s1 =	sld [smem:$0x3F9E]  }
0x28: {  	s2 =	sld [smem:$0x3F9F]  }
0x29: {  	s4 =	sld [smem:$0x3FA1]  }
0x2a: {  	p0 =	seq.s32 s5, $0x0;
	s5 =	sld [smem:$0x3FA2]  }
0x2b: {  	s6 =	sld [smem:$0x3FA3]  }
0x2c: {  	s7 =	sld [smem:$0x3FA4]  }
0x2d: {  	s3 =	simm.s32 $0x108;
	s8 =	sld [smem:$0x3FA5]  }
0x2e: {  	s3 =	simm.s32 @!p0 $0x1082;
	s9 =	sld [smem:$0x3FA6]  }
0x2f: {  	lr =	sadd.s32 s0, s3;
	s0 =	sld [smem:$0x3F9D]  }
0x30: {  	s3 =	sld [smem:$0x3FA0]  }
0x31: {  	[smem:$0x3FA9] =	sst s10  }
0x32: {  	s10 =	sld [smem:$0x3FA7];
	_ =	sdelay $0x3  }
0x33: {  	p0 =	seq.s32 s10, $0x1;
	s10 =	sld [smem:$0x3FA9];
	_ =	sdelay $0x3  }
0x34: {  	[smem:$0x3FA9] =	sst s10  }
0x35: {  	s10 =	sld [smem:$0x3FA8];
	_ =	sdelay $0x3  }
0x36: {  	p1 =	seq.s32 s10, $0x1;
	s10 =	sld [smem:$0x3FA9];
	_ =	sdelay $0x3  }
0x37: {  	[smem:$0x3FA9] =	sst s10  }
0x38: {  	s10 =	sld [smem:$0x3FAA]  }
0x39: {  	_ = 	snop;
	(pc) =	sbr.ind lr, $3  }
0x3a: {  	_ = 	snop  }
0x3b: {  	_ = 	snop  }
0x3c: {  	p2 =	seq.s32 s10, $0x1;
	s10 =	sld [smem:$0x3FA9]  }
0x3d: {  	_ =	shalt  }
0x3e: {  	_ =	shalt  }
0x3f: {  	_ =	shalt  }
0x40: {  	_ =	shalt  }
0x41: {  	_ =	shalt  }
0x42: {  	_ =	shalt  }
0x43: {  	_ =	shalt  }
0x44: {  	_ =	shalt  }
0x45: {  	_ =	shalt  }
0x46: {  	_ =	shalt  }
0x47: {  	_ =	shalt  }
0x48: {  	_ =	shalt  }
0x49: {  	_ =	shalt  }
0x4a: {  	_ =	shalt  }
0x4b: {  	_ =	shalt  }
0x4c: {  	_ =	shalt  }
0x4d: {  	_ =	shalt  }
0x4e: {  	_ =	shalt  }
0x4f: {  	_ =	shalt  }
0x50: {  	_ =	shalt  }
0x51: {  	_ =	shalt  }
0x52: {  	_ =	shalt  }
0x53: {  	_ =	shalt  }
0x54: {  	_ =	shalt  }
0x55: {  	_ =	shalt  }
0x56: {  	_ =	shalt  }
0x57: {  	_ =	shalt  }
0x58: {  	_ =	shalt  }
0x59: {  	_ =	shalt  }
0x5a: {  	_ =	shalt  }
0x5b: {  	_ =	shalt  }
0x5c: {  	_ =	shalt  }
0x5d: {  	_ =	shalt  }
0x5e: {  	_ =	shalt  }
0x5f: {  	_ =	shalt  }
0x60: {  	_ =	shalt  }
0x61: {  	_ =	shalt  }
0x62: {  	_ =	shalt  }
0x63: {  	_ =	shalt  }
0x64: {  	_ =	shalt  }
0x65: {  	_ =	shalt  }
0x66: {  	_ =	shalt  }
0x67: {  	_ =	shalt  }
0x68: {  	_ =	shalt  }
0x69: {  	_ =	shalt  }
0x6a: {  	_ =	shalt  }
0x6b: {  	_ =	shalt  }
0x6c: {  	_ =	shalt  }
0x6d: {  	_ =	shalt  }
0x6e: {  	_ =	shalt  }
0x6f: {  	_ =	shalt  }
0x70: {  	_ =	shalt  }
0x71: {  	_ =	shalt  }
0x72: {  	_ =	shalt  }
0x73: {  	_ =	shalt  }
0x74: {  	_ =	shalt  }
0x75: {  	_ =	shalt  }
0x76: {  	_ =	shalt  }
0x77: {  	_ =	shalt  }
0x78: {  	_ =	shalt  }
0x79: {  	_ =	shalt  }
0x7a: {  	_ =	shalt  }
0x7b: {  	_ =	shalt  }
0x7c: {  	_ =	shalt  }
0x7d: {  	_ =	shalt  }
0x7e: {  	_ =	shalt  }
0x7f: {  	_ =	shalt  }
0x80: {  	_ =	shalt  }
0x81: {  	_ =	shalt  }
0x82: {  	_ =	shalt  }
0x83: {  	_ =	shalt  }
0x84: {  	_ =	shalt  }
0x85: {  	_ =	shalt  }
0x86: {  	_ =	shalt  }
0x87: {  	_ =	shalt  }
.Lfunc_end0:
.L_simem_size_0:
called_computation.5_lowered:
.L_overlay_start_0:
0x88: {  	s2 =	sld [smem:$0x3FD9]  }
0x89: {  	s3 =	sld [smem:$0x3FFE];
	_ =	sdelay $0x1  }
0x8a: {  	s1 =	srdreg.scid  }
0x8b: {  	s0 =	sand.u32 $0x1, s1  }
0x8c: {  	s17 =	sshll.u32 s0, $0xA;
	s2 =	sadd.s32 s3, s2  }
0x8d: {  	s2 =	sadd.s32 s2, s17  }
0x8e: {  	[smem:$0x3FB5] =	sst s2  }
0x8f: {  	_ = 	snop  }
0x90: {  	(tm) =	ssettm $0x1  }
0x91: {  	s18 =	sld [smem:$0x3FFB];
	_ =	sdelay $0x3  }
0x92: {  	_ =	strace s18  }
0x93: {  	s2 =	sld [smem:$0x3FFC];
	_ =	sdelay $0x3  }
0x94: {  	_ =	strace s2  }
0x95: {  	s2 =	sld [smem:$0x3FFD];
	_ =	sdelay $0x3  }
0x96: {  	_ =	strace s2  }
0x97: {  	_ =	strace $0x8FFFFFFF  }
0x98: {  	s19 =	sld [smem:$0x3FDB];
	_ =	sdelay $0x1  }
0x99: {  	s20 =	simm.s32 $_scs_section_size  }
0x9a: {  	s4 =	simm.s32 $_size__tile_overlayer_lowered;
	s5 =	simm.s32 $_tile_overlayer_lowered  }
0x9b: {  	s6 =	simm.s32 $0x1BFF;
	s21 =	sshll.u32 s5, $0x1;
	s3 =	sadd.s32 s20, s19  }
0x9c: {  	s22 =	simm.s32 $0x0;
	s4 =	sshll.u32 s4, $0x1;
	s5 =	sadd.s32 s21, s3  }
0x9d: {  	[timem:s22], [sflag:s6] =	dma.local [hbm:s5], s4  }
0x9e: {  	_ =	swait.ge [sflag:s6], s4  }
0x9f: {  	s4 =	ssub.s32 $0x0, s4;
	[sflag:s6] =	ssyncset.done $0x0  }
0xa0: {  	[sflag:s6] =	ssyncadd.s32 s4;
	_ =	sdelay $0x1  }
0xa1: {  	s23 =	simm.s32 $0x1B8B  }
0xa2: {  	_ =	swait.ge [sflag:s23], $0x1  }
0xa3: {  	[sflag:s23] =	ssyncset.done $0x0  }
0xa4: {  	[sflag:s23] =	ssyncadd.s32 $0xFFFFFFFF  }
0xa5: {  	s4 =	sld [smem:$0x0]  }
0xa6: {  	s5 =	sand.u32 $0xFFFFFFFE, s1  }
0xa7: {  	p0 =	sne.s32 s1, s5  }
0xa8: {  	s5 =	sshll.u32 @p0 s5, $0xE  }
0xa9: {  	s5 =	sadd.s32 @p0 $0x11B8D, s5;
	s6 =	sshll.u32 @p0 s4, $0x11  }
0xaa: {  	s5 =	sor.u32 @p0 s6, s5  }
0xab: {  	[sflag:s5] =	ssyncadd.remote.s32 @p0 $0x1;
	_ =	sdelay $0x1  }
0xac: {  	s5 =	simm.s32 @p0 $0x1B8D  }
0xad: {  	_ =	swait.eq @p0 [sflag:s5], $0x1  }
0xae: {  	[sflag:s5] =	ssyncadd.s32 @p0 $0xFFFFFFFF  }
0xaf: {  	s6 =	sshll.u32 @!p0 s1, $0xE  }
0xb0: {  	s6 =	sor.u32 @!p0 $0x4000, s6;
	s5 =	simm.s32 @!p0 $0x1B8D  }
0xb1: {  	s4 =	sshll.u32 @!p0 s4, $0x11;
	s6 =	sadd.s32 @!p0 $0x11B8D, s6;
	_ =	swait.eq @!p0 [sflag:s5], $0x1  }
0xb2: {  	s4 =	sor.u32 @!p0 s4, s6;
	[sflag:s5] =	ssyncadd.s32 @!p0 $0xFFFFFFFF  }
0xb3: {  	s25 =	simm.s32 $0x1B8E;
	s24 =	sld [smem:$0x3FFE];
	[sflag:s4] =	ssyncadd.remote.s32 @!p0 $0x1  }
0xb4: {  	s26 =	simm.s32 $execute0_lowered;
	[smem:$0x3FD2] =	sst s25  }
0xb5: {  	s5 =	sshll.u32 s26, $0x1;
	_ =	strace $0x80000058;
	[dreg:$0x1] =	wrdreg $0xFFFFFFFF  }
0xb6: {  	s28 =	simm.s32 $_size_execute0_lowered;
	s3 =	sadd.s32 s3, s5;
	[dreg:$0x0] =	wrdreg $0x0  }
0xb7: {  	s5 =	sshll.u32 s28, $0x1;
	[dreg:$0x2] =	wrdreg s3  }
0xb8: {  	[dreg:$0x3] =	wrdreg s5  }
0xb9: {  	[dreg:$0x4] =	wrdreg $0xC0  }
0xba: {  	_ =	task [dreg:s22], $0x5FFFF  }
0xbb: {  	[dreg:$0x1] =	wrdreg $0xFFFFFFFF  }
0xbc: {  	[dreg:$0x0] =	wrdreg $0x60  }
0xbd: {  	[dreg:$0x2] =	wrdreg s24  }
0xbe: {  	[dreg:$0x3] =	wrdreg $0x82000  }
0xbf: {  	[dreg:$0x4] =	wrdreg $0xA  }
0xc0: {  	_ =	task.clear_ibuf [dreg:s22], $0x5FFFF;
	_ =	strace $0x90000058  }
0xc1: {  	s29 =	simm.s32 $0xA;
	_ =	strace $0x8000005A  }
0xc2: {  	_ =	swait.ge [sflag:s29], $0x1  }
0xc3: {  	[sflag:s29] =	ssyncadd.s32 $0xFFFFFFFF  }
0xc4: {  	_ =	strace $0x9000005A  }
0xc5: {  	_ =	sfence  }
0xc6: {  	s30 =	sld [smem:$0x0];
	_ =	sdelay $0x2  }
0xc7: {  	s31 =	sshll.u32 s1, $0xD;
	s1 =	sshrl.u32 s1, $0x2  }
0xc8: {  	s4 =	sand.u32 $0x4000, s31;
	s1 =	sadd.s32 s1, s30  }
0xc9: {  	s0 =	sor.u32 s4, s0;
	s1 =	sshll.u32 s1, $0x11  }
0xca: {  	s0 =	sor.u32 s1, s0  }
0xcb: {  	s0 =	sadd.s32 $0x8F2B, s0  }
0xcc: {  	[sflag:s0] =	ssyncadd.remote.s32 $0x1  }
0xcd: {  	_ =	sfence.sel $0xFFFF  }
0xce: {  	[dreg:$0x0] =	wrdreg $0xFFFFFFFF;
	(pc) =	sbr.abs _section_cstart, $3  }
0xcf: {  	[dreg:$0x1] =	wrdreg $0xFFFFFFFF  }
0xd0: {  	_ =	task.clear_ibuf [dreg:s22], $0x2FFFF;
	_ =	strace $0x9FFFFFFF  }
0xd1: {  	(tm) =	ssettm $0x7FFFFFFF  }
tec
execute0_lowered:
.L_overlay_start_1:
0x0: {  	(tag) =	ssettag $0x1  }
0x1: {  	s5 =	rddreg [dreg:$0x0]  }
0x2: {  	s2 =	rddreg [dreg:$0x1]  }
0x3: {  	s0 =	rddreg [dreg:$0x2]  }
0x4: {  	s3 =	simm.s32 $0x0;
	s1 =	stileid.u32;
	s4 =	srdreg.scid  }
0x5: {  	[smem:$0x7FF] =	sst s3;
	s7 =	sshll.u32 s1, $0x5;
	s6 =	sshll.u32 s4, $0x9  }
0x6: {  	s13 =	smul.u32 $0x2800, s1;
	s8 =	sand.u32 $0x1, s4;
	s4 =	sadd.s32 $0x44A00, s5  }
0x7: {  	s11 =	smul.u32 $0x50000, s1;
	s29 =	sshll.u32 s1, $0x6;
	_ =	strace $0x80000059  }
0x8: {  	s6 =	sor.u32 s7, s6;
	s9 =	smul.u32 $0x28000, s8;
	s10 =	ssub.s32 $0x2, s8  }
0x9: {  	s26 =	sshll.u32 s8, $0x4;
	s30 =	sand.u32 $0x60, s7;
	s6 =	sand.u32 $0x380, s6  }
0xa: {  	s24 =	sadd.s32 s13, s5;
	s14 =	sshrl.u32 s10, $0x1;
	s25 =	sshrl.u32 s11, $0x2  }
0xb: {  	s12 =	sadd.s32 s6, s5;
	s9 =	sadd.s32 s9, s5;
	s10 =	ssub.s32 s10, s14  }
0xc: {  	s28 =	sadd.s32 s25, s2;
	s5 =	sadd.s32 $0x94A00, s24;
	s6 =	sor.u32 $0x1C02, s29  }
0xd: {  	s15 =	sadd.s32 $0xBD000, s9;
	s7 =	smax.u32 s10, $0x1;
	s31 =	sadd.s32 s30, s12  }
0xe: {  	s10 =	sor.u32 s26, s1;
	s11 =	sshrl.u32 s28, $0x3;
	s12 =	simm.s32 $0x2  }
0xf: {  	s8 =	sadd.s32 $0x12400, s31;
	s9 =	sadd.s32 $0x8600, s31;
	s13 =	sadd.s32 s13, s15  }
.LBB2_1:
0x10: {  	[spmem:s11], [sflag:s6] =	dma.local [hbm:s5], $0x2800  }
0x11: {  	_ =	swait.ge [sflag:s12], $0x2800  }
0x12: {  	p0 =	sgt.u32 s10, $0x4E1;
	[sflag:s12] =	ssyncset.done $0x0  }
0x13: {  	s14 =	sadd.s32 @!p0 $0x0, s8;
	[sflag:s12] =	ssyncadd.s32 $0xFFFFD800  }
0x14: {  	s15 =	simm.s32 @!p0 $0x0;
	s16 =	simm.s32 @!p0 $0x3;
	[bflag:$0x0] =	sbarrier.arrive $0xFFFF  }
0x15: {  	[tilespmem:s15], [sflag:$0x3] =	stream.linear.gather @!p0 [hbm4b:s14+s15], $0x100, $0x38;
	[tilespmem:$0x1C200] =	vst v63  }
0x16: {  	_ =	swait.ge @!p0 [sflag:s16], $0x100;
	p0 =	por p0, p0  }
0x17: {  	[sflag:s16] =	ssyncset.done @!p0 $0x0  }
0x18: {  	s14 =	sadd.s32 @!p0 $0x0, s9;
	s17 =	simm.s32 @!p0 $0x100;
	[sflag:s16] =	ssyncadd.s32 @!p0 $0xFFFFFF00  }
0x19: {  	[tilespmem:s17], [sflag:$0x3] =	stream.linear.gather @!p0 [hbm4b:s14+s15], $0x100, $0x38;
	[tilespmem:$0x1C200] =	vst v63  }
0x1a: {  	_ =	swait.ge @!p0 [sflag:s16], $0x100  }
0x1b: {  	[sflag:s16] =	ssyncset.done @!p0 $0x0  }
0x1c: {  	s18 =	simm.s32 @!p0 $0x200;
	s14 =	simm.s32 @!p0 $0x80;
	[sflag:s16] =	ssyncadd.s32 @!p0 $0xFFFFFF00  }
0x1d: {  	[tilespmem:s18], [sflag:$0x1] =	stream.indirect.gather @!p0 [hbm4b:s4+s14], $0x80, s15, s14, $0xb8;
	[tilespmem:$0x1C200] =	vst v63  }
0x1e: {  	s19 =	simm.s32 @!p0 $0x1;
	s15 =	simm.s32 @!p0 $0x4200  }
0x1f: {  	[tilespmem:s15], [sflag:$0x1] =	stream.indirect.gather @!p0 [hbm4b:s4+s14], $0x80, s14, s14, $0xb8;
	[tilespmem:$0x1C200] =	vst v63  }
0x20: {  	_ =	swait.ge @!p0 [sflag:s19], $0x4000  }
0x21: {  	[sflag:s19] =	ssyncset.done @!p0 $0x0  }
0x22: {  	[sflag:s19] =	ssyncadd.s32 @!p0 $0xFFFFC000  }
0x23: {  	_ =	swait.ge @!p0 [sflag:s19], $0x4000  }
0x24: {  	[sflag:s19] =	ssyncset.done @!p0 $0x0  }
0x25: {  	[sflag:s19] =	ssyncadd.s32 @!p0 $0xFFFFC000  }
0x26: {  	[spmem:s2] =	stream.indirect.scatter.add.f32 @!p0 [tilespmem:s18], [sflag:$0x3], $0x80, s17, s14, $0xb8;
	[tilespmem:$0x1C200] =	vst v63  }
0x27: {  	_ =	swait.ge @!p0 [sflag:s16], $0x4000  }
0x28: {  	[sflag:s16] =	ssyncset.done @!p0 $0x0  }
0x29: {  	[sflag:s16] =	ssyncadd.s32 @!p0 $0xFFFFC000;
	s16 =	simm.s32 @!p0 $0x180  }
0x2a: {  	[spmem:s2] =	stream.indirect.scatter.add.f32 @!p0 [tilespmem:s15], [sflag:$0x2], $0x80, s16, s14, $0xb8;
	[tilespmem:$0x1C200] =	vst v63  }
0x2b: {  	s17 =	simm.s32 @!p0 $0x2;
	s14 =	simm.s32 $0x400;
	s15 =	sadd.s32 $0x20, s10  }
0x2c: {  	s16 =	simm.s32 $0x800;
	p2 =	sgt.u32 s15, $0x4E1;
	_ =	swait.ge @!p0 [sflag:s17], $0x4000  }
.LBB2_2:
0x2d: {  	s18 =	sadd.s32 @!p2 s14, s8  }
0x2e: {  	s19 =	simm.s32 @!p2 $0x0;
	[sflag:s17] =	ssyncset.done @!p0 $0x0;
	s20 =	smov.u32 s16  }
0x2f: {  	s16 =	sadd.s32 $0x400, s16;
	s21 =	simm.s32 @!p2 $0x3;
	[sflag:s17] =	ssyncadd.s32 @!p0 $0xFFFFC000  }
0x30: {  	[tilespmem:s19], [sflag:$0x3] =	stream.linear.gather @!p2 [hbm4b:s18+s19], $0x100, $0x38;
	[tilespmem:$0x1C200] =	vst v63  }
0x31: {  	p1 =	sne.s32 s16, $0xA000;
	p0 =	por p2, p2;
	_ =	swait.ge @!p2 [sflag:s21], $0x100  }
0x32: {  	[sflag:s21] =	ssyncset.done @!p0 $0x0  }
0x33: {  	s14 =	sadd.s32 @!p0 s14, s9;
	s17 =	simm.s32 @!p0 $0x100;
	[sflag:s21] =	ssyncadd.s32 @!p0 $0xFFFFFF00  }
0x34: {  	[tilespmem:s17], [sflag:$0x3] =	stream.linear.gather @!p0 [hbm4b:s14+s19], $0x100, $0x38;
	[tilespmem:$0x1C200] =	vst v63  }
0x35: {  	s14 =	smov.u32 s20;
	_ =	swait.ge @!p0 [sflag:s21], $0x100  }
0x36: {  	[sflag:s21] =	ssyncset.done @!p0 $0x0  }
0x37: {  	s18 =	simm.s32 @!p0 $0x80;
	s20 =	simm.s32 @!p0 $0x200;
	[sflag:s21] =	ssyncadd.s32 @!p0 $0xFFFFFF00  }
0x38: {  	[tilespmem:s20], [sflag:$0x1] =	stream.indirect.gather @!p0 [hbm4b:s4+s18], $0x80, s19, s18, $0xb8;
	[tilespmem:$0x1C200] =	vst v63  }
0x39: {  	s22 =	simm.s32 @!p0 $0x1;
	s19 =	simm.s32 @!p0 $0x4200  }
0x3a: {  	[tilespmem:s19], [sflag:$0x1] =	stream.indirect.gather @!p0 [hbm4b:s4+s18], $0x80, s18, s18, $0xb8;
	[tilespmem:$0x1C200] =	vst v63  }
0x3b: {  	_ =	swait.ge @!p0 [sflag:s22], $0x4000  }
0x3c: {  	[sflag:s22] =	ssyncset.done @!p0 $0x0  }
0x3d: {  	[sflag:s22] =	ssyncadd.s32 @!p0 $0xFFFFC000  }
0x3e: {  	_ =	swait.ge @!p0 [sflag:s22], $0x4000  }
0x3f: {  	[sflag:s22] =	ssyncset.done @!p0 $0x0  }
0x40: {  	[sflag:s22] =	ssyncadd.s32 @!p0 $0xFFFFC000  }
0x41: {  	[spmem:s2] =	stream.indirect.scatter.add.f32 @!p0 [tilespmem:s20], [sflag:$0x3], $0x80, s17, s18, $0xb8;
	[tilespmem:$0x1C200] =	vst v63  }
.Ltmp0:
0x42: {  	_ =	swait.ge @!p0 [sflag:s21], $0x4000;
	(pc) =	sbr.rel @p1 .LBB2_2-.Ltmp0, $4  }
0x43: {  	s15 =	sadd.s32 $0x20, s15;
	[sflag:s21] =	ssyncset.done @!p0 $0x0  }
0x44: {  	s20 =	simm.s32 @!p0 $0x180;
	s17 =	simm.s32 @!p0 $0x2;
	[sflag:s21] =	ssyncadd.s32 @!p0 $0xFFFFC000  }
0x45: {  	[spmem:s2] =	stream.indirect.scatter.add.f32 @!p0 [tilespmem:s19], [sflag:$0x2], $0x80, s20, s18, $0xb8;
	[tilespmem:$0x1C200] =	vst v63  }
0x46: {  	p2 =	sgt.u32 s15, $0x4E1;
	_ =	swait.ge @!p0 [sflag:s17], $0x4000  }
0x47: {  	s15 =	sadd.s32 @!p2 s14, s8;
	[sflag:s17] =	ssyncset.done @!p0 $0x0  }
0x48: {  	s16 =	simm.s32 @!p2 $0x0;
	s18 =	simm.s32 @!p2 $0x3;
	[sflag:s17] =	ssyncadd.s32 @!p0 $0xFFFFC000  }
0x49: {  	[tilespmem:s16], [sflag:$0x3] =	stream.linear.gather @!p2 [hbm4b:s15+s16], $0x100, $0x38;
	[tilespmem:$0x1C200] =	vst v63  }
0x4a: {  	p0 =	por p2, p2;
	_ =	swait.ge @!p2 [sflag:s18], $0x100  }
0x4b: {  	[sflag:s18] =	ssyncset.done @!p0 $0x0  }
0x4c: {  	s14 =	sadd.s32 @!p0 s14, s9;
	s15 =	simm.s32 @!p0 $0x100;
	[sflag:s18] =	ssyncadd.s32 @!p0 $0xFFFFFF00  }
0x4d: {  	[tilespmem:s15], [sflag:$0x3] =	stream.linear.gather @!p0 [hbm4b:s14+s16], $0x100, $0x38;
	[tilespmem:$0x1C200] =	vst v63  }
0x4e: {  	_ =	swait.ge @!p0 [sflag:s18], $0x100  }
0x4f: {  	[sflag:s18] =	ssyncset.done @!p0 $0x0  }
0x50: {  	s17 =	simm.s32 @!p0 $0x200;
	s14 =	simm.s32 @!p0 $0x80;
	[sflag:s18] =	ssyncadd.s32 @!p0 $0xFFFFFF00  }
0x51: {  	[tilespmem:s17], [sflag:$0x1] =	stream.indirect.gather @!p0 [hbm4b:s4+s14], $0x80, s16, s14, $0xb8;
	[tilespmem:$0x1C200] =	vst v63  }
0x52: {  	s19 =	simm.s32 @!p0 $0x1;
	s16 =	simm.s32 @!p0 $0x4200  }
0x53: {  	[tilespmem:s16], [sflag:$0x1] =	stream.indirect.gather @!p0 [hbm4b:s4+s14], $0x80, s14, s14, $0xb8;
	[tilespmem:$0x1C200] =	vst v63  }
0x54: {  	_ =	swait.ge @!p0 [sflag:s19], $0x4000  }
0x55: {  	[sflag:s19] =	ssyncset.done @!p0 $0x0  }
0x56: {  	[sflag:s19] =	ssyncadd.s32 @!p0 $0xFFFFC000  }
0x57: {  	_ =	swait.ge @!p0 [sflag:s19], $0x4000  }
0x58: {  	[sflag:s19] =	ssyncset.done @!p0 $0x0  }
0x59: {  	[sflag:s19] =	ssyncadd.s32 @!p0 $0xFFFFC000  }
0x5a: {  	[spmem:s2] =	stream.indirect.scatter.add.f32 @!p0 [tilespmem:s17], [sflag:$0x3], $0x80, s15, s14, $0xb8;
	[tilespmem:$0x1C200] =	vst v63  }
0x5b: {  	_ =	swait.ge @!p0 [sflag:s18], $0x4000  }
0x5c: {  	[sflag:s18] =	ssyncset.done @!p0 $0x0  }
0x5d: {  	s15 =	simm.s32 @!p0 $0x180;
	s17 =	simm.s32 @!p0 $0x2;
	[sflag:s18] =	ssyncadd.s32 @!p0 $0xFFFFC000  }
0x5e: {  	[spmem:s2] =	stream.indirect.scatter.add.f32 @!p0 [tilespmem:s16], [sflag:$0x2], $0x80, s15, s14, $0xb8;
	[tilespmem:$0x1C200] =	vst v63  }
0x5f: {  	_ =	swait.ge @!p0 [sflag:s17], $0x4000  }
0x60: {  	s3 =	sadd.s32 $0x1, s3;
	[sflag:s17] =	ssyncset.done @!p0 $0x0  }
0x61: {  	[sflag:s17] =	ssyncadd.s32 @!p0 $0xFFFFC000;
	p0 =	sne.s32 s3, s7  }
.Ltmp1:
0x62: {  	[bflag:$0x0] =	sbarrier.arrive $0xFFFF;
	(pc) =	sbr.rel @p0 .LBB2_1-.Ltmp1, $4  }
0x63: {  	[hbm:s13], [sflag:s6] =	dma.local [spmem:s11], $0x2800  }
0x64: {  	_ =	swait.ge [sflag:s12], $0x2800  }
0x65: {  	[sflag:s12] =	ssyncset.done $0x0  }
0x66: {  	[sflag:s12] =	ssyncadd.s32 $0xFFFFD800  }
0x67: {  	_ =	sfence.sel $0x180000  }
0x68: {  	[bflag:$0x0] =	sbarrier.arrive $0xFFFF  }
0x69: {  	p0 =	sne.s32 s1, $0x0;
	_ =	strace $0x90000059  }
0x6a: {  	s0 =	sadd.s32 @!p0 $0x100000, s0;
	[bflag:$0x2] =	sbarrier.arrive $0xFFFF  }
0x6b: {  	[sflag:s0] =	ssyncadd.tile.s32 @!p0 $0x1;
	_ =	shalt  }
.Lfunc_end2:
_tile_overlayer_lowered:
.L_overlay_start_2:
0x6c: {  	(tag) =	ssettag $0x2  }
0x6d: {  	s0 =	rddreg [dreg:$0x0];
	s2 =	stileid.u32  }
0x6e: {  	s1 =	rddreg [dreg:$0x1];
	p0 =	sne.s32 s2, $0x0  }
0x6f: {  	s3 =	rddreg [dreg:$0x2];
	[bflag:$0x3] =	sbarrier.arrive $0xFFFF;
	s2 =	simm.s32 @!p0 $0x1C02  }
0x70: {  	[timem:s3], [sflag:s2] =	dma.local @!p0 [hbm:s0], s1  }
0x71: {  	s0 =	simm.s32 @!p0 $0x2  }
0x72: {  	_ =	swait.ge @!p0 [sflag:s0], s1  }
0x73: {  	s1 =	ssub.s32 @!p0 $0x0, s1;
	[sflag:s0] =	ssyncset.done @!p0 $0x0  }
0x74: {  	[sflag:s0] =	ssyncadd.s32 @!p0 s1  }
0x75: {  	[bflag:$0x3] =	sbarrier.arrive $0xFFFF  }
0x76: {  	_ =	shalt  }

// kernel: scatter_offload_async_start.1
scs
__scs_entry_jumppad:
0x0: {  	(pc) =	sbr.rel $0x88, $3  }
0x1: {  	(tag) =	ssettag $0x0;
	lr =	simm.s32 $0x1  }
0x2: {  	[smem:$0x3F8E] =	sst lr;
	_ =	strace $0xD0000000  }
0x3: {  	_ = 	snop  }
0x4: {  	_ = 	snop  }
0x5: {  	_ = 	snop  }
0x6: {  	_ = 	snop  }
0x7: {  	_ = 	snop  }
__scs_overlays_trampoline_lowered:
0x8: {  	[smem:$0x3F9D] =	sst s0  }
0x9: {  	[smem:$0x3F9E] =	sst s1  }
0xa: {  	[smem:$0x3F9F] =	sst s2  }
0xb: {  	[smem:$0x3FA0] =	sst s3  }
0xc: {  	[smem:$0x3FA1] =	sst s4  }
0xd: {  	[smem:$0x3FA2] =	sst s5  }
0xe: {  	[smem:$0x3FA3] =	sst s6  }
0xf: {  	[smem:$0x3FA4] =	sst s7  }
0x10: {  	[smem:$0x3FA5] =	sst s8  }
0x11: {  	[smem:$0x3FA6] =	sst s9;
	s0 =	simm.s32 @!p0 $0x0  }
0x12: {  	s1 =	sld [smem:$0x3F8C];
	s0 =	simm.s32 @p0 $0x1  }
0x13: {  	[smem:$0x3FA7] =	sst s0;
	s0 =	simm.s32 @!p1 $0x0  }
0x14: {  	s2 =	sld [smem:$0x3F8B];
	s0 =	simm.s32 @p1 $0x1  }
0x15: {  	[smem:$0x3FA8] =	sst s0;
	s0 =	simm.s32 @!p2 $0x0  }
0x16: {  	s3 =	sld [smem:$0x3FDB];
	s0 =	simm.s32 @p2 $0x1  }
0x17: {  	s4 =	simm.s32 $0x1BF5;
	[smem:$0x3FAA] =	sst s0  }
0x18: {  	s0 =	sld [smem:$0x3F8D];
	_ =	swait.ge [sflag:s4], $0x0  }
0x19: {  	s7 =	sld [smem:$0x3F8E]  }
0x1a: {  	s8 =	sadd.s32 $0xFFFFE003, lr  }
0x1b: {  	s9 =	sadd.s32 $0xFFFFFEF7, lr;
	s5 =	simm.s32 $0xFFFFFFFF;
	p2 =	slt.u32 s8, $0xFFFFF086  }
0x1c: {  	p1 =	slt.u32 s9, $0xF7A;
	s5 =	simm.s32 @!p2 $0x0  }
0x1d: {  	s5 =	simm.s32 @p1 $0x1;
	p0 =	seq.s32 s7, s2  }
0x1e: {  	s7 =	smul.u32 @!p0 $0xF7A, s2;
	p2 =	seq.s32 @!p0 s5, $0x0  }
0x1f: {  	s9 =	smul.u32 $0xF7A, s1;
	s8 =	simm.s32 @!p0 $0x1BF5;
	p2 =	por !p2, p0  }
0x20: {  	[sflag:s8] =	ssyncset.s32 @!p0 $0xFFFFF086;
	s6 =	sadd.s32 @!p0 s3, s7;
	s7 =	simm.s32 @!p0 $0x108  }
0x21: {  	s3 =	sadd.s32 s3, s9;
	s6 =	sadd.s32 @!p0 $0x88, s6;
	s7 =	simm.s32 @p2 $0x1082  }
0x22: {  	[simem:s7], [sflag:s8] =	dma.local @!p0 [hbm:s6], $0xF7A  }
0x23: {  	s9 =	sor.u32 $0xD0000000, s2;
	s6 =	simm.s32 $0x108;
	_ =	swait.ge @!p0 [sflag:s8], $0x0  }
0x24: {  	s3 =	sadd.s32 $0x88, s3;
	s6 =	simm.s32 @!p1 $0x1082;
	[sflag:s4] =	ssyncset.s32 $0xFFFFF086  }
0x25: {  	[simem:s6], [sflag:s4] =	dma.local [hbm:s3], $0xF7A  }
0x26: {  	[smem:$0x3F8E] =	sst s1;
	(tag) =	ssettag s2;
	_ =	strace s9  }
0x27: {  	s1 =	sld [smem:$0x3F9E]  }
0x28: {  	s2 =	sld [smem:$0x3F9F]  }
0x29: {  	s4 =	sld [smem:$0x3FA1]  }
0x2a: {  	p0 =	seq.s32 s5, $0x0;
	s5 =	sld [smem:$0x3FA2]  }
0x2b: {  	s6 =	sld [smem:$0x3FA3]  }
0x2c: {  	s7 =	sld [smem:$0x3FA4]  }
0x2d: {  	s3 =	simm.s32 $0x108;
	s8 =	sld [smem:$0x3FA5]  }
0x2e: {  	s3 =	simm.s32 @!p0 $0x1082;
	s9 =	sld [smem:$0x3FA6]  }
0x2f: {  	lr =	sadd.s32 s0, s3;
	s0 =	sld [smem:$0x3F9D]  }
0x30: {  	s3 =	sld [smem:$0x3FA0]  }
0x31: {  	[smem:$0x3FA9] =	sst s10  }
0x32: {  	s10 =	sld [smem:$0x3FA7];
	_ =	sdelay $0x3  }
0x33: {  	p0 =	seq.s32 s10, $0x1;
	s10 =	sld [smem:$0x3FA9];
	_ =	sdelay $0x3  }
0x34: {  	[smem:$0x3FA9] =	sst s10  }
0x35: {  	s10 =	sld [smem:$0x3FA8];
	_ =	sdelay $0x3  }
0x36: {  	p1 =	seq.s32 s10, $0x1;
	s10 =	sld [smem:$0x3FA9];
	_ =	sdelay $0x3  }
0x37: {  	[smem:$0x3FA9] =	sst s10  }
0x38: {  	s10 =	sld [smem:$0x3FAA]  }
0x39: {  	_ = 	snop;
	(pc) =	sbr.ind lr, $3  }
0x3a: {  	_ = 	snop  }
0x3b: {  	_ = 	snop  }
0x3c: {  	p2 =	seq.s32 s10, $0x1;
	s10 =	sld [smem:$0x3FA9]  }
0x3d: {  	_ =	shalt  }
0x3e: {  	_ =	shalt  }
0x3f: {  	_ =	shalt  }
0x40: {  	_ =	shalt  }
0x41: {  	_ =	shalt  }
0x42: {  	_ =	shalt  }
0x43: {  	_ =	shalt  }
0x44: {  	_ =	shalt  }
0x45: {  	_ =	shalt  }
0x46: {  	_ =	shalt  }
0x47: {  	_ =	shalt  }
0x48: {  	_ =	shalt  }
0x49: {  	_ =	shalt  }
0x4a: {  	_ =	shalt  }
0x4b: {  	_ =	shalt  }
0x4c: {  	_ =	shalt  }
0x4d: {  	_ =	shalt  }
0x4e: {  	_ =	shalt  }
0x4f: {  	_ =	shalt  }
0x50: {  	_ =	shalt  }
0x51: {  	_ =	shalt  }
0x52: {  	_ =	shalt  }
0x53: {  	_ =	shalt  }
0x54: {  	_ =	shalt  }
0x55: {  	_ =	shalt  }
0x56: {  	_ =	shalt  }
0x57: {  	_ =	shalt  }
0x58: {  	_ =	shalt  }
0x59: {  	_ =	shalt  }
0x5a: {  	_ =	shalt  }
0x5b: {  	_ =	shalt  }
0x5c: {  	_ =	shalt  }
0x5d: {  	_ =	shalt  }
0x5e: {  	_ =	shalt  }
0x5f: {  	_ =	shalt  }
0x60: {  	_ =	shalt  }
0x61: {  	_ =	shalt  }
0x62: {  	_ =	shalt  }
0x63: {  	_ =	shalt  }
0x64: {  	_ =	shalt  }
0x65: {  	_ =	shalt  }
0x66: {  	_ =	shalt  }
0x67: {  	_ =	shalt  }
0x68: {  	_ =	shalt  }
0x69: {  	_ =	shalt  }
0x6a: {  	_ =	shalt  }
0x6b: {  	_ =	shalt  }
0x6c: {  	_ =	shalt  }
0x6d: {  	_ =	shalt  }
0x6e: {  	_ =	shalt  }
0x6f: {  	_ =	shalt  }
0x70: {  	_ =	shalt  }
0x71: {  	_ =	shalt  }
0x72: {  	_ =	shalt  }
0x73: {  	_ =	shalt  }
0x74: {  	_ =	shalt  }
0x75: {  	_ =	shalt  }
0x76: {  	_ =	shalt  }
0x77: {  	_ =	shalt  }
0x78: {  	_ =	shalt  }
0x79: {  	_ =	shalt  }
0x7a: {  	_ =	shalt  }
0x7b: {  	_ =	shalt  }
0x7c: {  	_ =	shalt  }
0x7d: {  	_ =	shalt  }
0x7e: {  	_ =	shalt  }
0x7f: {  	_ =	shalt  }
0x80: {  	_ =	shalt  }
0x81: {  	_ =	shalt  }
0x82: {  	_ =	shalt  }
0x83: {  	_ =	shalt  }
0x84: {  	_ =	shalt  }
0x85: {  	_ =	shalt  }
0x86: {  	_ =	shalt  }
0x87: {  	_ =	shalt  }
.Lfunc_end0:
.L_simem_size_0:
called_computation.1_lowered:
.L_overlay_start_0:
0x88: {  	s2 =	sld [smem:$0x3FD9]  }
0x89: {  	s3 =	sld [smem:$0x3FFE];
	_ =	sdelay $0x1  }
0x8a: {  	s1 =	srdreg.scid  }
0x8b: {  	s0 =	sand.u32 $0x1, s1  }
0x8c: {  	s15 =	sshll.u32 s0, $0xA;
	s2 =	sadd.s32 s3, s2  }
0x8d: {  	s2 =	sadd.s32 s2, s15  }
0x8e: {  	[smem:$0x3FB5] =	sst s2  }
0x8f: {  	_ = 	snop  }
0x90: {  	s2 =	sld [smem:$0x3FD0];
	_ =	sdelay $0x2  }
0x91: {  	s16 =	simm.s32 $0xB;
	s4 =	simm.s32 $0x10  }
0x92: {  	[smem:s4], [sflag:s16] =	dma.local [hbm:s2], $0x1  }
0x93: {  	_ =	swait.eq [sflag:s16], $0x1  }
0x94: {  	[sflag:s16] =	ssyncset.done $0x0  }
0x95: {  	[sflag:s16] =	ssyncadd.s32 $0xFFFFFFFF  }
0x96: {  	s17 =	sld [smem:$0x12];
	(tm) =	ssettm $0x1  }
0x97: {  	s18 =	sld [smem:$0x3FFB];
	_ =	sdelay $0x3  }
0x98: {  	_ =	strace s18  }
0x99: {  	s2 =	sld [smem:$0x3FFC];
	_ =	sdelay $0x3  }
0x9a: {  	_ =	strace s2  }
0x9b: {  	s2 =	sld [smem:$0x3FFD];
	_ =	sdelay $0x3  }
0x9c: {  	_ =	strace s2  }
0x9d: {  	_ =	strace $0x8FFFFFFF  }
0x9e: {  	s19 =	sld [smem:$0x3FDB];
	_ =	sdelay $0x1  }
0x9f: {  	s20 =	simm.s32 $_scs_section_size  }
0xa0: {  	s5 =	simm.s32 $_size__tile_overlayer_lowered;
	s6 =	simm.s32 $_tile_overlayer_lowered  }
0xa1: {  	s7 =	simm.s32 $0x1BFF;
	s21 =	sshll.u32 s6, $0x1;
	s4 =	sadd.s32 s20, s19  }
0xa2: {  	s22 =	simm.s32 $0x0;
	s5 =	sshll.u32 s5, $0x1;
	s6 =	sadd.s32 s21, s4  }
0xa3: {  	[timem:s22], [sflag:s7] =	dma.local [hbm:s6], s5  }
0xa4: {  	_ =	swait.ge [sflag:s7], s5  }
0xa5: {  	s5 =	ssub.s32 $0x0, s5;
	[sflag:s7] =	ssyncset.done $0x0  }
0xa6: {  	[sflag:s7] =	ssyncadd.s32 s5;
	_ =	sdelay $0x1  }
0xa7: {  	s23 =	simm.s32 $0x1B8B  }
0xa8: {  	_ =	swait.ge [sflag:s23], $0x1  }
0xa9: {  	[sflag:s23] =	ssyncset.done $0x0  }
0xaa: {  	[sflag:s23] =	ssyncadd.s32 $0xFFFFFFFF  }
0xab: {  	s5 =	sld [smem:$0x0]  }
0xac: {  	s6 =	sand.u32 $0xFFFFFFFE, s1  }
0xad: {  	p0 =	sne.s32 s1, s6  }
0xae: {  	s6 =	sshll.u32 @p0 s6, $0xE  }
0xaf: {  	s6 =	sadd.s32 @p0 $0x11B8D, s6;
	s7 =	sshll.u32 @p0 s5, $0x11  }
0xb0: {  	s6 =	sor.u32 @p0 s7, s6  }
0xb1: {  	[sflag:s6] =	ssyncadd.remote.s32 @p0 $0x1;
	_ =	sdelay $0x1  }
0xb2: {  	s6 =	simm.s32 @p0 $0x1B8D  }
0xb3: {  	_ =	swait.eq @p0 [sflag:s6], $0x1  }
0xb4: {  	[sflag:s6] =	ssyncadd.s32 @p0 $0xFFFFFFFF  }
0xb5: {  	s7 =	sshll.u32 @!p0 s1, $0xE  }
0xb6: {  	s7 =	sor.u32 @!p0 $0x4000, s7;
	s6 =	simm.s32 @!p0 $0x1B8D  }
0xb7: {  	s8 =	sshll.u32 @!p0 s5, $0x11;
	s7 =	sadd.s32 @!p0 $0x11B8D, s7;
	_ =	swait.eq @!p0 [sflag:s6], $0x1  }
0xb8: {  	[sflag:s6] =	ssyncadd.s32 @!p0 $0xFFFFFFFF;
	s6 =	sor.u32 @!p0 s8, s7  }
0xb9: {  	s25 =	simm.s32 $0x1B8E;
	s24 =	sld [smem:$0x3FFE];
	[sflag:s6] =	ssyncadd.remote.s32 @!p0 $0x1  }
0xba: {  	s26 =	simm.s32 $execute0_lowered;
	[smem:$0x3FD2] =	sst s25  }
0xbb: {  	s7 =	sshll.u32 s26, $0x1;
	_ =	strace $0x80000055;
	[dreg:$0x1] =	wrdreg $0xFFFFFFFF  }
0xbc: {  	s28 =	simm.s32 $_size_execute0_lowered;
	s4 =	sadd.s32 s4, s7;
	[dreg:$0x0] =	wrdreg $0x0  }
0xbd: {  	s7 =	sshll.u32 s28, $0x1;
	[dreg:$0x2] =	wrdreg s4  }
0xbe: {  	[dreg:$0x3] =	wrdreg s7  }
0xbf: {  	[dreg:$0x4] =	wrdreg $0xC0  }
0xc0: {  	_ =	task [dreg:s22], $0x5FFFF  }
0xc1: {  	[dreg:$0x1] =	wrdreg $0xFFFFFFFF  }
0xc2: {  	[dreg:$0x0] =	wrdreg $0x60  }
0xc3: {  	[dreg:$0x2] =	wrdreg s24  }
0xc4: {  	[dreg:$0x3] =	wrdreg s17  }
0xc5: {  	[dreg:$0x4] =	wrdreg s1  }
0xc6: {  	[dreg:$0x5] =	wrdreg s5  }
0xc7: {  	[dreg:$0x6] =	wrdreg $0x9  }
0xc8: {  	_ =	task.clear_ibuf [dreg:s22], $0x7FFFF;
	_ =	strace $0x90000055  }
0xc9: {  	s29 =	simm.s32 $0x9;
	_ =	strace $0x80000057  }
0xca: {  	_ =	swait.ge [sflag:s29], $0x1  }
0xcb: {  	[sflag:s29] =	ssyncadd.s32 $0xFFFFFFFF  }
0xcc: {  	_ =	strace $0x90000057  }
0xcd: {  	_ =	sfence  }
0xce: {  	s30 =	sld [smem:$0x0];
	_ =	sdelay $0x2  }
0xcf: {  	s31 =	sshll.u32 s1, $0xD;
	s1 =	sshrl.u32 s1, $0x2  }
0xd0: {  	s4 =	sand.u32 $0x4000, s31;
	s1 =	sadd.s32 s1, s30  }
0xd1: {  	s0 =	sor.u32 s4, s0;
	s1 =	sshll.u32 s1, $0x11  }
0xd2: {  	s0 =	sor.u32 s1, s0  }
0xd3: {  	s0 =	sadd.s32 $0x8F2B, s0  }
0xd4: {  	[sflag:s0] =	ssyncadd.remote.s32 $0x1  }
0xd5: {  	_ =	sfence.sel $0xFFFF  }
0xd6: {  	[dreg:$0x0] =	wrdreg $0xFFFFFFFF;
	(pc) =	sbr.abs _section_cstart, $3  }
0xd7: {  	[dreg:$0x1] =	wrdreg $0xFFFFFFFF  }
0xd8: {  	_ =	task.clear_ibuf [dreg:s22], $0x2FFFF;
	_ =	strace $0x9FFFFFFF  }
0xd9: {  	(tm) =	ssettm $0x7FFFFFFF  }
tec
execute0_lowered:
.L_overlay_start_1:
0x0: {  	(tag) =	ssettag $0x1  }
0x1: {  	s2 =	rddreg [dreg:$0x0]  }
0x2: {  	s9 =	rddreg [dreg:$0x1]  }
0x3: {  	s3 =	rddreg [dreg:$0x2];
	_ =	strace $0x80000056;
	s0 =	simm.s32 $0x1  }
0x4: {  	v0 =	vimm.s32 $0x0;
	[sflag:s0] =	ssyncpa.u1 $0x0;
	s0 =	simm.s32 $0x108  }
0x5: {  	[tilespmem:s0+$0x70] =	vst v0  }
0x6: {  	[tilespmem:s0+$0x60] =	vst v0  }
0x7: {  	[tilespmem:s0+$0x50] =	vst v0  }
0x8: {  	[tilespmem:s0+$0x40] =	vst v0  }
0x9: {  	[tilespmem:s0+$0x30] =	vst v0  }
0xa: {  	s1 =	sadd.s32 $0x1CA00, s2;
	s15 =	sadd.s32 $0x10D000, s2;
	[tilespmem:s0+$0x20] =	vst v0  }
0xb: {  	s14 =	sadd.s32 $0x116E00, s2;
	s5 =	sand.u32 $0x1, s3;
	s3 =	simm.s32 $0x40;
	[tilespmem:s0+$0x10] =	vst v0  }
.LBB2_1:
0xc: {  	s3 =	sadd.s32 $0x40, s3;
	[tilespmem:s0+$0x0] =	vst v0;
	s0 =	sadd.s32 $0x80, s0  }
0xd: {  	p0 =	slt.u32 s3, $0x3C40;
	[tilespmem:s0+$0x70] =	vst v0  }
0xe: {  	[tilespmem:s0+$0x60] =	vst v0  }
.Ltmp0:
0xf: {  	[tilespmem:s0+$0x50] =	vst v0;
	(pc) =	sbr.rel @p0 .LBB2_1-.Ltmp0, $4  }
0x10: {  	[tilespmem:s0+$0x40] =	vst v0  }
0x11: {  	[tilespmem:s0+$0x30] =	vst v0  }
0x12: {  	[tilespmem:s0+$0x20] =	vst v0  }
0x13: {  	[tilespmem:s0+$0x10] =	vst v0  }
0x14: {  	s6 =	stileid.u32  }
0x15: {  	s2 =	smul.u32 $0x29, s6  }
0x16: {  	s3 =	smin.u32 s6, $0xB  }
0x17: {  	s2 =	sadd.s32 s3, s2  }
0x18: {  	p0 =	slt.u32 s6, $0xB;
	s7 =	smul.u32 $0xF0, s2;
	s2 =	simm.s32 $0x2760  }
0x19: {  	s2 =	simm.s32 @!p0 $0x2670  }
0x1a: {  	s2 =	sadd.s32 s2, s7  }
0x1b: {  	s8 =	smin.u32 s2, $0x27100  }
0x1c: {  	s2 =	ssub.s32 s8, s7  }
0x1d: {  	p0 =	sgt.s32 s2, $0x0  }
0x1e: {  	s29 =	simm.s32 $0x2;
	s10 =	simm.s32 $0x9;
	s2 =	simm.s32 @!p0 $0x0  }
0x1f: {  	s4 =	simm.s32 $0xA;
	s11 =	simm.s32 $0xB;
	s28 =	smulhi.u32 $0x88888889, s2  }
0x20: {  	[dreg:$0x5] =	wrdreg s5;
	s31 =	smul.u32 $0x4E20, s5;
	s12 =	simm.s32 $0x1  }
0x21: {  	s22 =	simm.s32 $0x0;
	s18 =	simm.s32 $0xC;
	s30 =	sshrl.u32 s28, $0x7  }
0x22: {  	s20 =	simm.s32 $0x0;
	s21 =	simm.s32 $0x0;
	s3 =	smul.u32 $0xF0, s30  }
.Ltmp1:
0x23: {  	[tilespmem:s0+$0x0] =	vst v0;
	v0 =	vimm.s32 $0xFFFFFFFF;
	[sflag:s29] =	ssyncpa.u1 $0x0;
	s16 =	sshll.u32 s6, $0x8;
	(pc) =	sbr.rel .LBB2_3-.Ltmp1, $4  }
0x24: {  	[tilespmem:$0xF208] =	vst v0;
	[sflag:s10] =	ssyncpa.u1 $0x0;
	p0 =	sne.s32 s2, s3;
	s2 =	simm.s32 $0x1  }
0x25: {  	s14 =	sadd.s32 s31, s14;
	[sflag:s4] =	ssyncpa.u1 $0x0;
	s2 =	simm.s32 @!p0 $0x0  }
0x26: {  	s15 =	sadd.s32 s31, s15;
	[sflag:s11] =	ssyncpa.u1 $0x0;
	s13 =	sadd.s32 s2, s30  }
0x27: {  	v0 =	vlaneseq.u32;
	s19 =	smov.u32 s7;
	p0 =	por $0x0, $0x0;
	s17 =	sadd.s32 $0x1, s13  }
.LBB2_18:
0x28: {  	s0 =	sshrl.u32 s31, $0x2  }
.LBB2_20:
0x29: {  	_ =	swait.ge [sflag:s18], s0  }
0x2a: {  	s31 =	ssub.s32 $0x0, s0;
	v1 =	vmov s24;
	vm0 =	veq.s32 v0, $0x0;
	[sflag:s18] =	ssyncset.done $0x0  }
0x2b: {  	vm15 =	veq.s32 v0, $0x2;
	v1 =	vsel vm0, s30, v1;
	[sflag:s18] =	ssyncadd.s32 s31  }
0x2c: {  	v1 =	vsel vm15, s22, v1;
	[sflag:s18] =	ssyncpa.u1 $0x1  }
0x2d: {  	[tilespmem:$0xF208] =	vst v1  }
.LBB2_21:
0x2e: {  	s0 =	sadd.s32 $0xF0, s19  }
0x2f: {  	s2 =	smov.u32 s7;
	p1 =	slt.s32 s0, s8  }
0x30: {  	s2 =	smov.u32 @p1 s0;
	p1 =	sne.s32 s21, s17  }
.Ltmp2:
0x31: {  	_ = 	snop;
	(pc) =	sbr.rel @!p1 .LBB2_22-.Ltmp2, $3  }
0x32: {  	_ =	sdelay $0x1  }
0x33: {  	s22 =	smov.u32 s20;
	s31 =	sadd.s32 $0x1, s21;
	s20 =	smov.u32 s19  }
0x34: {  	p0 =	por !p0, !p0;
	s21 =	smov.u32 s31;
	s19 =	smov.u32 s2  }
.LBB2_3:
0x35: {  	p1 =	sge.u32 s21, s13  }
0x36: {  	s0 =	smulhi.u32 @!p1 $0xAAAAAAAB, s21  }
0x37: {  	s2 =	smov.u32 s19;
	p2 =	sgt.s32 @!p1 s19, $0x27010  }
0x38: {  	s3 =	sshra.s32 @!p1 s19, $0x1F;
	p2 =	por !p2, p1;
	s0 =	sshrl.u32 @!p1 s0, $0x1  }
0x39: {  	s3 =	sand.u32 @!p1 s3, s19;
	s2 =	simm.s32 @p2 $0x27010;
	s0 =	smul.u32 @!p1 $0x3, s0  }
0x3a: {  	s2 =	ssub.s32 @!p1 s2, s3  }
0x3b: {  	s2 =	sadd.s32 @!p1 $0xFFFD8FF0, s2;
	s0 =	ssub.s32 @!p1 s21, s0  }
0x3c: {  	s3 =	sshll.u32 @!p1 s2, $0x2;
	p2 =	sgt.s32 @!p1 s2, $0xEF;
	s0 =	smul.u32 @!p1 $0x3C0, s0  }
0x3d: {  	s4 =	sand.u32 @!p1 $0x7, s19;
	s2 =	ssub.s32 @!p1 $0x3C0, s3;
	p2 =	por !p2, p1  }
0x3e: {  	s3 =	sshrl.u32 @!p1 s19, $0x3;
	s2 =	sshrl.u32 @!p1 s2, $0x2;
	s0 =	sshrl.u32 @!p1 s0, $0x2  }
0x3f: {  	s3 =	sadd.s32 @!p1 s3, s14;
	s2 =	simm.s32 @!p2 $0x0;
	s0 =	sadd.s32 @!p1 $0x10248, s0  }
0x40: {  	[tilespmem:s0], [sflag:$0xA] =	stream.linear.gather @!p1 [hbm4b:s3+s4], s2, $0x38;
	[tilespmem:$0x1F6F8] =	vst v63  }
0x41: {  	s0 =	sadd.s32 $0xFFFFFFFF, s21  }
0x42: {  	p1 =	sge.u32 s0, s13  }
0x43: {  	p2 =	sgt.s32 @!p1 s20, $0x27010  }
0x44: {  	s2 =	smov.u32 s20;
	s3 =	sshra.s32 @!p1 s20, $0x1F;
	p2 =	por !p2, p1  }
0x45: {  	s3 =	sand.u32 @!p1 s3, s20;
	s2 =	simm.s32 @p2 $0x27010  }
0x46: {  	s2 =	ssub.s32 @!p1 s2, s3  }
0x47: {  	s2 =	sadd.s32 @!p1 $0xFFFD8FF0, s2  }
0x48: {  	s4 =	sand.u32 @!p1 $0x1, s0;
	s3 =	sshll.u32 @!p1 s2, $0x2  }
0x49: {  	p2 =	sgt.s32 @!p1 s2, $0xEF;
	s2 =	ssub.s32 @!p1 $0x3C0, s3;
	s3 =	smulhi.u32 @!p1 $0xAAAAAAAB, s0  }
0x4a: {  	s23 =	smul.u32 @!p1 $0x3C0, s4;
	p2 =	por !p2, p1;
	s2 =	sshrl.u32 @!p1 s2, $0x2  }
0x4b: {  	s5 =	simm.s32 @!p1 $0xA;
	s2 =	simm.s32 @!p2 $0x0;
	s3 =	sshrl.u32 @!p1 s3, $0x1  }
0x4c: {  	s23 =	sshrl.u32 @!p1 s23, $0x2;
	_ =	swait.ge @!p1 [sflag:s5], s2;
	s3 =	smul.u32 @!p1 $0x3, s3  }
0x4d: {  	s23 =	sadd.s32 @!p1 $0x10518, s23;
	s24 =	ssub.s32 @!p1 $0x0, s2;
	[sflag:s5] =	ssyncset.done @!p1 $0x0  }
0x4e: {  	[sflag:s5] =	ssyncadd.s32 @!p1 s24;
	s5 =	sshrl.u32 @!p1 s20, $0x3;
	s0 =	ssub.s32 @!p1 s0, s3  }
0x4f: {  	s24 =	sand.u32 @!p1 $0x7, s20;
	s5 =	sadd.s32 @!p1 s5, s15;
	s0 =	smul.u32 @!p1 $0x3C0, s0  }
0x50: {  	[tilespmem:s23], [sflag:$0xB] =	stream.linear.gather @!p1 [hbm4b:s5+s24], s2, $0x38;
	[tilespmem:$0x1F6F8] =	vst v63  }
0x51: {  	s3 =	ssub.s32 @!p1 $0x27100, s20;
	s2 =	smul.u32 @!p1 $0x1E000, s4  }
0x52: {  	p2 =	slt.s32 @!p1 s3, $0xF0  }
0x53: {  	p2 =	por !p2, p1;
	s0 =	sshrl.u32 @!p1 s0, $0x2;
	s2 =	sshrl.u32 @!p1 s2, $0x2  }
0x54: {  	s3 =	simm.s32 @p2 $0xF0;
	s0 =	sadd.s32 @!p1 $0x10248, s0;
	s2 =	sor.u32 @!p1 $0x106F8, s2  }
0x55: {  	[tilespmem:s2], [sflag:$0x9] =	stream.indirect.gather @!p1 [hbm4b:s9+s3], $0x80, s0, s3, $0xb8;
	[tilespmem:$0x1F6F8] =	vst v63  }
0x56: {  	p1 =	slt.u32 s21, $0x2  }
.Ltmp3:
0x57: {  	_ = 	snop;
	(pc) =	sbr.rel @p1 .LBB2_21-.Ltmp3, $1  }
0x58: {  	_ =	sdelay $0x3  }
0x59: {  	p1 =	sgt.s32 s22, $0x27010  }
0x5a: {  	s0 =	smov.u32 s22;
	s2 =	sshra.s32 s22, $0x1F;
	s3 =	ssub.s32 $0x27100, s22  }
0x5b: {  	s0 =	simm.s32 @!p1 $0x27010;
	s2 =	sand.u32 s2, s22;
	p1 =	slt.s32 s3, $0xF0  }
0x5c: {  	s0 =	ssub.s32 s0, s2;
	s3 =	simm.s32 @!p1 $0xF0  }
0x5d: {  	s0 =	sadd.s32 $0xFFFD8FF0, s0;
	s25 =	sshll.u32 s3, $0x7  }
0x5e: {  	s26 =	sshll.u32 s0, $0x2;
	s2 =	sand.u32 $0x3FFFFF80, s25  }
0x5f: {  	p1 =	sgt.s32 s0, $0xEF;
	s29 =	ssub.s32 $0x3C0, s26;
	_ =	swait.ge [sflag:s10], s2  }
0x60: {  	s2 =	ssub.s32 $0x0, s2;
	[sflag:s10] =	ssyncset.done $0x0;
	s0 =	sshrl.u32 s29, $0x2  }
0x61: {  	[sflag:s10] =	ssyncadd.s32 s2;
	s0 =	simm.s32 @p1 $0x0  }
0x62: {  	_ =	swait.ge [sflag:s11], s0  }
0x63: {  	s0 =	ssub.s32 $0x0, s0;
	[sflag:s11] =	ssyncset.done $0x0  }
0x64: {  	[sflag:s11] =	ssyncadd.s32 s0  }
0x65: {  	v1 =	vld [tilespmem:$0xF208];
	_ =	sdelay $0x4  }
0x66: {  	(v2sf) =	vpush v1, $0x0  }
0x67: {  	(v2sf) =	vpush v1, $0x1  }
0x68: {  	(v2sf) =	vpush v1, $0x2;
	_ =	sdelay $0x3  }
0x69: {  	s0 =	sadd.s32 $0xF0, s22  }
0x6a: {  	s2 =	ssub.s32 $0x4E200, s22;
	p1 =	slt.s32 s8, s0  }
0x6b: {  	s0 =	smov.u32 @p1 s8;
	p1 =	sgt.s32 s2, $0x0  }
0x6c: {  	s26 =	ssub.s32 s0, s22;
	s2 =	simm.s32 @!p1 $0x0  }
0x6d: {  	p1 =	slt.s32 s2, s26  }
0x6e: {  	s26 =	smov.u32 @p1 s2  }
0x6f: {  	s25 =	simm.s32 $0x1;
	p1 =	slt.s32 s26, $0x1  }
.Ltmp4:
0x70: {  	s25 =	simm.s32 @!p0 $0x0;
	(pc) =	sbr.rel @p1 .LBB2_8-.Ltmp4, $4  }
0x71: {  	s31 =	smul.u32 $0x3C0, s25  }
0x72: {  	s28 =	spop (v2sf)  }
0x73: {  	s0 =	sshrl.u32 s31, $0x2;
	s30 =	spop (v2sf)  }
0x74: {  	s23 =	sadd.s32 $0x10518, s0;
	s22 =	spop (v2sf)  }
0x75: {  	s0 =	smin.u32 s26, $0x10  }
0x76: {  	v1 =	vmov s0  }
0x77: {  	p2 =	sgt.s32 s26, $0x10;
	vm1 =	vgt.u32 v1, v0  }
.Ltmp5:
0x78: {  	_ = 	snop;
	(pc) =	sbr.rel @!p2 .LBB2_7-.Ltmp5, $2  }
0x79: {  	_ =	sdelay $0x2  }
0x7a: {  	s4 =	simm.s32 $0x10;
	s24 =	sadd.s32 $0xFFFFFFF0, s26;
	s0 =	smov.u32 s23;
	vm0 =	vmmov vm1  }
.LBB2_6:
0x7b: {  	s2 =	smin.u32 s24, $0x10;
	s4 =	sadd.s32 $0x10, s4;
	v1 =	vld.msk [tilespmem:s0+$0x0 ss:$0x1], vm1  }
0x7c: {  	v2 =	vmov s2;
	p2 =	slt.s32 s4, s26  }
0x7d: {  	vm1 =	vgt.u32 v2, v0  }
.Ltmp6:
0x7e: {  	(pc) =	sbr.rel @p2 .LBB2_6-.Ltmp6, $3  }
0x7f: {  	_ =	sdelay $0x1  }
0x80: {  	v1 =	vshll.u32 v1, $0x4  }
0x81: {  	s24 =	sadd.s32 $0xFFFFFFF0, s24;
	[tilespmem:s0+$0x0] =	vst.msk vm0, v1;
	s0 =	sadd.s32 $0x10, s0;
	vm0 =	vmmov vm1  }
.LBB2_7:
0x82: {  	_ =	sdelay $0x4  }
0x83: {  	v1 =	vld.msk [tilespmem:s0+$0x0 ss:$0x1], vm1;
	_ =	sdelay $0x4  }
0x84: {  	v1 =	vshll.u32 v1, $0x4  }
0x85: {  	[tilespmem:s0+$0x0] =	vst.msk vm0, v1  }
.LBB2_8:
0x86: {  	s0 =	sand.u32 $0x1, s21  }
0x87: {  	s2 =	smul.u32 $0x7800, s0  }
0x88: {  	p2 =	sne.s32 s30, $0xFFFFFFFF  }
0x89: {  	v1 =	vld @!p2 [tilespmem:s2+$0x106F8];
	_ =	sdelay $0x2  }
0x8a: {  	s0 =	smul.u32 $0xF0, s0;
	_ =	sdelay $0x1  }
0x8b: {  	v2 =	vld.msk @!p2 [tilespmem:s0+$0x10518], $0x1;
	[tilespmem:$0x108] =	vst @!p2 v1  }
0x8c: {  	v1 =	vld @!p2 [tilespmem:s2+$0x10708];
	_ =	sdelay $0x4  }
0x8d: {  	[tilespmem:$0x118] =	vst @!p2 v1  }
0x8e: {  	v1 =	vld @!p2 [tilespmem:s2+$0x10718];
	_ =	sdelay $0x4  }
0x8f: {  	[tilespmem:$0x128] =	vst @!p2 v1  }
0x90: {  	v1 =	vld @!p2 [tilespmem:s2+$0x10728];
	_ =	sdelay $0x4  }
0x91: {  	[tilespmem:$0x138] =	vst @!p2 v1  }
0x92: {  	v1 =	vld @!p2 [tilespmem:s2+$0x10738];
	_ =	sdelay $0x4  }
0x93: {  	[tilespmem:$0x148] =	vst @!p2 v1  }
0x94: {  	(v2sf) =	vpush @!p2 v2, $0x0;
	v1 =	vld @!p2 [tilespmem:s2+$0x10748];
	_ =	sdelay $0x4  }
0x95: {  	[tilespmem:$0x158] =	vst @!p2 v1  }
0x96: {  	v1 =	vld @!p2 [tilespmem:s2+$0x10758];
	_ =	sdelay $0x4  }
0x97: {  	[tilespmem:$0x168] =	vst @!p2 v1  }
0x98: {  	v1 =	vld @!p2 [tilespmem:s2+$0x10768]  }
.Ltmp7:
0x99: {  	_ = 	snop;
	(pc) =	sbr.rel @p1 .LBB2_19-.Ltmp7, $4  }
0x9a: {  	_ = 	snop  }
0x9b: {  	s29 =	spop @!p2 (v2sf)  }
0x9c: {  	s22 =	simm.s32 @!p2 $0x0;
	s24 =	smov.u32 s29  }
0x9d: {  	s29 =	smov.u32 @p2 s28;
	s24 =	smov.u32 @p2 s30;
	[tilespmem:$0x178] =	vst @!p2 v1;
	[sflag:s18] =	ssyncpa.u1 $0x0  }
0x9e: {  	v1 =	vld.msk [tilespmem:s23+$0x0], $0x1;
	_ =	sdelay $0x4  }
0x9f: {  	(v2sf) =	vpush v1, $0x0;
	_ =	sdelay $0xe  }
0xa0: {  	s2 =	smul.u32 $0x1E000, s25;
	s0 =	spop (v2sf)  }
0xa1: {  	s26 =	ssub.s32 $0x0, s26;
	p1 =	seq.s32 s29, s0  }
0xa2: {  	s30 =	sadd.s32 $0x1, s26;
	s2 =	sshrl.u32 s2, $0x2;
	p2 =	sgt.s32 @!p1 s29, $0x0  }
0xa3: {  	s25 =	sor.u32 $0x10738, s2;
	s2 =	smov.u32 s29;
	p2 =	por !p2, p1  }
0xa4: {  	s2 =	simm.s32 @p2 $0x0;
	p2 =	seq.s32 s30, $0x0  }
.Ltmp8:
0xa5: {  	_ = 	snop;
	(pc) =	sbr.rel @p2 .LBB2_11-.Ltmp8, $4  }
0xa6: {  	_ = 	snop  }
0xa7: {  	s28 =	simm.s32 $0x0;
	s31 =	sadd.s32 $0x1, s23;
	s2 =	smin.u32 @!p1 s2, $0x27FF0  }
0xa8: {  	s4 =	simm.s32 @!p1 $0x1;
	s5 =	simm.s32 @!p1 $0x7988;
	s3 =	sand.u32 @!p1 $0x3FFF8, s2  }
0xa9: {  	s4 =	smov.u32 @p1 s28;
	s2 =	sand.u32 @!p1 $0x7, s2;
	s3 =	sadd.s32 @!p1 s1, s3  }
.LBB2_10:
0xaa: {  	s6 =	smov.u32 s4  }
0xab: {  	[tilespmem:s5], [sflag:$0x2] =	stream.linear.gather @!p1 [hbm4b:s3+s2], $0x80, $0x38;
	[tilespmem:$0x1F6F8] =	vst v63  }
0xac: {  	s30 =	sadd.s32 $0x1, s30;
	s2 =	smov.u32 s0;
	v1 =	vld.msk [tilespmem:s31+$0x0], $0x1  }
0xad: {  	p2 =	seq.s32 s30, $0x0;
	_ =	sdelay $0x3  }
0xae: {  	(v2sf) =	vpush v1, $0x0;
	_ =	sdelay $0xe  }
0xaf: {  	s0 =	spop (v2sf)  }
0xb0: {  	p1 =	seq.s32 s2, s0  }
0xb1: {  	p3 =	sgt.s32 @!p1 s2, $0x0;
	s3 =	sshll.u32 @!p1 s4, $0x9;
	s4 =	sadd.s32 @!p1 $0x1, s4  }
.Ltmp9:
0xb2: {  	p3 =	por !p3, p1;
	s3 =	sshra.s32 @!p1 s3, $0x2;
	(pc) =	sbr.rel @!p2 .LBB2_10-.Ltmp9, $4  }
0xb3: {  	s4 =	smov.u32 @p1 s6;
	s2 =	simm.s32 @p3 $0x0;
	s5 =	sadd.s32 @!p1 $0x7988, s3  }
0xb4: {  	s2 =	smin.u32 @!p1 s2, $0x27FF0  }
0xb5: {  	s3 =	sand.u32 @!p1 $0x3FFF8, s2;
	s2 =	sand.u32 @!p1 $0x7, s2  }
0xb6: {  	s31 =	sadd.s32 $0x1, s31;
	s3 =	sadd.s32 @!p1 s1, s3  }
.LBB2_11:
0xb7: {  	[tilespmem:s5], [sflag:$0x2] =	stream.linear.gather @!p1 [hbm4b:s3+s2], $0x80, $0x38;
	[tilespmem:$0x1F6F8] =	vst v63  }
.Ltmp10:
0xb8: {  	s0 =	sshll.u32 s4, $0x7;
	(pc) =	sbr.rel .LBB2_12-.Ltmp10, $4  }
0xb9: {  	s30 =	simm.s32 $0x2;
	s0 =	sand.u32 $0x3FFFFF80, s0  }
0xba: {  	_ =	swait.ge [sflag:s30], s0  }
0xbb: {  	s0 =	ssub.s32 $0x0, s0;
	[sflag:s30] =	ssyncset.done $0x0  }
0xbc: {  	s31 =	simm.s32 $0x0;
	[sflag:s30] =	ssyncadd.s32 s0  }
.LBB2_13:
0xbd: {  	s0 =	sshra.s32 s0, $0x2;
	v1 =	vld [tilespmem:s25+$0xFFFFFFC0]  }
0xbe: {  	v2 =	vld [tilespmem:s0+$0x108];
	_ =	sdelay $0x4  }
0xbf: {  	v1 =	vmax.f32 v1, v2  }
0xc0: {  	v2 =	vld [tilespmem:s0+$0x118];
	[tilespmem:s0+$0x108] =	vst v1  }
0xc1: {  	v1 =	vld [tilespmem:s25+$0xFFFFFFD0];
	_ =	sdelay $0x4  }
0xc2: {  	v1 =	vmax.f32 v1, v2  }
0xc3: {  	v2 =	vld [tilespmem:s0+$0x128];
	[tilespmem:s0+$0x118] =	vst v1  }
0xc4: {  	v1 =	vld [tilespmem:s25+$0xFFFFFFE0];
	_ =	sdelay $0x4  }
0xc5: {  	v1 =	vmax.f32 v1, v2  }
0xc6: {  	v2 =	vld [tilespmem:s0+$0x138];
	[tilespmem:s0+$0x128] =	vst v1  }
0xc7: {  	v1 =	vld [tilespmem:s25+$0xFFFFFFF0];
	_ =	sdelay $0x4  }
0xc8: {  	v1 =	vmax.f32 v1, v2  }
0xc9: {  	v2 =	vld [tilespmem:s0+$0x148];
	[tilespmem:s0+$0x138] =	vst v1  }
0xca: {  	v1 =	vld [tilespmem:s25+$0x0];
	_ =	sdelay $0x4  }
0xcb: {  	v1 =	vmax.f32 v1, v2  }
0xcc: {  	v2 =	vld [tilespmem:s0+$0x158];
	[tilespmem:s0+$0x148] =	vst v1  }
0xcd: {  	v1 =	vld [tilespmem:s25+$0x10];
	_ =	sdelay $0x4  }
0xce: {  	v1 =	vmax.f32 v1, v2  }
0xcf: {  	v2 =	vld [tilespmem:s0+$0x168];
	[tilespmem:s0+$0x158] =	vst v1  }
0xd0: {  	v1 =	vld [tilespmem:s25+$0x20];
	_ =	sdelay $0x4  }
0xd1: {  	v1 =	vmax.f32 v1, v2  }
0xd2: {  	v2 =	vld [tilespmem:s0+$0x178];
	[tilespmem:s0+$0x168] =	vst v1  }
0xd3: {  	v1 =	vld [tilespmem:s25+$0x30];
	_ =	sdelay $0x4  }
0xd4: {  	v1 =	vmax.f32 v1, v2  }
0xd5: {  	[tilespmem:s0+$0x178] =	vst v1  }
.LBB2_17:
0xd6: {  	s26 =	sadd.s32 $0x1, s26  }
0xd7: {  	p1 =	seq.s32 s26, $0x0  }
.Ltmp11:
0xd8: {  	_ = 	snop;
	(pc) =	sbr.rel @p1 .LBB2_18-.Ltmp11, $2  }
0xd9: {  	_ =	sdelay $0x2  }
0xda: {  	s23 =	sadd.s32 $0x1, s23;
	s25 =	sadd.s32 $0x80, s25;
	s29 =	smov.u32 s30  }
.LBB2_12:
0xdb: {  	v1 =	vld.msk [tilespmem:s23+$0x0], $0x1;
	_ =	sdelay $0x4  }
0xdc: {  	(v2sf) =	vpush v1, $0x0;
	_ =	sdelay $0xe  }
0xdd: {  	s30 =	spop (v2sf)  }
0xde: {  	p1 =	sne.s32 s29, s30  }
.Ltmp12:
0xdf: {  	_ = 	snop;
	(pc) =	sbr.rel @!p1 .LBB2_13-.Ltmp12, $2  }
0xe0: {  	_ =	sdelay $0x2  }
0xe1: {  	s0 =	sshll.u32 s22, $0x9  }
0xe2: {  	p1 =	seq.s32 s29, s24  }
.Ltmp13:
0xe3: {  	_ = 	snop;
	(pc) =	sbr.rel @!p1 .LBB2_15-.Ltmp13, $1  }
0xe4: {  	_ =	sdelay $0x3  }
0xe5: {  	s0 =	sshra.s32 s0, $0x2  }
.Ltmp14:
0xe6: {  	s0 =	sadd.s32 $0x108, s0;
	(pc) =	sbr.rel .LBB2_16-.Ltmp14, $4  }
0xe7: {  	[spmem:s16] =	stream.linear.scatter [tilespmem:s0], [sflag:$0x1], $0x80, $0x38;
	[tilespmem:$0x1F6F8] =	vst v63  }
0xe8: {  	_ =	swait.ge [sflag:s12], $0x80  }
0xe9: {  	[sflag:s12] =	ssyncset.done $0x0  }
0xea: {  	[sflag:s12] =	ssyncadd.s32 $0xFFFFFF80  }
.LBB2_15:
0xeb: {  	s2 =	sshll.u32 s28, $0x9;
	s0 =	sshra.s32 s0, $0x2  }
0xec: {  	s2 =	sshra.s32 s2, $0x2;
	v2 =	vld [tilespmem:s0+$0x108]  }
0xed: {  	v1 =	vld [tilespmem:s2+$0x7988];
	_ =	sdelay $0x4  }
0xee: {  	v1 =	vmax.f32 v1, v2  }
0xef: {  	v2 =	vld [tilespmem:s0+$0x118];
	[tilespmem:s0+$0x108] =	vst v1  }
0xf0: {  	v1 =	vld [tilespmem:s2+$0x7998];
	_ =	sdelay $0x4  }
0xf1: {  	v1 =	vmax.f32 v1, v2  }
0xf2: {  	v2 =	vld [tilespmem:s0+$0x128];
	[tilespmem:s0+$0x118] =	vst v1  }
0xf3: {  	v1 =	vld [tilespmem:s2+$0x79A8];
	_ =	sdelay $0x4  }
0xf4: {  	v1 =	vmax.f32 v1, v2  }
0xf5: {  	v2 =	vld [tilespmem:s0+$0x138];
	[tilespmem:s0+$0x128] =	vst v1  }
0xf6: {  	v1 =	vld [tilespmem:s2+$0x79B8];
	_ =	sdelay $0x4  }
0xf7: {  	v1 =	vmax.f32 v1, v2  }
0xf8: {  	v2 =	vld [tilespmem:s0+$0x148];
	[tilespmem:s0+$0x138] =	vst v1  }
0xf9: {  	v1 =	vld [tilespmem:s2+$0x79C8];
	_ =	sdelay $0x4  }
0xfa: {  	v1 =	vmax.f32 v1, v2  }
0xfb: {  	v2 =	vld [tilespmem:s0+$0x158];
	[tilespmem:s0+$0x148] =	vst v1  }
0xfc: {  	v1 =	vld [tilespmem:s2+$0x79D8];
	_ =	sdelay $0x4  }
0xfd: {  	v1 =	vmax.f32 v1, v2  }
0xfe: {  	v2 =	vld [tilespmem:s0+$0x168];
	[tilespmem:s0+$0x158] =	vst v1  }
0xff: {  	v1 =	vld [tilespmem:s2+$0x79E8];
	_ =	sdelay $0x4  }
0x100: {  	v1 =	vmax.f32 v1, v2  }
0x101: {  	v2 =	vld [tilespmem:s0+$0x178];
	[tilespmem:s0+$0x168] =	vst v1  }
0x102: {  	v1 =	vld [tilespmem:s2+$0x79F8];
	_ =	sdelay $0x3  }
0x103: {  	p1 =	sgt.u32 s29, $0x27FF0  }
0x104: {  	s2 =	sand.u32 @!p1 $0x3FFF8, s29;
	v1 =	vmax.f32 v1, v2  }
0x105: {  	s3 =	sadd.s32 $0x108, s0;
	[tilespmem:s0+$0x178] =	vst v1;
	s0 =	sadd.s32 @!p1 s1, s2;
	s2 =	sand.u32 @!p1 $0x7, s29  }
0x106: {  	[hbm4b:s0+s2] =	stream.linear.scatter @!p1 [tilespmem:s3], [sflag:$0xC], $0x80, $0x38;
	[tilespmem:$0x1F6F8] =	vst v63  }
0x107: {  	s0 =	simm.s32 $0x0  }
0x108: {  	s0 =	simm.s32 @!p1 $0x200  }
0x109: {  	s31 =	sadd.s32 s0, s31  }
.LBB2_16:
0x10a: {  	s0 =	sadd.s32 $0x1, s22  }
0x10b: {  	s2 =	smulhi.u32 $0x88888889, s0;
	_ =	sdelay $0x1  }
0x10c: {  	v1 =	vld [tilespmem:s25+$0xFFFFFFC0];
	s2 =	sshrl.u32 s2, $0x7  }
0x10d: {  	s2 =	smul.u32 $0xF0, s2;
	_ =	sdelay $0x1  }
0x10e: {  	s22 =	ssub.s32 s0, s2  }
0x10f: {  	s0 =	sshll.u32 s22, $0x7  }
0x110: {  	[tilespmem:s0+$0x108] =	vst v1  }
0x111: {  	v1 =	vld [tilespmem:s25+$0xFFFFFFD0];
	_ =	sdelay $0x4  }
0x112: {  	[tilespmem:s0+$0x118] =	vst v1  }
0x113: {  	v1 =	vld [tilespmem:s25+$0xFFFFFFE0];
	_ =	sdelay $0x4  }
0x114: {  	[tilespmem:s0+$0x128] =	vst v1  }
0x115: {  	v1 =	vld [tilespmem:s25+$0xFFFFFFF0];
	_ =	sdelay $0x4  }
0x116: {  	[tilespmem:s0+$0x138] =	vst v1  }
0x117: {  	v1 =	vld [tilespmem:s25+$0x0];
	_ =	sdelay $0x4  }
0x118: {  	[tilespmem:s0+$0x148] =	vst v1  }
0x119: {  	v1 =	vld [tilespmem:s25+$0x10];
	_ =	sdelay $0x4  }
0x11a: {  	[tilespmem:s0+$0x158] =	vst v1  }
0x11b: {  	v1 =	vld [tilespmem:s25+$0x20];
	_ =	sdelay $0x4  }
0x11c: {  	[tilespmem:s0+$0x168] =	vst v1  }
0x11d: {  	v1 =	vld [tilespmem:s25+$0x30]  }
.Ltmp15:
0x11e: {  	_ = 	snop;
	(pc) =	sbr.rel .LBB2_17-.Ltmp15, $2  }
0x11f: {  	_ =	sdelay $0x2  }
0x120: {  	s28 =	sadd.s32 $0x1, s28;
	[tilespmem:s0+$0x178] =	vst v1  }
.LBB2_19:
.Ltmp16:
0x121: {  	(pc) =	sbr.rel .LBB2_20-.Ltmp16, $4  }
0x122: {  	_ = 	snop  }
0x123: {  	s0 =	simm.s32 $0x2  }
0x124: {  	_ =	swait.ge [sflag:s0], $0x0  }
0x125: {  	s30 =	smov.u32 s29;
	[sflag:s0] =	ssyncset.done $0x0;
	s0 =	simm.s32 $0x0  }
.LBB2_22:
0x126: {  	_ =	sfence.sel $0x180000  }
0x127: {  	s0 =	simm.s32 $0x9;
	[bflag:$0x0] =	sbarrier.arrive $0xFFFF  }
0x128: {  	s24 =	simm.s32 $0xA;
	[sflag:s0] =	ssyncpa.u1 $0x1  }
0x129: {  	s25 =	simm.s32 $0xB;
	[sflag:s24] =	ssyncpa.u1 $0x1  }
0x12a: {  	s26 =	simm.s32 $0x2;
	[sflag:s25] =	ssyncpa.u1 $0x1  }
0x12b: {  	[sflag:s26] =	ssyncpa.u1 $0x1  }
0x12c: {  	v0 =	vld [tilespmem:$0xF208];
	_ =	sdelay $0x4  }
0x12d: {  	(v2sf) =	vpush v0, $0x0  }
0x12e: {  	(v2sf) =	vpush v0, $0x1;
	_ =	sdelay $0x1  }
0x12f: {  	(v2sf) =	vpush v0, $0x2;
	_ =	sdelay $0xb  }
0x130: {  	s0 =	spop (v2sf)  }
0x131: {  	s2 =	spop (v2sf)  }
0x132: {  	s3 =	smov.u32 s0;
	p0 =	sne.s32 s0, s2  }
0x133: {  	s4 =	spop (v2sf);
	s3 =	simm.s32 @!p0 $0xFFFFFFFF  }
0x134: {  	v2 =	vimm.s32 $0x1;
	v3 =	vlaneseq.u32;
	p0 =	seq.s32 s4, $0xFFFFFFFF;
	v1 =	vmov s3  }
0x135: {  	s16 =	stileid.u32;
	v0 =	vperm.xlane v0, v2;
	p1 =	sne.s32 @!p0 s0, s2;
	v1 =	vperm.xlane v1, v3  }
0x136: {  	vm0 =	vcmask $0x3F04;
	s6 =	simm.s32 $0xF208;
	s0 =	simm.s32 @!p0 $0x1;
	p1 =	por !p1, p0  }
0x137: {  	s3 =	sshll.u32 s16, $0x1;
	s2 =	sshll.u32 @!p0 s4, $0x9;
	s0 =	simm.s32 @p1 $0x0;
	v0 =	vsel vm0, v1, v0  }
0x138: {  	s5 =	sor.u32 $0x1000, s3;
	s2 =	sshra.s32 @!p0 s2, $0x2;
	s0 =	sor.u32 @!p0 s0, s3;
	[tilespmem:$0xF208] =	vst v0  }
0x139: {  	[spmem:s5] =	stream.linear.scatter [tilespmem:s6], [sflag:$0x1], $0x2, $0x38;
	[tilespmem:$0x1F6F8] =	vst v63  }
0x13a: {  	s2 =	sadd.s32 @!p0 $0x108, s2;
	s0 =	sshll.u32 @!p0 s0, $0x7  }
0x13b: {  	[spmem:s0] =	stream.linear.scatter @!p0 [tilespmem:s2], [sflag:$0x1], $0x80, $0x38;
	[tilespmem:$0x1F6F8] =	vst v63  }
0x13c: {  	s0 =	simm.s32 @!p0 $0x82  }
0x13d: {  	s28 =	simm.s32 $0x1;
	s0 =	simm.s32 @p0 $0x2  }
0x13e: {  	_ =	swait.ge [sflag:s28], s0  }
0x13f: {  	s0 =	ssub.s32 $0x0, s0;
	[sflag:s28] =	ssyncset.done $0x0  }
0x140: {  	p0 =	sne.s32 s16, $0x0;
	[sflag:s28] =	ssyncadd.s32 s0  }
.Ltmp17:
0x141: {  	_ =	sfence.stream.spmem;
	(pc) =	sbr.rel @p0 .LBB2_39-.Ltmp17, $4  }
0x142: {  	s29 =	simm.s32 $0x3;
	[bflag:$0x0] =	sbarrier.arrive $0xFFFF  }
0x143: {  	s30 =	simm.s32 $0x4;
	[sflag:s29] =	ssyncpa.u1 $0x1  }
0x144: {  	s31 =	simm.s32 $0x3C;
	[sflag:s30] =	ssyncpa.u1 $0x1  }
0x145: {  	s15 =	rddreg [dreg:$0x5];
	[sflag:s31] =	ssyncpa.u1 $0x1  }
0x146: {  	_ =	sfence.stream.spmem;
	s0 =	simm.s32 $0x5  }
0x147: {  	s2 =	simm.s32 $0x1000;
	s3 =	simm.s32 $0xF218;
	[sflag:s0] =	ssyncpa.u1 $0x0  }
0x148: {  	[tilespmem:s3], [sflag:$0x5] =	stream.linear.gather [spmem:s2], $0x20, $0x38;
	[tilespmem:$0x1F6F8] =	vst v63  }
0x149: {  	s26 =	simm.s32 $0x0;
	s28 =	simm.s32 $0xF238  }
0x14a: {  	[tilespmem:s28], [sflag:$0x5] =	stream.linear.gather [spmem:s26], $0x1000, $0x38;
	[tilespmem:$0x1F6F8] =	vst v63  }
0x14b: {  	_ =	swait.ge [sflag:s0], $0x1020  }
0x14c: {  	[sflag:s0] =	ssyncset.done $0x0  }
0x14d: {  	s29 =	simm.s32 $0x0;
	[sflag:s0] =	ssyncadd.s32 $0xFFFFEFE0  }
0x14e: {  	v0 =	vld.msk [tilespmem:s29+$0xF218], $0x1;
	_ =	sdelay $0x1  }
0x14f: {  	s30 =	simm.s32 $0x1  }
0x150: {  	v1 =	vld.msk [tilespmem:s30+$0xF218], $0x1;
	_ =	sdelay $0x1  }
0x151: {  	(v2sf) =	vpush v0, $0x0;
	_ =	sdelay $0x2  }
0x152: {  	(v2sf) =	vpush v1, $0x0;
	_ =	sdelay $0x2  }
0x153: {  	s31 =	simm.s32 $0x2  }
0x154: {  	v0 =	vld.msk [tilespmem:s31+$0xF218], $0x1;
	_ =	sdelay $0x2  }
0x155: {  	s4 =	simm.s32 $0xFFFFFFFF;
	s5 =	simm.s32 $0xFFFFFFFF;
	s0 =	simm.s32 $0xC  }
.LBB2_24:
0x156: {  	s2 =	smov.u32 s5;
	s3 =	smov.u32 s4  }
0x157: {  	s4 =	sshra.s32 s0, $0x2;
	p1 =	sne.s32 s0, $0x7C;
	s0 =	sadd.s32 $0x4, s0;
	(v2sf) =	vpush v0, $0x0  }
0x158: {  	v0 =	vld.msk [tilespmem:s4+$0xF218], $0x1  }
.Ltmp18:
0x159: {  	(pc) =	sbr.rel @p1 .LBB2_24-.Ltmp18, $4  }
0x15a: {  	s5 =	spop (v2sf)  }
0x15b: {  	p2 =	sne.s32 s3, $0xFFFFFFFF;
	s4 =	smov.u32 s5  }
0x15c: {  	p3 =	seq.s32 s5, $0xFFFFFFFF;
	s4 =	smov.u32 @p2 s3  }
0x15d: {  	s5 =	smov.u32 @p3 s2;
	s4 =	smov.u32 @p3 s3  }
0x15e: {  	(v2sf) =	vpush v0, $0x0;
	_ =	sdelay $0x8  }
0x15f: {  	s0 =	spop (v2sf)  }
0x160: {  	p1 =	sne.s32 s4, $0xFFFFFFFF;
	s2 =	smov.u32 s0  }
0x161: {  	s9 =	simm.s32 $0x6;
	p2 =	seq.s32 s0, $0xFFFFFFFF;
	s2 =	smov.u32 @p1 s4  }
0x162: {  	s6 =	simm.s32 $0x0;
	s2 =	smov.u32 @p2 s4;
	s3 =	spop (v2sf)  }
0x163: {  	s0 =	smov.u32 @p2 s5;
	p1 =	sne.s32 s2, $0xFFFFFFFF;
	s4 =	smov.u32 s3  }
.Ltmp19:
0x164: {  	p2 =	seq.s32 s3, $0xFFFFFFFF;
	s4 =	smov.u32 @p1 s2;
	(pc) =	sbr.rel .LBB2_26-.Ltmp19, $4  }
0x165: {  	s10 =	simm.s32 $0xF188;
	s4 =	smov.u32 @p2 s2;
	s7 =	spop (v2sf)  }
0x166: {  	s11 =	simm.s32 $0x0;
	p1 =	sne.s32 s4, $0xFFFFFFFF;
	s8 =	smov.u32 s7  }
0x167: {  	s3 =	smov.u32 @p2 s0;
	p2 =	seq.s32 s7, $0xFFFFFFFF;
	s8 =	smov.u32 @p1 s4  }
0x168: {  	[sflag:s9] =	ssyncpa.u1 $0x0;
	s7 =	smov.u32 @p2 s3;
	s8 =	smov.u32 @p2 s4  }
.LBB2_32:
0x169: {  	p1 =	sgt.u32 s12, $0x27FF0  }
0x16a: {  	p2 =	seq.s32 @!p1 s12, s8  }
0x16b: {  	p1 =	por p1, p2  }
0x16c: {  	p2 =	sne.s32 @!p1 s12, s7  }
0x16d: {  	p1 =	por p1, !p2  }
0x16e: {  	s0 =	sshll.u32 @p1 s11, $0x9  }
0x16f: {  	s0 =	sand.u32 @!p1 $0x3FFF8, s12  }
0x170: {  	s2 =	sand.u32 @!p1 $0x7, s12;
	s0 =	sadd.s32 @!p1 s1, s0  }
0x171: {  	[tilespmem:s10], [sflag:$0x6] =	stream.linear.gather @!p1 [hbm4b:s0+s2], $0x80, $0x38;
	[tilespmem:$0x1F6F8] =	vst v63  }
0x172: {  	_ =	swait.ge @!p1 [sflag:s9], $0x80  }
0x173: {  	[sflag:s9] =	ssyncset.done @!p1 $0x0  }
0x174: {  	s0 =	sshll.u32 @!p1 s11, $0x9;
	[sflag:s9] =	ssyncadd.s32 @!p1 $0xFFFFFF80  }
0x175: {  	s2 =	sshrl.u32 @!p1 s0, $0x2;
	v1 =	vld @!p1 [tilespmem:$0xF188]  }
0x176: {  	v2 =	vld @!p1 [tilespmem:s2+$0xF238];
	_ =	sdelay $0x4  }
0x177: {  	v1 =	vmax.f32 @!p1 v1, v2  }
0x178: {  	v2 =	vld @!p1 [tilespmem:s2+$0xF248];
	[tilespmem:s2+$0xF238] =	vst @!p1 v1  }
0x179: {  	v1 =	vld @!p1 [tilespmem:$0xF198];
	_ =	sdelay $0x4  }
0x17a: {  	v1 =	vmax.f32 @!p1 v1, v2  }
0x17b: {  	v2 =	vld @!p1 [tilespmem:s2+$0xF258];
	[tilespmem:s2+$0xF248] =	vst @!p1 v1  }
0x17c: {  	v1 =	vld @!p1 [tilespmem:$0xF1A8];
	_ =	sdelay $0x4  }
0x17d: {  	v1 =	vmax.f32 @!p1 v1, v2  }
0x17e: {  	v2 =	vld @!p1 [tilespmem:s2+$0xF268];
	[tilespmem:s2+$0xF258] =	vst @!p1 v1  }
0x17f: {  	v1 =	vld @!p1 [tilespmem:$0xF1B8];
	_ =	sdelay $0x4  }
0x180: {  	v1 =	vmax.f32 @!p1 v1, v2  }
0x181: {  	v2 =	vld @!p1 [tilespmem:s2+$0xF278];
	[tilespmem:s2+$0xF268] =	vst @!p1 v1  }
0x182: {  	v1 =	vld @!p1 [tilespmem:$0xF1C8];
	_ =	sdelay $0x4  }
0x183: {  	v1 =	vmax.f32 @!p1 v1, v2  }
0x184: {  	v2 =	vld @!p1 [tilespmem:s2+$0xF288];
	[tilespmem:s2+$0xF278] =	vst @!p1 v1  }
0x185: {  	v1 =	vld @!p1 [tilespmem:$0xF1D8];
	_ =	sdelay $0x4  }
0x186: {  	v1 =	vmax.f32 @!p1 v1, v2  }
0x187: {  	v2 =	vld @!p1 [tilespmem:s2+$0xF298];
	[tilespmem:s2+$0xF288] =	vst @!p1 v1  }
0x188: {  	v1 =	vld @!p1 [tilespmem:$0xF1E8];
	_ =	sdelay $0x4  }
0x189: {  	v1 =	vmax.f32 @!p1 v1, v2  }
0x18a: {  	v2 =	vld @!p1 [tilespmem:s2+$0xF2A8];
	[tilespmem:s2+$0xF298] =	vst @!p1 v1  }
0x18b: {  	v1 =	vld @!p1 [tilespmem:$0xF1F8];
	_ =	sdelay $0x4  }
0x18c: {  	v1 =	vmax.f32 @!p1 v1, v2  }
0x18d: {  	[tilespmem:s2+$0xF2A8] =	vst @!p1 v1  }
0x18e: {  	s0 =	sshrl.u32 s0, $0x2;
	[tilespmem:s6+$0xF218] =	vst.msk $0x1, v0  }
0x18f: {  	v0 =	vld [tilespmem:s0+$0xF238];
	_ =	sdelay $0x2  }
0x190: {  	s31 =	sshll.u32 s6, $0x9  }
0x191: {  	s2 =	sshra.s32 s31, $0x2  }
0x192: {  	[tilespmem:s2+$0xF238] =	vst v0  }
0x193: {  	v0 =	vld [tilespmem:s0+$0xF248];
	_ =	sdelay $0x4  }
0x194: {  	[tilespmem:s2+$0xF248] =	vst v0  }
0x195: {  	v0 =	vld [tilespmem:s0+$0xF258];
	_ =	sdelay $0x4  }
0x196: {  	[tilespmem:s2+$0xF258] =	vst v0  }
0x197: {  	v0 =	vld [tilespmem:s0+$0xF268];
	_ =	sdelay $0x4  }
0x198: {  	[tilespmem:s2+$0xF268] =	vst v0  }
0x199: {  	v0 =	vld [tilespmem:s0+$0xF278];
	_ =	sdelay $0x4  }
0x19a: {  	[tilespmem:s2+$0xF278] =	vst v0  }
0x19b: {  	v0 =	vld [tilespmem:s0+$0xF288];
	_ =	sdelay $0x4  }
0x19c: {  	[tilespmem:s2+$0xF288] =	vst v0  }
0x19d: {  	v0 =	vld [tilespmem:s0+$0xF298];
	_ =	sdelay $0x4  }
0x19e: {  	[tilespmem:s2+$0xF298] =	vst v0  }
0x19f: {  	v0 =	vld [tilespmem:s0+$0xF2A8];
	_ =	sdelay $0x4  }
0x1a0: {  	s6 =	sadd.s32 $0x1, s6;
	[tilespmem:s2+$0xF2A8] =	vst v0  }
.LBB2_33:
0x1a1: {  	s11 =	sadd.s32 $0x1, s11  }
0x1a2: {  	p1 =	sne.s32 s11, $0x20  }
.Ltmp20:
0x1a3: {  	_ = 	snop;
	(pc) =	sbr.rel @!p1 .LBB2_34-.Ltmp20, $1  }
0x1a4: {  	_ =	sdelay $0x3  }
.LBB2_26:
0x1a5: {  	v0 =	vld.msk [tilespmem:s11+$0xF218], $0x1;
	_ =	sdelay $0x4  }
0x1a6: {  	(v2sf) =	vpush v0, $0x0;
	_ =	sdelay $0xe  }
0x1a7: {  	s12 =	spop (v2sf)  }
0x1a8: {  	p1 =	seq.s32 s12, $0xFFFFFFFF  }
.Ltmp21:
0x1a9: {  	_ = 	snop;
	(pc) =	sbr.rel @p1 .LBB2_33-.Ltmp21, $1  }
0x1aa: {  	_ =	sdelay $0x3  }
0x1ab: {  	p1 =	slt.s32 s6, $0x1  }
.Ltmp22:
0x1ac: {  	_ = 	snop;
	(pc) =	sbr.rel @p1 .LBB2_32-.Ltmp22, $1  }
0x1ad: {  	_ =	sdelay $0x3  }
0x1ae: {  	s13 =	simm.s32 $0xF218;
	p1 =	por $0x0, $0x0  }
0x1af: {  	v1 =	vld.msk @!p1 [tilespmem:s13+$0x0], $0x1;
	_ =	sdelay $0x4  }
0x1b0: {  	(v2sf) =	vpush @!p1 v1, $0x0;
	_ =	sdelay $0xd  }
0x1b1: {  	p3 =	sne.s32 s6, $0x1  }
.Ltmp23:
0x1b2: {  	s0 =	spop @!p1 (v2sf);
	(pc) =	sbr.rel @!p3 .LBB2_30-.Ltmp23, $4  }
0x1b3: {  	p2 =	seq.s32 @!p1 s12, s0  }
0x1b4: {  	s14 =	simm.s32 $0x0;
	p2 =	por !p2, p1  }
0x1b5: {  	s2 =	simm.s32 $0xFFFFFFFF;
	s14 =	simm.s32 @p2 $0xFFFFFFFF  }
0x1b6: {  	s0 =	simm.s32 $0x1;
	s14 =	smov.u32 @p1 s2  }
.LBB2_29:
0x1b7: {  	s2 =	smov.u32 s14;
	p1 =	sne.s32 s14, $0xFFFFFFFF  }
0x1b8: {  	s13 =	sadd.s32 $0x1, s13;
	s14 =	smov.u32 s0;
	s0 =	sadd.s32 $0x1, s0  }
0x1b9: {  	p2 =	sne.s32 s6, s0;
	v1 =	vld.msk @!p1 [tilespmem:s13+$0x0], $0x1;
	_ =	sdelay $0x4  }
0x1ba: {  	(v2sf) =	vpush @!p1 v1, $0x0;
	_ =	sdelay $0xe  }
.Ltmp24:
0x1bb: {  	s3 =	spop @!p1 (v2sf);
	(pc) =	sbr.rel @p2 .LBB2_29-.Ltmp24, $4  }
0x1bc: {  	p3 =	seq.s32 @!p1 s12, s3  }
0x1bd: {  	p3 =	por !p3, p1  }
0x1be: {  	s14 =	simm.s32 @p3 $0xFFFFFFFF  }
0x1bf: {  	s14 =	smov.u32 @p1 s2  }
.LBB2_30:
0x1c0: {  	p1 =	seq.s32 s14, $0xFFFFFFFF  }
.Ltmp25:
0x1c1: {  	_ = 	snop;
	(pc) =	sbr.rel @p1 .LBB2_32-.Ltmp25, $1  }
0x1c2: {  	_ =	sdelay $0x3  }
0x1c3: {  	s0 =	sshll.u32 s11, $0x7  }
0x1c4: {  	s2 =	sshll.u32 s14, $0x9;
	s0 =	sand.u32 $0x3FFFFF80, s0  }
0x1c5: {  	s2 =	sshra.s32 s2, $0x2;
	v0 =	vld [tilespmem:s0+$0xF238]  }
0x1c6: {  	v1 =	vld [tilespmem:s2+$0xF238];
	_ =	sdelay $0x4  }
0x1c7: {  	v0 =	vmax.f32 v0, v1  }
0x1c8: {  	v57 =	vld [tilespmem:s2+$0xF248];
	[tilespmem:s2+$0xF238] =	vst v0  }
0x1c9: {  	v0 =	vld [tilespmem:s0+$0xF248];
	_ =	sdelay $0x4  }
0x1ca: {  	v0 =	vmax.f32 v0, v57  }
0x1cb: {  	v58 =	vld [tilespmem:s2+$0xF258];
	[tilespmem:s2+$0xF248] =	vst v0  }
0x1cc: {  	v0 =	vld [tilespmem:s0+$0xF258];
	_ =	sdelay $0x4  }
0x1cd: {  	v0 =	vmax.f32 v0, v58  }
0x1ce: {  	v59 =	vld [tilespmem:s2+$0xF268];
	[tilespmem:s2+$0xF258] =	vst v0  }
0x1cf: {  	v0 =	vld [tilespmem:s0+$0xF268];
	_ =	sdelay $0x4  }
0x1d0: {  	v0 =	vmax.f32 v0, v59  }
0x1d1: {  	v60 =	vld [tilespmem:s2+$0xF278];
	[tilespmem:s2+$0xF268] =	vst v0  }
0x1d2: {  	v0 =	vld [tilespmem:s0+$0xF278];
	_ =	sdelay $0x4  }
0x1d3: {  	v0 =	vmax.f32 v0, v60  }
0x1d4: {  	v61 =	vld [tilespmem:s2+$0xF288];
	[tilespmem:s2+$0xF278] =	vst v0  }
0x1d5: {  	v0 =	vld [tilespmem:s0+$0xF288];
	_ =	sdelay $0x4  }
0x1d6: {  	v0 =	vmax.f32 v0, v61  }
0x1d7: {  	v62 =	vld [tilespmem:s2+$0xF298];
	[tilespmem:s2+$0xF288] =	vst v0  }
0x1d8: {  	v0 =	vld [tilespmem:s0+$0xF298];
	_ =	sdelay $0x4  }
0x1d9: {  	v0 =	vmax.f32 v0, v62  }
0x1da: {  	v63 =	vld [tilespmem:s2+$0xF2A8];
	[tilespmem:s2+$0xF298] =	vst v0  }
0x1db: {  	v0 =	vld [tilespmem:s0+$0xF2A8];
	_ =	sdelay $0x1  }
.Ltmp26:
0x1dc: {  	_ = 	snop;
	(pc) =	sbr.rel .LBB2_33-.Ltmp26, $3  }
0x1dd: {  	_ =	sdelay $0x1  }
0x1de: {  	v0 =	vmax.f32 v0, v63  }
0x1df: {  	[tilespmem:s2+$0xF2A8] =	vst v0  }
.LBB2_34:
0x1e0: {  	s0 =	simm.s32 $0x6;
	p1 =	seq.s32 s6, $0x0  }
0x1e1: {  	[sflag:s0] =	ssyncpa.u1 $0x1;
	v0 =	vimm.s32 @p1 $0xFFFFFFFF  }
0x1e2: {  	s9 =	sadd.s32 $0xFFFFFFFF, s6;
	[tilespmem:$0x10238] =	vst @p1 v0  }
0x1e3: {  	v0 =	vld.msk @!p1 [tilespmem:s9+$0xF218], $0x1;
	_ =	sdelay $0x1  }
0x1e4: {  	v1 =	vld.msk @!p1 [tilespmem:$0xF218], $0x1;
	_ =	sdelay $0x2  }
0x1e5: {  	p2 =	seq.s32 @!p1 s9, $0x0;
	v0 =	vbroadcast @!p1 v0, $0x0  }
0x1e6: {  	vm0 =	vmmov @!p1 $0x1;
	p2 =	por !p2, p1  }
0x1e7: {  	v1 =	vnsel @!p1 vm0, $0xFFFFFFFF, v1;
	vm0 =	vcmask @!p1 $0x308;
	v0 =	vpsel !p2, $0xFFFFFFFF, v0  }
0x1e8: {  	p2 =	sne.s32 @!p1 s8, s7;
	v0 =	vsel @!p1 vm0, v1, v0  }
0x1e9: {  	s0 =	simm.s32 @!p1 $0xF238;
	s2 =	simm.s32 @!p1 $0x0;
	p3 =	por !p2, p1;
	[tilespmem:$0x10238] =	vst @!p1 v0  }
0x1ea: {  	[spmem:s2] =	stream.linear.scatter @!p1 [tilespmem:s0], [sflag:$0x1], $0x80, $0x38;
	[tilespmem:$0x1F6F8] =	vst v63  }
0x1eb: {  	s0 =	sshll.u32 @!p3 s9, $0x9  }
0x1ec: {  	s0 =	sshra.s32 @!p3 s0, $0x2  }
0x1ed: {  	s2 =	simm.s32 @!p3 $0x80;
	s0 =	sadd.s32 @!p3 $0xF238, s0  }
0x1ee: {  	[spmem:s2] =	stream.linear.scatter @!p3 [tilespmem:s0], [sflag:$0x1], $0x80, $0x38;
	[tilespmem:$0x1F6F8] =	vst v63  }
0x1ef: {  	s0 =	simm.s32 @!p3 $0x1  }
0x1f0: {  	_ =	swait.ge @!p3 [sflag:s0], $0x100  }
0x1f1: {  	p1 =	por p2, p1;
	[sflag:s0] =	ssyncset.done @!p3 $0x0  }
0x1f2: {  	[sflag:s0] =	ssyncadd.s32 @!p3 $0xFFFFFF00;
	s0 =	simm.s32 @!p1 $0x1  }
0x1f3: {  	_ =	swait.ge @!p1 [sflag:s0], $0x80  }
0x1f4: {  	s29 =	simm.s32 $0x10238;
	[sflag:s0] =	ssyncset.done @!p1 $0x0  }
0x1f5: {  	s30 =	simm.s32 $0x1000;
	s31 =	simm.s32 $0x1;
	[sflag:s0] =	ssyncadd.s32 @!p1 $0xFFFFFF80  }
0x1f6: {  	[spmem:s30] =	stream.linear.scatter [tilespmem:s29], [sflag:$0x1], $0x10, $0x38;
	[tilespmem:$0x1F6F8] =	vst v63  }
0x1f7: {  	_ =	swait.ge [sflag:s31], $0x10  }
0x1f8: {  	[sflag:s31] =	ssyncset.done $0x0  }
0x1f9: {  	p1 =	seq.s32 s15, $0x0;
	s8 =	rddreg [dreg:$0x2];
	[sflag:s31] =	ssyncadd.s32 $0xFFFFFFF0  }
0x1fa: {  	s2 =	sshll.u32 @p1 s8, $0xE;
	s7 =	rddreg [dreg:$0x3]  }
0x1fb: {  	s0 =	sadd.s32 @p1 $0x15C3C, s2;
	s2 =	sshll.u32 @p1 s7, $0x11  }
0x1fc: {  	_ =	sfence.stream.spmem;
	s0 =	sor.u32 @p1 s2, s0  }
0x1fd: {  	[sflag:s0] =	ssyncadd.remote.s32 @p1 $0x1;
	s0 =	simm.s32 @p1 $0x4  }
0x1fe: {  	s3 =	simm.s32 @!p1 $0x3C;
	s2 =	sand.u32 $0xFFFFFFFE, s8;
	_ =	swait.ge @p1 [sflag:s0], $0x22  }
0x1ff: {  	s4 =	simm.s32 @!p1 $0x0;
	s2 =	sadd.s32 @!p1 $0x4, s2;
	[sflag:s0] =	ssyncset.done @p1 $0x0  }
0x200: {  	s5 =	simm.s32 @!p1 $0x100;
	[sflag:s0] =	ssyncadd.s32 @p1 $0xFFFFFFDE;
	s0 =	sshll.u32 @!p1 s2, $0x1A  }
0x201: {  	s2 =	sshll.u32 @!p1 s2, $0xD;
	s0 =	sor.u32 @!p1 s0, s7;
	_ =	swait.eq @!p1 [sflag:s3], $0x1  }
0x202: {  	s2 =	sor.u32 @!p1 $0x1C04, s2;
	s3 =	simm.s32 @!p1 $0x1C03;
	s0 =	sor.u32 @!p1 $0x80004000, s0  }
0x203: {  	[spmem:s5], [sflag:s2] =	dma.general @!p1 [spmem:s4], [sflag:s3], length:$0x20, [dreg:$0x0], stride_count:$0x0, ici_dest:s0, dma_misc:DstOpCode:WRITE  }
0x204: {  	p2 =	slt.s32 s9, $0x2;
	s4 =	simm.s32 @!p1 $0x200;
	s5 =	simm.s32 @!p1 $0x202  }
0x205: {  	[spmem:s5], [sflag:s2] =	dma.general @!p1 [spmem:s4], [sflag:s3], length:$0x2, [dreg:$0x0], stride_count:$0x0, ici_dest:s0, dma_misc:DstOpCode:WRITE  }
.Ltmp27:
0x206: {  	s0 =	simm.s32 @!p1 $0x3;
	(pc) =	sbr.rel @p2 .LBB2_38-.Ltmp27, $4  }
0x207: {  	s2 =	sshll.u32 @!p1 s8, $0xE;
	_ =	swait.ge @!p1 [sflag:s0], $0x22  }
0x208: {  	s3 =	sshll.u32 @!p1 s7, $0x11;
	s2 =	sadd.s32 @!p1 $0x11C3C, s2;
	[sflag:s0] =	ssyncset.done @!p1 $0x0  }
0x209: {  	[sflag:s0] =	ssyncadd.s32 @!p1 $0xFFFFFFDE;
	s0 =	sor.u32 @!p1 s3, s2  }
0x20a: {  	[sflag:s0] =	ssyncadd.remote.s32 @!p1 $0xFFFFFFFF;
	s0 =	simm.s32 $0x0  }
0x20b: {  	s0 =	simm.s32 $0xF219  }
0x20c: {  	v0 =	vld.msk [tilespmem:s0+$0x0], $0x1;
	_ =	sdelay $0x4  }
0x20d: {  	(v2sf) =	vpush v0, $0x0;
	_ =	sdelay $0xb  }
0x20e: {  	s31 =	sadd.s32 $0xFFFFFFFE, s6  }
0x20f: {  	s0 =	sadd.s32 $0xFFFFFFFF, s31  }
0x210: {  	p2 =	sne.s32 s0, $0x0  }
.Ltmp28:
0x211: {  	s2 =	spop (v2sf);
	(pc) =	sbr.rel @!p2 .LBB2_37-.Ltmp28, $4  }
0x212: {  	s4 =	simm.s32 $0xF2B8;
	s7 =	simm.s32 $0x0;
	p1 =	sgt.u32 s2, $0x27FF0  }
0x213: {  	s5 =	simm.s32 $0x0;
	s6 =	simm.s32 $0xF21A;
	s3 =	sand.u32 @!p1 $0x3FFF8, s2  }
0x214: {  	s2 =	sand.u32 @!p1 $0x7, s2;
	s7 =	simm.s32 @!p1 $0x200;
	s3 =	sadd.s32 @!p1 s1, s3  }
0x215: {  	[hbm4b:s3+s2] =	stream.linear.scatter @!p1 [tilespmem:s4], [sflag:$0x5], $0x80, $0x38;
	[tilespmem:$0x1F6F8] =	vst v63  }
.LBB2_36:
0x216: {  	v0 =	vld.msk [tilespmem:s6+$0x0], $0x1;
	s0 =	sadd.s32 $0xFFFFFFFF, s0;
	s5 =	sadd.s32 s5, s7  }
0x217: {  	p1 =	sne.s32 s0, $0x0;
	_ =	sdelay $0x3  }
0x218: {  	(v2sf) =	vpush v0, $0x0;
	_ =	sdelay $0xe  }
.Ltmp29:
0x219: {  	s2 =	spop (v2sf);
	(pc) =	sbr.rel @p1 .LBB2_36-.Ltmp29, $4  }
0x21a: {  	s7 =	simm.s32 $0x0;
	p2 =	sgt.u32 s2, $0x27FF0  }
0x21b: {  	s4 =	sadd.s32 $0x80, s4;
	s7 =	simm.s32 @!p2 $0x200;
	s3 =	sand.u32 @!p2 $0x3FFF8, s2  }
0x21c: {  	s6 =	sadd.s32 $0x1, s6;
	s2 =	sand.u32 @!p2 $0x7, s2;
	s3 =	sadd.s32 @!p2 s1, s3  }
0x21d: {  	[hbm4b:s3+s2] =	stream.linear.scatter @!p2 [tilespmem:s4], [sflag:$0x5], $0x80, $0x38;
	[tilespmem:$0x1F6F8] =	vst v63  }
.LBB2_37:
0x21e: {  	s0 =	sadd.s32 s5, s7  }
0x21f: {  	s0 =	sshrl.u32 s0, $0x2  }
.LBB2_38:
0x220: {  	s2 =	simm.s32 $0x5  }
0x221: {  	_ =	swait.ge [sflag:s2], s0  }
0x222: {  	s31 =	ssub.s32 $0x0, s0;
	[sflag:s2] =	ssyncset.done $0x0  }
0x223: {  	[sflag:s2] =	ssyncadd.s32 s31  }
0x224: {  	[sflag:s2] =	ssyncpa.u1 $0x1  }
.LBB2_39:
0x225: {  	s0 =	sor.u32 s15, s16  }
0x226: {  	p1 =	sne.s32 s0, $0x0  }
.Ltmp30:
0x227: {  	_ = 	snop;
	(pc) =	sbr.rel @p1 .LBB2_54-.Ltmp30, $3  }
0x228: {  	_ =	sdelay $0x1  }
0x229: {  	[bflag:$0x0] =	sbarrier.arrive $0xFFFF  }
0x22a: {  	_ =	sfence  }
0x22b: {  	s0 =	simm.s32 $0x7  }
0x22c: {  	s2 =	simm.s32 $0x1000;
	s3 =	simm.s32 $0xF218;
	[sflag:s0] =	ssyncpa.u1 $0x0  }
0x22d: {  	[tilespmem:s3], [sflag:$0x7] =	stream.linear.gather [spmem:s2], $0x20, $0x38;
	[tilespmem:$0x1F6F8] =	vst v63  }
0x22e: {  	s30 =	simm.s32 $0xF238;
	s2 =	simm.s32 $0x0  }
0x22f: {  	[tilespmem:s30], [sflag:$0x7] =	stream.linear.gather [spmem:s2], $0x1000, $0x38;
	[tilespmem:$0x1F6F8] =	vst v63  }
.Ltmp31:
0x230: {  	_ = 	snop;
	(pc) =	sbr.rel .LBB2_41-.Ltmp31, $4  }
0x231: {  	_ =	swait.ge [sflag:s0], $0x1020  }
0x232: {  	[sflag:s0] =	ssyncset.done $0x0  }
0x233: {  	s31 =	simm.s32 $0x8;
	[sflag:s0] =	ssyncadd.s32 $0xFFFFEFE0  }
0x234: {  	s3 =	simm.s32 $0x0;
	[sflag:s31] =	ssyncpa.u1 $0x0  }
.LBB2_47:
0x235: {  	p1 =	slt.u32 s4, $0x27FF1  }
0x236: {  	s0 =	sand.u32 @p1 $0x3FFF8, s4  }
0x237: {  	s4 =	sand.u32 @p1 $0x7, s4;
	s5 =	simm.s32 @p1 $0xF188;
	s0 =	sadd.s32 @p1 s1, s0  }
0x238: {  	[tilespmem:s5], [sflag:$0x8] =	stream.linear.gather @p1 [hbm4b:s0+s4], $0x80, $0x38;
	[tilespmem:$0x1F6F8] =	vst v63  }
0x239: {  	s0 =	simm.s32 @p1 $0x8  }
0x23a: {  	_ =	swait.ge @p1 [sflag:s0], $0x80  }
0x23b: {  	[sflag:s0] =	ssyncset.done @p1 $0x0  }
0x23c: {  	[sflag:s0] =	ssyncadd.s32 @p1 $0xFFFFFF80;
	s0 =	sshll.u32 @p1 s3, $0x9  }
0x23d: {  	s4 =	sshrl.u32 @p1 s0, $0x2;
	v1 =	vld @p1 [tilespmem:$0xF188]  }
0x23e: {  	v2 =	vld @p1 [tilespmem:s4+$0xF238];
	_ =	sdelay $0x4  }
0x23f: {  	v1 =	vmax.f32 @p1 v1, v2  }
0x240: {  	v2 =	vld @p1 [tilespmem:s4+$0xF248];
	[tilespmem:s4+$0xF238] =	vst @p1 v1  }
0x241: {  	v1 =	vld @p1 [tilespmem:$0xF198];
	_ =	sdelay $0x4  }
0x242: {  	v1 =	vmax.f32 @p1 v1, v2  }
0x243: {  	v2 =	vld @p1 [tilespmem:s4+$0xF258];
	[tilespmem:s4+$0xF248] =	vst @p1 v1  }
0x244: {  	v1 =	vld @p1 [tilespmem:$0xF1A8];
	_ =	sdelay $0x4  }
0x245: {  	v1 =	vmax.f32 @p1 v1, v2  }
0x246: {  	v2 =	vld @p1 [tilespmem:s4+$0xF268];
	[tilespmem:s4+$0xF258] =	vst @p1 v1  }
0x247: {  	v1 =	vld @p1 [tilespmem:$0xF1B8];
	_ =	sdelay $0x4  }
0x248: {  	v1 =	vmax.f32 @p1 v1, v2  }
0x249: {  	v2 =	vld @p1 [tilespmem:s4+$0xF278];
	[tilespmem:s4+$0xF268] =	vst @p1 v1  }
0x24a: {  	v1 =	vld @p1 [tilespmem:$0xF1C8];
	_ =	sdelay $0x4  }
0x24b: {  	v1 =	vmax.f32 @p1 v1, v2  }
0x24c: {  	v2 =	vld @p1 [tilespmem:s4+$0xF288];
	[tilespmem:s4+$0xF278] =	vst @p1 v1  }
0x24d: {  	v1 =	vld @p1 [tilespmem:$0xF1D8];
	_ =	sdelay $0x4  }
0x24e: {  	v1 =	vmax.f32 @p1 v1, v2  }
0x24f: {  	v2 =	vld @p1 [tilespmem:s4+$0xF298];
	[tilespmem:s4+$0xF288] =	vst @p1 v1  }
0x250: {  	v1 =	vld @p1 [tilespmem:$0xF1E8];
	_ =	sdelay $0x4  }
0x251: {  	v1 =	vmax.f32 @p1 v1, v2  }
0x252: {  	v2 =	vld @p1 [tilespmem:s4+$0xF2A8];
	[tilespmem:s4+$0xF298] =	vst @p1 v1  }
0x253: {  	v1 =	vld @p1 [tilespmem:$0xF1F8];
	_ =	sdelay $0x4  }
0x254: {  	s5 =	sshll.u32 @!p1 s3, $0x9;
	v1 =	vmax.f32 @p1 v1, v2  }
0x255: {  	s5 =	smov.u32 @p1 s0;
	[tilespmem:s4+$0xF2A8] =	vst @p1 v1  }
0x256: {  	s0 =	sshrl.u32 s5, $0x2;
	[tilespmem:s2+$0xF218] =	vst.msk $0x1, v0  }
0x257: {  	v0 =	vld [tilespmem:s0+$0xF238];
	_ =	sdelay $0x2  }
0x258: {  	s31 =	sshll.u32 s2, $0x9  }
0x259: {  	s4 =	sshra.s32 s31, $0x2  }
0x25a: {  	[tilespmem:s4+$0xF238] =	vst v0  }
0x25b: {  	v0 =	vld [tilespmem:s0+$0xF248];
	_ =	sdelay $0x4  }
0x25c: {  	[tilespmem:s4+$0xF248] =	vst v0  }
0x25d: {  	v0 =	vld [tilespmem:s0+$0xF258];
	_ =	sdelay $0x4  }
0x25e: {  	[tilespmem:s4+$0xF258] =	vst v0  }
0x25f: {  	v0 =	vld [tilespmem:s0+$0xF268];
	_ =	sdelay $0x4  }
0x260: {  	[tilespmem:s4+$0xF268] =	vst v0  }
0x261: {  	v0 =	vld [tilespmem:s0+$0xF278];
	_ =	sdelay $0x4  }
0x262: {  	[tilespmem:s4+$0xF278] =	vst v0  }
0x263: {  	v0 =	vld [tilespmem:s0+$0xF288];
	_ =	sdelay $0x4  }
0x264: {  	[tilespmem:s4+$0xF288] =	vst v0  }
0x265: {  	v0 =	vld [tilespmem:s0+$0xF298];
	_ =	sdelay $0x4  }
0x266: {  	[tilespmem:s4+$0xF298] =	vst v0  }
0x267: {  	v0 =	vld [tilespmem:s0+$0xF2A8];
	_ =	sdelay $0x4  }
0x268: {  	s2 =	sadd.s32 $0x1, s2;
	[tilespmem:s4+$0xF2A8] =	vst v0  }
.LBB2_48:
0x269: {  	s3 =	sadd.s32 $0x1, s3  }
0x26a: {  	p1 =	sne.s32 s3, $0x20  }
.Ltmp32:
0x26b: {  	_ = 	snop;
	(pc) =	sbr.rel @!p1 .LBB2_49-.Ltmp32, $1  }
0x26c: {  	_ =	sdelay $0x3  }
.LBB2_41:
0x26d: {  	v0 =	vld.msk [tilespmem:s3+$0xF218], $0x1;
	_ =	sdelay $0x4  }
0x26e: {  	(v2sf) =	vpush v0, $0x0;
	_ =	sdelay $0xe  }
0x26f: {  	s4 =	spop (v2sf)  }
0x270: {  	p1 =	seq.s32 s4, $0xFFFFFFFF  }
.Ltmp33:
0x271: {  	_ = 	snop;
	(pc) =	sbr.rel @p1 .LBB2_48-.Ltmp33, $1  }
0x272: {  	_ =	sdelay $0x3  }
0x273: {  	p1 =	slt.s32 s2, $0x1  }
.Ltmp34:
0x274: {  	_ = 	snop;
	(pc) =	sbr.rel @p1 .LBB2_47-.Ltmp34, $1  }
0x275: {  	_ =	sdelay $0x3  }
0x276: {  	s5 =	simm.s32 $0xF218;
	p1 =	por $0x0, $0x0  }
0x277: {  	v1 =	vld.msk @!p1 [tilespmem:s5+$0x0], $0x1;
	_ =	sdelay $0x4  }
0x278: {  	(v2sf) =	vpush @!p1 v1, $0x0;
	_ =	sdelay $0xd  }
0x279: {  	p3 =	sne.s32 s2, $0x1  }
.Ltmp35:
0x27a: {  	s0 =	spop @!p1 (v2sf);
	(pc) =	sbr.rel @!p3 .LBB2_45-.Ltmp35, $4  }
0x27b: {  	p2 =	seq.s32 @!p1 s4, s0  }
0x27c: {  	s6 =	simm.s32 $0x0;
	p2 =	por !p2, p1  }
0x27d: {  	s7 =	simm.s32 $0xFFFFFFFF;
	s6 =	simm.s32 @p2 $0xFFFFFFFF  }
0x27e: {  	s0 =	simm.s32 $0x1;
	s6 =	smov.u32 @p1 s7  }
.LBB2_44:
0x27f: {  	s7 =	smov.u32 s6;
	p1 =	sne.s32 s6, $0xFFFFFFFF  }
0x280: {  	s5 =	sadd.s32 $0x1, s5;
	s6 =	smov.u32 s0;
	s0 =	sadd.s32 $0x1, s0  }
0x281: {  	p2 =	sne.s32 s2, s0;
	v1 =	vld.msk @!p1 [tilespmem:s5+$0x0], $0x1;
	_ =	sdelay $0x4  }
0x282: {  	(v2sf) =	vpush @!p1 v1, $0x0;
	_ =	sdelay $0xe  }
.Ltmp36:
0x283: {  	s8 =	spop @!p1 (v2sf);
	(pc) =	sbr.rel @p2 .LBB2_44-.Ltmp36, $4  }
0x284: {  	p3 =	seq.s32 @!p1 s4, s8  }
0x285: {  	p3 =	por !p3, p1  }
0x286: {  	s6 =	simm.s32 @p3 $0xFFFFFFFF  }
0x287: {  	s6 =	smov.u32 @p1 s7  }
.LBB2_45:
0x288: {  	p1 =	seq.s32 s6, $0xFFFFFFFF  }
.Ltmp37:
0x289: {  	_ = 	snop;
	(pc) =	sbr.rel @p1 .LBB2_47-.Ltmp37, $1  }
0x28a: {  	_ =	sdelay $0x3  }
0x28b: {  	s0 =	sshll.u32 s3, $0x7  }
0x28c: {  	s4 =	sshll.u32 s6, $0x9;
	s0 =	sand.u32 $0x3FFFFF80, s0  }
0x28d: {  	s4 =	sshra.s32 s4, $0x2;
	v0 =	vld [tilespmem:s0+$0xF238]  }
0x28e: {  	v1 =	vld [tilespmem:s4+$0xF238];
	_ =	sdelay $0x4  }
0x28f: {  	v0 =	vmax.f32 v0, v1  }
0x290: {  	v57 =	vld [tilespmem:s4+$0xF248];
	[tilespmem:s4+$0xF238] =	vst v0  }
0x291: {  	v0 =	vld [tilespmem:s0+$0xF248];
	_ =	sdelay $0x4  }
0x292: {  	v0 =	vmax.f32 v0, v57  }
0x293: {  	v58 =	vld [tilespmem:s4+$0xF258];
	[tilespmem:s4+$0xF248] =	vst v0  }
0x294: {  	v0 =	vld [tilespmem:s0+$0xF258];
	_ =	sdelay $0x4  }
0x295: {  	v0 =	vmax.f32 v0, v58  }
0x296: {  	v59 =	vld [tilespmem:s4+$0xF268];
	[tilespmem:s4+$0xF258] =	vst v0  }
0x297: {  	v0 =	vld [tilespmem:s0+$0xF268];
	_ =	sdelay $0x4  }
0x298: {  	v0 =	vmax.f32 v0, v59  }
0x299: {  	v60 =	vld [tilespmem:s4+$0xF278];
	[tilespmem:s4+$0xF268] =	vst v0  }
0x29a: {  	v0 =	vld [tilespmem:s0+$0xF278];
	_ =	sdelay $0x4  }
0x29b: {  	v0 =	vmax.f32 v0, v60  }
0x29c: {  	v61 =	vld [tilespmem:s4+$0xF288];
	[tilespmem:s4+$0xF278] =	vst v0  }
0x29d: {  	v0 =	vld [tilespmem:s0+$0xF288];
	_ =	sdelay $0x4  }
0x29e: {  	v0 =	vmax.f32 v0, v61  }
0x29f: {  	v62 =	vld [tilespmem:s4+$0xF298];
	[tilespmem:s4+$0xF288] =	vst v0  }
0x2a0: {  	v0 =	vld [tilespmem:s0+$0xF298];
	_ =	sdelay $0x4  }
0x2a1: {  	v0 =	vmax.f32 v0, v62  }
0x2a2: {  	v63 =	vld [tilespmem:s4+$0xF2A8];
	[tilespmem:s4+$0xF298] =	vst v0  }
0x2a3: {  	v0 =	vld [tilespmem:s0+$0xF2A8];
	_ =	sdelay $0x1  }
.Ltmp38:
0x2a4: {  	_ = 	snop;
	(pc) =	sbr.rel .LBB2_48-.Ltmp38, $3  }
0x2a5: {  	_ =	sdelay $0x1  }
0x2a6: {  	v0 =	vmax.f32 v0, v63  }
0x2a7: {  	[tilespmem:s4+$0xF2A8] =	vst v0  }
.LBB2_49:
0x2a8: {  	p1 =	slt.s32 s2, $0x1  }
.Ltmp39:
0x2a9: {  	_ = 	snop;
	(pc) =	sbr.rel @p1 .LBB2_53-.Ltmp39, $3  }
0x2aa: {  	_ =	sdelay $0x1  }
0x2ab: {  	s0 =	simm.s32 $0x8  }
0x2ac: {  	s3 =	simm.s32 $0x0;
	[sflag:s0] =	ssyncpa.u1 $0x1  }
0x2ad: {  	s0 =	simm.s32 $0xF218  }
0x2ae: {  	v0 =	vld.msk [tilespmem:s0+$0x0], $0x1;
	_ =	sdelay $0x4  }
0x2af: {  	(v2sf) =	vpush v0, $0x0;
	_ =	sdelay $0xe  }
0x2b0: {  	s0 =	sadd.s32 $0xFFFFFFFF, s2;
	s5 =	spop (v2sf)  }
0x2b1: {  	p2 =	sne.s32 s0, $0x0;
	p1 =	sgt.u32 s5, $0x27FF0  }
.Ltmp40:
0x2b2: {  	s6 =	sand.u32 @!p1 $0x3FFF8, s5;
	(pc) =	sbr.rel @!p2 .LBB2_52-.Ltmp40, $4  }
0x2b3: {  	s4 =	simm.s32 $0xF238;
	s5 =	sand.u32 @!p1 $0x7, s5;
	s2 =	sadd.s32 @!p1 s1, s6  }
0x2b4: {  	[hbm4b:s2+s5] =	stream.linear.scatter @!p1 [tilespmem:s4], [sflag:$0x7], $0x80, $0x38;
	[tilespmem:$0x1F6F8] =	vst v63  }
0x2b5: {  	s5 =	simm.s32 $0x0  }
0x2b6: {  	s2 =	simm.s32 $0xF219;
	s5 =	simm.s32 @!p1 $0x200  }
.LBB2_51:
0x2b7: {  	v0 =	vld.msk [tilespmem:s2+$0x0], $0x1;
	s0 =	sadd.s32 $0xFFFFFFFF, s0;
	s3 =	sadd.s32 s3, s5  }
0x2b8: {  	p1 =	sne.s32 s0, $0x0;
	_ =	sdelay $0x3  }
0x2b9: {  	(v2sf) =	vpush v0, $0x0;
	_ =	sdelay $0xe  }
.Ltmp41:
0x2ba: {  	s6 =	spop (v2sf);
	(pc) =	sbr.rel @p1 .LBB2_51-.Ltmp41, $4  }
0x2bb: {  	s5 =	simm.s32 $0x0;
	p2 =	sgt.u32 s6, $0x27FF0  }
0x2bc: {  	s4 =	sadd.s32 $0x80, s4;
	s5 =	simm.s32 @!p2 $0x200;
	s7 =	sand.u32 @!p2 $0x3FFF8, s6  }
0x2bd: {  	s2 =	sadd.s32 $0x1, s2;
	s6 =	sand.u32 @!p2 $0x7, s6;
	s7 =	sadd.s32 @!p2 s1, s7  }
0x2be: {  	[hbm4b:s7+s6] =	stream.linear.scatter @!p2 [tilespmem:s4], [sflag:$0x7], $0x80, $0x38;
	[tilespmem:$0x1F6F8] =	vst v63  }
.LBB2_52:
0x2bf: {  	s0 =	sadd.s32 s3, s5  }
0x2c0: {  	s3 =	sshrl.u32 s0, $0x2  }
.LBB2_53:
0x2c1: {  	s0 =	simm.s32 $0x7  }
0x2c2: {  	_ =	swait.ge [sflag:s0], s3  }
0x2c3: {  	s1 =	ssub.s32 $0x0, s3;
	[sflag:s0] =	ssyncset.done $0x0  }
0x2c4: {  	[sflag:s0] =	ssyncadd.s32 s1  }
0x2c5: {  	[sflag:s0] =	ssyncpa.u1 $0x1  }
.LBB2_54:
0x2c6: {  	_ =	sfence;
	s0 =	simm.s32 $0x1  }
0x2c7: {  	[sflag:s0] =	ssyncpa.u1 $0x1  }
0x2c8: {  	_ =	strace $0x90000056  }
0x2c9: {  	[bflag:$0x2] =	sbarrier.arrive $0xFFFF  }
0x2ca: {  	s0 =	rddreg [dreg:$0x4]  }
0x2cb: {  	s0 =	sadd.s32 @!p0 $0x100000, s0  }
0x2cc: {  	[sflag:s0] =	ssyncadd.tile.s32 @!p0 $0x1;
	_ =	shalt  }
.Lfunc_end2:
_tile_overlayer_lowered:
.L_overlay_start_2:
0x2cd: {  	(tag) =	ssettag $0x2  }
0x2ce: {  	s0 =	rddreg [dreg:$0x0];
	s2 =	stileid.u32  }
0x2cf: {  	s1 =	rddreg [dreg:$0x1];
	p0 =	sne.s32 s2, $0x0  }
0x2d0: {  	s3 =	rddreg [dreg:$0x2];
	[bflag:$0x3] =	sbarrier.arrive $0xFFFF;
	s2 =	simm.s32 @!p0 $0x1C01  }
0x2d1: {  	[timem:s3], [sflag:s2] =	dma.local @!p0 [hbm:s0], s1  }
0x2d2: {  	s0 =	simm.s32 @!p0 $0x1  }
0x2d3: {  	_ =	swait.ge @!p0 [sflag:s0], s1  }
0x2d4: {  	s1 =	ssub.s32 @!p0 $0x0, s1;
	[sflag:s0] =	ssyncset.done @!p0 $0x0  }
0x2d5: {  	[sflag:s0] =	ssyncadd.s32 @!p0 s1  }
0x2d6: {  	[bflag:$0x3] =	sbarrier.arrive $0xFFFF  }
0x2d7: {  	_ =	shalt  }

// kernel: scatter_offload_async_start
scs
__scs_entry_jumppad:
0x0: {  	(pc) =	sbr.rel $0x88, $3  }
0x1: {  	(tag) =	ssettag $0x0;
	lr =	simm.s32 $0x1  }
0x2: {  	[smem:$0x3F8E] =	sst lr;
	_ =	strace $0xD0000000  }
0x3: {  	_ = 	snop  }
0x4: {  	_ = 	snop  }
0x5: {  	_ = 	snop  }
0x6: {  	_ = 	snop  }
0x7: {  	_ = 	snop  }
__scs_overlays_trampoline_lowered:
0x8: {  	[smem:$0x3F9D] =	sst s0  }
0x9: {  	[smem:$0x3F9E] =	sst s1  }
0xa: {  	[smem:$0x3F9F] =	sst s2  }
0xb: {  	[smem:$0x3FA0] =	sst s3  }
0xc: {  	[smem:$0x3FA1] =	sst s4  }
0xd: {  	[smem:$0x3FA2] =	sst s5  }
0xe: {  	[smem:$0x3FA3] =	sst s6  }
0xf: {  	[smem:$0x3FA4] =	sst s7  }
0x10: {  	[smem:$0x3FA5] =	sst s8  }
0x11: {  	[smem:$0x3FA6] =	sst s9;
	s0 =	simm.s32 @!p0 $0x0  }
0x12: {  	s1 =	sld [smem:$0x3F8C];
	s0 =	simm.s32 @p0 $0x1  }
0x13: {  	[smem:$0x3FA7] =	sst s0;
	s0 =	simm.s32 @!p1 $0x0  }
0x14: {  	s2 =	sld [smem:$0x3F8B];
	s0 =	simm.s32 @p1 $0x1  }
0x15: {  	[smem:$0x3FA8] =	sst s0;
	s0 =	simm.s32 @!p2 $0x0  }
0x16: {  	s3 =	sld [smem:$0x3FDB];
	s0 =	simm.s32 @p2 $0x1  }
0x17: {  	s4 =	simm.s32 $0x1BF5;
	[smem:$0x3FAA] =	sst s0  }
0x18: {  	s0 =	sld [smem:$0x3F8D];
	_ =	swait.ge [sflag:s4], $0x0  }
0x19: {  	s7 =	sld [smem:$0x3F8E]  }
0x1a: {  	s8 =	sadd.s32 $0xFFFFE003, lr  }
0x1b: {  	s9 =	sadd.s32 $0xFFFFFEF7, lr;
	s5 =	simm.s32 $0xFFFFFFFF;
	p2 =	slt.u32 s8, $0xFFFFF086  }
0x1c: {  	p1 =	slt.u32 s9, $0xF7A;
	s5 =	simm.s32 @!p2 $0x0  }
0x1d: {  	s5 =	simm.s32 @p1 $0x1;
	p0 =	seq.s32 s7, s2  }
0x1e: {  	s7 =	smul.u32 @!p0 $0xF7A, s2;
	p2 =	seq.s32 @!p0 s5, $0x0  }
0x1f: {  	s9 =	smul.u32 $0xF7A, s1;
	s8 =	simm.s32 @!p0 $0x1BF5;
	p2 =	por !p2, p0  }
0x20: {  	[sflag:s8] =	ssyncset.s32 @!p0 $0xFFFFF086;
	s6 =	sadd.s32 @!p0 s3, s7;
	s7 =	simm.s32 @!p0 $0x108  }
0x21: {  	s3 =	sadd.s32 s3, s9;
	s6 =	sadd.s32 @!p0 $0x88, s6;
	s7 =	simm.s32 @p2 $0x1082  }
0x22: {  	[simem:s7], [sflag:s8] =	dma.local @!p0 [hbm:s6], $0xF7A  }
0x23: {  	s9 =	sor.u32 $0xD0000000, s2;
	s6 =	simm.s32 $0x108;
	_ =	swait.ge @!p0 [sflag:s8], $0x0  }
0x24: {  	s3 =	sadd.s32 $0x88, s3;
	s6 =	simm.s32 @!p1 $0x1082;
	[sflag:s4] =	ssyncset.s32 $0xFFFFF086  }
0x25: {  	[simem:s6], [sflag:s4] =	dma.local [hbm:s3], $0xF7A  }
0x26: {  	[smem:$0x3F8E] =	sst s1;
	(tag) =	ssettag s2;
	_ =	strace s9  }
0x27: {  	s1 =	sld [smem:$0x3F9E]  }
0x28: {  	s2 =	sld [smem:$0x3F9F]  }
0x29: {  	s4 =	sld [smem:$0x3FA1]  }
0x2a: {  	p0 =	seq.s32 s5, $0x0;
	s5 =	sld [smem:$0x3FA2]  }
0x2b: {  	s6 =	sld [smem:$0x3FA3]  }
0x2c: {  	s7 =	sld [smem:$0x3FA4]  }
0x2d: {  	s3 =	simm.s32 $0x108;
	s8 =	sld [smem:$0x3FA5]  }
0x2e: {  	s3 =	simm.s32 @!p0 $0x1082;
	s9 =	sld [smem:$0x3FA6]  }
0x2f: {  	lr =	sadd.s32 s0, s3;
	s0 =	sld [smem:$0x3F9D]  }
0x30: {  	s3 =	sld [smem:$0x3FA0]  }
0x31: {  	[smem:$0x3FA9] =	sst s10  }
0x32: {  	s10 =	sld [smem:$0x3FA7];
	_ =	sdelay $0x3  }
0x33: {  	p0 =	seq.s32 s10, $0x1;
	s10 =	sld [smem:$0x3FA9];
	_ =	sdelay $0x3  }
0x34: {  	[smem:$0x3FA9] =	sst s10  }
0x35: {  	s10 =	sld [smem:$0x3FA8];
	_ =	sdelay $0x3  }
0x36: {  	p1 =	seq.s32 s10, $0x1;
	s10 =	sld [smem:$0x3FA9];
	_ =	sdelay $0x3  }
0x37: {  	[smem:$0x3FA9] =	sst s10  }
0x38: {  	s10 =	sld [smem:$0x3FAA]  }
0x39: {  	_ = 	snop;
	(pc) =	sbr.ind lr, $3  }
0x3a: {  	_ = 	snop  }
0x3b: {  	_ = 	snop  }
0x3c: {  	p2 =	seq.s32 s10, $0x1;
	s10 =	sld [smem:$0x3FA9]  }
0x3d: {  	_ =	shalt  }
0x3e: {  	_ =	shalt  }
0x3f: {  	_ =	shalt  }
0x40: {  	_ =	shalt  }
0x41: {  	_ =	shalt  }
0x42: {  	_ =	shalt  }
0x43: {  	_ =	shalt  }
0x44: {  	_ =	shalt  }
0x45: {  	_ =	shalt  }
0x46: {  	_ =	shalt  }
0x47: {  	_ =	shalt  }
0x48: {  	_ =	shalt  }
0x49: {  	_ =	shalt  }
0x4a: {  	_ =	shalt  }
0x4b: {  	_ =	shalt  }
0x4c: {  	_ =	shalt  }
0x4d: {  	_ =	shalt  }
0x4e: {  	_ =	shalt  }
0x4f: {  	_ =	shalt  }
0x50: {  	_ =	shalt  }
0x51: {  	_ =	shalt  }
0x52: {  	_ =	shalt  }
0x53: {  	_ =	shalt  }
0x54: {  	_ =	shalt  }
0x55: {  	_ =	shalt  }
0x56: {  	_ =	shalt  }
0x57: {  	_ =	shalt  }
0x58: {  	_ =	shalt  }
0x59: {  	_ =	shalt  }
0x5a: {  	_ =	shalt  }
0x5b: {  	_ =	shalt  }
0x5c: {  	_ =	shalt  }
0x5d: {  	_ =	shalt  }
0x5e: {  	_ =	shalt  }
0x5f: {  	_ =	shalt  }
0x60: {  	_ =	shalt  }
0x61: {  	_ =	shalt  }
0x62: {  	_ =	shalt  }
0x63: {  	_ =	shalt  }
0x64: {  	_ =	shalt  }
0x65: {  	_ =	shalt  }
0x66: {  	_ =	shalt  }
0x67: {  	_ =	shalt  }
0x68: {  	_ =	shalt  }
0x69: {  	_ =	shalt  }
0x6a: {  	_ =	shalt  }
0x6b: {  	_ =	shalt  }
0x6c: {  	_ =	shalt  }
0x6d: {  	_ =	shalt  }
0x6e: {  	_ =	shalt  }
0x6f: {  	_ =	shalt  }
0x70: {  	_ =	shalt  }
0x71: {  	_ =	shalt  }
0x72: {  	_ =	shalt  }
0x73: {  	_ =	shalt  }
0x74: {  	_ =	shalt  }
0x75: {  	_ =	shalt  }
0x76: {  	_ =	shalt  }
0x77: {  	_ =	shalt  }
0x78: {  	_ =	shalt  }
0x79: {  	_ =	shalt  }
0x7a: {  	_ =	shalt  }
0x7b: {  	_ =	shalt  }
0x7c: {  	_ =	shalt  }
0x7d: {  	_ =	shalt  }
0x7e: {  	_ =	shalt  }
0x7f: {  	_ =	shalt  }
0x80: {  	_ =	shalt  }
0x81: {  	_ =	shalt  }
0x82: {  	_ =	shalt  }
0x83: {  	_ =	shalt  }
0x84: {  	_ =	shalt  }
0x85: {  	_ =	shalt  }
0x86: {  	_ =	shalt  }
0x87: {  	_ =	shalt  }
.Lfunc_end0:
.L_simem_size_0:
called_computation_lowered:
.L_overlay_start_0:
0x88: {  	s2 =	sld [smem:$0x3FD9]  }
0x89: {  	s3 =	sld [smem:$0x3FFE];
	_ =	sdelay $0x1  }
0x8a: {  	s1 =	srdreg.scid  }
0x8b: {  	s0 =	sand.u32 $0x1, s1  }
0x8c: {  	s13 =	sshll.u32 s0, $0xA;
	s2 =	sadd.s32 s3, s2  }
0x8d: {  	s2 =	sadd.s32 s2, s13  }
0x8e: {  	[smem:$0x3FB5] =	sst s2  }
0x8f: {  	_ = 	snop  }
0x90: {  	s2 =	sld [smem:$0x3FD0];
	_ =	sdelay $0x2  }
0x91: {  	s14 =	simm.s32 $0xB;
	s4 =	simm.s32 $0x10  }
0x92: {  	[smem:s4], [sflag:s14] =	dma.local [hbm:s2], $0x1  }
0x93: {  	_ =	swait.eq [sflag:s14], $0x1  }
0x94: {  	[sflag:s14] =	ssyncset.done $0x0  }
0x95: {  	[sflag:s14] =	ssyncadd.s32 $0xFFFFFFFF  }
0x96: {  	s15 =	sld [smem:$0x12];
	(tm) =	ssettm $0x1  }
0x97: {  	s16 =	sld [smem:$0x3FFB];
	_ =	sdelay $0x3  }
0x98: {  	_ =	strace s16  }
0x99: {  	s2 =	sld [smem:$0x3FFC];
	_ =	sdelay $0x3  }
0x9a: {  	_ =	strace s2  }
0x9b: {  	s2 =	sld [smem:$0x3FFD];
	_ =	sdelay $0x3  }
0x9c: {  	_ =	strace s2  }
0x9d: {  	_ =	strace $0x8FFFFFFF  }
0x9e: {  	s17 =	sld [smem:$0x3FDB];
	_ =	sdelay $0x1  }
0x9f: {  	s18 =	simm.s32 $_scs_section_size  }
0xa0: {  	s5 =	simm.s32 $_size__tile_overlayer_lowered;
	s6 =	simm.s32 $_tile_overlayer_lowered  }
0xa1: {  	s7 =	simm.s32 $0x1BFF;
	s19 =	sshll.u32 s6, $0x1;
	s4 =	sadd.s32 s18, s17  }
0xa2: {  	s20 =	simm.s32 $0x0;
	s5 =	sshll.u32 s5, $0x1;
	s6 =	sadd.s32 s19, s4  }
0xa3: {  	[timem:s20], [sflag:s7] =	dma.local [hbm:s6], s5  }
0xa4: {  	_ =	swait.ge [sflag:s7], s5  }
0xa5: {  	s5 =	ssub.s32 $0x0, s5;
	[sflag:s7] =	ssyncset.done $0x0  }
0xa6: {  	[sflag:s7] =	ssyncadd.s32 s5;
	_ =	sdelay $0x1  }
0xa7: {  	s21 =	simm.s32 $0x1B8B  }
0xa8: {  	_ =	swait.ge [sflag:s21], $0x1  }
0xa9: {  	[sflag:s21] =	ssyncset.done $0x0  }
0xaa: {  	s22 =	sld [smem:$0x3FFE];
	[sflag:s21] =	ssyncadd.s32 $0xFFFFFFFF  }
0xab: {  	s24 =	simm.s32 $0x1B8E;
	s23 =	sld [smem:$0x0]  }
0xac: {  	s25 =	simm.s32 $execute0_lowered;
	[smem:$0x3FD2] =	sst s24  }
0xad: {  	s7 =	sshll.u32 s25, $0x1;
	_ =	strace $0x80000049;
	[dreg:$0x1] =	wrdreg $0xFFFFFFFF  }
0xae: {  	s8 =	simm.s32 $_size_execute0_lowered;
	s7 =	sadd.s32 s4, s7;
	[dreg:$0x0] =	wrdreg $0x0  }
0xaf: {  	s8 =	sshll.u32 s8, $0x1;
	[dreg:$0x2] =	wrdreg s7  }
0xb0: {  	[dreg:$0x3] =	wrdreg s8  }
0xb1: {  	[dreg:$0x4] =	wrdreg $0xC0  }
0xb2: {  	s26 =	simm.s32 $execute1_lowered;
	_ =	task [dreg:s20], $0x5FFFF  }
0xb3: {  	s7 =	sshll.u32 s26, $0x1;
	[dreg:$0x1] =	wrdreg $0xFFFFFFFF  }
0xb4: {  	s4 =	sadd.s32 s4, s7;
	[dreg:$0x0] =	wrdreg $0x60  }
0xb5: {  	[dreg:$0x2] =	wrdreg s4  }
0xb6: {  	[dreg:$0x3] =	wrdreg s22  }
0xb7: {  	[dreg:$0x4] =	wrdreg $0x9  }
0xb8: {  	_ =	task.clear_ibuf [dreg:s20], $0x5FFFF;
	_ =	strace $0x90000049  }
0xb9: {  	s28 =	simm.s32 $0x9;
	_ =	strace $0x8000004B  }
0xba: {  	_ =	swait.ge [sflag:s28], $0x1  }
0xbb: {  	[sflag:s28] =	ssyncadd.s32 $0xFFFFFFFF  }
0xbc: {  	_ =	strace $0x9000004B  }
0xbd: {  	s4 =	sld [smem:$0x0]  }
0xbe: {  	s7 =	sand.u32 $0xFFFFFFFE, s1  }
0xbf: {  	p0 =	sne.s32 s1, s7  }
0xc0: {  	s7 =	sshll.u32 @p0 s7, $0xE  }
0xc1: {  	s7 =	sadd.s32 @p0 $0x11BF3, s7;
	s8 =	sshll.u32 @p0 s4, $0x11  }
0xc2: {  	s7 =	sor.u32 @p0 s8, s7  }
0xc3: {  	[sflag:s7] =	ssyncadd.remote.s32 @p0 $0x1;
	_ =	sdelay $0x1  }
0xc4: {  	s7 =	simm.s32 @p0 $0x1BF3  }
0xc5: {  	_ =	swait.eq @p0 [sflag:s7], $0x1  }
0xc6: {  	[sflag:s7] =	ssyncadd.s32 @p0 $0xFFFFFFFF  }
0xc7: {  	s8 =	sshll.u32 @!p0 s1, $0xE  }
0xc8: {  	s8 =	sor.u32 @!p0 $0x4000, s8;
	s7 =	simm.s32 @!p0 $0x1BF3  }
0xc9: {  	s4 =	sshll.u32 @!p0 s4, $0x11;
	s8 =	sadd.s32 @!p0 $0x11BF3, s8;
	_ =	swait.eq @!p0 [sflag:s7], $0x1  }
0xca: {  	s4 =	sor.u32 @!p0 s4, s8;
	[sflag:s7] =	ssyncadd.s32 @!p0 $0xFFFFFFFF  }
0xcb: {  	[sflag:s4] =	ssyncadd.remote.s32 @!p0 $0x1  }
0xcc: {  	_ =	strace $0x8000004C;
	[dreg:$0x1] =	wrdreg $0xFFFFFFFF  }
0xcd: {  	[dreg:$0x0] =	wrdreg $0x2030  }
0xce: {  	[dreg:$0x2] =	wrdreg s22  }
0xcf: {  	[dreg:$0x3] =	wrdreg s15  }
0xd0: {  	[dreg:$0x4] =	wrdreg s1  }
0xd1: {  	[dreg:$0x5] =	wrdreg s23  }
0xd2: {  	[dreg:$0x6] =	wrdreg $0xA  }
0xd3: {  	_ =	task.clear_ibuf [dreg:s20], $0x7FFFF;
	_ =	strace $0x9000004C  }
0xd4: {  	s29 =	simm.s32 $0xA;
	_ =	strace $0x8000004E  }
0xd5: {  	_ =	swait.ge [sflag:s29], $0x1  }
0xd6: {  	[sflag:s29] =	ssyncadd.s32 $0xFFFFFFFF  }
0xd7: {  	_ =	strace $0x9000004E  }
0xd8: {  	_ =	sfence  }
0xd9: {  	s30 =	sld [smem:$0x0];
	_ =	sdelay $0x2  }
0xda: {  	s31 =	sshll.u32 s1, $0xD;
	s1 =	sshrl.u32 s1, $0x2  }
0xdb: {  	s4 =	sand.u32 $0x4000, s31;
	s1 =	sadd.s32 s1, s30  }
0xdc: {  	s0 =	sor.u32 s4, s0;
	s1 =	sshll.u32 s1, $0x11  }
0xdd: {  	s0 =	sor.u32 s1, s0  }
0xde: {  	s0 =	sadd.s32 $0x8F2B, s0  }
0xdf: {  	[sflag:s0] =	ssyncadd.remote.s32 $0x1  }
0xe0: {  	_ =	sfence.sel $0xFFFF  }
0xe1: {  	[dreg:$0x0] =	wrdreg $0xFFFFFFFF;
	(pc) =	sbr.abs _section_cstart, $3  }
0xe2: {  	[dreg:$0x1] =	wrdreg $0xFFFFFFFF  }
0xe3: {  	_ =	task.clear_ibuf [dreg:s20], $0x2FFFF;
	_ =	strace $0x9FFFFFFF  }
0xe4: {  	(tm) =	ssettm $0x7FFFFFFF  }
0xe5: {  	_ =	shalt  }
tec
execute0_lowered:
.L_overlay_start_1:
0x0: {  	(tag) =	ssettag $0x1  }
0x1: {  	s2 =	rddreg [dreg:$0x0]  }
0x2: {  	s4 =	rddreg [dreg:$0x1]  }
0x3: {  	s0 =	rddreg [dreg:$0x2];
	s3 =	stileid.u32;
	[bflag:$0x3] =	sbarrier.arrive $0xFFFF  }
0x4: {  	s1 =	simm.s32 $_size_execute1_lowered;
	s29 =	srdreg.scid;
	p0 =	sne.s32 s3, $0x0  }
0x5: {  	s1 =	sshll.u32 s1, $0x1;
	s5 =	simm.s32 @!p0 $0x1C3F;
	s6 =	simm.s32 @!p0 $0x4060  }
0x6: {  	[timem:s6], [sflag:s5] =	dma.local @!p0 [hbm:s2], s1  }
0x7: {  	s2 =	sshll.u32 s29, $0x7  }
0x8: {  	s7 =	simm.s32 $0x1;
	s3 =	sshll.u32 s3, $0x8;
	s2 =	sand.u32 $0x80, s2  }
0x9: {  	s8 =	simm.s32 $0x2;
	s9 =	simm.s32 $0x0;
	s2 =	sor.u32 s3, s2  }
0xa: {  	s12 =	simm.s32 $0x0;
	s11 =	simm.s32 $0x0;
	s30 =	ssub.s32 $0x2800, s2  }
.Ltmp0:
0xb: {  	s5 =	simm.s32 $0x1;
	s31 =	sand.u32 $0xF80, s30;
	(pc) =	sbr.rel .LBB2_1-.Ltmp0, $4  }
0xc: {  	_ =	strace $0x8000004A;
	s3 =	sadd.s32 $0x1CA00, s4;
	p1 =	sne.s32 s31, $0x0  }
0xd: {  	[sflag:s5] =	ssyncpa.u1 $0x0;
	s6 =	sshrl.u32 s30, $0xC;
	s7 =	simm.s32 @!p1 $0x0  }
0xe: {  	s4 =	sadd.s32 $0x120C00, s4;
	[sflag:s8] =	ssyncpa.u1 $0x0;
	s6 =	sadd.s32 s7, s6  }
0xf: {  	s8 =	simm.s32 $0x0;
	s10 =	smov.u32 s2;
	s7 =	sadd.s32 $0x1, s6  }
.LBB2_4:
0x10: {  	_ =	sdelay $0x3  }
0x11: {  	[tilespmem:v0+s14+$0xFFFFFFA0 ss:$0x1] =	vst.idx.msk $0xffff, v6  }
0x12: {  	v56 =	vld.idx.msk [tilespmem:v1+s15+$0x30 ss:$0x1], $0xffff;
	[tilespmem:v0+s14+$0xFFFFFFB0 ss:$0x1] =	vst.idx.msk $0xffff, v4  }
0x13: {  	v57 =	vld.idx.msk [tilespmem:v1+s15+$0xFFFFFFC0 ss:$0x1], $0xffff;
	[tilespmem:v0+s14+$0xFFFFFFC0 ss:$0x1] =	vst.idx.msk $0xffff, v2  }
0x14: {  	v58 =	vld.idx.msk [tilespmem:v1+s15+$0xFFFFFFD0 ss:$0x1], $0xffff;
	[tilespmem:v0+s14+$0xFFFFFFD0 ss:$0x1] =	vst.idx.msk $0xffff, v3  }
0x15: {  	v59 =	vld.idx.msk [tilespmem:v1+s15+$0xFFFFFFE0 ss:$0x1], $0xffff;
	[tilespmem:v0+s14+$0xFFFFFFE0 ss:$0x1] =	vst.idx.msk $0xffff, v5  }
0x16: {  	v60 =	vld.idx.msk [tilespmem:v1+s15+$0xFFFFFFF0 ss:$0x1], $0xffff;
	[tilespmem:v0+s14+$0xFFFFFFF0 ss:$0x1] =	vst.idx.msk $0xffff, v7;
	s12 =	sand.u32 $0x1FFFFFF, s12  }
0x17: {  	v61 =	vld.idx.msk [tilespmem:v1+s15+$0x0 ss:$0x1], $0xffff;
	s31 =	smulhi.u32 $0xCCCCCD, s12;
	[tilespmem:v0+s15+$0x0 ss:$0x1] =	vst.idx.msk $0xffff, v56  }
0x18: {  	v62 =	vld.idx.msk [tilespmem:v1+s15+$0x10 ss:$0x1], $0xffff;
	[tilespmem:v0+s15+$0xFFFFFF90 ss:$0x1] =	vst.idx.msk $0xffff, v57  }
0x19: {  	v63 =	vld.idx.msk [tilespmem:v1+s15+$0x20 ss:$0x1], $0xffff;
	s14 =	sshrl.u32 s31, $0x5;
	[tilespmem:v0+s15+$0xFFFFFFA0 ss:$0x1] =	vst.idx.msk $0xffff, v58  }
0x1a: {  	s14 =	smul.u32 $0x2800, s14;
	[tilespmem:v0+s15+$0xFFFFFFB0 ss:$0x1] =	vst.idx.msk $0xffff, v59  }
0x1b: {  	[tilespmem:v0+s15+$0xFFFFFFC0 ss:$0x1] =	vst.idx.msk $0xffff, v60  }
0x1c: {  	[tilespmem:v0+s15+$0xFFFFFFD0 ss:$0x1] =	vst.idx.msk $0xffff, v61;
	s12 =	ssub.s32 s12, s14  }
0x1d: {  	[tilespmem:v0+s15+$0xFFFFFFE0 ss:$0x1] =	vst.idx.msk $0xffff, v62;
	s12 =	sshll.u32 s12, $0x4  }
0x1e: {  	[tilespmem:v0+s15+$0xFFFFFFF0 ss:$0x1] =	vst.idx.msk $0xffff, v63;
	s12 =	sadd.s32 s4, s12  }
0x1f: {  	[hbm4b:s12+s8] =	stream.linear.scatter [tilespmem:s13], [sflag:$0x2], $0x4000, $0x38;
	[tilespmem:$0x10000] =	vst v63  }
.LBB2_5:
0x20: {  	s14 =	sadd.s32 $0x1000, s10  }
0x21: {  	p2 =	sgt.s32 s14, $0x27FF  }
0x22: {  	s14 =	smov.u32 @p2 s2;
	p2 =	sne.s32 s11, s7  }
.Ltmp1:
0x23: {  	p1 =	slt.u32 s11, $0x2;
	(pc) =	sbr.rel @!p2 .LBB2_6-.Ltmp1, $4  }
0x24: {  	s13 =	simm.s32 @!p1 $0x2  }
0x25: {  	s15 =	sadd.s32 $0x1, s11;
	_ =	swait.ge @!p1 [sflag:s13], $0x4000  }
0x26: {  	s12 =	smov.u32 s10;
	s9 =	sadd.s32 $0x4000, s9;
	[sflag:s13] =	ssyncset.done @!p1 $0x0  }
0x27: {  	s11 =	smov.u32 s15;
	s10 =	smov.u32 s14;
	[sflag:s13] =	ssyncadd.s32 @!p1 $0xFFFFC000  }
.LBB2_1:
0x28: {  	p1 =	sge.u32 s11, s6  }
0x29: {  	s13 =	sand.u32 @!p1 $0x1FFFFFF, s10  }
0x2a: {  	s14 =	smulhi.u32 @!p1 $0xCCCCCD, s13;
	_ =	sdelay $0x1  }
0x2b: {  	s14 =	sshrl.u32 @!p1 s14, $0x5  }
0x2c: {  	s14 =	smul.u32 @!p1 $0x2800, s14;
	_ =	sdelay $0x1  }
0x2d: {  	s15 =	sxor.u32 @!p1 $0xFFFFFFFF, s11;
	s13 =	ssub.s32 @!p1 s13, s14  }
0x2e: {  	s31 =	sadd.s32 $0xFFFFFFFF, s11;
	s14 =	sshll.u32 @!p1 s15, $0xE;
	s13 =	sshll.u32 @!p1 s13, $0x4  }
0x2f: {  	s15 =	simm.s32 @!p1 $0x0;
	s14 =	sand.u32 @!p1 $0x4000, s14;
	s13 =	sadd.s32 @!p1 s3, s13  }
0x30: {  	[tilespmem:s14], [sflag:$0x1] =	stream.linear.gather @!p1 [hbm4b:s13+s15], $0x4000, $0x38;
	[tilespmem:$0x10000] =	vst v63  }
0x31: {  	p1 =	sge.u32 s31, s6  }
.Ltmp2:
0x32: {  	_ = 	snop;
	(pc) =	sbr.rel @p1 .LBB2_5-.Ltmp2, $1  }
0x33: {  	_ =	sdelay $0x3  }
0x34: {  	s13 =	sand.u32 $0x4000, s9  }
0x35: {  	s14 =	sor.u32 $0x40, s13  }
0x36: {  	v1 =	vmov s14;
	_ =	sdelay $0x1  }
0x37: {  	_ =	swait.ge [sflag:s5], $0x4000  }
0x38: {  	[sflag:s5] =	ssyncset.done $0x0  }
0x39: {  	[sflag:s5] =	ssyncadd.s32 $0xFFFFC000;
	s14 =	simm.s32 $0x0  }
0x3a: {  	s13 =	sor.u32 $0x8070, s13;
	v7 =	vld.idx.msk [tilespmem:v1+s14+$0x30 ss:$0x1], $0xffff  }
0x3b: {  	v0 =	vmov s13;
	v8 =	vld.idx.msk [tilespmem:v1+s14+$0xFFFFFFC0 ss:$0x1], $0xffff  }
0x3c: {  	v6 =	vld.idx.msk [tilespmem:v1+s14+$0xFFFFFFD0 ss:$0x1], $0xffff  }
0x3d: {  	v4 =	vld.idx.msk [tilespmem:v1+s14+$0xFFFFFFE0 ss:$0x1], $0xffff  }
0x3e: {  	v2 =	vld.idx.msk [tilespmem:v1+s14+$0xFFFFFFF0 ss:$0x1], $0xffff  }
0x3f: {  	s31 =	sshll.u32 s11, $0xE;
	v3 =	vld.idx.msk [tilespmem:v1+s14+$0x0 ss:$0x1], $0xffff  }
0x40: {  	s13 =	sand.u32 $0x4000, s31;
	v5 =	vld.idx.msk [tilespmem:v1+s14+$0x10 ss:$0x1], $0xffff;
	[tilespmem:v0+s14+$0x0 ss:$0x1] =	vst.idx.msk $0xffff, v7  }
0x41: {  	s15 =	simm.s32 $0x80;
	s16 =	simm.s32 $0x400;
	s13 =	sor.u32 $0x8000, s13;
	[tilespmem:v0+s14+$0xFFFFFF90 ss:$0x1] =	vst.idx.msk $0xffff, v8;
	v7 =	vld.idx.msk [tilespmem:v1+s14+$0x20 ss:$0x1], $0xffff  }
.LBB2_3:
0x42: {  	p1 =	sne.s32 s16, $0xFE00;
	v8 =	vld.idx.msk [tilespmem:v1+s15+$0x30 ss:$0x1], $0xffff;
	[tilespmem:v0+s14+$0xFFFFFFA0 ss:$0x1] =	vst.idx.msk $0xffff, v6  }
0x43: {  	v9 =	vld.idx.msk [tilespmem:v1+s15+$0xFFFFFFC0 ss:$0x1], $0xffff;
	[tilespmem:v0+s14+$0xFFFFFFB0 ss:$0x1] =	vst.idx.msk $0xffff, v4  }
0x44: {  	v6 =	vld.idx.msk [tilespmem:v1+s15+$0xFFFFFFD0 ss:$0x1], $0xffff;
	[tilespmem:v0+s14+$0xFFFFFFC0 ss:$0x1] =	vst.idx.msk $0xffff, v2  }
.Ltmp3:
0x45: {  	v4 =	vld.idx.msk [tilespmem:v1+s15+$0xFFFFFFE0 ss:$0x1], $0xffff;
	[tilespmem:v0+s14+$0xFFFFFFD0 ss:$0x1] =	vst.idx.msk $0xffff, v3;
	(pc) =	sbr.rel @p1 .LBB2_3-.Ltmp3, $4  }
0x46: {  	v2 =	vld.idx.msk [tilespmem:v1+s15+$0xFFFFFFF0 ss:$0x1], $0xffff;
	[tilespmem:v0+s14+$0xFFFFFFE0 ss:$0x1] =	vst.idx.msk $0xffff, v5  }
0x47: {  	v3 =	vld.idx.msk [tilespmem:v1+s15+$0x0 ss:$0x1], $0xffff;
	[tilespmem:v0+s14+$0xFFFFFFF0 ss:$0x1] =	vst.idx.msk $0xffff, v7;
	s14 =	smov.u32 s15  }
0x48: {  	v5 =	vld.idx.msk [tilespmem:v1+s14+$0x10 ss:$0x1], $0xffff;
	[tilespmem:v0+s14+$0x0 ss:$0x1] =	vst.idx.msk $0xffff, v8  }
0x49: {  	s15 =	sshra.s32 s16, $0x2;
	s16 =	sadd.s32 $0x200, s16;
	[tilespmem:v0+s14+$0xFFFFFF90 ss:$0x1] =	vst.idx.msk $0xffff, v9;
	v7 =	vld.idx.msk [tilespmem:v1+s14+$0x20 ss:$0x1], $0xffff  }
.Ltmp4:
0x4a: {  	_ = 	snop;
	(pc) =	sbr.rel .LBB2_4-.Ltmp4, $1  }
0x4b: {  	_ =	sdelay $0x3  }
.LBB2_6:
0x4c: {  	_ =	sfence.sel $0x180000  }
0x4d: {  	s2 =	simm.s32 $0x1;
	[bflag:$0x0] =	sbarrier.arrive $0xFFFF  }
0x4e: {  	s31 =	simm.s32 $0x2;
	[sflag:s2] =	ssyncpa.u1 $0x1  }
0x4f: {  	[sflag:s31] =	ssyncpa.u1 $0x1  }
0x50: {  	_ =	strace $0x9000004A  }
0x51: {  	s0 =	sadd.s32 @!p0 $0x100000, s0;
	[bflag:$0x2] =	sbarrier.arrive $0xFFFF  }
0x52: {  	[sflag:s0] =	ssyncadd.tile.s32 @!p0 $0x1;
	s0 =	simm.s32 @!p0 $0x3F  }
0x53: {  	_ =	swait.ge @!p0 [sflag:s0], s1  }
0x54: {  	s1 =	ssub.s32 @!p0 $0x0, s1;
	[sflag:s0] =	ssyncset.done @!p0 $0x0  }
0x55: {  	[sflag:s0] =	ssyncadd.s32 @!p0 s1  }
0x56: {  	[bflag:$0x3] =	sbarrier.arrive $0xFFFF  }
0x57: {  	_ =	shalt  }
.Lfunc_end2:
execute1_lowered:
.L_overlay_start_2:
0x58: {  	(tag) =	ssettag $0x2  }
0x59: {  	s2 =	rddreg [dreg:$0x0]  }
0x5a: {  	s9 =	rddreg [dreg:$0x1]  }
0x5b: {  	s3 =	rddreg [dreg:$0x2];
	_ =	strace $0x8000004D;
	s0 =	simm.s32 $0x1  }
0x5c: {  	v0 =	vimm.s32 $0x0;
	[sflag:s0] =	ssyncpa.u1 $0x0;
	s0 =	simm.s32 $0x108  }
0x5d: {  	[tilespmem:s0+$0x70] =	vst v0  }
0x5e: {  	[tilespmem:s0+$0x60] =	vst v0  }
0x5f: {  	[tilespmem:s0+$0x50] =	vst v0  }
0x60: {  	[tilespmem:s0+$0x40] =	vst v0  }
0x61: {  	[tilespmem:s0+$0x30] =	vst v0  }
0x62: {  	s1 =	sadd.s32 $0x120C00, s2;
	s15 =	sadd.s32 $0x10D000, s2;
	[tilespmem:s0+$0x20] =	vst v0  }
0x63: {  	s14 =	sadd.s32 $0x116E00, s2;
	s5 =	sand.u32 $0x1, s3;
	s3 =	simm.s32 $0x40;
	[tilespmem:s0+$0x10] =	vst v0  }
.LBB3_1:
0x64: {  	s3 =	sadd.s32 $0x40, s3;
	[tilespmem:s0+$0x0] =	vst v0;
	s0 =	sadd.s32 $0x80, s0  }
0x65: {  	p0 =	slt.u32 s3, $0x3C40;
	[tilespmem:s0+$0x70] =	vst v0  }
0x66: {  	[tilespmem:s0+$0x60] =	vst v0  }
.Ltmp5:
0x67: {  	[tilespmem:s0+$0x50] =	vst v0;
	(pc) =	sbr.rel @p0 .LBB3_1-.Ltmp5, $4  }
0x68: {  	[tilespmem:s0+$0x40] =	vst v0  }
0x69: {  	[tilespmem:s0+$0x30] =	vst v0  }
0x6a: {  	[tilespmem:s0+$0x20] =	vst v0  }
0x6b: {  	[tilespmem:s0+$0x10] =	vst v0  }
0x6c: {  	s6 =	stileid.u32  }
0x6d: {  	s2 =	smul.u32 $0x29, s6  }
0x6e: {  	s3 =	smin.u32 s6, $0xB  }
0x6f: {  	s2 =	sadd.s32 s3, s2  }
0x70: {  	p0 =	slt.u32 s6, $0xB;
	s7 =	smul.u32 $0xF0, s2;
	s2 =	simm.s32 $0x2760  }
0x71: {  	s2 =	simm.s32 @!p0 $0x2670  }
0x72: {  	s2 =	sadd.s32 s2, s7  }
0x73: {  	s8 =	smin.u32 s2, $0x27100  }
0x74: {  	s2 =	ssub.s32 s8, s7  }
0x75: {  	p0 =	sgt.s32 s2, $0x0  }
0x76: {  	s29 =	simm.s32 $0x2;
	s10 =	simm.s32 $0x9;
	s2 =	simm.s32 @!p0 $0x0  }
0x77: {  	s4 =	simm.s32 $0xA;
	s11 =	simm.s32 $0xB;
	s28 =	smulhi.u32 $0x88888889, s2  }
0x78: {  	[dreg:$0x5] =	wrdreg s5;
	s31 =	smul.u32 $0x4E20, s5;
	s12 =	simm.s32 $0x1  }
0x79: {  	s22 =	simm.s32 $0x0;
	s18 =	simm.s32 $0xC;
	s30 =	sshrl.u32 s28, $0x7  }
0x7a: {  	s20 =	simm.s32 $0x0;
	s21 =	simm.s32 $0x0;
	s3 =	smul.u32 $0xF0, s30  }
.Ltmp6:
0x7b: {  	[tilespmem:s0+$0x0] =	vst v0;
	v0 =	vimm.s32 $0xFFFFFFFF;
	[sflag:s29] =	ssyncpa.u1 $0x0;
	s16 =	sshll.u32 s6, $0x8;
	(pc) =	sbr.rel .LBB3_3-.Ltmp6, $4  }
0x7c: {  	[tilespmem:$0xF208] =	vst v0;
	[sflag:s10] =	ssyncpa.u1 $0x0;
	p0 =	sne.s32 s2, s3;
	s2 =	simm.s32 $0x1  }
0x7d: {  	s14 =	sadd.s32 s31, s14;
	[sflag:s4] =	ssyncpa.u1 $0x0;
	s2 =	simm.s32 @!p0 $0x0  }
0x7e: {  	s15 =	sadd.s32 s31, s15;
	[sflag:s11] =	ssyncpa.u1 $0x0;
	s13 =	sadd.s32 s2, s30  }
0x7f: {  	v0 =	vlaneseq.u32;
	s19 =	smov.u32 s7;
	p0 =	por $0x0, $0x0;
	s17 =	sadd.s32 $0x1, s13  }
.LBB3_18:
0x80: {  	s0 =	sshrl.u32 s31, $0x2  }
.LBB3_20:
0x81: {  	_ =	swait.ge [sflag:s18], s0  }
0x82: {  	s31 =	ssub.s32 $0x0, s0;
	v1 =	vmov s24;
	vm0 =	veq.s32 v0, $0x0;
	[sflag:s18] =	ssyncset.done $0x0  }
0x83: {  	vm15 =	veq.s32 v0, $0x2;
	v1 =	vsel vm0, s30, v1;
	[sflag:s18] =	ssyncadd.s32 s31  }
0x84: {  	v1 =	vsel vm15, s22, v1;
	[sflag:s18] =	ssyncpa.u1 $0x1  }
0x85: {  	[tilespmem:$0xF208] =	vst v1  }
.LBB3_21:
0x86: {  	s0 =	sadd.s32 $0xF0, s19  }
0x87: {  	s2 =	smov.u32 s7;
	p1 =	slt.s32 s0, s8  }
0x88: {  	s2 =	smov.u32 @p1 s0;
	p1 =	sne.s32 s21, s17  }
.Ltmp7:
0x89: {  	_ = 	snop;
	(pc) =	sbr.rel @!p1 .LBB3_22-.Ltmp7, $3  }
0x8a: {  	_ =	sdelay $0x1  }
0x8b: {  	s22 =	smov.u32 s20;
	s31 =	sadd.s32 $0x1, s21;
	s20 =	smov.u32 s19  }
0x8c: {  	p0 =	por !p0, !p0;
	s21 =	smov.u32 s31;
	s19 =	smov.u32 s2  }
.LBB3_3:
0x8d: {  	p1 =	sge.u32 s21, s13  }
0x8e: {  	s0 =	smulhi.u32 @!p1 $0xAAAAAAAB, s21  }
0x8f: {  	s2 =	smov.u32 s19;
	p2 =	sgt.s32 @!p1 s19, $0x27010  }
0x90: {  	s3 =	sshra.s32 @!p1 s19, $0x1F;
	p2 =	por !p2, p1;
	s0 =	sshrl.u32 @!p1 s0, $0x1  }
0x91: {  	s3 =	sand.u32 @!p1 s3, s19;
	s2 =	simm.s32 @p2 $0x27010;
	s0 =	smul.u32 @!p1 $0x3, s0  }
0x92: {  	s2 =	ssub.s32 @!p1 s2, s3  }
0x93: {  	s2 =	sadd.s32 @!p1 $0xFFFD8FF0, s2;
	s0 =	ssub.s32 @!p1 s21, s0  }
0x94: {  	s3 =	sshll.u32 @!p1 s2, $0x2;
	p2 =	sgt.s32 @!p1 s2, $0xEF;
	s0 =	smul.u32 @!p1 $0x3C0, s0  }
0x95: {  	s4 =	sand.u32 @!p1 $0x7, s19;
	s2 =	ssub.s32 @!p1 $0x3C0, s3;
	p2 =	por !p2, p1  }
0x96: {  	s3 =	sshrl.u32 @!p1 s19, $0x3;
	s2 =	sshrl.u32 @!p1 s2, $0x2;
	s0 =	sshrl.u32 @!p1 s0, $0x2  }
0x97: {  	s3 =	sadd.s32 @!p1 s3, s14;
	s2 =	simm.s32 @!p2 $0x0;
	s0 =	sadd.s32 @!p1 $0x10248, s0  }
0x98: {  	[tilespmem:s0], [sflag:$0xA] =	stream.linear.gather @!p1 [hbm4b:s3+s4], s2, $0x38;
	[tilespmem:$0x1F6F8] =	vst v63  }
0x99: {  	s0 =	sadd.s32 $0xFFFFFFFF, s21  }
0x9a: {  	p1 =	sge.u32 s0, s13  }
0x9b: {  	p2 =	sgt.s32 @!p1 s20, $0x27010  }
0x9c: {  	s2 =	smov.u32 s20;
	s3 =	sshra.s32 @!p1 s20, $0x1F;
	p2 =	por !p2, p1  }
0x9d: {  	s3 =	sand.u32 @!p1 s3, s20;
	s2 =	simm.s32 @p2 $0x27010  }
0x9e: {  	s2 =	ssub.s32 @!p1 s2, s3  }
0x9f: {  	s2 =	sadd.s32 @!p1 $0xFFFD8FF0, s2  }
0xa0: {  	s4 =	sand.u32 @!p1 $0x1, s0;
	s3 =	sshll.u32 @!p1 s2, $0x2  }
0xa1: {  	p2 =	sgt.s32 @!p1 s2, $0xEF;
	s2 =	ssub.s32 @!p1 $0x3C0, s3;
	s3 =	smulhi.u32 @!p1 $0xAAAAAAAB, s0  }
0xa2: {  	s23 =	smul.u32 @!p1 $0x3C0, s4;
	p2 =	por !p2, p1;
	s2 =	sshrl.u32 @!p1 s2, $0x2  }
0xa3: {  	s5 =	simm.s32 @!p1 $0xA;
	s2 =	simm.s32 @!p2 $0x0;
	s3 =	sshrl.u32 @!p1 s3, $0x1  }
0xa4: {  	s23 =	sshrl.u32 @!p1 s23, $0x2;
	_ =	swait.ge @!p1 [sflag:s5], s2;
	s3 =	smul.u32 @!p1 $0x3, s3  }
0xa5: {  	s23 =	sadd.s32 @!p1 $0x10518, s23;
	s24 =	ssub.s32 @!p1 $0x0, s2;
	[sflag:s5] =	ssyncset.done @!p1 $0x0  }
0xa6: {  	[sflag:s5] =	ssyncadd.s32 @!p1 s24;
	s5 =	sshrl.u32 @!p1 s20, $0x3;
	s0 =	ssub.s32 @!p1 s0, s3  }
0xa7: {  	s24 =	sand.u32 @!p1 $0x7, s20;
	s5 =	sadd.s32 @!p1 s5, s15;
	s0 =	smul.u32 @!p1 $0x3C0, s0  }
0xa8: {  	[tilespmem:s23], [sflag:$0xB] =	stream.linear.gather @!p1 [hbm4b:s5+s24], s2, $0x38;
	[tilespmem:$0x1F6F8] =	vst v63  }
0xa9: {  	s3 =	ssub.s32 @!p1 $0x27100, s20;
	s2 =	smul.u32 @!p1 $0x1E000, s4  }
0xaa: {  	p2 =	slt.s32 @!p1 s3, $0xF0  }
0xab: {  	p2 =	por !p2, p1;
	s0 =	sshrl.u32 @!p1 s0, $0x2;
	s2 =	sshrl.u32 @!p1 s2, $0x2  }
0xac: {  	s3 =	simm.s32 @p2 $0xF0;
	s0 =	sadd.s32 @!p1 $0x10248, s0;
	s2 =	sor.u32 @!p1 $0x106F8, s2  }
0xad: {  	[tilespmem:s2], [sflag:$0x9] =	stream.indirect.gather @!p1 [hbm4b:s9+s3], $0x80, s0, s3, $0xb8;
	[tilespmem:$0x1F6F8] =	vst v63  }
0xae: {  	p1 =	slt.u32 s21, $0x2  }
.Ltmp8:
0xaf: {  	_ = 	snop;
	(pc) =	sbr.rel @p1 .LBB3_21-.Ltmp8, $1  }
0xb0: {  	_ =	sdelay $0x3  }
0xb1: {  	p1 =	sgt.s32 s22, $0x27010  }
0xb2: {  	s0 =	smov.u32 s22;
	s2 =	sshra.s32 s22, $0x1F;
	s3 =	ssub.s32 $0x27100, s22  }
0xb3: {  	s0 =	simm.s32 @!p1 $0x27010;
	s2 =	sand.u32 s2, s22;
	p1 =	slt.s32 s3, $0xF0  }
0xb4: {  	s0 =	ssub.s32 s0, s2;
	s3 =	simm.s32 @!p1 $0xF0  }
0xb5: {  	s0 =	sadd.s32 $0xFFFD8FF0, s0;
	s25 =	sshll.u32 s3, $0x7  }
0xb6: {  	s26 =	sshll.u32 s0, $0x2;
	s2 =	sand.u32 $0x3FFFFF80, s25  }
0xb7: {  	p1 =	sgt.s32 s0, $0xEF;
	s29 =	ssub.s32 $0x3C0, s26;
	_ =	swait.ge [sflag:s10], s2  }
0xb8: {  	s2 =	ssub.s32 $0x0, s2;
	[sflag:s10] =	ssyncset.done $0x0;
	s0 =	sshrl.u32 s29, $0x2  }
0xb9: {  	[sflag:s10] =	ssyncadd.s32 s2;
	s0 =	simm.s32 @p1 $0x0  }
0xba: {  	_ =	swait.ge [sflag:s11], s0  }
0xbb: {  	s0 =	ssub.s32 $0x0, s0;
	[sflag:s11] =	ssyncset.done $0x0  }
0xbc: {  	[sflag:s11] =	ssyncadd.s32 s0  }
0xbd: {  	v1 =	vld [tilespmem:$0xF208];
	_ =	sdelay $0x4  }
0xbe: {  	(v2sf) =	vpush v1, $0x0  }
0xbf: {  	(v2sf) =	vpush v1, $0x1  }
0xc0: {  	(v2sf) =	vpush v1, $0x2;
	_ =	sdelay $0x3  }
0xc1: {  	s0 =	sadd.s32 $0xF0, s22  }
0xc2: {  	s2 =	ssub.s32 $0x4E200, s22;
	p1 =	slt.s32 s8, s0  }
0xc3: {  	s0 =	smov.u32 @p1 s8;
	p1 =	sgt.s32 s2, $0x0  }
0xc4: {  	s26 =	ssub.s32 s0, s22;
	s2 =	simm.s32 @!p1 $0x0  }
0xc5: {  	p1 =	slt.s32 s2, s26  }
0xc6: {  	s26 =	smov.u32 @p1 s2  }
0xc7: {  	s25 =	simm.s32 $0x1;
	p1 =	slt.s32 s26, $0x1  }
.Ltmp9:
0xc8: {  	s25 =	simm.s32 @!p0 $0x0;
	(pc) =	sbr.rel @p1 .LBB3_8-.Ltmp9, $4  }
0xc9: {  	s31 =	smul.u32 $0x3C0, s25  }
0xca: {  	s28 =	spop (v2sf)  }
0xcb: {  	s0 =	sshrl.u32 s31, $0x2;
	s30 =	spop (v2sf)  }
0xcc: {  	s23 =	sadd.s32 $0x10518, s0;
	s22 =	spop (v2sf)  }
0xcd: {  	s0 =	smin.u32 s26, $0x10  }
0xce: {  	v1 =	vmov s0  }
0xcf: {  	p2 =	sgt.s32 s26, $0x10;
	vm1 =	vgt.u32 v1, v0  }
.Ltmp10:
0xd0: {  	_ = 	snop;
	(pc) =	sbr.rel @!p2 .LBB3_7-.Ltmp10, $2  }
0xd1: {  	_ =	sdelay $0x2  }
0xd2: {  	s4 =	simm.s32 $0x10;
	s24 =	sadd.s32 $0xFFFFFFF0, s26;
	s0 =	smov.u32 s23;
	vm0 =	vmmov vm1  }
.LBB3_6:
0xd3: {  	s2 =	smin.u32 s24, $0x10;
	s4 =	sadd.s32 $0x10, s4;
	v1 =	vld.msk [tilespmem:s0+$0x0 ss:$0x1], vm1  }
0xd4: {  	v2 =	vmov s2;
	p2 =	slt.s32 s4, s26  }
0xd5: {  	vm1 =	vgt.u32 v2, v0  }
.Ltmp11:
0xd6: {  	(pc) =	sbr.rel @p2 .LBB3_6-.Ltmp11, $3  }
0xd7: {  	_ =	sdelay $0x1  }
0xd8: {  	v1 =	vshll.u32 v1, $0x4  }
0xd9: {  	s24 =	sadd.s32 $0xFFFFFFF0, s24;
	[tilespmem:s0+$0x0] =	vst.msk vm0, v1;
	s0 =	sadd.s32 $0x10, s0;
	vm0 =	vmmov vm1  }
.LBB3_7:
0xda: {  	_ =	sdelay $0x4  }
0xdb: {  	v1 =	vld.msk [tilespmem:s0+$0x0 ss:$0x1], vm1;
	_ =	sdelay $0x4  }
0xdc: {  	v1 =	vshll.u32 v1, $0x4  }
0xdd: {  	[tilespmem:s0+$0x0] =	vst.msk vm0, v1  }
.LBB3_8:
0xde: {  	s0 =	sand.u32 $0x1, s21  }
0xdf: {  	s2 =	smul.u32 $0x7800, s0  }
0xe0: {  	p2 =	sne.s32 s30, $0xFFFFFFFF  }
0xe1: {  	v1 =	vld @!p2 [tilespmem:s2+$0x106F8];
	_ =	sdelay $0x2  }
0xe2: {  	s0 =	smul.u32 $0xF0, s0;
	_ =	sdelay $0x1  }
0xe3: {  	v2 =	vld.msk @!p2 [tilespmem:s0+$0x10518], $0x1;
	[tilespmem:$0x108] =	vst @!p2 v1  }
0xe4: {  	v1 =	vld @!p2 [tilespmem:s2+$0x10708];
	_ =	sdelay $0x4  }
0xe5: {  	[tilespmem:$0x118] =	vst @!p2 v1  }
0xe6: {  	v1 =	vld @!p2 [tilespmem:s2+$0x10718];
	_ =	sdelay $0x4  }
0xe7: {  	[tilespmem:$0x128] =	vst @!p2 v1  }
0xe8: {  	v1 =	vld @!p2 [tilespmem:s2+$0x10728];
	_ =	sdelay $0x4  }
0xe9: {  	[tilespmem:$0x138] =	vst @!p2 v1  }
0xea: {  	v1 =	vld @!p2 [tilespmem:s2+$0x10738];
	_ =	sdelay $0x4  }
0xeb: {  	[tilespmem:$0x148] =	vst @!p2 v1  }
0xec: {  	(v2sf) =	vpush @!p2 v2, $0x0;
	v1 =	vld @!p2 [tilespmem:s2+$0x10748];
	_ =	sdelay $0x4  }
0xed: {  	[tilespmem:$0x158] =	vst @!p2 v1  }
0xee: {  	v1 =	vld @!p2 [tilespmem:s2+$0x10758];
	_ =	sdelay $0x4  }
0xef: {  	[tilespmem:$0x168] =	vst @!p2 v1  }
0xf0: {  	v1 =	vld @!p2 [tilespmem:s2+$0x10768]  }
.Ltmp12:
0xf1: {  	_ = 	snop;
	(pc) =	sbr.rel @p1 .LBB3_19-.Ltmp12, $4  }
0xf2: {  	_ = 	snop  }
0xf3: {  	s29 =	spop @!p2 (v2sf)  }
0xf4: {  	s22 =	simm.s32 @!p2 $0x0;
	s24 =	smov.u32 s29  }
0xf5: {  	s29 =	smov.u32 @p2 s28;
	s24 =	smov.u32 @p2 s30;
	[tilespmem:$0x178] =	vst @!p2 v1;
	[sflag:s18] =	ssyncpa.u1 $0x0  }
0xf6: {  	v1 =	vld.msk [tilespmem:s23+$0x0], $0x1;
	_ =	sdelay $0x4  }
0xf7: {  	(v2sf) =	vpush v1, $0x0;
	_ =	sdelay $0xe  }
0xf8: {  	s2 =	smul.u32 $0x1E000, s25;
	s0 =	spop (v2sf)  }
0xf9: {  	s26 =	ssub.s32 $0x0, s26;
	p1 =	seq.s32 s29, s0  }
0xfa: {  	s30 =	sadd.s32 $0x1, s26;
	s2 =	sshrl.u32 s2, $0x2;
	p2 =	sgt.s32 @!p1 s29, $0x0  }
0xfb: {  	s25 =	sor.u32 $0x10738, s2;
	s2 =	smov.u32 s29;
	p2 =	por !p2, p1  }
0xfc: {  	s2 =	simm.s32 @p2 $0x0;
	p2 =	seq.s32 s30, $0x0  }
.Ltmp13:
0xfd: {  	_ = 	snop;
	(pc) =	sbr.rel @p2 .LBB3_11-.Ltmp13, $4  }
0xfe: {  	_ = 	snop  }
0xff: {  	s28 =	simm.s32 $0x0;
	s31 =	sadd.s32 $0x1, s23;
	s2 =	smin.u32 @!p1 s2, $0x27FF0  }
0x100: {  	s4 =	simm.s32 @!p1 $0x1;
	s5 =	simm.s32 @!p1 $0x7988;
	s3 =	sand.u32 @!p1 $0x3FFF8, s2  }
0x101: {  	s4 =	smov.u32 @p1 s28;
	s2 =	sand.u32 @!p1 $0x7, s2;
	s3 =	sadd.s32 @!p1 s1, s3  }
.LBB3_10:
0x102: {  	s6 =	smov.u32 s4  }
0x103: {  	[tilespmem:s5], [sflag:$0x2] =	stream.linear.gather @!p1 [hbm4b:s3+s2], $0x80, $0x38;
	[tilespmem:$0x1F6F8] =	vst v63  }
0x104: {  	s30 =	sadd.s32 $0x1, s30;
	s2 =	smov.u32 s0;
	v1 =	vld.msk [tilespmem:s31+$0x0], $0x1  }
0x105: {  	p2 =	seq.s32 s30, $0x0;
	_ =	sdelay $0x3  }
0x106: {  	(v2sf) =	vpush v1, $0x0;
	_ =	sdelay $0xe  }
0x107: {  	s0 =	spop (v2sf)  }
0x108: {  	p1 =	seq.s32 s2, s0  }
0x109: {  	p3 =	sgt.s32 @!p1 s2, $0x0;
	s3 =	sshll.u32 @!p1 s4, $0x9;
	s4 =	sadd.s32 @!p1 $0x1, s4  }
.Ltmp14:
0x10a: {  	p3 =	por !p3, p1;
	s3 =	sshra.s32 @!p1 s3, $0x2;
	(pc) =	sbr.rel @!p2 .LBB3_10-.Ltmp14, $4  }
0x10b: {  	s4 =	smov.u32 @p1 s6;
	s2 =	simm.s32 @p3 $0x0;
	s5 =	sadd.s32 @!p1 $0x7988, s3  }
0x10c: {  	s2 =	smin.u32 @!p1 s2, $0x27FF0  }
0x10d: {  	s3 =	sand.u32 @!p1 $0x3FFF8, s2;
	s2 =	sand.u32 @!p1 $0x7, s2  }
0x10e: {  	s31 =	sadd.s32 $0x1, s31;
	s3 =	sadd.s32 @!p1 s1, s3  }
.LBB3_11:
0x10f: {  	[tilespmem:s5], [sflag:$0x2] =	stream.linear.gather @!p1 [hbm4b:s3+s2], $0x80, $0x38;
	[tilespmem:$0x1F6F8] =	vst v63  }
.Ltmp15:
0x110: {  	s0 =	sshll.u32 s4, $0x7;
	(pc) =	sbr.rel .LBB3_12-.Ltmp15, $4  }
0x111: {  	s30 =	simm.s32 $0x2;
	s0 =	sand.u32 $0x3FFFFF80, s0  }
0x112: {  	_ =	swait.ge [sflag:s30], s0  }
0x113: {  	s0 =	ssub.s32 $0x0, s0;
	[sflag:s30] =	ssyncset.done $0x0  }
0x114: {  	s31 =	simm.s32 $0x0;
	[sflag:s30] =	ssyncadd.s32 s0  }
.LBB3_13:
0x115: {  	s0 =	sshra.s32 s0, $0x2;
	v1 =	vld [tilespmem:s25+$0xFFFFFFC0]  }
0x116: {  	v2 =	vld [tilespmem:s0+$0x108];
	_ =	sdelay $0x4  }
0x117: {  	v1 =	vmax.f32 v1, v2  }
0x118: {  	v2 =	vld [tilespmem:s0+$0x118];
	[tilespmem:s0+$0x108] =	vst v1  }
0x119: {  	v1 =	vld [tilespmem:s25+$0xFFFFFFD0];
	_ =	sdelay $0x4  }
0x11a: {  	v1 =	vmax.f32 v1, v2  }
0x11b: {  	v2 =	vld [tilespmem:s0+$0x128];
	[tilespmem:s0+$0x118] =	vst v1  }
0x11c: {  	v1 =	vld [tilespmem:s25+$0xFFFFFFE0];
	_ =	sdelay $0x4  }
0x11d: {  	v1 =	vmax.f32 v1, v2  }
0x11e: {  	v2 =	vld [tilespmem:s0+$0x138];
	[tilespmem:s0+$0x128] =	vst v1  }
0x11f: {  	v1 =	vld [tilespmem:s25+$0xFFFFFFF0];
	_ =	sdelay $0x4  }
0x120: {  	v1 =	vmax.f32 v1, v2  }
0x121: {  	v2 =	vld [tilespmem:s0+$0x148];
	[tilespmem:s0+$0x138] =	vst v1  }
0x122: {  	v1 =	vld [tilespmem:s25+$0x0];
	_ =	sdelay $0x4  }
0x123: {  	v1 =	vmax.f32 v1, v2  }
0x124: {  	v2 =	vld [tilespmem:s0+$0x158];
	[tilespmem:s0+$0x148] =	vst v1  }
0x125: {  	v1 =	vld [tilespmem:s25+$0x10];
	_ =	sdelay $0x4  }
0x126: {  	v1 =	vmax.f32 v1, v2  }
0x127: {  	v2 =	vld [tilespmem:s0+$0x168];
	[tilespmem:s0+$0x158] =	vst v1  }
0x128: {  	v1 =	vld [tilespmem:s25+$0x20];
	_ =	sdelay $0x4  }
0x129: {  	v1 =	vmax.f32 v1, v2  }
0x12a: {  	v2 =	vld [tilespmem:s0+$0x178];
	[tilespmem:s0+$0x168] =	vst v1  }
0x12b: {  	v1 =	vld [tilespmem:s25+$0x30];
	_ =	sdelay $0x4  }
0x12c: {  	v1 =	vmax.f32 v1, v2  }
0x12d: {  	[tilespmem:s0+$0x178] =	vst v1  }
.LBB3_17:
0x12e: {  	s26 =	sadd.s32 $0x1, s26  }
0x12f: {  	p1 =	seq.s32 s26, $0x0  }
.Ltmp16:
0x130: {  	_ = 	snop;
	(pc) =	sbr.rel @p1 .LBB3_18-.Ltmp16, $2  }
0x131: {  	_ =	sdelay $0x2  }
0x132: {  	s23 =	sadd.s32 $0x1, s23;
	s25 =	sadd.s32 $0x80, s25;
	s29 =	smov.u32 s30  }
.LBB3_12:
0x133: {  	v1 =	vld.msk [tilespmem:s23+$0x0], $0x1;
	_ =	sdelay $0x4  }
0x134: {  	(v2sf) =	vpush v1, $0x0;
	_ =	sdelay $0xe  }
0x135: {  	s30 =	spop (v2sf)  }
0x136: {  	p1 =	sne.s32 s29, s30  }
.Ltmp17:
0x137: {  	_ = 	snop;
	(pc) =	sbr.rel @!p1 .LBB3_13-.Ltmp17, $2  }
0x138: {  	_ =	sdelay $0x2  }
0x139: {  	s0 =	sshll.u32 s22, $0x9  }
0x13a: {  	p1 =	seq.s32 s29, s24  }
.Ltmp18:
0x13b: {  	_ = 	snop;
	(pc) =	sbr.rel @!p1 .LBB3_15-.Ltmp18, $1  }
0x13c: {  	_ =	sdelay $0x3  }
0x13d: {  	s0 =	sshra.s32 s0, $0x2  }
.Ltmp19:
0x13e: {  	s0 =	sadd.s32 $0x108, s0;
	(pc) =	sbr.rel .LBB3_16-.Ltmp19, $4  }
0x13f: {  	[spmem:s16] =	stream.linear.scatter [tilespmem:s0], [sflag:$0x1], $0x80, $0x38;
	[tilespmem:$0x1F6F8] =	vst v63  }
0x140: {  	_ =	swait.ge [sflag:s12], $0x80  }
0x141: {  	[sflag:s12] =	ssyncset.done $0x0  }
0x142: {  	[sflag:s12] =	ssyncadd.s32 $0xFFFFFF80  }
.LBB3_15:
0x143: {  	s2 =	sshll.u32 s28, $0x9;
	s0 =	sshra.s32 s0, $0x2  }
0x144: {  	s2 =	sshra.s32 s2, $0x2;
	v2 =	vld [tilespmem:s0+$0x108]  }
0x145: {  	v1 =	vld [tilespmem:s2+$0x7988];
	_ =	sdelay $0x4  }
0x146: {  	v1 =	vmax.f32 v1, v2  }
0x147: {  	v2 =	vld [tilespmem:s0+$0x118];
	[tilespmem:s0+$0x108] =	vst v1  }
0x148: {  	v1 =	vld [tilespmem:s2+$0x7998];
	_ =	sdelay $0x4  }
0x149: {  	v1 =	vmax.f32 v1, v2  }
0x14a: {  	v2 =	vld [tilespmem:s0+$0x128];
	[tilespmem:s0+$0x118] =	vst v1  }
0x14b: {  	v1 =	vld [tilespmem:s2+$0x79A8];
	_ =	sdelay $0x4  }
0x14c: {  	v1 =	vmax.f32 v1, v2  }
0x14d: {  	v2 =	vld [tilespmem:s0+$0x138];
	[tilespmem:s0+$0x128] =	vst v1  }
0x14e: {  	v1 =	vld [tilespmem:s2+$0x79B8];
	_ =	sdelay $0x4  }
0x14f: {  	v1 =	vmax.f32 v1, v2  }
0x150: {  	v2 =	vld [tilespmem:s0+$0x148];
	[tilespmem:s0+$0x138] =	vst v1  }
0x151: {  	v1 =	vld [tilespmem:s2+$0x79C8];
	_ =	sdelay $0x4  }
0x152: {  	v1 =	vmax.f32 v1, v2  }
0x153: {  	v2 =	vld [tilespmem:s0+$0x158];
	[tilespmem:s0+$0x148] =	vst v1  }
0x154: {  	v1 =	vld [tilespmem:s2+$0x79D8];
	_ =	sdelay $0x4  }
0x155: {  	v1 =	vmax.f32 v1, v2  }
0x156: {  	v2 =	vld [tilespmem:s0+$0x168];
	[tilespmem:s0+$0x158] =	vst v1  }
0x157: {  	v1 =	vld [tilespmem:s2+$0x79E8];
	_ =	sdelay $0x4  }
0x158: {  	v1 =	vmax.f32 v1, v2  }
0x159: {  	v2 =	vld [tilespmem:s0+$0x178];
	[tilespmem:s0+$0x168] =	vst v1  }
0x15a: {  	v1 =	vld [tilespmem:s2+$0x79F8];
	_ =	sdelay $0x3  }
0x15b: {  	p1 =	sgt.u32 s29, $0x27FF0  }
0x15c: {  	s2 =	sand.u32 @!p1 $0x3FFF8, s29;
	v1 =	vmax.f32 v1, v2  }
0x15d: {  	s3 =	sadd.s32 $0x108, s0;
	[tilespmem:s0+$0x178] =	vst v1;
	s0 =	sadd.s32 @!p1 s1, s2;
	s2 =	sand.u32 @!p1 $0x7, s29  }
0x15e: {  	[hbm4b:s0+s2] =	stream.linear.scatter @!p1 [tilespmem:s3], [sflag:$0xC], $0x80, $0x38;
	[tilespmem:$0x1F6F8] =	vst v63  }
0x15f: {  	s0 =	simm.s32 $0x0  }
0x160: {  	s0 =	simm.s32 @!p1 $0x200  }
0x161: {  	s31 =	sadd.s32 s0, s31  }
.LBB3_16:
0x162: {  	s0 =	sadd.s32 $0x1, s22  }
0x163: {  	s2 =	smulhi.u32 $0x88888889, s0;
	_ =	sdelay $0x1  }
0x164: {  	v1 =	vld [tilespmem:s25+$0xFFFFFFC0];
	s2 =	sshrl.u32 s2, $0x7  }
0x165: {  	s2 =	smul.u32 $0xF0, s2;
	_ =	sdelay $0x1  }
0x166: {  	s22 =	ssub.s32 s0, s2  }
0x167: {  	s0 =	sshll.u32 s22, $0x7  }
0x168: {  	[tilespmem:s0+$0x108] =	vst v1  }
0x169: {  	v1 =	vld [tilespmem:s25+$0xFFFFFFD0];
	_ =	sdelay $0x4  }
0x16a: {  	[tilespmem:s0+$0x118] =	vst v1  }
0x16b: {  	v1 =	vld [tilespmem:s25+$0xFFFFFFE0];
	_ =	sdelay $0x4  }
0x16c: {  	[tilespmem:s0+$0x128] =	vst v1  }
0x16d: {  	v1 =	vld [tilespmem:s25+$0xFFFFFFF0];
	_ =	sdelay $0x4  }
0x16e: {  	[tilespmem:s0+$0x138] =	vst v1  }
0x16f: {  	v1 =	vld [tilespmem:s25+$0x0];
	_ =	sdelay $0x4  }
0x170: {  	[tilespmem:s0+$0x148] =	vst v1  }
0x171: {  	v1 =	vld [tilespmem:s25+$0x10];
	_ =	sdelay $0x4  }
0x172: {  	[tilespmem:s0+$0x158] =	vst v1  }
0x173: {  	v1 =	vld [tilespmem:s25+$0x20];
	_ =	sdelay $0x4  }
0x174: {  	[tilespmem:s0+$0x168] =	vst v1  }
0x175: {  	v1 =	vld [tilespmem:s25+$0x30]  }
.Ltmp20:
0x176: {  	_ = 	snop;
	(pc) =	sbr.rel .LBB3_17-.Ltmp20, $2  }
0x177: {  	_ =	sdelay $0x2  }
0x178: {  	s28 =	sadd.s32 $0x1, s28;
	[tilespmem:s0+$0x178] =	vst v1  }
.LBB3_19:
.Ltmp21:
0x179: {  	(pc) =	sbr.rel .LBB3_20-.Ltmp21, $4  }
0x17a: {  	_ = 	snop  }
0x17b: {  	s0 =	simm.s32 $0x2  }
0x17c: {  	_ =	swait.ge [sflag:s0], $0x0  }
0x17d: {  	s30 =	smov.u32 s29;
	[sflag:s0] =	ssyncset.done $0x0;
	s0 =	simm.s32 $0x0  }
.LBB3_22:
0x17e: {  	_ =	sfence.sel $0x180000  }
0x17f: {  	s0 =	simm.s32 $0x9;
	[bflag:$0x0] =	sbarrier.arrive $0xFFFF  }
0x180: {  	s24 =	simm.s32 $0xA;
	[sflag:s0] =	ssyncpa.u1 $0x1  }
0x181: {  	s25 =	simm.s32 $0xB;
	[sflag:s24] =	ssyncpa.u1 $0x1  }
0x182: {  	s26 =	simm.s32 $0x2;
	[sflag:s25] =	ssyncpa.u1 $0x1  }
0x183: {  	[sflag:s26] =	ssyncpa.u1 $0x1  }
0x184: {  	v0 =	vld [tilespmem:$0xF208];
	_ =	sdelay $0x4  }
0x185: {  	(v2sf) =	vpush v0, $0x0  }
0x186: {  	(v2sf) =	vpush v0, $0x1;
	_ =	sdelay $0x1  }
0x187: {  	(v2sf) =	vpush v0, $0x2;
	_ =	sdelay $0xb  }
0x188: {  	s0 =	spop (v2sf)  }
0x189: {  	s2 =	spop (v2sf)  }
0x18a: {  	s3 =	smov.u32 s0;
	p0 =	sne.s32 s0, s2  }
0x18b: {  	s4 =	spop (v2sf);
	s3 =	simm.s32 @!p0 $0xFFFFFFFF  }
0x18c: {  	v2 =	vimm.s32 $0x1;
	v3 =	vlaneseq.u32;
	p0 =	seq.s32 s4, $0xFFFFFFFF;
	v1 =	vmov s3  }
0x18d: {  	s16 =	stileid.u32;
	v0 =	vperm.xlane v0, v2;
	p1 =	sne.s32 @!p0 s0, s2;
	v1 =	vperm.xlane v1, v3  }
0x18e: {  	vm0 =	vcmask $0x3F04;
	s6 =	simm.s32 $0xF208;
	s0 =	simm.s32 @!p0 $0x1;
	p1 =	por !p1, p0  }
0x18f: {  	s3 =	sshll.u32 s16, $0x1;
	s2 =	sshll.u32 @!p0 s4, $0x9;
	s0 =	simm.s32 @p1 $0x0;
	v0 =	vsel vm0, v1, v0  }
0x190: {  	s5 =	sor.u32 $0x1000, s3;
	s2 =	sshra.s32 @!p0 s2, $0x2;
	s0 =	sor.u32 @!p0 s0, s3;
	[tilespmem:$0xF208] =	vst v0  }
0x191: {  	[spmem:s5] =	stream.linear.scatter [tilespmem:s6], [sflag:$0x1], $0x2, $0x38;
	[tilespmem:$0x1F6F8] =	vst v63  }
0x192: {  	s2 =	sadd.s32 @!p0 $0x108, s2;
	s0 =	sshll.u32 @!p0 s0, $0x7  }
0x193: {  	[spmem:s0] =	stream.linear.scatter @!p0 [tilespmem:s2], [sflag:$0x1], $0x80, $0x38;
	[tilespmem:$0x1F6F8] =	vst v63  }
0x194: {  	s0 =	simm.s32 @!p0 $0x82  }
0x195: {  	s28 =	simm.s32 $0x1;
	s0 =	simm.s32 @p0 $0x2  }
0x196: {  	_ =	swait.ge [sflag:s28], s0  }
0x197: {  	s0 =	ssub.s32 $0x0, s0;
	[sflag:s28] =	ssyncset.done $0x0  }
0x198: {  	p0 =	sne.s32 s16, $0x0;
	[sflag:s28] =	ssyncadd.s32 s0  }
.Ltmp22:
0x199: {  	_ =	sfence.stream.spmem;
	(pc) =	sbr.rel @p0 .LBB3_39-.Ltmp22, $4  }
0x19a: {  	s29 =	simm.s32 $0x3;
	[bflag:$0x0] =	sbarrier.arrive $0xFFFF  }
0x19b: {  	s30 =	simm.s32 $0x4;
	[sflag:s29] =	ssyncpa.u1 $0x1  }
0x19c: {  	s31 =	simm.s32 $0x3C;
	[sflag:s30] =	ssyncpa.u1 $0x1  }
0x19d: {  	s15 =	rddreg [dreg:$0x5];
	[sflag:s31] =	ssyncpa.u1 $0x1  }
0x19e: {  	_ =	sfence.stream.spmem;
	s0 =	simm.s32 $0x5  }
0x19f: {  	s2 =	simm.s32 $0x1000;
	s3 =	simm.s32 $0xF218;
	[sflag:s0] =	ssyncpa.u1 $0x0  }
0x1a0: {  	[tilespmem:s3], [sflag:$0x5] =	stream.linear.gather [spmem:s2], $0x20, $0x38;
	[tilespmem:$0x1F6F8] =	vst v63  }
0x1a1: {  	s26 =	simm.s32 $0x0;
	s28 =	simm.s32 $0xF238  }
0x1a2: {  	[tilespmem:s28], [sflag:$0x5] =	stream.linear.gather [spmem:s26], $0x1000, $0x38;
	[tilespmem:$0x1F6F8] =	vst v63  }
0x1a3: {  	_ =	swait.ge [sflag:s0], $0x1020  }
0x1a4: {  	[sflag:s0] =	ssyncset.done $0x0  }
0x1a5: {  	s29 =	simm.s32 $0x0;
	[sflag:s0] =	ssyncadd.s32 $0xFFFFEFE0  }
0x1a6: {  	v0 =	vld.msk [tilespmem:s29+$0xF218], $0x1;
	_ =	sdelay $0x1  }
0x1a7: {  	s30 =	simm.s32 $0x1  }
0x1a8: {  	v1 =	vld.msk [tilespmem:s30+$0xF218], $0x1;
	_ =	sdelay $0x1  }
0x1a9: {  	(v2sf) =	vpush v0, $0x0;
	_ =	sdelay $0x2  }
0x1aa: {  	(v2sf) =	vpush v1, $0x0;
	_ =	sdelay $0x2  }
0x1ab: {  	s31 =	simm.s32 $0x2  }
0x1ac: {  	v0 =	vld.msk [tilespmem:s31+$0xF218], $0x1;
	_ =	sdelay $0x2  }
0x1ad: {  	s4 =	simm.s32 $0xFFFFFFFF;
	s5 =	simm.s32 $0xFFFFFFFF;
	s0 =	simm.s32 $0xC  }
.LBB3_24:
0x1ae: {  	s2 =	smov.u32 s5;
	s3 =	smov.u32 s4  }
0x1af: {  	s4 =	sshra.s32 s0, $0x2;
	p1 =	sne.s32 s0, $0x7C;
	s0 =	sadd.s32 $0x4, s0;
	(v2sf) =	vpush v0, $0x0  }
0x1b0: {  	v0 =	vld.msk [tilespmem:s4+$0xF218], $0x1  }
.Ltmp23:
0x1b1: {  	(pc) =	sbr.rel @p1 .LBB3_24-.Ltmp23, $4  }
0x1b2: {  	s5 =	spop (v2sf)  }
0x1b3: {  	p2 =	sne.s32 s3, $0xFFFFFFFF;
	s4 =	smov.u32 s5  }
0x1b4: {  	p3 =	seq.s32 s5, $0xFFFFFFFF;
	s4 =	smov.u32 @p2 s3  }
0x1b5: {  	s5 =	smov.u32 @p3 s2;
	s4 =	smov.u32 @p3 s3  }
0x1b6: {  	(v2sf) =	vpush v0, $0x0;
	_ =	sdelay $0x8  }
0x1b7: {  	s0 =	spop (v2sf)  }
0x1b8: {  	p1 =	sne.s32 s4, $0xFFFFFFFF;
	s2 =	smov.u32 s0  }
0x1b9: {  	s9 =	simm.s32 $0x6;
	p2 =	seq.s32 s0, $0xFFFFFFFF;
	s2 =	smov.u32 @p1 s4  }
0x1ba: {  	s6 =	simm.s32 $0x0;
	s2 =	smov.u32 @p2 s4;
	s3 =	spop (v2sf)  }
0x1bb: {  	s0 =	smov.u32 @p2 s5;
	p1 =	sne.s32 s2, $0xFFFFFFFF;
	s4 =	smov.u32 s3  }
.Ltmp24:
0x1bc: {  	p2 =	seq.s32 s3, $0xFFFFFFFF;
	s4 =	smov.u32 @p1 s2;
	(pc) =	sbr.rel .LBB3_26-.Ltmp24, $4  }
0x1bd: {  	s10 =	simm.s32 $0xF188;
	s4 =	smov.u32 @p2 s2;
	s7 =	spop (v2sf)  }
0x1be: {  	s11 =	simm.s32 $0x0;
	p1 =	sne.s32 s4, $0xFFFFFFFF;
	s8 =	smov.u32 s7  }
0x1bf: {  	s3 =	smov.u32 @p2 s0;
	p2 =	seq.s32 s7, $0xFFFFFFFF;
	s8 =	smov.u32 @p1 s4  }
0x1c0: {  	[sflag:s9] =	ssyncpa.u1 $0x0;
	s7 =	smov.u32 @p2 s3;
	s8 =	smov.u32 @p2 s4  }
.LBB3_32:
0x1c1: {  	p1 =	sgt.u32 s12, $0x27FF0  }
0x1c2: {  	p2 =	seq.s32 @!p1 s12, s8  }
0x1c3: {  	p1 =	por p1, p2  }
0x1c4: {  	p2 =	sne.s32 @!p1 s12, s7  }
0x1c5: {  	p1 =	por p1, !p2  }
0x1c6: {  	s0 =	sshll.u32 @p1 s11, $0x9  }
0x1c7: {  	s0 =	sand.u32 @!p1 $0x3FFF8, s12  }
0x1c8: {  	s2 =	sand.u32 @!p1 $0x7, s12;
	s0 =	sadd.s32 @!p1 s1, s0  }
0x1c9: {  	[tilespmem:s10], [sflag:$0x6] =	stream.linear.gather @!p1 [hbm4b:s0+s2], $0x80, $0x38;
	[tilespmem:$0x1F6F8] =	vst v63  }
0x1ca: {  	_ =	swait.ge @!p1 [sflag:s9], $0x80  }
0x1cb: {  	[sflag:s9] =	ssyncset.done @!p1 $0x0  }
0x1cc: {  	s0 =	sshll.u32 @!p1 s11, $0x9;
	[sflag:s9] =	ssyncadd.s32 @!p1 $0xFFFFFF80  }
0x1cd: {  	s2 =	sshrl.u32 @!p1 s0, $0x2;
	v1 =	vld @!p1 [tilespmem:$0xF188]  }
0x1ce: {  	v2 =	vld @!p1 [tilespmem:s2+$0xF238];
	_ =	sdelay $0x4  }
0x1cf: {  	v1 =	vmax.f32 @!p1 v1, v2  }
0x1d0: {  	v2 =	vld @!p1 [tilespmem:s2+$0xF248];
	[tilespmem:s2+$0xF238] =	vst @!p1 v1  }
0x1d1: {  	v1 =	vld @!p1 [tilespmem:$0xF198];
	_ =	sdelay $0x4  }
0x1d2: {  	v1 =	vmax.f32 @!p1 v1, v2  }
0x1d3: {  	v2 =	vld @!p1 [tilespmem:s2+$0xF258];
	[tilespmem:s2+$0xF248] =	vst @!p1 v1  }
0x1d4: {  	v1 =	vld @!p1 [tilespmem:$0xF1A8];
	_ =	sdelay $0x4  }
0x1d5: {  	v1 =	vmax.f32 @!p1 v1, v2  }
0x1d6: {  	v2 =	vld @!p1 [tilespmem:s2+$0xF268];
	[tilespmem:s2+$0xF258] =	vst @!p1 v1  }
0x1d7: {  	v1 =	vld @!p1 [tilespmem:$0xF1B8];
	_ =	sdelay $0x4  }
0x1d8: {  	v1 =	vmax.f32 @!p1 v1, v2  }
0x1d9: {  	v2 =	vld @!p1 [tilespmem:s2+$0xF278];
	[tilespmem:s2+$0xF268] =	vst @!p1 v1  }
0x1da: {  	v1 =	vld @!p1 [tilespmem:$0xF1C8];
	_ =	sdelay $0x4  }
0x1db: {  	v1 =	vmax.f32 @!p1 v1, v2  }
0x1dc: {  	v2 =	vld @!p1 [tilespmem:s2+$0xF288];
	[tilespmem:s2+$0xF278] =	vst @!p1 v1  }
0x1dd: {  	v1 =	vld @!p1 [tilespmem:$0xF1D8];
	_ =	sdelay $0x4  }
0x1de: {  	v1 =	vmax.f32 @!p1 v1, v2  }
0x1df: {  	v2 =	vld @!p1 [tilespmem:s2+$0xF298];
	[tilespmem:s2+$0xF288] =	vst @!p1 v1  }
0x1e0: {  	v1 =	vld @!p1 [tilespmem:$0xF1E8];
	_ =	sdelay $0x4  }
0x1e1: {  	v1 =	vmax.f32 @!p1 v1, v2  }
0x1e2: {  	v2 =	vld @!p1 [tilespmem:s2+$0xF2A8];
	[tilespmem:s2+$0xF298] =	vst @!p1 v1  }
0x1e3: {  	v1 =	vld @!p1 [tilespmem:$0xF1F8];
	_ =	sdelay $0x4  }
0x1e4: {  	v1 =	vmax.f32 @!p1 v1, v2  }
0x1e5: {  	[tilespmem:s2+$0xF2A8] =	vst @!p1 v1  }
0x1e6: {  	s0 =	sshrl.u32 s0, $0x2;
	[tilespmem:s6+$0xF218] =	vst.msk $0x1, v0  }
0x1e7: {  	v0 =	vld [tilespmem:s0+$0xF238];
	_ =	sdelay $0x2  }
0x1e8: {  	s31 =	sshll.u32 s6, $0x9  }
0x1e9: {  	s2 =	sshra.s32 s31, $0x2  }
0x1ea: {  	[tilespmem:s2+$0xF238] =	vst v0  }
0x1eb: {  	v0 =	vld [tilespmem:s0+$0xF248];
	_ =	sdelay $0x4  }
0x1ec: {  	[tilespmem:s2+$0xF248] =	vst v0  }
0x1ed: {  	v0 =	vld [tilespmem:s0+$0xF258];
	_ =	sdelay $0x4  }
0x1ee: {  	[tilespmem:s2+$0xF258] =	vst v0  }
0x1ef: {  	v0 =	vld [tilespmem:s0+$0xF268];
	_ =	sdelay $0x4  }
0x1f0: {  	[tilespmem:s2+$0xF268] =	vst v0  }
0x1f1: {  	v0 =	vld [tilespmem:s0+$0xF278];
	_ =	sdelay $0x4  }
0x1f2: {  	[tilespmem:s2+$0xF278] =	vst v0  }
0x1f3: {  	v0 =	vld [tilespmem:s0+$0xF288];
	_ =	sdelay $0x4  }
0x1f4: {  	[tilespmem:s2+$0xF288] =	vst v0  }
0x1f5: {  	v0 =	vld [tilespmem:s0+$0xF298];
	_ =	sdelay $0x4  }
0x1f6: {  	[tilespmem:s2+$0xF298] =	vst v0  }
0x1f7: {  	v0 =	vld [tilespmem:s0+$0xF2A8];
	_ =	sdelay $0x4  }
0x1f8: {  	s6 =	sadd.s32 $0x1, s6;
	[tilespmem:s2+$0xF2A8] =	vst v0  }
.LBB3_33:
0x1f9: {  	s11 =	sadd.s32 $0x1, s11  }
0x1fa: {  	p1 =	sne.s32 s11, $0x20  }
.Ltmp25:
0x1fb: {  	_ = 	snop;
	(pc) =	sbr.rel @!p1 .LBB3_34-.Ltmp25, $1  }
0x1fc: {  	_ =	sdelay $0x3  }
.LBB3_26:
0x1fd: {  	v0 =	vld.msk [tilespmem:s11+$0xF218], $0x1;
	_ =	sdelay $0x4  }
0x1fe: {  	(v2sf) =	vpush v0, $0x0;
	_ =	sdelay $0xe  }
0x1ff: {  	s12 =	spop (v2sf)  }
0x200: {  	p1 =	seq.s32 s12, $0xFFFFFFFF  }
.Ltmp26:
0x201: {  	_ = 	snop;
	(pc) =	sbr.rel @p1 .LBB3_33-.Ltmp26, $1  }
0x202: {  	_ =	sdelay $0x3  }
0x203: {  	p1 =	slt.s32 s6, $0x1  }
.Ltmp27:
0x204: {  	_ = 	snop;
	(pc) =	sbr.rel @p1 .LBB3_32-.Ltmp27, $1  }
0x205: {  	_ =	sdelay $0x3  }
0x206: {  	s13 =	simm.s32 $0xF218;
	p1 =	por $0x0, $0x0  }
0x207: {  	v1 =	vld.msk @!p1 [tilespmem:s13+$0x0], $0x1;
	_ =	sdelay $0x4  }
0x208: {  	(v2sf) =	vpush @!p1 v1, $0x0;
	_ =	sdelay $0xd  }
0x209: {  	p3 =	sne.s32 s6, $0x1  }
.Ltmp28:
0x20a: {  	s0 =	spop @!p1 (v2sf);
	(pc) =	sbr.rel @!p3 .LBB3_30-.Ltmp28, $4  }
0x20b: {  	p2 =	seq.s32 @!p1 s12, s0  }
0x20c: {  	s14 =	simm.s32 $0x0;
	p2 =	por !p2, p1  }
0x20d: {  	s2 =	simm.s32 $0xFFFFFFFF;
	s14 =	simm.s32 @p2 $0xFFFFFFFF  }
0x20e: {  	s0 =	simm.s32 $0x1;
	s14 =	smov.u32 @p1 s2  }
.LBB3_29:
0x20f: {  	s2 =	smov.u32 s14;
	p1 =	sne.s32 s14, $0xFFFFFFFF  }
0x210: {  	s13 =	sadd.s32 $0x1, s13;
	s14 =	smov.u32 s0;
	s0 =	sadd.s32 $0x1, s0  }
0x211: {  	p2 =	sne.s32 s6, s0;
	v1 =	vld.msk @!p1 [tilespmem:s13+$0x0], $0x1;
	_ =	sdelay $0x4  }
0x212: {  	(v2sf) =	vpush @!p1 v1, $0x0;
	_ =	sdelay $0xe  }
.Ltmp29:
0x213: {  	s3 =	spop @!p1 (v2sf);
	(pc) =	sbr.rel @p2 .LBB3_29-.Ltmp29, $4  }
0x214: {  	p3 =	seq.s32 @!p1 s12, s3  }
0x215: {  	p3 =	por !p3, p1  }
0x216: {  	s14 =	simm.s32 @p3 $0xFFFFFFFF  }
0x217: {  	s14 =	smov.u32 @p1 s2  }
.LBB3_30:
0x218: {  	p1 =	seq.s32 s14, $0xFFFFFFFF  }
.Ltmp30:
0x219: {  	_ = 	snop;
	(pc) =	sbr.rel @p1 .LBB3_32-.Ltmp30, $1  }
0x21a: {  	_ =	sdelay $0x3  }
0x21b: {  	s0 =	sshll.u32 s11, $0x7  }
0x21c: {  	s2 =	sshll.u32 s14, $0x9;
	s0 =	sand.u32 $0x3FFFFF80, s0  }
0x21d: {  	s2 =	sshra.s32 s2, $0x2;
	v0 =	vld [tilespmem:s0+$0xF238]  }
0x21e: {  	v1 =	vld [tilespmem:s2+$0xF238];
	_ =	sdelay $0x4  }
0x21f: {  	v0 =	vmax.f32 v0, v1  }
0x220: {  	v57 =	vld [tilespmem:s2+$0xF248];
	[tilespmem:s2+$0xF238] =	vst v0  }
0x221: {  	v0 =	vld [tilespmem:s0+$0xF248];
	_ =	sdelay $0x4  }
0x222: {  	v0 =	vmax.f32 v0, v57  }
0x223: {  	v58 =	vld [tilespmem:s2+$0xF258];
	[tilespmem:s2+$0xF248] =	vst v0  }
0x224: {  	v0 =	vld [tilespmem:s0+$0xF258];
	_ =	sdelay $0x4  }
0x225: {  	v0 =	vmax.f32 v0, v58  }
0x226: {  	v59 =	vld [tilespmem:s2+$0xF268];
	[tilespmem:s2+$0xF258] =	vst v0  }
0x227: {  	v0 =	vld [tilespmem:s0+$0xF268];
	_ =	sdelay $0x4  }
0x228: {  	v0 =	vmax.f32 v0, v59  }
0x229: {  	v60 =	vld [tilespmem:s2+$0xF278];
	[tilespmem:s2+$0xF268] =	vst v0  }
0x22a: {  	v0 =	vld [tilespmem:s0+$0xF278];
	_ =	sdelay $0x4  }
0x22b: {  	v0 =	vmax.f32 v0, v60  }
0x22c: {  	v61 =	vld [tilespmem:s2+$0xF288];
	[tilespmem:s2+$0xF278] =	vst v0  }
0x22d: {  	v0 =	vld [tilespmem:s0+$0xF288];
	_ =	sdelay $0x4  }
0x22e: {  	v0 =	vmax.f32 v0, v61  }
0x22f: {  	v62 =	vld [tilespmem:s2+$0xF298];
	[tilespmem:s2+$0xF288] =	vst v0  }
0x230: {  	v0 =	vld [tilespmem:s0+$0xF298];
	_ =	sdelay $0x4  }
0x231: {  	v0 =	vmax.f32 v0, v62  }
0x232: {  	v63 =	vld [tilespmem:s2+$0xF2A8];
	[tilespmem:s2+$0xF298] =	vst v0  }
0x233: {  	v0 =	vld [tilespmem:s0+$0xF2A8];
	_ =	sdelay $0x1  }
.Ltmp31:
0x234: {  	_ = 	snop;
	(pc) =	sbr.rel .LBB3_33-.Ltmp31, $3  }
0x235: {  	_ =	sdelay $0x1  }
0x236: {  	v0 =	vmax.f32 v0, v63  }
0x237: {  	[tilespmem:s2+$0xF2A8] =	vst v0  }
.LBB3_34:
0x238: {  	s0 =	simm.s32 $0x6;
	p1 =	seq.s32 s6, $0x0  }
0x239: {  	[sflag:s0] =	ssyncpa.u1 $0x1;
	v0 =	vimm.s32 @p1 $0xFFFFFFFF  }
0x23a: {  	s9 =	sadd.s32 $0xFFFFFFFF, s6;
	[tilespmem:$0x10238] =	vst @p1 v0  }
0x23b: {  	v0 =	vld.msk @!p1 [tilespmem:s9+$0xF218], $0x1;
	_ =	sdelay $0x1  }
0x23c: {  	v1 =	vld.msk @!p1 [tilespmem:$0xF218], $0x1;
	_ =	sdelay $0x2  }
0x23d: {  	p2 =	seq.s32 @!p1 s9, $0x0;
	v0 =	vbroadcast @!p1 v0, $0x0  }
0x23e: {  	vm0 =	vmmov @!p1 $0x1;
	p2 =	por !p2, p1  }
0x23f: {  	v1 =	vnsel @!p1 vm0, $0xFFFFFFFF, v1;
	vm0 =	vcmask @!p1 $0x308;
	v0 =	vpsel !p2, $0xFFFFFFFF, v0  }
0x240: {  	p2 =	sne.s32 @!p1 s8, s7;
	v0 =	vsel @!p1 vm0, v1, v0  }
0x241: {  	s0 =	simm.s32 @!p1 $0xF238;
	s2 =	simm.s32 @!p1 $0x0;
	p3 =	por !p2, p1;
	[tilespmem:$0x10238] =	vst @!p1 v0  }
0x242: {  	[spmem:s2] =	stream.linear.scatter @!p1 [tilespmem:s0], [sflag:$0x1], $0x80, $0x38;
	[tilespmem:$0x1F6F8] =	vst v63  }
0x243: {  	s0 =	sshll.u32 @!p3 s9, $0x9  }
0x244: {  	s0 =	sshra.s32 @!p3 s0, $0x2  }
0x245: {  	s2 =	simm.s32 @!p3 $0x80;
	s0 =	sadd.s32 @!p3 $0xF238, s0  }
0x246: {  	[spmem:s2] =	stream.linear.scatter @!p3 [tilespmem:s0], [sflag:$0x1], $0x80, $0x38;
	[tilespmem:$0x1F6F8] =	vst v63  }
0x247: {  	s0 =	simm.s32 @!p3 $0x1  }
0x248: {  	_ =	swait.ge @!p3 [sflag:s0], $0x100  }
0x249: {  	p1 =	por p2, p1;
	[sflag:s0] =	ssyncset.done @!p3 $0x0  }
0x24a: {  	[sflag:s0] =	ssyncadd.s32 @!p3 $0xFFFFFF00;
	s0 =	simm.s32 @!p1 $0x1  }
0x24b: {  	_ =	swait.ge @!p1 [sflag:s0], $0x80  }
0x24c: {  	s29 =	simm.s32 $0x10238;
	[sflag:s0] =	ssyncset.done @!p1 $0x0  }
0x24d: {  	s30 =	simm.s32 $0x1000;
	s31 =	simm.s32 $0x1;
	[sflag:s0] =	ssyncadd.s32 @!p1 $0xFFFFFF80  }
0x24e: {  	[spmem:s30] =	stream.linear.scatter [tilespmem:s29], [sflag:$0x1], $0x10, $0x38;
	[tilespmem:$0x1F6F8] =	vst v63  }
0x24f: {  	_ =	swait.ge [sflag:s31], $0x10  }
0x250: {  	[sflag:s31] =	ssyncset.done $0x0  }
0x251: {  	p1 =	seq.s32 s15, $0x0;
	s8 =	rddreg [dreg:$0x2];
	[sflag:s31] =	ssyncadd.s32 $0xFFFFFFF0  }
0x252: {  	s2 =	sshll.u32 @p1 s8, $0xE;
	s7 =	rddreg [dreg:$0x3]  }
0x253: {  	s0 =	sadd.s32 @p1 $0x15C3C, s2;
	s2 =	sshll.u32 @p1 s7, $0x11  }
0x254: {  	_ =	sfence.stream.spmem;
	s0 =	sor.u32 @p1 s2, s0  }
0x255: {  	[sflag:s0] =	ssyncadd.remote.s32 @p1 $0x1;
	s0 =	simm.s32 @p1 $0x4  }
0x256: {  	s3 =	simm.s32 @!p1 $0x3C;
	s2 =	sand.u32 $0xFFFFFFFE, s8;
	_ =	swait.ge @p1 [sflag:s0], $0x22  }
0x257: {  	s4 =	simm.s32 @!p1 $0x0;
	s2 =	sadd.s32 @!p1 $0x4, s2;
	[sflag:s0] =	ssyncset.done @p1 $0x0  }
0x258: {  	s5 =	simm.s32 @!p1 $0x100;
	[sflag:s0] =	ssyncadd.s32 @p1 $0xFFFFFFDE;
	s0 =	sshll.u32 @!p1 s2, $0x1A  }
0x259: {  	s2 =	sshll.u32 @!p1 s2, $0xD;
	s0 =	sor.u32 @!p1 s0, s7;
	_ =	swait.eq @!p1 [sflag:s3], $0x1  }
0x25a: {  	s2 =	sor.u32 @!p1 $0x1C04, s2;
	s3 =	simm.s32 @!p1 $0x1C03;
	s0 =	sor.u32 @!p1 $0x80004000, s0  }
0x25b: {  	[spmem:s5], [sflag:s2] =	dma.general @!p1 [spmem:s4], [sflag:s3], length:$0x20, [dreg:$0x0], stride_count:$0x0, ici_dest:s0, dma_misc:DstOpCode:WRITE  }
0x25c: {  	p2 =	slt.s32 s9, $0x2;
	s4 =	simm.s32 @!p1 $0x200;
	s5 =	simm.s32 @!p1 $0x202  }
0x25d: {  	[spmem:s5], [sflag:s2] =	dma.general @!p1 [spmem:s4], [sflag:s3], length:$0x2, [dreg:$0x0], stride_count:$0x0, ici_dest:s0, dma_misc:DstOpCode:WRITE  }
.Ltmp32:
0x25e: {  	s0 =	simm.s32 @!p1 $0x3;
	(pc) =	sbr.rel @p2 .LBB3_38-.Ltmp32, $4  }
0x25f: {  	s2 =	sshll.u32 @!p1 s8, $0xE;
	_ =	swait.ge @!p1 [sflag:s0], $0x22  }
0x260: {  	s3 =	sshll.u32 @!p1 s7, $0x11;
	s2 =	sadd.s32 @!p1 $0x11C3C, s2;
	[sflag:s0] =	ssyncset.done @!p1 $0x0  }
0x261: {  	[sflag:s0] =	ssyncadd.s32 @!p1 $0xFFFFFFDE;
	s0 =	sor.u32 @!p1 s3, s2  }
0x262: {  	[sflag:s0] =	ssyncadd.remote.s32 @!p1 $0xFFFFFFFF;
	s0 =	simm.s32 $0x0  }
0x263: {  	s0 =	simm.s32 $0xF219  }
0x264: {  	v0 =	vld.msk [tilespmem:s0+$0x0], $0x1;
	_ =	sdelay $0x4  }
0x265: {  	(v2sf) =	vpush v0, $0x0;
	_ =	sdelay $0xb  }
0x266: {  	s31 =	sadd.s32 $0xFFFFFFFE, s6  }
0x267: {  	s0 =	sadd.s32 $0xFFFFFFFF, s31  }
0x268: {  	p2 =	sne.s32 s0, $0x0  }
.Ltmp33:
0x269: {  	s2 =	spop (v2sf);
	(pc) =	sbr.rel @!p2 .LBB3_37-.Ltmp33, $4  }
0x26a: {  	s4 =	simm.s32 $0xF2B8;
	s7 =	simm.s32 $0x0;
	p1 =	sgt.u32 s2, $0x27FF0  }
0x26b: {  	s5 =	simm.s32 $0x0;
	s6 =	simm.s32 $0xF21A;
	s3 =	sand.u32 @!p1 $0x3FFF8, s2  }
0x26c: {  	s2 =	sand.u32 @!p1 $0x7, s2;
	s7 =	simm.s32 @!p1 $0x200;
	s3 =	sadd.s32 @!p1 s1, s3  }
0x26d: {  	[hbm4b:s3+s2] =	stream.linear.scatter @!p1 [tilespmem:s4], [sflag:$0x5], $0x80, $0x38;
	[tilespmem:$0x1F6F8] =	vst v63  }
.LBB3_36:
0x26e: {  	v0 =	vld.msk [tilespmem:s6+$0x0], $0x1;
	s0 =	sadd.s32 $0xFFFFFFFF, s0;
	s5 =	sadd.s32 s5, s7  }
0x26f: {  	p1 =	sne.s32 s0, $0x0;
	_ =	sdelay $0x3  }
0x270: {  	(v2sf) =	vpush v0, $0x0;
	_ =	sdelay $0xe  }
.Ltmp34:
0x271: {  	s2 =	spop (v2sf);
	(pc) =	sbr.rel @p1 .LBB3_36-.Ltmp34, $4  }
0x272: {  	s7 =	simm.s32 $0x0;
	p2 =	sgt.u32 s2, $0x27FF0  }
0x273: {  	s4 =	sadd.s32 $0x80, s4;
	s7 =	simm.s32 @!p2 $0x200;
	s3 =	sand.u32 @!p2 $0x3FFF8, s2  }
0x274: {  	s6 =	sadd.s32 $0x1, s6;
	s2 =	sand.u32 @!p2 $0x7, s2;
	s3 =	sadd.s32 @!p2 s1, s3  }
0x275: {  	[hbm4b:s3+s2] =	stream.linear.scatter @!p2 [tilespmem:s4], [sflag:$0x5], $0x80, $0x38;
	[tilespmem:$0x1F6F8] =	vst v63  }
.LBB3_37:
0x276: {  	s0 =	sadd.s32 s5, s7  }
0x277: {  	s0 =	sshrl.u32 s0, $0x2  }
.LBB3_38:
0x278: {  	s2 =	simm.s32 $0x5  }
0x279: {  	_ =	swait.ge [sflag:s2], s0  }
0x27a: {  	s31 =	ssub.s32 $0x0, s0;
	[sflag:s2] =	ssyncset.done $0x0  }
0x27b: {  	[sflag:s2] =	ssyncadd.s32 s31  }
0x27c: {  	[sflag:s2] =	ssyncpa.u1 $0x1  }
.LBB3_39:
0x27d: {  	s0 =	sor.u32 s15, s16  }
0x27e: {  	p1 =	sne.s32 s0, $0x0  }
.Ltmp35:
0x27f: {  	_ = 	snop;
	(pc) =	sbr.rel @p1 .LBB3_54-.Ltmp35, $3  }
0x280: {  	_ =	sdelay $0x1  }
0x281: {  	[bflag:$0x0] =	sbarrier.arrive $0xFFFF  }
0x282: {  	_ =	sfence  }
0x283: {  	s0 =	simm.s32 $0x7  }
0x284: {  	s2 =	simm.s32 $0x1000;
	s3 =	simm.s32 $0xF218;
	[sflag:s0] =	ssyncpa.u1 $0x0  }
0x285: {  	[tilespmem:s3], [sflag:$0x7] =	stream.linear.gather [spmem:s2], $0x20, $0x38;
	[tilespmem:$0x1F6F8] =	vst v63  }
0x286: {  	s30 =	simm.s32 $0xF238;
	s2 =	simm.s32 $0x0  }
0x287: {  	[tilespmem:s30], [sflag:$0x7] =	stream.linear.gather [spmem:s2], $0x1000, $0x38;
	[tilespmem:$0x1F6F8] =	vst v63  }
.Ltmp36:
0x288: {  	_ = 	snop;
	(pc) =	sbr.rel .LBB3_41-.Ltmp36, $4  }
0x289: {  	_ =	swait.ge [sflag:s0], $0x1020  }
0x28a: {  	[sflag:s0] =	ssyncset.done $0x0  }
0x28b: {  	s31 =	simm.s32 $0x8;
	[sflag:s0] =	ssyncadd.s32 $0xFFFFEFE0  }
0x28c: {  	s3 =	simm.s32 $0x0;
	[sflag:s31] =	ssyncpa.u1 $0x0  }
.LBB3_47:
0x28d: {  	p1 =	slt.u32 s4, $0x27FF1  }
0x28e: {  	s0 =	sand.u32 @p1 $0x3FFF8, s4  }
0x28f: {  	s4 =	sand.u32 @p1 $0x7, s4;
	s5 =	simm.s32 @p1 $0xF188;
	s0 =	sadd.s32 @p1 s1, s0  }
0x290: {  	[tilespmem:s5], [sflag:$0x8] =	stream.linear.gather @p1 [hbm4b:s0+s4], $0x80, $0x38;
	[tilespmem:$0x1F6F8] =	vst v63  }
0x291: {  	s0 =	simm.s32 @p1 $0x8  }
0x292: {  	_ =	swait.ge @p1 [sflag:s0], $0x80  }
0x293: {  	[sflag:s0] =	ssyncset.done @p1 $0x0  }
0x294: {  	[sflag:s0] =	ssyncadd.s32 @p1 $0xFFFFFF80;
	s0 =	sshll.u32 @p1 s3, $0x9  }
0x295: {  	s4 =	sshrl.u32 @p1 s0, $0x2;
	v1 =	vld @p1 [tilespmem:$0xF188]  }
0x296: {  	v2 =	vld @p1 [tilespmem:s4+$0xF238];
	_ =	sdelay $0x4  }
0x297: {  	v1 =	vmax.f32 @p1 v1, v2  }
0x298: {  	v2 =	vld @p1 [tilespmem:s4+$0xF248];
	[tilespmem:s4+$0xF238] =	vst @p1 v1  }
0x299: {  	v1 =	vld @p1 [tilespmem:$0xF198];
	_ =	sdelay $0x4  }
0x29a: {  	v1 =	vmax.f32 @p1 v1, v2  }
0x29b: {  	v2 =	vld @p1 [tilespmem:s4+$0xF258];
	[tilespmem:s4+$0xF248] =	vst @p1 v1  }
0x29c: {  	v1 =	vld @p1 [tilespmem:$0xF1A8];
	_ =	sdelay $0x4  }
0x29d: {  	v1 =	vmax.f32 @p1 v1, v2  }
0x29e: {  	v2 =	vld @p1 [tilespmem:s4+$0xF268];
	[tilespmem:s4+$0xF258] =	vst @p1 v1  }
0x29f: {  	v1 =	vld @p1 [tilespmem:$0xF1B8];
	_ =	sdelay $0x4  }
0x2a0: {  	v1 =	vmax.f32 @p1 v1, v2  }
0x2a1: {  	v2 =	vld @p1 [tilespmem:s4+$0xF278];
	[tilespmem:s4+$0xF268] =	vst @p1 v1  }
0x2a2: {  	v1 =	vld @p1 [tilespmem:$0xF1C8];
	_ =	sdelay $0x4  }
0x2a3: {  	v1 =	vmax.f32 @p1 v1, v2  }
0x2a4: {  	v2 =	vld @p1 [tilespmem:s4+$0xF288];
	[tilespmem:s4+$0xF278] =	vst @p1 v1  }
0x2a5: {  	v1 =	vld @p1 [tilespmem:$0xF1D8];
	_ =	sdelay $0x4  }
0x2a6: {  	v1 =	vmax.f32 @p1 v1, v2  }
0x2a7: {  	v2 =	vld @p1 [tilespmem:s4+$0xF298];
	[tilespmem:s4+$0xF288] =	vst @p1 v1  }
0x2a8: {  	v1 =	vld @p1 [tilespmem:$0xF1E8];
	_ =	sdelay $0x4  }
0x2a9: {  	v1 =	vmax.f32 @p1 v1, v2  }
0x2aa: {  	v2 =	vld @p1 [tilespmem:s4+$0xF2A8];
	[tilespmem:s4+$0xF298] =	vst @p1 v1  }
0x2ab: {  	v1 =	vld @p1 [tilespmem:$0xF1F8];
	_ =	sdelay $0x4  }
0x2ac: {  	s5 =	sshll.u32 @!p1 s3, $0x9;
	v1 =	vmax.f32 @p1 v1, v2  }
0x2ad: {  	s5 =	smov.u32 @p1 s0;
	[tilespmem:s4+$0xF2A8] =	vst @p1 v1  }
0x2ae: {  	s0 =	sshrl.u32 s5, $0x2;
	[tilespmem:s2+$0xF218] =	vst.msk $0x1, v0  }
0x2af: {  	v0 =	vld [tilespmem:s0+$0xF238];
	_ =	sdelay $0x2  }
0x2b0: {  	s31 =	sshll.u32 s2, $0x9  }
0x2b1: {  	s4 =	sshra.s32 s31, $0x2  }
0x2b2: {  	[tilespmem:s4+$0xF238] =	vst v0  }
0x2b3: {  	v0 =	vld [tilespmem:s0+$0xF248];
	_ =	sdelay $0x4  }
0x2b4: {  	[tilespmem:s4+$0xF248] =	vst v0  }
0x2b5: {  	v0 =	vld [tilespmem:s0+$0xF258];
	_ =	sdelay $0x4  }
0x2b6: {  	[tilespmem:s4+$0xF258] =	vst v0  }
0x2b7: {  	v0 =	vld [tilespmem:s0+$0xF268];
	_ =	sdelay $0x4  }
0x2b8: {  	[tilespmem:s4+$0xF268] =	vst v0  }
0x2b9: {  	v0 =	vld [tilespmem:s0+$0xF278];
	_ =	sdelay $0x4  }
0x2ba: {  	[tilespmem:s4+$0xF278] =	vst v0  }
0x2bb: {  	v0 =	vld [tilespmem:s0+$0xF288];
	_ =	sdelay $0x4  }
0x2bc: {  	[tilespmem:s4+$0xF288] =	vst v0  }
0x2bd: {  	v0 =	vld [tilespmem:s0+$0xF298];
	_ =	sdelay $0x4  }
0x2be: {  	[tilespmem:s4+$0xF298] =	vst v0  }
0x2bf: {  	v0 =	vld [tilespmem:s0+$0xF2A8];
	_ =	sdelay $0x4  }
0x2c0: {  	s2 =	sadd.s32 $0x1, s2;
	[tilespmem:s4+$0xF2A8] =	vst v0  }
.LBB3_48:
0x2c1: {  	s3 =	sadd.s32 $0x1, s3  }
0x2c2: {  	p1 =	sne.s32 s3, $0x20  }
.Ltmp37:
0x2c3: {  	_ = 	snop;
	(pc) =	sbr.rel @!p1 .LBB3_49-.Ltmp37, $1  }
0x2c4: {  	_ =	sdelay $0x3  }
.LBB3_41:
0x2c5: {  	v0 =	vld.msk [tilespmem:s3+$0xF218], $0x1;
	_ =	sdelay $0x4  }
0x2c6: {  	(v2sf) =	vpush v0, $0x0;
	_ =	sdelay $0xe  }
0x2c7: {  	s4 =	spop (v2sf)  }
0x2c8: {  	p1 =	seq.s32 s4, $0xFFFFFFFF  }
.Ltmp38:
0x2c9: {  	_ = 	snop;
	(pc) =	sbr.rel @p1 .LBB3_48-.Ltmp38, $1  }
0x2ca: {  	_ =	sdelay $0x3  }
0x2cb: {  	p1 =	slt.s32 s2, $0x1  }
.Ltmp39:
0x2cc: {  	_ = 	snop;
	(pc) =	sbr.rel @p1 .LBB3_47-.Ltmp39, $1  }
0x2cd: {  	_ =	sdelay $0x3  }
0x2ce: {  	s5 =	simm.s32 $0xF218;
	p1 =	por $0x0, $0x0  }
0x2cf: {  	v1 =	vld.msk @!p1 [tilespmem:s5+$0x0], $0x1;
	_ =	sdelay $0x4  }
0x2d0: {  	(v2sf) =	vpush @!p1 v1, $0x0;
	_ =	sdelay $0xd  }
0x2d1: {  	p3 =	sne.s32 s2, $0x1  }
.Ltmp40:
0x2d2: {  	s0 =	spop @!p1 (v2sf);
	(pc) =	sbr.rel @!p3 .LBB3_45-.Ltmp40, $4  }
0x2d3: {  	p2 =	seq.s32 @!p1 s4, s0  }
0x2d4: {  	s6 =	simm.s32 $0x0;
	p2 =	por !p2, p1  }
0x2d5: {  	s7 =	simm.s32 $0xFFFFFFFF;
	s6 =	simm.s32 @p2 $0xFFFFFFFF  }
0x2d6: {  	s0 =	simm.s32 $0x1;
	s6 =	smov.u32 @p1 s7  }
.LBB3_44:
0x2d7: {  	s7 =	smov.u32 s6;
	p1 =	sne.s32 s6, $0xFFFFFFFF  }
0x2d8: {  	s5 =	sadd.s32 $0x1, s5;
	s6 =	smov.u32 s0;
	s0 =	sadd.s32 $0x1, s0  }
0x2d9: {  	p2 =	sne.s32 s2, s0;
	v1 =	vld.msk @!p1 [tilespmem:s5+$0x0], $0x1;
	_ =	sdelay $0x4  }
0x2da: {  	(v2sf) =	vpush @!p1 v1, $0x0;
	_ =	sdelay $0xe  }
.Ltmp41:
0x2db: {  	s8 =	spop @!p1 (v2sf);
	(pc) =	sbr.rel @p2 .LBB3_44-.Ltmp41, $4  }
0x2dc: {  	p3 =	seq.s32 @!p1 s4, s8  }
0x2dd: {  	p3 =	por !p3, p1  }
0x2de: {  	s6 =	simm.s32 @p3 $0xFFFFFFFF  }
0x2df: {  	s6 =	smov.u32 @p1 s7  }
.LBB3_45:
0x2e0: {  	p1 =	seq.s32 s6, $0xFFFFFFFF  }
.Ltmp42:
0x2e1: {  	_ = 	snop;
	(pc) =	sbr.rel @p1 .LBB3_47-.Ltmp42, $1  }
0x2e2: {  	_ =	sdelay $0x3  }
0x2e3: {  	s0 =	sshll.u32 s3, $0x7  }
0x2e4: {  	s4 =	sshll.u32 s6, $0x9;
	s0 =	sand.u32 $0x3FFFFF80, s0  }
0x2e5: {  	s4 =	sshra.s32 s4, $0x2;
	v0 =	vld [tilespmem:s0+$0xF238]  }
0x2e6: {  	v1 =	vld [tilespmem:s4+$0xF238];
	_ =	sdelay $0x4  }
0x2e7: {  	v0 =	vmax.f32 v0, v1  }
0x2e8: {  	v57 =	vld [tilespmem:s4+$0xF248];
	[tilespmem:s4+$0xF238] =	vst v0  }
0x2e9: {  	v0 =	vld [tilespmem:s0+$0xF248];
	_ =	sdelay $0x4  }
0x2ea: {  	v0 =	vmax.f32 v0, v57  }
0x2eb: {  	v58 =	vld [tilespmem:s4+$0xF258];
	[tilespmem:s4+$0xF248] =	vst v0  }
0x2ec: {  	v0 =	vld [tilespmem:s0+$0xF258];
	_ =	sdelay $0x4  }
0x2ed: {  	v0 =	vmax.f32 v0, v58  }
0x2ee: {  	v59 =	vld [tilespmem:s4+$0xF268];
	[tilespmem:s4+$0xF258] =	vst v0  }
0x2ef: {  	v0 =	vld [tilespmem:s0+$0xF268];
	_ =	sdelay $0x4  }
0x2f0: {  	v0 =	vmax.f32 v0, v59  }
0x2f1: {  	v60 =	vld [tilespmem:s4+$0xF278];
	[tilespmem:s4+$0xF268] =	vst v0  }
0x2f2: {  	v0 =	vld [tilespmem:s0+$0xF278];
	_ =	sdelay $0x4  }
0x2f3: {  	v0 =	vmax.f32 v0, v60  }
0x2f4: {  	v61 =	vld [tilespmem:s4+$0xF288];
	[tilespmem:s4+$0xF278] =	vst v0  }
0x2f5: {  	v0 =	vld [tilespmem:s0+$0xF288];
	_ =	sdelay $0x4  }
0x2f6: {  	v0 =	vmax.f32 v0, v61  }
0x2f7: {  	v62 =	vld [tilespmem:s4+$0xF298];
	[tilespmem:s4+$0xF288] =	vst v0  }
0x2f8: {  	v0 =	vld [tilespmem:s0+$0xF298];
	_ =	sdelay $0x4  }
0x2f9: {  	v0 =	vmax.f32 v0, v62  }
0x2fa: {  	v63 =	vld [tilespmem:s4+$0xF2A8];
	[tilespmem:s4+$0xF298] =	vst v0  }
0x2fb: {  	v0 =	vld [tilespmem:s0+$0xF2A8];
	_ =	sdelay $0x1  }
.Ltmp43:
0x2fc: {  	_ = 	snop;
	(pc) =	sbr.rel .LBB3_48-.Ltmp43, $3  }
0x2fd: {  	_ =	sdelay $0x1  }
0x2fe: {  	v0 =	vmax.f32 v0, v63  }
0x2ff: {  	[tilespmem:s4+$0xF2A8] =	vst v0  }
.LBB3_49:
0x300: {  	p1 =	slt.s32 s2, $0x1  }
.Ltmp44:
0x301: {  	_ = 	snop;
	(pc) =	sbr.rel @p1 .LBB3_53-.Ltmp44, $3  }
0x302: {  	_ =	sdelay $0x1  }
0x303: {  	s0 =	simm.s32 $0x8  }
0x304: {  	s3 =	simm.s32 $0x0;
	[sflag:s0] =	ssyncpa.u1 $0x1  }
0x305: {  	s0 =	simm.s32 $0xF218  }
0x306: {  	v0 =	vld.msk [tilespmem:s0+$0x0], $0x1;
	_ =	sdelay $0x4  }
0x307: {  	(v2sf) =	vpush v0, $0x0;
	_ =	sdelay $0xe  }
0x308: {  	s0 =	sadd.s32 $0xFFFFFFFF, s2;
	s5 =	spop (v2sf)  }
0x309: {  	p2 =	sne.s32 s0, $0x0;
	p1 =	sgt.u32 s5, $0x27FF0  }
.Ltmp45:
0x30a: {  	s6 =	sand.u32 @!p1 $0x3FFF8, s5;
	(pc) =	sbr.rel @!p2 .LBB3_52-.Ltmp45, $4  }
0x30b: {  	s4 =	simm.s32 $0xF238;
	s5 =	sand.u32 @!p1 $0x7, s5;
	s2 =	sadd.s32 @!p1 s1, s6  }
0x30c: {  	[hbm4b:s2+s5] =	stream.linear.scatter @!p1 [tilespmem:s4], [sflag:$0x7], $0x80, $0x38;
	[tilespmem:$0x1F6F8] =	vst v63  }
0x30d: {  	s5 =	simm.s32 $0x0  }
0x30e: {  	s2 =	simm.s32 $0xF219;
	s5 =	simm.s32 @!p1 $0x200  }
.LBB3_51:
0x30f: {  	v0 =	vld.msk [tilespmem:s2+$0x0], $0x1;
	s0 =	sadd.s32 $0xFFFFFFFF, s0;
	s3 =	sadd.s32 s3, s5  }
0x310: {  	p1 =	sne.s32 s0, $0x0;
	_ =	sdelay $0x3  }
0x311: {  	(v2sf) =	vpush v0, $0x0;
	_ =	sdelay $0xe  }
.Ltmp46:
0x312: {  	s6 =	spop (v2sf);
	(pc) =	sbr.rel @p1 .LBB3_51-.Ltmp46, $4  }
0x313: {  	s5 =	simm.s32 $0x0;
	p2 =	sgt.u32 s6, $0x27FF0  }
0x314: {  	s4 =	sadd.s32 $0x80, s4;
	s5 =	simm.s32 @!p2 $0x200;
	s7 =	sand.u32 @!p2 $0x3FFF8, s6  }
0x315: {  	s2 =	sadd.s32 $0x1, s2;
	s6 =	sand.u32 @!p2 $0x7, s6;
	s7 =	sadd.s32 @!p2 s1, s7  }
0x316: {  	[hbm4b:s7+s6] =	stream.linear.scatter @!p2 [tilespmem:s4], [sflag:$0x7], $0x80, $0x38;
	[tilespmem:$0x1F6F8] =	vst v63  }
.LBB3_52:
0x317: {  	s0 =	sadd.s32 s3, s5  }
0x318: {  	s3 =	sshrl.u32 s0, $0x2  }
.LBB3_53:
0x319: {  	s0 =	simm.s32 $0x7  }
0x31a: {  	_ =	swait.ge [sflag:s0], s3  }
0x31b: {  	s1 =	ssub.s32 $0x0, s3;
	[sflag:s0] =	ssyncset.done $0x0  }
0x31c: {  	[sflag:s0] =	ssyncadd.s32 s1  }
0x31d: {  	[sflag:s0] =	ssyncpa.u1 $0x1  }
.LBB3_54:
0x31e: {  	_ =	sfence;
	s0 =	simm.s32 $0x1  }
0x31f: {  	[sflag:s0] =	ssyncpa.u1 $0x1  }
0x320: {  	_ =	strace $0x9000004D  }
0x321: {  	[bflag:$0x2] =	sbarrier.arrive $0xFFFF  }
0x322: {  	s0 =	rddreg [dreg:$0x4]  }
0x323: {  	s0 =	sadd.s32 @!p0 $0x100000, s0  }
0x324: {  	[sflag:s0] =	ssyncadd.tile.s32 @!p0 $0x1;
	_ =	shalt  }
.Lfunc_end3:
_tile_overlayer_lowered:
.L_overlay_start_3:
0x325: {  	(tag) =	ssettag $0x3  }
0x326: {  	s0 =	rddreg [dreg:$0x0];
	s2 =	stileid.u32  }
0x327: {  	s1 =	rddreg [dreg:$0x1];
	p0 =	sne.s32 s2, $0x0  }
0x328: {  	s3 =	rddreg [dreg:$0x2];
	[bflag:$0x3] =	sbarrier.arrive $0xFFFF;
	s2 =	simm.s32 @!p0 $0x1C01  }
0x329: {  	[timem:s3], [sflag:s2] =	dma.local @!p0 [hbm:s0], s1  }
0x32a: {  	s0 =	simm.s32 @!p0 $0x1  }
0x32b: {  	_ =	swait.ge @!p0 [sflag:s0], s1  }
0x32c: {  	s1 =	ssub.s32 @!p0 $0x0, s1;
	[sflag:s0] =	ssyncset.done @!p0 $0x0  }
0x32d: {  	[sflag:s0] =	ssyncadd.s32 @!p0 s1  }
0x32e: {  	[bflag:$0x3] =	sbarrier.arrive $0xFFFF  }
0x32f: {  	_ =	shalt  }

</sc_bundles>
